<compile_context>
chip_gen: v7x
topology: tpu7x:2x2x1
jax: 0.10.2.dev20260603
libtpu: 0.0.44.dev20260713+nightly
codegen_flags: <defaults>
</compile_context>

<pallas_src>
import functools

import jax
import jax.numpy as jnp
from jax import lax
from jax.experimental import pallas as pl
from jax.experimental.pallas import tpu as pltpu
from jax.experimental.pallas import tpu_sc as plsc

NC = 2
NS = 16
NW = NC * NS
L = 16

BIG = 0x7FFFFFFF


def _body(T, N, D, rows_per_tile, n_chunks, hid_hbm, cu_hbm, out_hbm,
          cu_v, ocu_v, buf0, buf1, buf2, gsem0, gsem1, gsem2,
          ssem0, ssem1, ssem2):
    wid = lax.axis_index("s") * NC + lax.axis_index("c")
    base = wid * rows_per_tile
    bufs = (buf0, buf1, buf2)
    gsems = (gsem0, gsem1, gsem2)
    ssems = (ssem0, ssem1, ssem2)

    pltpu.sync_copy(cu_hbm, cu_v)

    for h in range(2):
        j = jnp.int32(h * L) + lax.iota(jnp.int32, L)
        idx = jnp.maximum(jnp.int32(N) - j, 0)
        val = plsc.load_gather(cu_v, [idx])
        ocu = jnp.where(j <= N, jnp.int32(T) - val, jnp.int32(BIG))
        ocu_v[pl.ds(h * L, L)] = ocu

    def src_of(g):
        p = base + jnp.int32(g * L) + lax.iota(jnp.int32, L)
        lo = jnp.zeros((L,), jnp.int32)
        for step in (16, 8, 4, 2, 1):
            cand = lo + jnp.int32(step)
            v = plsc.load_gather(ocu_v, [cand])
            lo = jnp.where(v <= p, cand, lo)
        return (plsc.load_gather(cu_v, [jnp.int32(N - 1) - lo])
                + plsc.load_gather(cu_v, [jnp.int32(N) - lo])
                + p - jnp.int32(T))

    def start_gather(g, b):
        pltpu.async_copy(hid_hbm.at[src_of(g)], bufs[b], gsems[b])

    def wait_gather(b):
        pltpu.make_async_copy(hid_hbm.at[pl.ds(0, L)], bufs[b],
                              gsems[b]).wait()

    NBUF = 3
    sd = [None] * n_chunks

    def scatter(g):
        b = g % NBUF
        wait_gather(b)
        sd[g] = pltpu.async_copy(
            bufs[b], out_hbm.at[pl.ds(base + g * L, L)], ssems[b])

    for g in range(n_chunks):
        b = g % NBUF
        if g >= NBUF:
            sd[g - NBUF].wait()
        start_gather(g, b)
        if g >= 1:
            scatter(g - 1)
    scatter(n_chunks - 1)
    for g in range(n_chunks - NBUF, n_chunks):
        sd[g].wait()


def kernel(hidden_states, cu_seqlens):
    T, D = hidden_states.shape
    N = cu_seqlens.shape[0] - 1
    rows_per_tile = T // NW
    n_chunks = rows_per_tile // L

    mesh = plsc.VectorSubcoreMesh(core_axis_name="c", subcore_axis_name="s")
    body = functools.partial(_body, T, N, D, rows_per_tile, n_chunks)
    f = pl.kernel(
        body,
        out_type=jax.ShapeDtypeStruct((T, D), jnp.float32),
        mesh=mesh,
        compiler_params=pltpu.CompilerParams(needs_layout_passes=False),
        scratch_types=[
            pltpu.VMEM((N + 1,), jnp.int32),
            pltpu.VMEM((32,), jnp.int32),
            pltpu.VMEM((L, D), jnp.float32),
            pltpu.VMEM((L, D), jnp.float32),
            pltpu.VMEM((L, D), jnp.float32),
            pltpu.SemaphoreType.DMA,
            pltpu.SemaphoreType.DMA,
            pltpu.SemaphoreType.DMA,
            pltpu.SemaphoreType.DMA,
            pltpu.SemaphoreType.DMA,
            pltpu.SemaphoreType.DMA,
        ],
    )
    return f(hidden_states, cu_seqlens.astype(jnp.int32))

# --- scband reference (transcript-rebuilt; emitter-appended) ---
"""Pipeline reference for scband-all-pool-39616778338731 (READ-ONLY COPY).

The authoritative reference and input builder live on the scoring server;
editing this copy changes nothing except your own understanding.
"""

import jax, jax.numpy as jnp
import numpy as np

TOTAL_TOKENS = 16384
NUM_SEQS = 16
D_MODEL = 2048


def setup_inputs(seed: int = 0) -> dict:
    key = jax.random.key(seed)
    k1, k2 = jax.random.split(key)
    hidden_states = jax.random.normal(k1, (TOTAL_TOKENS, D_MODEL), dtype=jnp.float32)
    # ragged sequence boundaries: cu_seqlens[0]=0, cu_seqlens[-1]=TOTAL_TOKENS,
    # interior boundaries are sorted random cut points -> emulates
    # pooling_cursor.num_scheduled_tokens per request in AllPool.
    inner = jnp.sort(jax.random.randint(k2, (NUM_SEQS - 1,), 0, TOTAL_TOKENS)).astype(jnp.int32)
    cu_seqlens = jnp.concatenate([
        jnp.zeros((1,), dtype=jnp.int32),
        inner,
        jnp.full((1,), TOTAL_TOKENS, dtype=jnp.int32),
    ])
    return {"hidden_states": hidden_states, "cu_seqlens": cu_seqlens}


def reference(hidden_states, cu_seqlens):
    # AllPool.forward: split the flat token tensor into per-sequence chunks
    # (hidden_states.split(num_scheduled_tokens)), then reorder chunks by
    # pooling_cursor.index. We model the cursor index as a reversed
    # permutation of the sequence order, and return the concatenation of the
    # reordered per-sequence chunks (equivalent to the list of finished
    # outputs stacked along the token axis).
    num_seqs = cu_seqlens.shape[0] - 1
    total_tokens = hidden_states.shape[0]
    cu = cu_seqlens.astype(jnp.int64)
    lengths = cu[1:] - cu[:-1]
    rev_lengths = lengths[::-1]
    out_cu = jnp.concatenate([
        jnp.zeros((1,), dtype=jnp.int64),
        jnp.cumsum(rev_lengths),
    ])
    positions = jnp.arange(total_tokens, dtype=jnp.int64)
    seg = jnp.searchsorted(out_cu, positions, side='right') - 1
    seg = jnp.clip(seg, 0, num_seqs - 1)
    src_start = cu[num_seqs - 1 - seg]
    gather_idx = src_start + (positions - out_cu[seg])
    out = jnp.take(hidden_states, gather_idx, axis=0)
    return out

if __name__ == "__main__":
    import jax
    _d = setup_inputs()
    print(jax.jit(kernel)(*tuple(_d.values())))

</pallas_src>

<mosaic_0001>
#map = affine_map<(d0, d1) -> (0, 0)>
#map1 = affine_map<(d0, d1) -> (0)>
module attributes {stable_mosaic.version = 14 : i64} {
  func.func @_body(%arg0: i32, %arg1: i32, %arg2: memref<16384x2048xf32, #tpu.memory_space<hbm>>, %arg3: memref<17xi32, #tpu.memory_space<hbm>>, %arg4: memref<16384x2048xf32, #tpu.memory_space<hbm>>, %arg5: memref<17xi32, #tpu.memory_space<vmem>>, %arg6: memref<32xi32, #tpu.memory_space<vmem>>, %arg7: memref<16x2048xf32, #tpu.memory_space<vmem>>, %arg8: memref<16x2048xf32, #tpu.memory_space<vmem>>, %arg9: memref<16x2048xf32, #tpu.memory_space<vmem>>, %arg10: memref<!tpu.dma_semaphore, #tpu.memory_space<semaphore_mem>>, %arg11: memref<!tpu.dma_semaphore, #tpu.memory_space<semaphore_mem>>, %arg12: memref<!tpu.dma_semaphore, #tpu.memory_space<semaphore_mem>>, %arg13: memref<!tpu.dma_semaphore, #tpu.memory_space<semaphore_mem>>, %arg14: memref<!tpu.dma_semaphore, #tpu.memory_space<semaphore_mem>>, %arg15: memref<!tpu.dma_semaphore, #tpu.memory_space<semaphore_mem>>) attributes {dimension_semantics = [#tpu.dimension_semantics<core_parallel>, #tpu.dimension_semantics<subcore_parallel>], iteration_bounds = array<i64: 2, 16>, scalar_prefetch = 0 : i64, scratch_operands = 11 : i64, tpu.core_type = #tpu.core_type<sc_vector_subcore>, window_params = [{transform_indices = #map}, {transform_indices = #map1}, {transform_indices = #map}]} {
    %mul3A = arith.constant 2 : i32
    %mul3A_0 = arith.muli %arg1, %mul3A : i32
    %add3A = arith.addi %mul3A_0, %arg0 : i32
    %mul3A_1 = arith.constant 512 : i32
    %mul3A_2 = arith.muli %add3A, %mul3A_1 : i32
    "tpu.region"() ({
      %run_scoped3A = tpu.sem_alloc : memref<!tpu.dma_semaphore, #tpu.memory_space<semaphore_mem>>
      tpu.enqueue_dma source(%arg3 : memref<17xi32, #tpu.memory_space<hbm>>) target(%arg5 : memref<17xi32, #tpu.memory_space<vmem>>) target_semaphore(%run_scoped3A : memref<!tpu.dma_semaphore, #tpu.memory_space<semaphore_mem>>)
      tpu.wait_dma2 semaphore(%run_scoped3A : memref<!tpu.dma_semaphore, #tpu.memory_space<semaphore_mem>>) src(%arg3 : memref<17xi32, #tpu.memory_space<hbm>>) dst(%arg5 : memref<17xi32, #tpu.memory_space<vmem>>)
      tpu.yield
    }) : () -> ()
    %iota3A = tpu.iota {dimensions = array<i32: 0>} : vector<16xi32>
    %add3A_3 = arith.constant 0 : i32
    %add3A_4 = vector.broadcast %add3A_3 : i32 to vector<16xi32>
    %add3A_5 = arith.addi %add3A_4, %iota3A : vector<16xi32>
    %sub3A = arith.constant 16 : i32
    %sub3A_6 = vector.broadcast %sub3A : i32 to vector<16xi32>
    %sub3A_7 = arith.subi %sub3A_6, %add3A_5 : vector<16xi32>
    %max3A = arith.constant 0 : i32
    %max3A_8 = vector.broadcast %max3A : i32 to vector<16xi32>
    %max3A_9 = arith.maxsi %sub3A_7, %max3A_8 : vector<16xi32>
    %gather3A = tpu.vector_load_idx %arg5[%max3A_9] : memref<17xi32, #tpu.memory_space<vmem>>[vector<16xi32>], vector<16xi32>,
    %le3A = arith.constant 16 : i32
    %le3A_10 = vector.broadcast %le3A : i32 to vector<16xi32>
    %le3A_11 = arith.cmpi sle, %add3A_5, %le3A_10 : vector<16xi32>
    %sub3A_12 = arith.constant 16384 : i32
    %sub3A_13 = vector.broadcast %sub3A_12 : i32 to vector<16xi32>
    %sub3A_14 = arith.subi %sub3A_13, %gather3A : vector<16xi32>
    %jit3A = arith.constant 2147483647 : i32
    %broadcast_in_dim3A = vector.broadcast %jit3A : i32 to vector<16xi32>
    %select_n3A = arith.select %le3A_11, %sub3A_14, %broadcast_in_dim3A : vector<16xi1>, vector<16xi32>
    %swap3A = arith.constant 0 : index
    %swap3A_15 = tpu.vector_load %arg6[%swap3A] {strides = array<i32>} : memref<32xi32, #tpu.memory_space<vmem>>, vector<16xi32>,
    tpu.vector_store %arg6[%swap3A], %select_n3A {strides = array<i32>} : memref<32xi32, #tpu.memory_space<vmem>>, vector<16xi32>,
    %iota3A_16 = tpu.iota {dimensions = array<i32: 0>} : vector<16xi32>
    %add3A_17 = arith.constant 16 : i32
    %add3A_18 = vector.broadcast %add3A_17 : i32 to vector<16xi32>
    %add3A_19 = arith.addi %add3A_18, %iota3A_16 : vector<16xi32>
    %sub3A_20 = arith.constant 16 : i32
    %sub3A_21 = vector.broadcast %sub3A_20 : i32 to vector<16xi32>
    %sub3A_22 = arith.subi %sub3A_21, %add3A_19 : vector<16xi32>
    %max3A_23 = arith.constant 0 : i32
    %max3A_24 = vector.broadcast %max3A_23 : i32 to vector<16xi32>
    %max3A_25 = arith.maxsi %sub3A_22, %max3A_24 : vector<16xi32>
    %gather3A_26 = tpu.vector_load_idx %arg5[%max3A_25] : memref<17xi32, #tpu.memory_space<vmem>>[vector<16xi32>], vector<16xi32>,
    %le3A_27 = arith.constant 16 : i32
    %le3A_28 = vector.broadcast %le3A_27 : i32 to vector<16xi32>
    %le3A_29 = arith.cmpi sle, %add3A_19, %le3A_28 : vector<16xi32>
    %sub3A_30 = arith.constant 16384 : i32
    %sub3A_31 = vector.broadcast %sub3A_30 : i32 to vector<16xi32>
    %sub3A_32 = arith.subi %sub3A_31, %gather3A_26 : vector<16xi32>
    %jit3A_33 = arith.constant 2147483647 : i32
    %broadcast_in_dim3A_34 = vector.broadcast %jit3A_33 : i32 to vector<16xi32>
    %select_n3A_35 = arith.select %le3A_29, %sub3A_32, %broadcast_in_dim3A_34 : vector<16xi1>, vector<16xi32>
    %swap3A_36 = arith.constant 16 : index
    %swap3A_37 = tpu.vector_load %arg6[%swap3A_36] {strides = array<i32>} : memref<32xi32, #tpu.memory_space<vmem>>, vector<16xi32>,
    tpu.vector_store %arg6[%swap3A_36], %select_n3A_35 {strides = array<i32>} : memref<32xi32, #tpu.memory_space<vmem>>, vector<16xi32>,
    %add3A_38 = arith.constant 0 : i32
    %add3A_39 = arith.addi %mul3A_2, %add3A_38 : i32
    %iota3A_40 = tpu.iota {dimensions = array<i32: 0>} : vector<16xi32>
    %add3A_41 = vector.broadcast %add3A_39 : i32 to vector<16xi32>
    %add3A_42 = arith.addi %add3A_41, %iota3A_40 : vector<16xi32>
    %broadcast_in_dim3A_43 = arith.constant 0 : i32
    %broadcast_in_dim3A_44 = vector.broadcast %broadcast_in_dim3A_43 : i32 to vector<16xi32>
    %add3A_45 = arith.constant 16 : i32
    %add3A_46 = vector.broadcast %add3A_45 : i32 to vector<16xi32>
    %add3A_47 = arith.addi %broadcast_in_dim3A_44, %add3A_46 : vector<16xi32>
    %gather3A_48 = tpu.vector_load_idx %arg6[%add3A_47] : memref<32xi32, #tpu.memory_space<vmem>>[vector<16xi32>], vector<16xi32>,
    %le3A_49 = arith.cmpi sle, %gather3A_48, %add3A_42 : vector<16xi32>
    %select_n3A_50 = arith.select %le3A_49, %add3A_47, %broadcast_in_dim3A_44 : vector<16xi1>, vector<16xi32>
    %add3A_51 = arith.constant 8 : i32
    %add3A_52 = vector.broadcast %add3A_51 : i32 to vector<16xi32>
    %add3A_53 = arith.addi %select_n3A_50, %add3A_52 : vector<16xi32>
    %gather3A_54 = tpu.vector_load_idx %arg6[%add3A_53] : memref<32xi32, #tpu.memory_space<vmem>>[vector<16xi32>], vector<16xi32>,
    %le3A_55 = arith.cmpi sle, %gather3A_54, %add3A_42 : vector<16xi32>
    %select_n3A_56 = arith.select %le3A_55, %add3A_53, %select_n3A_50 : vector<16xi1>, vector<16xi32>
    %add3A_57 = arith.constant 4 : i32
    %add3A_58 = vector.broadcast %add3A_57 : i32 to vector<16xi32>
    %add3A_59 = arith.addi %select_n3A_56, %add3A_58 : vector<16xi32>
    %gather3A_60 = tpu.vector_load_idx %arg6[%add3A_59] : memref<32xi32, #tpu.memory_space<vmem>>[vector<16xi32>], vector<16xi32>,
    %le3A_61 = arith.cmpi sle, %gather3A_60, %add3A_42 : vector<16xi32>
    %select_n3A_62 = arith.select %le3A_61, %add3A_59, %select_n3A_56 : vector<16xi1>, vector<16xi32>
    %add3A_63 = arith.constant 2 : i32
    %add3A_64 = vector.broadcast %add3A_63 : i32 to vector<16xi32>
    %add3A_65 = arith.addi %select_n3A_62, %add3A_64 : vector<16xi32>
    %gather3A_66 = tpu.vector_load_idx %arg6[%add3A_65] : memref<32xi32, #tpu.memory_space<vmem>>[vector<16xi32>], vector<16xi32>,
    %le3A_67 = arith.cmpi sle, %gather3A_66, %add3A_42 : vector<16xi32>
    %select_n3A_68 = arith.select %le3A_67, %add3A_65, %select_n3A_62 : vector<16xi1>, vector<16xi32>
    %add3A_69 = arith.constant 1 : i32
    %add3A_70 = vector.broadcast %add3A_69 : i32 to vector<16xi32>
    %add3A_71 = arith.addi %select_n3A_68, %add3A_70 : vector<16xi32>
    %gather3A_72 = tpu.vector_load_idx %arg6[%add3A_71] : memref<32xi32, #tpu.memory_space<vmem>>[vector<16xi32>], vector<16xi32>,
    %le3A_73 = arith.cmpi sle, %gather3A_72, %add3A_42 : vector<16xi32>
    %select_n3A_74 = arith.select %le3A_73, %add3A_71, %select_n3A_68 : vector<16xi1>, vector<16xi32>
    %sub3A_75 = arith.constant 15 : i32
    %sub3A_76 = vector.broadcast %sub3A_75 : i32 to vector<16xi32>
    %sub3A_77 = arith.subi %sub3A_76, %select_n3A_74 : vector<16xi32>
    %gather3A_78 = tpu.vector_load_idx %arg5[%sub3A_77] : memref<17xi32, #tpu.memory_space<vmem>>[vector<16xi32>], vector<16xi32>,
    %sub3A_79 = arith.constant 16 : i32
    %sub3A_80 = vector.broadcast %sub3A_79 : i32 to vector<16xi32>
    %sub3A_81 = arith.subi %sub3A_80, %select_n3A_74 : vector<16xi32>
    %gather3A_82 = tpu.vector_load_idx %arg5[%sub3A_81] : memref<17xi32, #tpu.memory_space<vmem>>[vector<16xi32>], vector<16xi32>,
    %add3A_83 = arith.addi %gather3A_78, %gather3A_82 : vector<16xi32>
    %add3A_84 = arith.addi %add3A_83, %add3A_42 : vector<16xi32>
    %sub3A_85 = arith.constant 16384 : i32
    %sub3A_86 = vector.broadcast %sub3A_85 : i32 to vector<16xi32>
    %sub3A_87 = arith.subi %add3A_84, %sub3A_86 : vector<16xi32>
    %dma_start3A = arith.constant 0 : i32
    %dma_start3A_88 = arith.constant 0 : i32
    %dma_start3A_89 = tpu.memref_slice %arg2[%dma_start3A, %dma_start3A_88] : memref<16384x2048xf32, #tpu.memory_space<hbm>> -> memref<16384x2048xf32, #tpu.memory_space<hbm>>
    tpu.enqueue_indirect_dma source(%dma_start3A_89 : memref<16384x2048xf32, #tpu.memory_space<hbm>>) target(%arg7 : memref<16x2048xf32, #tpu.memory_space<vmem>>) offsets(%sub3A_87 : vector<16xi32>) semaphore(%arg10 : memref<!tpu.dma_semaphore, #tpu.memory_space<semaphore_mem>>)
    %add3A_90 = arith.constant 16 : i32
    %add3A_91 = arith.addi %mul3A_2, %add3A_90 : i32
    %iota3A_92 = tpu.iota {dimensions = array<i32: 0>} : vector<16xi32>
    %add3A_93 = vector.broadcast %add3A_91 : i32 to vector<16xi32>
    %add3A_94 = arith.addi %add3A_93, %iota3A_92 : vector<16xi32>
    %broadcast_in_dim3A_95 = arith.constant 0 : i32
    %broadcast_in_dim3A_96 = vector.broadcast %broadcast_in_dim3A_95 : i32 to vector<16xi32>
    %add3A_97 = arith.constant 16 : i32
    %add3A_98 = vector.broadcast %add3A_97 : i32 to vector<16xi32>
    %add3A_99 = arith.addi %broadcast_in_dim3A_96, %add3A_98 : vector<16xi32>
    %gather3A_100 = tpu.vector_load_idx %arg6[%add3A_99] : memref<32xi32, #tpu.memory_space<vmem>>[vector<16xi32>], vector<16xi32>,
    %le3A_101 = arith.cmpi sle, %gather3A_100, %add3A_94 : vector<16xi32>
    %select_n3A_102 = arith.select %le3A_101, %add3A_99, %broadcast_in_dim3A_96 : vector<16xi1>, vector<16xi32>
    %add3A_103 = arith.constant 8 : i32
    %add3A_104 = vector.broadcast %add3A_103 : i32 to vector<16xi32>
    %add3A_105 = arith.addi %select_n3A_102, %add3A_104 : vector<16xi32>
    %gather3A_106 = tpu.vector_load_idx %arg6[%add3A_105] : memref<32xi32, #tpu.memory_space<vmem>>[vector<16xi32>], vector<16xi32>,
    %le3A_107 = arith.cmpi sle, %gather3A_106, %add3A_94 : vector<16xi32>
    %select_n3A_108 = arith.select %le3A_107, %add3A_105, %select_n3A_102 : vector<16xi1>, vector<16xi32>
    %add3A_109 = arith.constant 4 : i32
    %add3A_110 = vector.broadcast %add3A_109 : i32 to vector<16xi32>
    %add3A_111 = arith.addi %select_n3A_108, %add3A_110 : vector<16xi32>
    %gather3A_112 = tpu.vector_load_idx %arg6[%add3A_111] : memref<32xi32, #tpu.memory_space<vmem>>[vector<16xi32>], vector<16xi32>,
    %le3A_113 = arith.cmpi sle, %gather3A_112, %add3A_94 : vector<16xi32>
    %select_n3A_114 = arith.select %le3A_113, %add3A_111, %select_n3A_108 : vector<16xi1>, vector<16xi32>
    %add3A_115 = arith.constant 2 : i32
    %add3A_116 = vector.broadcast %add3A_115 : i32 to vector<16xi32>
    %add3A_117 = arith.addi %select_n3A_114, %add3A_116 : vector<16xi32>
    %gather3A_118 = tpu.vector_load_idx %arg6[%add3A_117] : memref<32xi32, #tpu.memory_space<vmem>>[vector<16xi32>], vector<16xi32>,
    %le3A_119 = arith.cmpi sle, %gather3A_118, %add3A_94 : vector<16xi32>
    %select_n3A_120 = arith.select %le3A_119, %add3A_117, %select_n3A_114 : vector<16xi1>, vector<16xi32>
    %add3A_121 = arith.constant 1 : i32
    %add3A_122 = vector.broadcast %add3A_121 : i32 to vector<16xi32>
    %add3A_123 = arith.addi %select_n3A_120, %add3A_122 : vector<16xi32>
    %gather3A_124 = tpu.vector_load_idx %arg6[%add3A_123] : memref<32xi32, #tpu.memory_space<vmem>>[vector<16xi32>], vector<16xi32>,
    %le3A_125 = arith.cmpi sle, %gather3A_124, %add3A_94 : vector<16xi32>
    %select_n3A_126 = arith.select %le3A_125, %add3A_123, %select_n3A_120 : vector<16xi1>, vector<16xi32>
    %sub3A_127 = arith.constant 15 : i32
    %sub3A_128 = vector.broadcast %sub3A_127 : i32 to vector<16xi32>
    %sub3A_129 = arith.subi %sub3A_128, %select_n3A_126 : vector<16xi32>
    %gather3A_130 = tpu.vector_load_idx %arg5[%sub3A_129] : memref<17xi32, #tpu.memory_space<vmem>>[vector<16xi32>], vector<16xi32>,
    %sub3A_131 = arith.constant 16 : i32
    %sub3A_132 = vector.broadcast %sub3A_131 : i32 to vector<16xi32>
    %sub3A_133 = arith.subi %sub3A_132, %select_n3A_126 : vector<16xi32>
    %gather3A_134 = tpu.vector_load_idx %arg5[%sub3A_133] : memref<17xi32, #tpu.memory_space<vmem>>[vector<16xi32>], vector<16xi32>,
    %add3A_135 = arith.addi %gather3A_130, %gather3A_134 : vector<16xi32>
    %add3A_136 = arith.addi %add3A_135, %add3A_94 : vector<16xi32>
    %sub3A_137 = arith.constant 16384 : i32
    %sub3A_138 = vector.broadcast %sub3A_137 : i32 to vector<16xi32>
    %sub3A_139 = arith.subi %add3A_136, %sub3A_138 : vector<16xi32>
    %dma_start3A_140 = arith.constant 0 : i32
    %dma_start3A_141 = arith.constant 0 : i32
    %dma_start3A_142 = tpu.memref_slice %arg2[%dma_start3A_140, %dma_start3A_141] : memref<16384x2048xf32, #tpu.memory_space<hbm>> -> memref<16384x2048xf32, #tpu.memory_space<hbm>>
    tpu.enqueue_indirect_dma source(%dma_start3A_142 : memref<16384x2048xf32, #tpu.memory_space<hbm>>) target(%arg8 : memref<16x2048xf32, #tpu.memory_space<vmem>>) offsets(%sub3A_139 : vector<16xi32>) semaphore(%arg11 : memref<!tpu.dma_semaphore, #tpu.memory_space<semaphore_mem>>)
    %dma_wait3A = arith.constant 0 : i32
    %dma_wait3A_143 = arith.constant 0 : i32
    %dma_wait3A_144 = tpu.memref_slice %arg2[%dma_wait3A, %dma_wait3A_143] : memref<16384x2048xf32, #tpu.memory_space<hbm>> -> memref<16x2048xf32, #tpu.memory_space<hbm>>
    %dma_wait3A_145 = arith.constant 0 : i32
    %dma_wait3A_146 = arith.constant 0 : i32
    %dma_wait3A_147 = tpu.memref_slice %arg2[%dma_wait3A_145, %dma_wait3A_146] : memref<16384x2048xf32, #tpu.memory_space<hbm>> -> memref<16x2048xf32, #tpu.memory_space<hbm>>
    tpu.wait_dma2 semaphore(%arg10 : memref<!tpu.dma_semaphore, #tpu.memory_space<semaphore_mem>>) src(%dma_wait3A_147 : memref<16x2048xf32, #tpu.memory_space<hbm>>) dst(%arg7 : memref<16x2048xf32, #tpu.memory_space<vmem>>)
    %add3A_148 = arith.constant 0 : i32
    %add3A_149 = arith.addi %mul3A_2, %add3A_148 : i32
    %dma_start3A_150 = arith.constant 0 : i32
    %dma_start3A_151 = tpu.memref_slice %arg4[%add3A_149, %dma_start3A_150] : memref<16384x2048xf32, #tpu.memory_space<hbm>> -> memref<16x2048xf32, #tpu.memory_space<hbm>>
    %dma_start3A_152 = arith.constant 0 : i32
    %dma_start3A_153 = tpu.memref_slice %arg4[%add3A_149, %dma_start3A_152] : memref<16384x2048xf32, #tpu.memory_space<hbm>> -> memref<16x2048xf32, #tpu.memory_space<hbm>>
    tpu.enqueue_dma source(%arg7 : memref<16x2048xf32, #tpu.memory_space<vmem>>) target(%dma_start3A_153 : memref<16x2048xf32, #tpu.memory_space<hbm>>) target_semaphore(%arg13 : memref<!tpu.dma_semaphore, #tpu.memory_space<semaphore_mem>>)
    %add3A_154 = arith.constant 32 : i32
    %add3A_155 = arith.addi %mul3A_2, %add3A_154 : i32
    %iota3A_156 = tpu.iota {dimensions = array<i32: 0>} : vector<16xi32>
    %add3A_157 = vector.broadcast %add3A_155 : i32 to vector<16xi32>
    %add3A_158 = arith.addi %add3A_157, %iota3A_156 : vector<16xi32>
    %broadcast_in_dim3A_159 = arith.constant 0 : i32
    %broadcast_in_dim3A_160 = vector.broadcast %broadcast_in_dim3A_159 : i32 to vector<16xi32>
    %add3A_161 = arith.constant 16 : i32
    %add3A_162 = vector.broadcast %add3A_161 : i32 to vector<16xi32>
    %add3A_163 = arith.addi %broadcast_in_dim3A_160, %add3A_162 : vector<16xi32>
    %gather3A_164 = tpu.vector_load_idx %arg6[%add3A_163] : memref<32xi32, #tpu.memory_space<vmem>>[vector<16xi32>], vector<16xi32>,
    %le3A_165 = arith.cmpi sle, %gather3A_164, %add3A_158 : vector<16xi32>
    %select_n3A_166 = arith.select %le3A_165, %add3A_163, %broadcast_in_dim3A_160 : vector<16xi1>, vector<16xi32>
    %add3A_167 = arith.constant 8 : i32
    %add3A_168 = vector.broadcast %add3A_167 : i32 to vector<16xi32>
    %add3A_169 = arith.addi %select_n3A_166, %add3A_168 : vector<16xi32>
    %gather3A_170 = tpu.vector_load_idx %arg6[%add3A_169] : memref<32xi32, #tpu.memory_space<vmem>>[vector<16xi32>], vector<16xi32>,
    %le3A_171 = arith.cmpi sle, %gather3A_170, %add3A_158 : vector<16xi32>
    %select_n3A_172 = arith.select %le3A_171, %add3A_169, %select_n3A_166 : vector<16xi1>, vector<16xi32>
    %add3A_173 = arith.constant 4 : i32
    %add3A_174 = vector.broadcast %add3A_173 : i32 to vector<16xi32>
    %add3A_175 = arith.addi %select_n3A_172, %add3A_174 : vector<16xi32>
    %gather3A_176 = tpu.vector_load_idx %arg6[%add3A_175] : memref<32xi32, #tpu.memory_space<vmem>>[vector<16xi32>], vector<16xi32>,
    %le3A_177 = arith.cmpi sle, %gather3A_176, %add3A_158 : vector<16xi32>
    %select_n3A_178 = arith.select %le3A_177, %add3A_175, %select_n3A_172 : vector<16xi1>, vector<16xi32>
    %add3A_179 = arith.constant 2 : i32
    %add3A_180 = vector.broadcast %add3A_179 : i32 to vector<16xi32>
    %add3A_181 = arith.addi %select_n3A_178, %add3A_180 : vector<16xi32>
    %gather3A_182 = tpu.vector_load_idx %arg6[%add3A_181] : memref<32xi32, #tpu.memory_space<vmem>>[vector<16xi32>], vector<16xi32>,
    %le3A_183 = arith.cmpi sle, %gather3A_182, %add3A_158 : vector<16xi32>
    %select_n3A_184 = arith.select %le3A_183, %add3A_181, %select_n3A_178 : vector<16xi1>, vector<16xi32>
    %add3A_185 = arith.constant 1 : i32
    %add3A_186 = vector.broadcast %add3A_185 : i32 to vector<16xi32>
    %add3A_187 = arith.addi %select_n3A_184, %add3A_186 : vector<16xi32>
    %gather3A_188 = tpu.vector_load_idx %arg6[%add3A_187] : memref<32xi32, #tpu.memory_space<vmem>>[vector<16xi32>], vector<16xi32>,
    %le3A_189 = arith.cmpi sle, %gather3A_188, %add3A_158 : vector<16xi32>
    %select_n3A_190 = arith.select %le3A_189, %add3A_187, %select_n3A_184 : vector<16xi1>, vector<16xi32>
    %sub3A_191 = arith.constant 15 : i32
    %sub3A_192 = vector.broadcast %sub3A_191 : i32 to vector<16xi32>
    %sub3A_193 = arith.subi %sub3A_192, %select_n3A_190 : vector<16xi32>
    %gather3A_194 = tpu.vector_load_idx %arg5[%sub3A_193] : memref<17xi32, #tpu.memory_space<vmem>>[vector<16xi32>], vector<16xi32>,
    %sub3A_195 = arith.constant 16 : i32
    %sub3A_196 = vector.broadcast %sub3A_195 : i32 to vector<16xi32>
    %sub3A_197 = arith.subi %sub3A_196, %select_n3A_190 : vector<16xi32>
    %gather3A_198 = tpu.vector_load_idx %arg5[%sub3A_197] : memref<17xi32, #tpu.memory_space<vmem>>[vector<16xi32>], vector<16xi32>,
    %add3A_199 = arith.addi %gather3A_194, %gather3A_198 : vector<16xi32>
    %add3A_200 = arith.addi %add3A_199, %add3A_158 : vector<16xi32>
    %sub3A_201 = arith.constant 16384 : i32
    %sub3A_202 = vector.broadcast %sub3A_201 : i32 to vector<16xi32>
    %sub3A_203 = arith.subi %add3A_200, %sub3A_202 : vector<16xi32>
    %dma_start3A_204 = arith.constant 0 : i32
    %dma_start3A_205 = arith.constant 0 : i32
    %dma_start3A_206 = tpu.memref_slice %arg2[%dma_start3A_204, %dma_start3A_205] : memref<16384x2048xf32, #tpu.memory_space<hbm>> -> memref<16384x2048xf32, #tpu.memory_space<hbm>>
    tpu.enqueue_indirect_dma source(%dma_start3A_206 : memref<16384x2048xf32, #tpu.memory_space<hbm>>) target(%arg9 : memref<16x2048xf32, #tpu.memory_space<vmem>>) offsets(%sub3A_203 : vector<16xi32>) semaphore(%arg12 : memref<!tpu.dma_semaphore, #tpu.memory_space<semaphore_mem>>)
    %dma_wait3A_207 = arith.constant 0 : i32
    %dma_wait3A_208 = arith.constant 0 : i32
    %dma_wait3A_209 = tpu.memref_slice %arg2[%dma_wait3A_207, %dma_wait3A_208] : memref<16384x2048xf32, #tpu.memory_space<hbm>> -> memref<16x2048xf32, #tpu.memory_space<hbm>>
    %dma_wait3A_210 = arith.constant 0 : i32
    %dma_wait3A_211 = arith.constant 0 : i32
    %dma_wait3A_212 = tpu.memref_slice %arg2[%dma_wait3A_210, %dma_wait3A_211] : memref<16384x2048xf32, #tpu.memory_space<hbm>> -> memref<16x2048xf32, #tpu.memory_space<hbm>>
    tpu.wait_dma2 semaphore(%arg11 : memref<!tpu.dma_semaphore, #tpu.memory_space<semaphore_mem>>) src(%dma_wait3A_212 : memref<16x2048xf32, #tpu.memory_space<hbm>>) dst(%arg8 : memref<16x2048xf32, #tpu.memory_space<vmem>>)
    %add3A_213 = arith.constant 16 : i32
    %add3A_214 = arith.addi %mul3A_2, %add3A_213 : i32
    %dma_start3A_215 = arith.constant 0 : i32
    %dma_start3A_216 = tpu.memref_slice %arg4[%add3A_214, %dma_start3A_215] : memref<16384x2048xf32, #tpu.memory_space<hbm>> -> memref<16x2048xf32, #tpu.memory_space<hbm>>
    %dma_start3A_217 = arith.constant 0 : i32
    %dma_start3A_218 = tpu.memref_slice %arg4[%add3A_214, %dma_start3A_217] : memref<16384x2048xf32, #tpu.memory_space<hbm>> -> memref<16x2048xf32, #tpu.memory_space<hbm>>
    tpu.enqueue_dma source(%arg8 : memref<16x2048xf32, #tpu.memory_space<vmem>>) target(%dma_start3A_218 : memref<16x2048xf32, #tpu.memory_space<hbm>>) target_semaphore(%arg14 : memref<!tpu.dma_semaphore, #tpu.memory_space<semaphore_mem>>)
    %dma_wait3A_219 = arith.constant 0 : i32
    %dma_wait3A_220 = tpu.memref_slice %arg4[%add3A_149, %dma_wait3A_219] : memref<16384x2048xf32, #tpu.memory_space<hbm>> -> memref<16x2048xf32, #tpu.memory_space<hbm>>
    %dma_wait3A_221 = arith.constant 0 : i32
    %dma_wait3A_222 = tpu.memref_slice %arg4[%add3A_149, %dma_wait3A_221] : memref<16384x2048xf32, #tpu.memory_space<hbm>> -> memref<16x2048xf32, #tpu.memory_space<hbm>>
    tpu.wait_dma2 semaphore(%arg13 : memref<!tpu.dma_semaphore, #tpu.memory_space<semaphore_mem>>) src(%arg7 : memref<16x2048xf32, #tpu.memory_space<vmem>>) dst(%dma_wait3A_222 : memref<16x2048xf32, #tpu.memory_space<hbm>>)
    %add3A_223 = arith.constant 48 : i32
    %add3A_224 = arith.addi %mul3A_2, %add3A_223 : i32
    %iota3A_225 = tpu.iota {dimensions = array<i32: 0>} : vector<16xi32>
    %add3A_226 = vector.broadcast %add3A_224 : i32 to vector<16xi32>
    %add3A_227 = arith.addi %add3A_226, %iota3A_225 : vector<16xi32>
    %broadcast_in_dim3A_228 = arith.constant 0 : i32
    %broadcast_in_dim3A_229 = vector.broadcast %broadcast_in_dim3A_228 : i32 to vector<16xi32>
    %add3A_230 = arith.constant 16 : i32
    %add3A_231 = vector.broadcast %add3A_230 : i32 to vector<16xi32>
    %add3A_232 = arith.addi %broadcast_in_dim3A_229, %add3A_231 : vector<16xi32>
    %gather3A_233 = tpu.vector_load_idx %arg6[%add3A_232] : memref<32xi32, #tpu.memory_space<vmem>>[vector<16xi32>], vector<16xi32>,
    %le3A_234 = arith.cmpi sle, %gather3A_233, %add3A_227 : vector<16xi32>
    %select_n3A_235 = arith.select %le3A_234, %add3A_232, %broadcast_in_dim3A_229 : vector<16xi1>, vector<16xi32>
    %add3A_236 = arith.constant 8 : i32
    %add3A_237 = vector.broadcast %add3A_236 : i32 to vector<16xi32>
    %add3A_238 = arith.addi %select_n3A_235, %add3A_237 : vector<16xi32>
    %gather3A_239 = tpu.vector_load_idx %arg6[%add3A_238] : memref<32xi32, #tpu.memory_space<vmem>>[vector<16xi32>], vector<16xi32>,
    %le3A_240 = arith.cmpi sle, %gather3A_239, %add3A_227 : vector<16xi32>
    %select_n3A_241 = arith.select %le3A_240, %add3A_238, %select_n3A_235 : vector<16xi1>, vector<16xi32>
    %add3A_242 = arith.constant 4 : i32
    %add3A_243 = vector.broadcast %add3A_242 : i32 to vector<16xi32>
    %add3A_244 = arith.addi %select_n3A_241, %add3A_243 : vector<16xi32>
    %gather3A_245 = tpu.vector_load_idx %arg6[%add3A_244] : memref<32xi32, #tpu.memory_space<vmem>>[vector<16xi32>], vector<16xi32>,
    %le3A_246 = arith.cmpi sle, %gather3A_245, %add3A_227 : vector<16xi32>
    %select_n3A_247 = arith.select %le3A_246, %add3A_244, %select_n3A_241 : vector<16xi1>, vector<16xi32>
    %add3A_248 = arith.constant 2 : i32
    %add3A_249 = vector.broadcast %add3A_248 : i32 to vector<16xi32>
    %add3A_250 = arith.addi %select_n3A_247, %add3A_249 : vector<16xi32>
    %gather3A_251 = tpu.vector_load_idx %arg6[%add3A_250] : memref<32xi32, #tpu.memory_space<vmem>>[vector<16xi32>], vector<16xi32>,
    %le3A_252 = arith.cmpi sle, %gather3A_251, %add3A_227 : vector<16xi32>
    %select_n3A_253 = arith.select %le3A_252, %add3A_250, %select_n3A_247 : vector<16xi1>, vector<16xi32>
    %add3A_254 = arith.constant 1 : i32
    %add3A_255 = vector.broadcast %add3A_254 : i32 to vector<16xi32>
    %add3A_256 = arith.addi %select_n3A_253, %add3A_255 : vector<16xi32>
    %gather3A_257 = tpu.vector_load_idx %arg6[%add3A_256] : memref<32xi32, #tpu.memory_space<vmem>>[vector<16xi32>], vector<16xi32>,
    %le3A_258 = arith.cmpi sle, %gather3A_257, %add3A_227 : vector<16xi32>
    %select_n3A_259 = arith.select %le3A_258, %add3A_256, %select_n3A_253 : vector<16xi1>, vector<16xi32>
    %sub3A_260 = arith.constant 15 : i32
    %sub3A_261 = vector.broadcast %sub3A_260 : i32 to vector<16xi32>
    %sub3A_262 = arith.subi %sub3A_261, %select_n3A_259 : vector<16xi32>
    %gather3A_263 = tpu.vector_load_idx %arg5[%sub3A_262] : memref<17xi32, #tpu.memory_space<vmem>>[vector<16xi32>], vector<16xi32>,
    %sub3A_264 = arith.constant 16 : i32
    %sub3A_265 = vector.broadcast %sub3A_264 : i32 to vector<16xi32>
    %sub3A_266 = arith.subi %sub3A_265, %select_n3A_259 : vector<16xi32>
    %gather3A_267 = tpu.vector_load_idx %arg5[%sub3A_266] : memref<17xi32, #tpu.memory_space<vmem>>[vector<16xi32>], vector<16xi32>,
    %add3A_268 = arith.addi %gather3A_263, %gather3A_267 : vector<16xi32>
    %add3A_269 = arith.addi %add3A_268, %add3A_227 : vector<16xi32>
    %sub3A_270 = arith.constant 16384 : i32
    %sub3A_271 = vector.broadcast %sub3A_270 : i32 to vector<16xi32>
    %sub3A_272 = arith.subi %add3A_269, %sub3A_271 : vector<16xi32>
    %dma_start3A_273 = arith.constant 0 : i32
    %dma_start3A_274 = arith.constant 0 : i32
    %dma_start3A_275 = tpu.memref_slice %arg2[%dma_start3A_273, %dma_start3A_274] : memref<16384x2048xf32, #tpu.memory_space<hbm>> -> memref<16384x2048xf32, #tpu.memory_space<hbm>>
    tpu.enqueue_indirect_dma source(%dma_start3A_275 : memref<16384x2048xf32, #tpu.memory_space<hbm>>) target(%arg7 : memref<16x2048xf32, #tpu.memory_space<vmem>>) offsets(%sub3A_272 : vector<16xi32>) semaphore(%arg10 : memref<!tpu.dma_semaphore, #tpu.memory_space<semaphore_mem>>)
    %dma_wait3A_276 = arith.constant 0 : i32
    %dma_wait3A_277 = arith.constant 0 : i32
    %dma_wait3A_278 = tpu.memref_slice %arg2[%dma_wait3A_276, %dma_wait3A_277] : memref<16384x2048xf32, #tpu.memory_space<hbm>> -> memref<16x2048xf32, #tpu.memory_space<hbm>>
    %dma_wait3A_279 = arith.constant 0 : i32
    %dma_wait3A_280 = arith.constant 0 : i32
    %dma_wait3A_281 = tpu.memref_slice %arg2[%dma_wait3A_279, %dma_wait3A_280] : memref<16384x2048xf32, #tpu.memory_space<hbm>> -> memref<16x2048xf32, #tpu.memory_space<hbm>>
    tpu.wait_dma2 semaphore(%arg12 : memref<!tpu.dma_semaphore, #tpu.memory_space<semaphore_mem>>) src(%dma_wait3A_281 : memref<16x2048xf32, #tpu.memory_space<hbm>>) dst(%arg9 : memref<16x2048xf32, #tpu.memory_space<vmem>>)
    %add3A_282 = arith.constant 32 : i32
    %add3A_283 = arith.addi %mul3A_2, %add3A_282 : i32
    %dma_start3A_284 = arith.constant 0 : i32
    %dma_start3A_285 = tpu.memref_slice %arg4[%add3A_283, %dma_start3A_284] : memref<16384x2048xf32, #tpu.memory_space<hbm>> -> memref<16x2048xf32, #tpu.memory_space<hbm>>
    %dma_start3A_286 = arith.constant 0 : i32
    %dma_start3A_287 = tpu.memref_slice %arg4[%add3A_283, %dma_start3A_286] : memref<16384x2048xf32, #tpu.memory_space<hbm>> -> memref<16x2048xf32, #tpu.memory_space<hbm>>
    tpu.enqueue_dma source(%arg9 : memref<16x2048xf32, #tpu.memory_space<vmem>>) target(%dma_start3A_287 : memref<16x2048xf32, #tpu.memory_space<hbm>>) target_semaphore(%arg15 : memref<!tpu.dma_semaphore, #tpu.memory_space<semaphore_mem>>)
    %dma_wait3A_288 = arith.constant 0 : i32
    %dma_wait3A_289 = tpu.memref_slice %arg4[%add3A_214, %dma_wait3A_288] : memref<16384x2048xf32, #tpu.memory_space<hbm>> -> memref<16x2048xf32, #tpu.memory_space<hbm>>
    %dma_wait3A_290 = arith.constant 0 : i32
    %dma_wait3A_291 = tpu.memref_slice %arg4[%add3A_214, %dma_wait3A_290] : memref<16384x2048xf32, #tpu.memory_space<hbm>> -> memref<16x2048xf32, #tpu.memory_space<hbm>>
    tpu.wait_dma2 semaphore(%arg14 : memref<!tpu.dma_semaphore, #tpu.memory_space<semaphore_mem>>) src(%arg8 : memref<16x2048xf32, #tpu.memory_space<vmem>>) dst(%dma_wait3A_291 : memref<16x2048xf32, #tpu.memory_space<hbm>>)
    %add3A_292 = arith.constant 64 : i32
    %add3A_293 = arith.addi %mul3A_2, %add3A_292 : i32
    %iota3A_294 = tpu.iota {dimensions = array<i32: 0>} : vector<16xi32>
    %add3A_295 = vector.broadcast %add3A_293 : i32 to vector<16xi32>
    %add3A_296 = arith.addi %add3A_295, %iota3A_294 : vector<16xi32>
    %broadcast_in_dim3A_297 = arith.constant 0 : i32
    %broadcast_in_dim3A_298 = vector.broadcast %broadcast_in_dim3A_297 : i32 to vector<16xi32>
    %add3A_299 = arith.constant 16 : i32
    %add3A_300 = vector.broadcast %add3A_299 : i32 to vector<16xi32>
    %add3A_301 = arith.addi %broadcast_in_dim3A_298, %add3A_300 : vector<16xi32>
    %gather3A_302 = tpu.vector_load_idx %arg6[%add3A_301] : memref<32xi32, #tpu.memory_space<vmem>>[vector<16xi32>], vector<16xi32>,
    %le3A_303 = arith.cmpi sle, %gather3A_302, %add3A_296 : vector<16xi32>
    %select_n3A_304 = arith.select %le3A_303, %add3A_301, %broadcast_in_dim3A_298 : vector<16xi1>, vector<16xi32>
    %add3A_305 = arith.constant 8 : i32
    %add3A_306 = vector.broadcast %add3A_305 : i32 to vector<16xi32>
    %add3A_307 = arith.addi %select_n3A_304, %add3A_306 : vector<16xi32>
    %gather3A_308 = tpu.vector_load_idx %arg6[%add3A_307] : memref<32xi32, #tpu.memory_space<vmem>>[vector<16xi32>], vector<16xi32>,
    %le3A_309 = arith.cmpi sle, %gather3A_308, %add3A_296 : vector<16xi32>
    %select_n3A_310 = arith.select %le3A_309, %add3A_307, %select_n3A_304 : vector<16xi1>, vector<16xi32>
    %add3A_311 = arith.constant 4 : i32
    %add3A_312 = vector.broadcast %add3A_311 : i32 to vector<16xi32>
    %add3A_313 = arith.addi %select_n3A_310, %add3A_312 : vector<16xi32>
    %gather3A_314 = tpu.vector_load_idx %arg6[%add3A_313] : memref<32xi32, #tpu.memory_space<vmem>>[vector<16xi32>], vector<16xi32>,
    %le3A_315 = arith.cmpi sle, %gather3A_314, %add3A_296 : vector<16xi32>
    %select_n3A_316 = arith.select %le3A_315, %add3A_313, %select_n3A_310 : vector<16xi1>, vector<16xi32>
    %add3A_317 = arith.constant 2 : i32
    %add3A_318 = vector.broadcast %add3A_317 : i32 to vector<16xi32>
    %add3A_319 = arith.addi %select_n3A_316, %add3A_318 : vector<16xi32>
    %gather3A_320 = tpu.vector_load_idx %arg6[%add3A_319] : memref<32xi32, #tpu.memory_space<vmem>>[vector<16xi32>], vector<16xi32>,
    %le3A_321 = arith.cmpi sle, %gather3A_320, %add3A_296 : vector<16xi32>
    %select_n3A_322 = arith.select %le3A_321, %add3A_319, %select_n3A_316 : vector<16xi1>, vector<16xi32>
    %add3A_323 = arith.constant 1 : i32
    %add3A_324 = vector.broadcast %add3A_323 : i32 to vector<16xi32>
    %add3A_325 = arith.addi %select_n3A_322, %add3A_324 : vector<16xi32>
    %gather3A_326 = tpu.vector_load_idx %arg6[%add3A_325] : memref<32xi32, #tpu.memory_space<vmem>>[vector<16xi32>], vector<16xi32>,
    %le3A_327 = arith.cmpi sle, %gather3A_326, %add3A_296 : vector<16xi32>
    %select_n3A_328 = arith.select %le3A_327, %add3A_325, %select_n3A_322 : vector<16xi1>, vector<16xi32>
    %sub3A_329 = arith.constant 15 : i32
    %sub3A_330 = vector.broadcast %sub3A_329 : i32 to vector<16xi32>
    %sub3A_331 = arith.subi %sub3A_330, %select_n3A_328 : vector<16xi32>
    %gather3A_332 = tpu.vector_load_idx %arg5[%sub3A_331] : memref<17xi32, #tpu.memory_space<vmem>>[vector<16xi32>], vector<16xi32>,
    %sub3A_333 = arith.constant 16 : i32
    %sub3A_334 = vector.broadcast %sub3A_333 : i32 to vector<16xi32>
    %sub3A_335 = arith.subi %sub3A_334, %select_n3A_328 : vector<16xi32>
    %gather3A_336 = tpu.vector_load_idx %arg5[%sub3A_335] : memref<17xi32, #tpu.memory_space<vmem>>[vector<16xi32>], vector<16xi32>,
    %add3A_337 = arith.addi %gather3A_332, %gather3A_336 : vector<16xi32>
    %add3A_338 = arith.addi %add3A_337, %add3A_296 : vector<16xi32>
    %sub3A_339 = arith.constant 16384 : i32
    %sub3A_340 = vector.broadcast %sub3A_339 : i32 to vector<16xi32>
    %sub3A_341 = arith.subi %add3A_338, %sub3A_340 : vector<16xi32>
    %dma_start3A_342 = arith.constant 0 : i32
    %dma_start3A_343 = arith.constant 0 : i32
    %dma_start3A_344 = tpu.memref_slice %arg2[%dma_start3A_342, %dma_start3A_343] : memref<16384x2048xf32, #tpu.memory_space<hbm>> -> memref<16384x2048xf32, #tpu.memory_space<hbm>>
    tpu.enqueue_indirect_dma source(%dma_start3A_344 : memref<16384x2048xf32, #tpu.memory_space<hbm>>) target(%arg8 : memref<16x2048xf32, #tpu.memory_space<vmem>>) offsets(%sub3A_341 : vector<16xi32>) semaphore(%arg11 : memref<!tpu.dma_semaphore, #tpu.memory_space<semaphore_mem>>)
    %dma_wait3A_345 = arith.constant 0 : i32
    %dma_wait3A_346 = arith.constant 0 : i32
    %dma_wait3A_347 = tpu.memref_slice %arg2[%dma_wait3A_345, %dma_wait3A_346] : memref<16384x2048xf32, #tpu.memory_space<hbm>> -> memref<16x2048xf32, #tpu.memory_space<hbm>>
    %dma_wait3A_348 = arith.constant 0 : i32
    %dma_wait3A_349 = arith.constant 0 : i32
    %dma_wait3A_350 = tpu.memref_slice %arg2[%dma_wait3A_348, %dma_wait3A_349] : memref<16384x2048xf32, #tpu.memory_space<hbm>> -> memref<16x2048xf32, #tpu.memory_space<hbm>>
    tpu.wait_dma2 semaphore(%arg10 : memref<!tpu.dma_semaphore, #tpu.memory_space<semaphore_mem>>) src(%dma_wait3A_350 : memref<16x2048xf32, #tpu.memory_space<hbm>>) dst(%arg7 : memref<16x2048xf32, #tpu.memory_space<vmem>>)
    %add3A_351 = arith.constant 48 : i32
    %add3A_352 = arith.addi %mul3A_2, %add3A_351 : i32
    %dma_start3A_353 = arith.constant 0 : i32
    %dma_start3A_354 = tpu.memref_slice %arg4[%add3A_352, %dma_start3A_353] : memref<16384x2048xf32, #tpu.memory_space<hbm>> -> memref<16x2048xf32, #tpu.memory_space<hbm>>
    %dma_start3A_355 = arith.constant 0 : i32
    %dma_start3A_356 = tpu.memref_slice %arg4[%add3A_352, %dma_start3A_355] : memref<16384x2048xf32, #tpu.memory_space<hbm>> -> memref<16x2048xf32, #tpu.memory_space<hbm>>
    tpu.enqueue_dma source(%arg7 : memref<16x2048xf32, #tpu.memory_space<vmem>>) target(%dma_start3A_356 : memref<16x2048xf32, #tpu.memory_space<hbm>>) target_semaphore(%arg13 : memref<!tpu.dma_semaphore, #tpu.memory_space<semaphore_mem>>)
    %dma_wait3A_357 = arith.constant 0 : i32
    %dma_wait3A_358 = tpu.memref_slice %arg4[%add3A_283, %dma_wait3A_357] : memref<16384x2048xf32, #tpu.memory_space<hbm>> -> memref<16x2048xf32, #tpu.memory_space<hbm>>
    %dma_wait3A_359 = arith.constant 0 : i32
    %dma_wait3A_360 = tpu.memref_slice %arg4[%add3A_283, %dma_wait3A_359] : memref<16384x2048xf32, #tpu.memory_space<hbm>> -> memref<16x2048xf32, #tpu.memory_space<hbm>>
    tpu.wait_dma2 semaphore(%arg15 : memref<!tpu.dma_semaphore, #tpu.memory_space<semaphore_mem>>) src(%arg9 : memref<16x2048xf32, #tpu.memory_space<vmem>>) dst(%dma_wait3A_360 : memref<16x2048xf32, #tpu.memory_space<hbm>>)
    %add3A_361 = arith.constant 80 : i32
    %add3A_362 = arith.addi %mul3A_2, %add3A_361 : i32
    %iota3A_363 = tpu.iota {dimensions = array<i32: 0>} : vector<16xi32>
    %add3A_364 = vector.broadcast %add3A_362 : i32 to vector<16xi32>
    %add3A_365 = arith.addi %add3A_364, %iota3A_363 : vector<16xi32>
    %broadcast_in_dim3A_366 = arith.constant 0 : i32
    %broadcast_in_dim3A_367 = vector.broadcast %broadcast_in_dim3A_366 : i32 to vector<16xi32>
    %add3A_368 = arith.constant 16 : i32
    %add3A_369 = vector.broadcast %add3A_368 : i32 to vector<16xi32>
    %add3A_370 = arith.addi %broadcast_in_dim3A_367, %add3A_369 : vector<16xi32>
    %gather3A_371 = tpu.vector_load_idx %arg6[%add3A_370] : memref<32xi32, #tpu.memory_space<vmem>>[vector<16xi32>], vector<16xi32>,
    %le3A_372 = arith.cmpi sle, %gather3A_371, %add3A_365 : vector<16xi32>
    %select_n3A_373 = arith.select %le3A_372, %add3A_370, %broadcast_in_dim3A_367 : vector<16xi1>, vector<16xi32>
    %add3A_374 = arith.constant 8 : i32
    %add3A_375 = vector.broadcast %add3A_374 : i32 to vector<16xi32>
    %add3A_376 = arith.addi %select_n3A_373, %add3A_375 : vector<16xi32>
    %gather3A_377 = tpu.vector_load_idx %arg6[%add3A_376] : memref<32xi32, #tpu.memory_space<vmem>>[vector<16xi32>], vector<16xi32>,
    %le3A_378 = arith.cmpi sle, %gather3A_377, %add3A_365 : vector<16xi32>
    %select_n3A_379 = arith.select %le3A_378, %add3A_376, %select_n3A_373 : vector<16xi1>, vector<16xi32>
    %add3A_380 = arith.constant 4 : i32
    %add3A_381 = vector.broadcast %add3A_380 : i32 to vector<16xi32>
    %add3A_382 = arith.addi %select_n3A_379, %add3A_381 : vector<16xi32>
    %gather3A_383 = tpu.vector_load_idx %arg6[%add3A_382] : memref<32xi32, #tpu.memory_space<vmem>>[vector<16xi32>], vector<16xi32>,
    %le3A_384 = arith.cmpi sle, %gather3A_383, %add3A_365 : vector<16xi32>
    %select_n3A_385 = arith.select %le3A_384, %add3A_382, %select_n3A_379 : vector<16xi1>, vector<16xi32>
    %add3A_386 = arith.constant 2 : i32
    %add3A_387 = vector.broadcast %add3A_386 : i32 to vector<16xi32>
    %add3A_388 = arith.addi %select_n3A_385, %add3A_387 : vector<16xi32>
    %gather3A_389 = tpu.vector_load_idx %arg6[%add3A_388] : memref<32xi32, #tpu.memory_space<vmem>>[vector<16xi32>], vector<16xi32>,
    %le3A_390 = arith.cmpi sle, %gather3A_389, %add3A_365 : vector<16xi32>
    %select_n3A_391 = arith.select %le3A_390, %add3A_388, %select_n3A_385 : vector<16xi1>, vector<16xi32>
    %add3A_392 = arith.constant 1 : i32
    %add3A_393 = vector.broadcast %add3A_392 : i32 to vector<16xi32>
    %add3A_394 = arith.addi %select_n3A_391, %add3A_393 : vector<16xi32>
    %gather3A_395 = tpu.vector_load_idx %arg6[%add3A_394] : memref<32xi32, #tpu.memory_space<vmem>>[vector<16xi32>], vector<16xi32>,
    %le3A_396 = arith.cmpi sle, %gather3A_395, %add3A_365 : vector<16xi32>
    %select_n3A_397 = arith.select %le3A_396, %add3A_394, %select_n3A_391 : vector<16xi1>, vector<16xi32>
    %sub3A_398 = arith.constant 15 : i32
    %sub3A_399 = vector.broadcast %sub3A_398 : i32 to vector<16xi32>
    %sub3A_400 = arith.subi %sub3A_399, %select_n3A_397 : vector<16xi32>
    %gather3A_401 = tpu.vector_load_idx %arg5[%sub3A_400] : memref<17xi32, #tpu.memory_space<vmem>>[vector<16xi32>], vector<16xi32>,
    %sub3A_402 = arith.constant 16 : i32
    %sub3A_403 = vector.broadcast %sub3A_402 : i32 to vector<16xi32>
    %sub3A_404 = arith.subi %sub3A_403, %select_n3A_397 : vector<16xi32>
    %gather3A_405 = tpu.vector_load_idx %arg5[%sub3A_404] : memref<17xi32, #tpu.memory_space<vmem>>[vector<16xi32>], vector<16xi32>,
    %add3A_406 = arith.addi %gather3A_401, %gather3A_405 : vector<16xi32>
    %add3A_407 = arith.addi %add3A_406, %add3A_365 : vector<16xi32>
    %sub3A_408 = arith.constant 16384 : i32
    %sub3A_409 = vector.broadcast %sub3A_408 : i32 to vector<16xi32>
    %sub3A_410 = arith.subi %add3A_407, %sub3A_409 : vector<16xi32>
    %dma_start3A_411 = arith.constant 0 : i32
    %dma_start3A_412 = arith.constant 0 : i32
    %dma_start3A_413 = tpu.memref_slice %arg2[%dma_start3A_411, %dma_start3A_412] : memref<16384x2048xf32, #tpu.memory_space<hbm>> -> memref<16384x2048xf32, #tpu.memory_space<hbm>>
    tpu.enqueue_indirect_dma source(%dma_start3A_413 : memref<16384x2048xf32, #tpu.memory_space<hbm>>) target(%arg9 : memref<16x2048xf32, #tpu.memory_space<vmem>>) offsets(%sub3A_410 : vector<16xi32>) semaphore(%arg12 : memref<!tpu.dma_semaphore, #tpu.memory_space<semaphore_mem>>)
    %dma_wait3A_414 = arith.constant 0 : i32
    %dma_wait3A_415 = arith.constant 0 : i32
    %dma_wait3A_416 = tpu.memref_slice %arg2[%dma_wait3A_414, %dma_wait3A_415] : memref<16384x2048xf32, #tpu.memory_space<hbm>> -> memref<16x2048xf32, #tpu.memory_space<hbm>>
    %dma_wait3A_417 = arith.constant 0 : i32
    %dma_wait3A_418 = arith.constant 0 : i32
    %dma_wait3A_419 = tpu.memref_slice %arg2[%dma_wait3A_417, %dma_wait3A_418] : memref<16384x2048xf32, #tpu.memory_space<hbm>> -> memref<16x2048xf32, #tpu.memory_space<hbm>>
    tpu.wait_dma2 semaphore(%arg11 : memref<!tpu.dma_semaphore, #tpu.memory_space<semaphore_mem>>) src(%dma_wait3A_419 : memref<16x2048xf32, #tpu.memory_space<hbm>>) dst(%arg8 : memref<16x2048xf32, #tpu.memory_space<vmem>>)
    %add3A_420 = arith.constant 64 : i32
    %add3A_421 = arith.addi %mul3A_2, %add3A_420 : i32
    %dma_start3A_422 = arith.constant 0 : i32
    %dma_start3A_423 = tpu.memref_slice %arg4[%add3A_421, %dma_start3A_422] : memref<16384x2048xf32, #tpu.memory_space<hbm>> -> memref<16x2048xf32, #tpu.memory_space<hbm>>
    %dma_start3A_424 = arith.constant 0 : i32
    %dma_start3A_425 = tpu.memref_slice %arg4[%add3A_421, %dma_start3A_424] : memref<16384x2048xf32, #tpu.memory_space<hbm>> -> memref<16x2048xf32, #tpu.memory_space<hbm>>
    tpu.enqueue_dma source(%arg8 : memref<16x2048xf32, #tpu.memory_space<vmem>>) target(%dma_start3A_425 : memref<16x2048xf32, #tpu.memory_space<hbm>>) target_semaphore(%arg14 : memref<!tpu.dma_semaphore, #tpu.memory_space<semaphore_mem>>)
    %dma_wait3A_426 = arith.constant 0 : i32
    %dma_wait3A_427 = tpu.memref_slice %arg4[%add3A_352, %dma_wait3A_426] : memref<16384x2048xf32, #tpu.memory_space<hbm>> -> memref<16x2048xf32, #tpu.memory_space<hbm>>
    %dma_wait3A_428 = arith.constant 0 : i32
    %dma_wait3A_429 = tpu.memref_slice %arg4[%add3A_352, %dma_wait3A_428] : memref<16384x2048xf32, #tpu.memory_space<hbm>> -> memref<16x2048xf32, #tpu.memory_space<hbm>>
    tpu.wait_dma2 semaphore(%arg13 : memref<!tpu.dma_semaphore, #tpu.memory_space<semaphore_mem>>) src(%arg7 : memref<16x2048xf32, #tpu.memory_space<vmem>>) dst(%dma_wait3A_429 : memref<16x2048xf32, #tpu.memory_space<hbm>>)
    %add3A_430 = arith.constant 96 : i32
    %add3A_431 = arith.addi %mul3A_2, %add3A_430 : i32
    %iota3A_432 = tpu.iota {dimensions = array<i32: 0>} : vector<16xi32>
    %add3A_433 = vector.broadcast %add3A_431 : i32 to vector<16xi32>
    %add3A_434 = arith.addi %add3A_433, %iota3A_432 : vector<16xi32>
    %broadcast_in_dim3A_435 = arith.constant 0 : i32
    %broadcast_in_dim3A_436 = vector.broadcast %broadcast_in_dim3A_435 : i32 to vector<16xi32>
    %add3A_437 = arith.constant 16 : i32
    %add3A_438 = vector.broadcast %add3A_437 : i32 to vector<16xi32>
    %add3A_439 = arith.addi %broadcast_in_dim3A_436, %add3A_438 : vector<16xi32>
    %gather3A_440 = tpu.vector_load_idx %arg6[%add3A_439] : memref<32xi32, #tpu.memory_space<vmem>>[vector<16xi32>], vector<16xi32>,
    %le3A_441 = arith.cmpi sle, %gather3A_440, %add3A_434 : vector<16xi32>
    %select_n3A_442 = arith.select %le3A_441, %add3A_439, %broadcast_in_dim3A_436 : vector<16xi1>, vector<16xi32>
    %add3A_443 = arith.constant 8 : i32
    %add3A_444 = vector.broadcast %add3A_443 : i32 to vector<16xi32>
    %add3A_445 = arith.addi %select_n3A_442, %add3A_444 : vector<16xi32>
    %gather3A_446 = tpu.vector_load_idx %arg6[%add3A_445] : memref<32xi32, #tpu.memory_space<vmem>>[vector<16xi32>], vector<16xi32>,
    %le3A_447 = arith.cmpi sle, %gather3A_446, %add3A_434 : vector<16xi32>
    %select_n3A_448 = arith.select %le3A_447, %add3A_445, %select_n3A_442 : vector<16xi1>, vector<16xi32>
    %add3A_449 = arith.constant 4 : i32
    %add3A_450 = vector.broadcast %add3A_449 : i32 to vector<16xi32>
    %add3A_451 = arith.addi %select_n3A_448, %add3A_450 : vector<16xi32>
    %gather3A_452 = tpu.vector_load_idx %arg6[%add3A_451] : memref<32xi32, #tpu.memory_space<vmem>>[vector<16xi32>], vector<16xi32>,
    %le3A_453 = arith.cmpi sle, %gather3A_452, %add3A_434 : vector<16xi32>
    %select_n3A_454 = arith.select %le3A_453, %add3A_451, %select_n3A_448 : vector<16xi1>, vector<16xi32>
    %add3A_455 = arith.constant 2 : i32
    %add3A_456 = vector.broadcast %add3A_455 : i32 to vector<16xi32>
    %add3A_457 = arith.addi %select_n3A_454, %add3A_456 : vector<16xi32>
    %gather3A_458 = tpu.vector_load_idx %arg6[%add3A_457] : memref<32xi32, #tpu.memory_space<vmem>>[vector<16xi32>], vector<16xi32>,
    %le3A_459 = arith.cmpi sle, %gather3A_458, %add3A_434 : vector<16xi32>
    %select_n3A_460 = arith.select %le3A_459, %add3A_457, %select_n3A_454 : vector<16xi1>, vector<16xi32>
    %add3A_461 = arith.constant 1 : i32
    %add3A_462 = vector.broadcast %add3A_461 : i32 to vector<16xi32>
    %add3A_463 = arith.addi %select_n3A_460, %add3A_462 : vector<16xi32>
    %gather3A_464 = tpu.vector_load_idx %arg6[%add3A_463] : memref<32xi32, #tpu.memory_space<vmem>>[vector<16xi32>], vector<16xi32>,
    %le3A_465 = arith.cmpi sle, %gather3A_464, %add3A_434 : vector<16xi32>
    %select_n3A_466 = arith.select %le3A_465, %add3A_463, %select_n3A_460 : vector<16xi1>, vector<16xi32>
    %sub3A_467 = arith.constant 15 : i32
    %sub3A_468 = vector.broadcast %sub3A_467 : i32 to vector<16xi32>
    %sub3A_469 = arith.subi %sub3A_468, %select_n3A_466 : vector<16xi32>
    %gather3A_470 = tpu.vector_load_idx %arg5[%sub3A_469] : memref<17xi32, #tpu.memory_space<vmem>>[vector<16xi32>], vector<16xi32>,
    %sub3A_471 = arith.constant 16 : i32
    %sub3A_472 = vector.broadcast %sub3A_471 : i32 to vector<16xi32>
    %sub3A_473 = arith.subi %sub3A_472, %select_n3A_466 : vector<16xi32>
    %gather3A_474 = tpu.vector_load_idx %arg5[%sub3A_473] : memref<17xi32, #tpu.memory_space<vmem>>[vector<16xi32>], vector<16xi32>,
    %add3A_475 = arith.addi %gather3A_470, %gather3A_474 : vector<16xi32>
    %add3A_476 = arith.addi %add3A_475, %add3A_434 : vector<16xi32>
    %sub3A_477 = arith.constant 16384 : i32
    %sub3A_478 = vector.broadcast %sub3A_477 : i32 to vector<16xi32>
    %sub3A_479 = arith.subi %add3A_476, %sub3A_478 : vector<16xi32>
    %dma_start3A_480 = arith.constant 0 : i32
    %dma_start3A_481 = arith.constant 0 : i32
    %dma_start3A_482 = tpu.memref_slice %arg2[%dma_start3A_480, %dma_start3A_481] : memref<16384x2048xf32, #tpu.memory_space<hbm>> -> memref<16384x2048xf32, #tpu.memory_space<hbm>>
    tpu.enqueue_indirect_dma source(%dma_start3A_482 : memref<16384x2048xf32, #tpu.memory_space<hbm>>) target(%arg7 : memref<16x2048xf32, #tpu.memory_space<vmem>>) offsets(%sub3A_479 : vector<16xi32>) semaphore(%arg10 : memref<!tpu.dma_semaphore, #tpu.memory_space<semaphore_mem>>)
    %dma_wait3A_483 = arith.constant 0 : i32
    %dma_wait3A_484 = arith.constant 0 : i32
    %dma_wait3A_485 = tpu.memref_slice %arg2[%dma_wait3A_483, %dma_wait3A_484] : memref<16384x2048xf32, #tpu.memory_space<hbm>> -> memref<16x2048xf32, #tpu.memory_space<hbm>>
    %dma_wait3A_486 = arith.constant 0 : i32
    %dma_wait3A_487 = arith.constant 0 : i32
    %dma_wait3A_488 = tpu.memref_slice %arg2[%dma_wait3A_486, %dma_wait3A_487] : memref<16384x2048xf32, #tpu.memory_space<hbm>> -> memref<16x2048xf32, #tpu.memory_space<hbm>>
    tpu.wait_dma2 semaphore(%arg12 : memref<!tpu.dma_semaphore, #tpu.memory_space<semaphore_mem>>) src(%dma_wait3A_488 : memref<16x2048xf32, #tpu.memory_space<hbm>>) dst(%arg9 : memref<16x2048xf32, #tpu.memory_space<vmem>>)
    %add3A_489 = arith.constant 80 : i32
    %add3A_490 = arith.addi %mul3A_2, %add3A_489 : i32
    %dma_start3A_491 = arith.constant 0 : i32
    %dma_start3A_492 = tpu.memref_slice %arg4[%add3A_490, %dma_start3A_491] : memref<16384x2048xf32, #tpu.memory_space<hbm>> -> memref<16x2048xf32, #tpu.memory_space<hbm>>
    %dma_start3A_493 = arith.constant 0 : i32
    %dma_start3A_494 = tpu.memref_slice %arg4[%add3A_490, %dma_start3A_493] : memref<16384x2048xf32, #tpu.memory_space<hbm>> -> memref<16x2048xf32, #tpu.memory_space<hbm>>
    tpu.enqueue_dma source(%arg9 : memref<16x2048xf32, #tpu.memory_space<vmem>>) target(%dma_start3A_494 : memref<16x2048xf32, #tpu.memory_space<hbm>>) target_semaphore(%arg15 : memref<!tpu.dma_semaphore, #tpu.memory_space<semaphore_mem>>)
    %dma_wait3A_495 = arith.constant 0 : i32
    %dma_wait3A_496 = tpu.memref_slice %arg4[%add3A_421, %dma_wait3A_495] : memref<16384x2048xf32, #tpu.memory_space<hbm>> -> memref<16x2048xf32, #tpu.memory_space<hbm>>
    %dma_wait3A_497 = arith.constant 0 : i32
    %dma_wait3A_498 = tpu.memref_slice %arg4[%add3A_421, %dma_wait3A_497] : memref<16384x2048xf32, #tpu.memory_space<hbm>> -> memref<16x2048xf32, #tpu.memory_space<hbm>>
    tpu.wait_dma2 semaphore(%arg14 : memref<!tpu.dma_semaphore, #tpu.memory_space<semaphore_mem>>) src(%arg8 : memref<16x2048xf32, #tpu.memory_space<vmem>>) dst(%dma_wait3A_498 : memref<16x2048xf32, #tpu.memory_space<hbm>>)
    %add3A_499 = arith.constant 112 : i32
    %add3A_500 = arith.addi %mul3A_2, %add3A_499 : i32
    %iota3A_501 = tpu.iota {dimensions = array<i32: 0>} : vector<16xi32>
    %add3A_502 = vector.broadcast %add3A_500 : i32 to vector<16xi32>
    %add3A_503 = arith.addi %add3A_502, %iota3A_501 : vector<16xi32>
    %broadcast_in_dim3A_504 = arith.constant 0 : i32
    %broadcast_in_dim3A_505 = vector.broadcast %broadcast_in_dim3A_504 : i32 to vector<16xi32>
    %add3A_506 = arith.constant 16 : i32
    %add3A_507 = vector.broadcast %add3A_506 : i32 to vector<16xi32>
    %add3A_508 = arith.addi %broadcast_in_dim3A_505, %add3A_507 : vector<16xi32>
    %gather3A_509 = tpu.vector_load_idx %arg6[%add3A_508] : memref<32xi32, #tpu.memory_space<vmem>>[vector<16xi32>], vector<16xi32>,
    %le3A_510 = arith.cmpi sle, %gather3A_509, %add3A_503 : vector<16xi32>
    %select_n3A_511 = arith.select %le3A_510, %add3A_508, %broadcast_in_dim3A_505 : vector<16xi1>, vector<16xi32>
    %add3A_512 = arith.constant 8 : i32
    %add3A_513 = vector.broadcast %add3A_512 : i32 to vector<16xi32>
    %add3A_514 = arith.addi %select_n3A_511, %add3A_513 : vector<16xi32>
    %gather3A_515 = tpu.vector_load_idx %arg6[%add3A_514] : memref<32xi32, #tpu.memory_space<vmem>>[vector<16xi32>], vector<16xi32>,
    %le3A_516 = arith.cmpi sle, %gather3A_515, %add3A_503 : vector<16xi32>
    %select_n3A_517 = arith.select %le3A_516, %add3A_514, %select_n3A_511 : vector<16xi1>, vector<16xi32>
    %add3A_518 = arith.constant 4 : i32
    %add3A_519 = vector.broadcast %add3A_518 : i32 to vector<16xi32>
    %add3A_520 = arith.addi %select_n3A_517, %add3A_519 : vector<16xi32>
    %gather3A_521 = tpu.vector_load_idx %arg6[%add3A_520] : memref<32xi32, #tpu.memory_space<vmem>>[vector<16xi32>], vector<16xi32>,
    %le3A_522 = arith.cmpi sle, %gather3A_521, %add3A_503 : vector<16xi32>
    %select_n3A_523 = arith.select %le3A_522, %add3A_520, %select_n3A_517 : vector<16xi1>, vector<16xi32>
    %add3A_524 = arith.constant 2 : i32
    %add3A_525 = vector.broadcast %add3A_524 : i32 to vector<16xi32>
    %add3A_526 = arith.addi %select_n3A_523, %add3A_525 : vector<16xi32>
    %gather3A_527 = tpu.vector_load_idx %arg6[%add3A_526] : memref<32xi32, #tpu.memory_space<vmem>>[vector<16xi32>], vector<16xi32>,
    %le3A_528 = arith.cmpi sle, %gather3A_527, %add3A_503 : vector<16xi32>
    %select_n3A_529 = arith.select %le3A_528, %add3A_526, %select_n3A_523 : vector<16xi1>, vector<16xi32>
    %add3A_530 = arith.constant 1 : i32
    %add3A_531 = vector.broadcast %add3A_530 : i32 to vector<16xi32>
    %add3A_532 = arith.addi %select_n3A_529, %add3A_531 : vector<16xi32>
    %gather3A_533 = tpu.vector_load_idx %arg6[%add3A_532] : memref<32xi32, #tpu.memory_space<vmem>>[vector<16xi32>], vector<16xi32>,
    %le3A_534 = arith.cmpi sle, %gather3A_533, %add3A_503 : vector<16xi32>
    %select_n3A_535 = arith.select %le3A_534, %add3A_532, %select_n3A_529 : vector<16xi1>, vector<16xi32>
    %sub3A_536 = arith.constant 15 : i32
    %sub3A_537 = vector.broadcast %sub3A_536 : i32 to vector<16xi32>
    %sub3A_538 = arith.subi %sub3A_537, %select_n3A_535 : vector<16xi32>
    %gather3A_539 = tpu.vector_load_idx %arg5[%sub3A_538] : memref<17xi32, #tpu.memory_space<vmem>>[vector<16xi32>], vector<16xi32>,
    %sub3A_540 = arith.constant 16 : i32
    %sub3A_541 = vector.broadcast %sub3A_540 : i32 to vector<16xi32>
    %sub3A_542 = arith.subi %sub3A_541, %select_n3A_535 : vector<16xi32>
    %gather3A_543 = tpu.vector_load_idx %arg5[%sub3A_542] : memref<17xi32, #tpu.memory_space<vmem>>[vector<16xi32>], vector<16xi32>,
    %add3A_544 = arith.addi %gather3A_539, %gather3A_543 : vector<16xi32>
    %add3A_545 = arith.addi %add3A_544, %add3A_503 : vector<16xi32>
    %sub3A_546 = arith.constant 16384 : i32
    %sub3A_547 = vector.broadcast %sub3A_546 : i32 to vector<16xi32>
    %sub3A_548 = arith.subi %add3A_545, %sub3A_547 : vector<16xi32>
    %dma_start3A_549 = arith.constant 0 : i32
    %dma_start3A_550 = arith.constant 0 : i32
    %dma_start3A_551 = tpu.memref_slice %arg2[%dma_start3A_549, %dma_start3A_550] : memref<16384x2048xf32, #tpu.memory_space<hbm>> -> memref<16384x2048xf32, #tpu.memory_space<hbm>>
    tpu.enqueue_indirect_dma source(%dma_start3A_551 : memref<16384x2048xf32, #tpu.memory_space<hbm>>) target(%arg8 : memref<16x2048xf32, #tpu.memory_space<vmem>>) offsets(%sub3A_548 : vector<16xi32>) semaphore(%arg11 : memref<!tpu.dma_semaphore, #tpu.memory_space<semaphore_mem>>)
    %dma_wait3A_552 = arith.constant 0 : i32
    %dma_wait3A_553 = arith.constant 0 : i32
    %dma_wait3A_554 = tpu.memref_slice %arg2[%dma_wait3A_552, %dma_wait3A_553] : memref<16384x2048xf32, #tpu.memory_space<hbm>> -> memref<16x2048xf32, #tpu.memory_space<hbm>>
    %dma_wait3A_555 = arith.constant 0 : i32
    %dma_wait3A_556 = arith.constant 0 : i32
    %dma_wait3A_557 = tpu.memref_slice %arg2[%dma_wait3A_555, %dma_wait3A_556] : memref<16384x2048xf32, #tpu.memory_space<hbm>> -> memref<16x2048xf32, #tpu.memory_space<hbm>>
    tpu.wait_dma2 semaphore(%arg10 : memref<!tpu.dma_semaphore, #tpu.memory_space<semaphore_mem>>) src(%dma_wait3A_557 : memref<16x2048xf32, #tpu.memory_space<hbm>>) dst(%arg7 : memref<16x2048xf32, #tpu.memory_space<vmem>>)
    %add3A_558 = arith.constant 96 : i32
    %add3A_559 = arith.addi %mul3A_2, %add3A_558 : i32
    %dma_start3A_560 = arith.constant 0 : i32
    %dma_start3A_561 = tpu.memref_slice %arg4[%add3A_559, %dma_start3A_560] : memref<16384x2048xf32, #tpu.memory_space<hbm>> -> memref<16x2048xf32, #tpu.memory_space<hbm>>
    %dma_start3A_562 = arith.constant 0 : i32
    %dma_start3A_563 = tpu.memref_slice %arg4[%add3A_559, %dma_start3A_562] : memref<16384x2048xf32, #tpu.memory_space<hbm>> -> memref<16x2048xf32, #tpu.memory_space<hbm>>
    tpu.enqueue_dma source(%arg7 : memref<16x2048xf32, #tpu.memory_space<vmem>>) target(%dma_start3A_563 : memref<16x2048xf32, #tpu.memory_space<hbm>>) target_semaphore(%arg13 : memref<!tpu.dma_semaphore, #tpu.memory_space<semaphore_mem>>)
    %dma_wait3A_564 = arith.constant 0 : i32
    %dma_wait3A_565 = tpu.memref_slice %arg4[%add3A_490, %dma_wait3A_564] : memref<16384x2048xf32, #tpu.memory_space<hbm>> -> memref<16x2048xf32, #tpu.memory_space<hbm>>
    %dma_wait3A_566 = arith.constant 0 : i32
    %dma_wait3A_567 = tpu.memref_slice %arg4[%add3A_490, %dma_wait3A_566] : memref<16384x2048xf32, #tpu.memory_space<hbm>> -> memref<16x2048xf32, #tpu.memory_space<hbm>>
    tpu.wait_dma2 semaphore(%arg15 : memref<!tpu.dma_semaphore, #tpu.memory_space<semaphore_mem>>) src(%arg9 : memref<16x2048xf32, #tpu.memory_space<vmem>>) dst(%dma_wait3A_567 : memref<16x2048xf32, #tpu.memory_space<hbm>>)
    %add3A_568 = arith.constant 128 : i32
    %add3A_569 = arith.addi %mul3A_2, %add3A_568 : i32
    %iota3A_570 = tpu.iota {dimensions = array<i32: 0>} : vector<16xi32>
    %add3A_571 = vector.broadcast %add3A_569 : i32 to vector<16xi32>
    %add3A_572 = arith.addi %add3A_571, %iota3A_570 : vector<16xi32>
    %broadcast_in_dim3A_573 = arith.constant 0 : i32
    %broadcast_in_dim3A_574 = vector.broadcast %broadcast_in_dim3A_573 : i32 to vector<16xi32>
    %add3A_575 = arith.constant 16 : i32
    %add3A_576 = vector.broadcast %add3A_575 : i32 to vector<16xi32>
    %add3A_577 = arith.addi %broadcast_in_dim3A_574, %add3A_576 : vector<16xi32>
    %gather3A_578 = tpu.vector_load_idx %arg6[%add3A_577] : memref<32xi32, #tpu.memory_space<vmem>>[vector<16xi32>], vector<16xi32>,
    %le3A_579 = arith.cmpi sle, %gather3A_578, %add3A_572 : vector<16xi32>
    %select_n3A_580 = arith.select %le3A_579, %add3A_577, %broadcast_in_dim3A_574 : vector<16xi1>, vector<16xi32>
    %add3A_581 = arith.constant 8 : i32
    %add3A_582 = vector.broadcast %add3A_581 : i32 to vector<16xi32>
    %add3A_583 = arith.addi %select_n3A_580, %add3A_582 : vector<16xi32>
    %gather3A_584 = tpu.vector_load_idx %arg6[%add3A_583] : memref<32xi32, #tpu.memory_space<vmem>>[vector<16xi32>], vector<16xi32>,
    %le3A_585 = arith.cmpi sle, %gather3A_584, %add3A_572 : vector<16xi32>
    %select_n3A_586 = arith.select %le3A_585, %add3A_583, %select_n3A_580 : vector<16xi1>, vector<16xi32>
    %add3A_587 = arith.constant 4 : i32
    %add3A_588 = vector.broadcast %add3A_587 : i32 to vector<16xi32>
    %add3A_589 = arith.addi %select_n3A_586, %add3A_588 : vector<16xi32>
    %gather3A_590 = tpu.vector_load_idx %arg6[%add3A_589] : memref<32xi32, #tpu.memory_space<vmem>>[vector<16xi32>], vector<16xi32>,
    %le3A_591 = arith.cmpi sle, %gather3A_590, %add3A_572 : vector<16xi32>
    %select_n3A_592 = arith.select %le3A_591, %add3A_589, %select_n3A_586 : vector<16xi1>, vector<16xi32>
    %add3A_593 = arith.constant 2 : i32
    %add3A_594 = vector.broadcast %add3A_593 : i32 to vector<16xi32>
    %add3A_595 = arith.addi %select_n3A_592, %add3A_594 : vector<16xi32>
    %gather3A_596 = tpu.vector_load_idx %arg6[%add3A_595] : memref<32xi32, #tpu.memory_space<vmem>>[vector<16xi32>], vector<16xi32>,
    %le3A_597 = arith.cmpi sle, %gather3A_596, %add3A_572 : vector<16xi32>
    %select_n3A_598 = arith.select %le3A_597, %add3A_595, %select_n3A_592 : vector<16xi1>, vector<16xi32>
    %add3A_599 = arith.constant 1 : i32
    %add3A_600 = vector.broadcast %add3A_599 : i32 to vector<16xi32>
    %add3A_601 = arith.addi %select_n3A_598, %add3A_600 : vector<16xi32>
    %gather3A_602 = tpu.vector_load_idx %arg6[%add3A_601] : memref<32xi32, #tpu.memory_space<vmem>>[vector<16xi32>], vector<16xi32>,
    %le3A_603 = arith.cmpi sle, %gather3A_602, %add3A_572 : vector<16xi32>
    %select_n3A_604 = arith.select %le3A_603, %add3A_601, %select_n3A_598 : vector<16xi1>, vector<16xi32>
    %sub3A_605 = arith.constant 15 : i32
    %sub3A_606 = vector.broadcast %sub3A_605 : i32 to vector<16xi32>
    %sub3A_607 = arith.subi %sub3A_606, %select_n3A_604 : vector<16xi32>
    %gather3A_608 = tpu.vector_load_idx %arg5[%sub3A_607] : memref<17xi32, #tpu.memory_space<vmem>>[vector<16xi32>], vector<16xi32>,
    %sub3A_609 = arith.constant 16 : i32
    %sub3A_610 = vector.broadcast %sub3A_609 : i32 to vector<16xi32>
    %sub3A_611 = arith.subi %sub3A_610, %select_n3A_604 : vector<16xi32>
    %gather3A_612 = tpu.vector_load_idx %arg5[%sub3A_611] : memref<17xi32, #tpu.memory_space<vmem>>[vector<16xi32>], vector<16xi32>,
    %add3A_613 = arith.addi %gather3A_608, %gather3A_612 : vector<16xi32>
    %add3A_614 = arith.addi %add3A_613, %add3A_572 : vector<16xi32>
    %sub3A_615 = arith.constant 16384 : i32
    %sub3A_616 = vector.broadcast %sub3A_615 : i32 to vector<16xi32>
    %sub3A_617 = arith.subi %add3A_614, %sub3A_616 : vector<16xi32>
    %dma_start3A_618 = arith.constant 0 : i32
    %dma_start3A_619 = arith.constant 0 : i32
    %dma_start3A_620 = tpu.memref_slice %arg2[%dma_start3A_618, %dma_start3A_619] : memref<16384x2048xf32, #tpu.memory_space<hbm>> -> memref<16384x2048xf32, #tpu.memory_space<hbm>>
    tpu.enqueue_indirect_dma source(%dma_start3A_620 : memref<16384x2048xf32, #tpu.memory_space<hbm>>) target(%arg9 : memref<16x2048xf32, #tpu.memory_space<vmem>>) offsets(%sub3A_617 : vector<16xi32>) semaphore(%arg12 : memref<!tpu.dma_semaphore, #tpu.memory_space<semaphore_mem>>)
    %dma_wait3A_621 = arith.constant 0 : i32
    %dma_wait3A_622 = arith.constant 0 : i32
    %dma_wait3A_623 = tpu.memref_slice %arg2[%dma_wait3A_621, %dma_wait3A_622] : memref<16384x2048xf32, #tpu.memory_space<hbm>> -> memref<16x2048xf32, #tpu.memory_space<hbm>>
    %dma_wait3A_624 = arith.constant 0 : i32
    %dma_wait3A_625 = arith.constant 0 : i32
    %dma_wait3A_626 = tpu.memref_slice %arg2[%dma_wait3A_624, %dma_wait3A_625] : memref<16384x2048xf32, #tpu.memory_space<hbm>> -> memref<16x2048xf32, #tpu.memory_space<hbm>>
    tpu.wait_dma2 semaphore(%arg11 : memref<!tpu.dma_semaphore, #tpu.memory_space<semaphore_mem>>) src(%dma_wait3A_626 : memref<16x2048xf32, #tpu.memory_space<hbm>>) dst(%arg8 : memref<16x2048xf32, #tpu.memory_space<vmem>>)
    %add3A_627 = arith.constant 112 : i32
    %add3A_628 = arith.addi %mul3A_2, %add3A_627 : i32
    %dma_start3A_629 = arith.constant 0 : i32
    %dma_start3A_630 = tpu.memref_slice %arg4[%add3A_628, %dma_start3A_629] : memref<16384x2048xf32, #tpu.memory_space<hbm>> -> memref<16x2048xf32, #tpu.memory_space<hbm>>
    %dma_start3A_631 = arith.constant 0 : i32
    %dma_start3A_632 = tpu.memref_slice %arg4[%add3A_628, %dma_start3A_631] : memref<16384x2048xf32, #tpu.memory_space<hbm>> -> memref<16x2048xf32, #tpu.memory_space<hbm>>
    tpu.enqueue_dma source(%arg8 : memref<16x2048xf32, #tpu.memory_space<vmem>>) target(%dma_start3A_632 : memref<16x2048xf32, #tpu.memory_space<hbm>>) target_semaphore(%arg14 : memref<!tpu.dma_semaphore, #tpu.memory_space<semaphore_mem>>)
    %dma_wait3A_633 = arith.constant 0 : i32
    %dma_wait3A_634 = tpu.memref_slice %arg4[%add3A_559, %dma_wait3A_633] : memref<16384x2048xf32, #tpu.memory_space<hbm>> -> memref<16x2048xf32, #tpu.memory_space<hbm>>
    %dma_wait3A_635 = arith.constant 0 : i32
    %dma_wait3A_636 = tpu.memref_slice %arg4[%add3A_559, %dma_wait3A_635] : memref<16384x2048xf32, #tpu.memory_space<hbm>> -> memref<16x2048xf32, #tpu.memory_space<hbm>>
    tpu.wait_dma2 semaphore(%arg13 : memref<!tpu.dma_semaphore, #tpu.memory_space<semaphore_mem>>) src(%arg7 : memref<16x2048xf32, #tpu.memory_space<vmem>>) dst(%dma_wait3A_636 : memref<16x2048xf32, #tpu.memory_space<hbm>>)
    %add3A_637 = arith.constant 144 : i32
    %add3A_638 = arith.addi %mul3A_2, %add3A_637 : i32
    %iota3A_639 = tpu.iota {dimensions = array<i32: 0>} : vector<16xi32>
    %add3A_640 = vector.broadcast %add3A_638 : i32 to vector<16xi32>
    %add3A_641 = arith.addi %add3A_640, %iota3A_639 : vector<16xi32>
    %broadcast_in_dim3A_642 = arith.constant 0 : i32
    %broadcast_in_dim3A_643 = vector.broadcast %broadcast_in_dim3A_642 : i32 to vector<16xi32>
    %add3A_644 = arith.constant 16 : i32
    %add3A_645 = vector.broadcast %add3A_644 : i32 to vector<16xi32>
    %add3A_646 = arith.addi %broadcast_in_dim3A_643, %add3A_645 : vector<16xi32>
    %gather3A_647 = tpu.vector_load_idx %arg6[%add3A_646] : memref<32xi32, #tpu.memory_space<vmem>>[vector<16xi32>], vector<16xi32>,
    %le3A_648 = arith.cmpi sle, %gather3A_647, %add3A_641 : vector<16xi32>
    %select_n3A_649 = arith.select %le3A_648, %add3A_646, %broadcast_in_dim3A_643 : vector<16xi1>, vector<16xi32>
    %add3A_650 = arith.constant 8 : i32
    %add3A_651 = vector.broadcast %add3A_650 : i32 to vector<16xi32>
    %add3A_652 = arith.addi %select_n3A_649, %add3A_651 : vector<16xi32>
    %gather3A_653 = tpu.vector_load_idx %arg6[%add3A_652] : memref<32xi32, #tpu.memory_space<vmem>>[vector<16xi32>], vector<16xi32>,
    %le3A_654 = arith.cmpi sle, %gather3A_653, %add3A_641 : vector<16xi32>
    %select_n3A_655 = arith.select %le3A_654, %add3A_652, %select_n3A_649 : vector<16xi1>, vector<16xi32>
    %add3A_656 = arith.constant 4 : i32
    %add3A_657 = vector.broadcast %add3A_656 : i32 to vector<16xi32>
    %add3A_658 = arith.addi %select_n3A_655, %add3A_657 : vector<16xi32>
    %gather3A_659 = tpu.vector_load_idx %arg6[%add3A_658] : memref<32xi32, #tpu.memory_space<vmem>>[vector<16xi32>], vector<16xi32>,
    %le3A_660 = arith.cmpi sle, %gather3A_659, %add3A_641 : vector<16xi32>
    %select_n3A_661 = arith.select %le3A_660, %add3A_658, %select_n3A_655 : vector<16xi1>, vector<16xi32>
    %add3A_662 = arith.constant 2 : i32
    %add3A_663 = vector.broadcast %add3A_662 : i32 to vector<16xi32>
    %add3A_664 = arith.addi %select_n3A_661, %add3A_663 : vector<16xi32>
    %gather3A_665 = tpu.vector_load_idx %arg6[%add3A_664] : memref<32xi32, #tpu.memory_space<vmem>>[vector<16xi32>], vector<16xi32>,
    %le3A_666 = arith.cmpi sle, %gather3A_665, %add3A_641 : vector<16xi32>
    %select_n3A_667 = arith.select %le3A_666, %add3A_664, %select_n3A_661 : vector<16xi1>, vector<16xi32>
    %add3A_668 = arith.constant 1 : i32
    %add3A_669 = vector.broadcast %add3A_668 : i32 to vector<16xi32>
    %add3A_670 = arith.addi %select_n3A_667, %add3A_669 : vector<16xi32>
    %gather3A_671 = tpu.vector_load_idx %arg6[%add3A_670] : memref<32xi32, #tpu.memory_space<vmem>>[vector<16xi32>], vector<16xi32>,
    %le3A_672 = arith.cmpi sle, %gather3A_671, %add3A_641 : vector<16xi32>
    %select_n3A_673 = arith.select %le3A_672, %add3A_670, %select_n3A_667 : vector<16xi1>, vector<16xi32>
    %sub3A_674 = arith.constant 15 : i32
    %sub3A_675 = vector.broadcast %sub3A_674 : i32 to vector<16xi32>
    %sub3A_676 = arith.subi %sub3A_675, %select_n3A_673 : vector<16xi32>
    %gather3A_677 = tpu.vector_load_idx %arg5[%sub3A_676] : memref<17xi32, #tpu.memory_space<vmem>>[vector<16xi32>], vector<16xi32>,
    %sub3A_678 = arith.constant 16 : i32
    %sub3A_679 = vector.broadcast %sub3A_678 : i32 to vector<16xi32>
    %sub3A_680 = arith.subi %sub3A_679, %select_n3A_673 : vector<16xi32>
    %gather3A_681 = tpu.vector_load_idx %arg5[%sub3A_680] : memref<17xi32, #tpu.memory_space<vmem>>[vector<16xi32>], vector<16xi32>,
    %add3A_682 = arith.addi %gather3A_677, %gather3A_681 : vector<16xi32>
    %add3A_683 = arith.addi %add3A_682, %add3A_641 : vector<16xi32>
    %sub3A_684 = arith.constant 16384 : i32
    %sub3A_685 = vector.broadcast %sub3A_684 : i32 to vector<16xi32>
    %sub3A_686 = arith.subi %add3A_683, %sub3A_685 : vector<16xi32>
    %dma_start3A_687 = arith.constant 0 : i32
    %dma_start3A_688 = arith.constant 0 : i32
    %dma_start3A_689 = tpu.memref_slice %arg2[%dma_start3A_687, %dma_start3A_688] : memref<16384x2048xf32, #tpu.memory_space<hbm>> -> memref<16384x2048xf32, #tpu.memory_space<hbm>>
    tpu.enqueue_indirect_dma source(%dma_start3A_689 : memref<16384x2048xf32, #tpu.memory_space<hbm>>) target(%arg7 : memref<16x2048xf32, #tpu.memory_space<vmem>>) offsets(%sub3A_686 : vector<16xi32>) semaphore(%arg10 : memref<!tpu.dma_semaphore, #tpu.memory_space<semaphore_mem>>)
    %dma_wait3A_690 = arith.constant 0 : i32
    %dma_wait3A_691 = arith.constant 0 : i32
    %dma_wait3A_692 = tpu.memref_slice %arg2[%dma_wait3A_690, %dma_wait3A_691] : memref<16384x2048xf32, #tpu.memory_space<hbm>> -> memref<16x2048xf32, #tpu.memory_space<hbm>>
    %dma_wait3A_693 = arith.constant 0 : i32
    %dma_wait3A_694 = arith.constant 0 : i32
    %dma_wait3A_695 = tpu.memref_slice %arg2[%dma_wait3A_693, %dma_wait3A_694] : memref<16384x2048xf32, #tpu.memory_space<hbm>> -> memref<16x2048xf32, #tpu.memory_space<hbm>>
    tpu.wait_dma2 semaphore(%arg12 : memref<!tpu.dma_semaphore, #tpu.memory_space<semaphore_mem>>) src(%dma_wait3A_695 : memref<16x2048xf32, #tpu.memory_space<hbm>>) dst(%arg9 : memref<16x2048xf32, #tpu.memory_space<vmem>>)
    %add3A_696 = arith.constant 128 : i32
    %add3A_697 = arith.addi %mul3A_2, %add3A_696 : i32
    %dma_start3A_698 = arith.constant 0 : i32
    %dma_start3A_699 = tpu.memref_slice %arg4[%add3A_697, %dma_start3A_698] : memref<16384x2048xf32, #tpu.memory_space<hbm>> -> memref<16x2048xf32, #tpu.memory_space<hbm>>
    %dma_start3A_700 = arith.constant 0 : i32
    %dma_start3A_701 = tpu.memref_slice %arg4[%add3A_697, %dma_start3A_700] : memref<16384x2048xf32, #tpu.memory_space<hbm>> -> memref<16x2048xf32, #tpu.memory_space<hbm>>
    tpu.enqueue_dma source(%arg9 : memref<16x2048xf32, #tpu.memory_space<vmem>>) target(%dma_start3A_701 : memref<16x2048xf32, #tpu.memory_space<hbm>>) target_semaphore(%arg15 : memref<!tpu.dma_semaphore, #tpu.memory_space<semaphore_mem>>)
    %dma_wait3A_702 = arith.constant 0 : i32
    %dma_wait3A_703 = tpu.memref_slice %arg4[%add3A_628, %dma_wait3A_702] : memref<16384x2048xf32, #tpu.memory_space<hbm>> -> memref<16x2048xf32, #tpu.memory_space<hbm>>
    %dma_wait3A_704 = arith.constant 0 : i32
    %dma_wait3A_705 = tpu.memref_slice %arg4[%add3A_628, %dma_wait3A_704] : memref<16384x2048xf32, #tpu.memory_space<hbm>> -> memref<16x2048xf32, #tpu.memory_space<hbm>>
    tpu.wait_dma2 semaphore(%arg14 : memref<!tpu.dma_semaphore, #tpu.memory_space<semaphore_mem>>) src(%arg8 : memref<16x2048xf32, #tpu.memory_space<vmem>>) dst(%dma_wait3A_705 : memref<16x2048xf32, #tpu.memory_space<hbm>>)
    %add3A_706 = arith.constant 160 : i32
    %add3A_707 = arith.addi %mul3A_2, %add3A_706 : i32
    %iota3A_708 = tpu.iota {dimensions = array<i32: 0>} : vector<16xi32>
    %add3A_709 = vector.broadcast %add3A_707 : i32 to vector<16xi32>
    %add3A_710 = arith.addi %add3A_709, %iota3A_708 : vector<16xi32>
    %broadcast_in_dim3A_711 = arith.constant 0 : i32
    %broadcast_in_dim3A_712 = vector.broadcast %broadcast_in_dim3A_711 : i32 to vector<16xi32>
    %add3A_713 = arith.constant 16 : i32
    %add3A_714 = vector.broadcast %add3A_713 : i32 to vector<16xi32>
    %add3A_715 = arith.addi %broadcast_in_dim3A_712, %add3A_714 : vector<16xi32>
    %gather3A_716 = tpu.vector_load_idx %arg6[%add3A_715] : memref<32xi32, #tpu.memory_space<vmem>>[vector<16xi32>], vector<16xi32>,
    %le3A_717 = arith.cmpi sle, %gather3A_716, %add3A_710 : vector<16xi32>
    %select_n3A_718 = arith.select %le3A_717, %add3A_715, %broadcast_in_dim3A_712 : vector<16xi1>, vector<16xi32>
    %add3A_719 = arith.constant 8 : i32
    %add3A_720 = vector.broadcast %add3A_719 : i32 to vector<16xi32>
    %add3A_721 = arith.addi %select_n3A_718, %add3A_720 : vector<16xi32>
    %gather3A_722 = tpu.vector_load_idx %arg6[%add3A_721] : memref<32xi32, #tpu.memory_space<vmem>>[vector<16xi32>], vector<16xi32>,
    %le3A_723 = arith.cmpi sle, %gather3A_722, %add3A_710 : vector<16xi32>
    %select_n3A_724 = arith.select %le3A_723, %add3A_721, %select_n3A_718 : vector<16xi1>, vector<16xi32>
    %add3A_725 = arith.constant 4 : i32
    %add3A_726 = vector.broadcast %add3A_725 : i32 to vector<16xi32>
    %add3A_727 = arith.addi %select_n3A_724, %add3A_726 : vector<16xi32>
    %gather3A_728 = tpu.vector_load_idx %arg6[%add3A_727] : memref<32xi32, #tpu.memory_space<vmem>>[vector<16xi32>], vector<16xi32>,
    %le3A_729 = arith.cmpi sle, %gather3A_728, %add3A_710 : vector<16xi32>
    %select_n3A_730 = arith.select %le3A_729, %add3A_727, %select_n3A_724 : vector<16xi1>, vector<16xi32>
    %add3A_731 = arith.constant 2 : i32
    %add3A_732 = vector.broadcast %add3A_731 : i32 to vector<16xi32>
    %add3A_733 = arith.addi %select_n3A_730, %add3A_732 : vector<16xi32>
    %gather3A_734 = tpu.vector_load_idx %arg6[%add3A_733] : memref<32xi32, #tpu.memory_space<vmem>>[vector<16xi32>], vector<16xi32>,
    %le3A_735 = arith.cmpi sle, %gather3A_734, %add3A_710 : vector<16xi32>
    %select_n3A_736 = arith.select %le3A_735, %add3A_733, %select_n3A_730 : vector<16xi1>, vector<16xi32>
    %add3A_737 = arith.constant 1 : i32
    %add3A_738 = vector.broadcast %add3A_737 : i32 to vector<16xi32>
    %add3A_739 = arith.addi %select_n3A_736, %add3A_738 : vector<16xi32>
    %gather3A_740 = tpu.vector_load_idx %arg6[%add3A_739] : memref<32xi32, #tpu.memory_space<vmem>>[vector<16xi32>], vector<16xi32>,
    %le3A_741 = arith.cmpi sle, %gather3A_740, %add3A_710 : vector<16xi32>
    %select_n3A_742 = arith.select %le3A_741, %add3A_739, %select_n3A_736 : vector<16xi1>, vector<16xi32>
    %sub3A_743 = arith.constant 15 : i32
    %sub3A_744 = vector.broadcast %sub3A_743 : i32 to vector<16xi32>
    %sub3A_745 = arith.subi %sub3A_744, %select_n3A_742 : vector<16xi32>
    %gather3A_746 = tpu.vector_load_idx %arg5[%sub3A_745] : memref<17xi32, #tpu.memory_space<vmem>>[vector<16xi32>], vector<16xi32>,
    %sub3A_747 = arith.constant 16 : i32
    %sub3A_748 = vector.broadcast %sub3A_747 : i32 to vector<16xi32>
    %sub3A_749 = arith.subi %sub3A_748, %select_n3A_742 : vector<16xi32>
    %gather3A_750 = tpu.vector_load_idx %arg5[%sub3A_749] : memref<17xi32, #tpu.memory_space<vmem>>[vector<16xi32>], vector<16xi32>,
    %add3A_751 = arith.addi %gather3A_746, %gather3A_750 : vector<16xi32>
    %add3A_752 = arith.addi %add3A_751, %add3A_710 : vector<16xi32>
    %sub3A_753 = arith.constant 16384 : i32
    %sub3A_754 = vector.broadcast %sub3A_753 : i32 to vector<16xi32>
    %sub3A_755 = arith.subi %add3A_752, %sub3A_754 : vector<16xi32>
    %dma_start3A_756 = arith.constant 0 : i32
    %dma_start3A_757 = arith.constant 0 : i32
    %dma_start3A_758 = tpu.memref_slice %arg2[%dma_start3A_756, %dma_start3A_757] : memref<16384x2048xf32, #tpu.memory_space<hbm>> -> memref<16384x2048xf32, #tpu.memory_space<hbm>>
    tpu.enqueue_indirect_dma source(%dma_start3A_758 : memref<16384x2048xf32, #tpu.memory_space<hbm>>) target(%arg8 : memref<16x2048xf32, #tpu.memory_space<vmem>>) offsets(%sub3A_755 : vector<16xi32>) semaphore(%arg11 : memref<!tpu.dma_semaphore, #tpu.memory_space<semaphore_mem>>)
    %dma_wait3A_759 = arith.constant 0 : i32
    %dma_wait3A_760 = arith.constant 0 : i32
    %dma_wait3A_761 = tpu.memref_slice %arg2[%dma_wait3A_759, %dma_wait3A_760] : memref<16384x2048xf32, #tpu.memory_space<hbm>> -> memref<16x2048xf32, #tpu.memory_space<hbm>>
    %dma_wait3A_762 = arith.constant 0 : i32
    %dma_wait3A_763 = arith.constant 0 : i32
    %dma_wait3A_764 = tpu.memref_slice %arg2[%dma_wait3A_762, %dma_wait3A_763] : memref<16384x2048xf32, #tpu.memory_space<hbm>> -> memref<16x2048xf32, #tpu.memory_space<hbm>>
    tpu.wait_dma2 semaphore(%arg10 : memref<!tpu.dma_semaphore, #tpu.memory_space<semaphore_mem>>) src(%dma_wait3A_764 : memref<16x2048xf32, #tpu.memory_space<hbm>>) dst(%arg7 : memref<16x2048xf32, #tpu.memory_space<vmem>>)
    %add3A_765 = arith.constant 144 : i32
    %add3A_766 = arith.addi %mul3A_2, %add3A_765 : i32
    %dma_start3A_767 = arith.constant 0 : i32
    %dma_start3A_768 = tpu.memref_slice %arg4[%add3A_766, %dma_start3A_767] : memref<16384x2048xf32, #tpu.memory_space<hbm>> -> memref<16x2048xf32, #tpu.memory_space<hbm>>
    %dma_start3A_769 = arith.constant 0 : i32
    %dma_start3A_770 = tpu.memref_slice %arg4[%add3A_766, %dma_start3A_769] : memref<16384x2048xf32, #tpu.memory_space<hbm>> -> memref<16x2048xf32, #tpu.memory_space<hbm>>
    tpu.enqueue_dma source(%arg7 : memref<16x2048xf32, #tpu.memory_space<vmem>>) target(%dma_start3A_770 : memref<16x2048xf32, #tpu.memory_space<hbm>>) target_semaphore(%arg13 : memref<!tpu.dma_semaphore, #tpu.memory_space<semaphore_mem>>)
    %dma_wait3A_771 = arith.constant 0 : i32
    %dma_wait3A_772 = tpu.memref_slice %arg4[%add3A_697, %dma_wait3A_771] : memref<16384x2048xf32, #tpu.memory_space<hbm>> -> memref<16x2048xf32, #tpu.memory_space<hbm>>
    %dma_wait3A_773 = arith.constant 0 : i32
    %dma_wait3A_774 = tpu.memref_slice %arg4[%add3A_697, %dma_wait3A_773] : memref<16384x2048xf32, #tpu.memory_space<hbm>> -> memref<16x2048xf32, #tpu.memory_space<hbm>>
    tpu.wait_dma2 semaphore(%arg15 : memref<!tpu.dma_semaphore, #tpu.memory_space<semaphore_mem>>) src(%arg9 : memref<16x2048xf32, #tpu.memory_space<vmem>>) dst(%dma_wait3A_774 : memref<16x2048xf32, #tpu.memory_space<hbm>>)
    %add3A_775 = arith.constant 176 : i32
    %add3A_776 = arith.addi %mul3A_2, %add3A_775 : i32
    %iota3A_777 = tpu.iota {dimensions = array<i32: 0>} : vector<16xi32>
    %add3A_778 = vector.broadcast %add3A_776 : i32 to vector<16xi32>
    %add3A_779 = arith.addi %add3A_778, %iota3A_777 : vector<16xi32>
    %broadcast_in_dim3A_780 = arith.constant 0 : i32
    %broadcast_in_dim3A_781 = vector.broadcast %broadcast_in_dim3A_780 : i32 to vector<16xi32>
    %add3A_782 = arith.constant 16 : i32
    %add3A_783 = vector.broadcast %add3A_782 : i32 to vector<16xi32>
    %add3A_784 = arith.addi %broadcast_in_dim3A_781, %add3A_783 : vector<16xi32>
    %gather3A_785 = tpu.vector_load_idx %arg6[%add3A_784] : memref<32xi32, #tpu.memory_space<vmem>>[vector<16xi32>], vector<16xi32>,
    %le3A_786 = arith.cmpi sle, %gather3A_785, %add3A_779 : vector<16xi32>
    %select_n3A_787 = arith.select %le3A_786, %add3A_784, %broadcast_in_dim3A_781 : vector<16xi1>, vector<16xi32>
    %add3A_788 = arith.constant 8 : i32
    %add3A_789 = vector.broadcast %add3A_788 : i32 to vector<16xi32>
    %add3A_790 = arith.addi %select_n3A_787, %add3A_789 : vector<16xi32>
    %gather3A_791 = tpu.vector_load_idx %arg6[%add3A_790] : memref<32xi32, #tpu.memory_space<vmem>>[vector<16xi32>], vector<16xi32>,
    %le3A_792 = arith.cmpi sle, %gather3A_791, %add3A_779 : vector<16xi32>
    %select_n3A_793 = arith.select %le3A_792, %add3A_790, %select_n3A_787 : vector<16xi1>, vector<16xi32>
    %add3A_794 = arith.constant 4 : i32
    %add3A_795 = vector.broadcast %add3A_794 : i32 to vector<16xi32>
    %add3A_796 = arith.addi %select_n3A_793, %add3A_795 : vector<16xi32>
    %gather3A_797 = tpu.vector_load_idx %arg6[%add3A_796] : memref<32xi32, #tpu.memory_space<vmem>>[vector<16xi32>], vector<16xi32>,
    %le3A_798 = arith.cmpi sle, %gather3A_797, %add3A_779 : vector<16xi32>
    %select_n3A_799 = arith.select %le3A_798, %add3A_796, %select_n3A_793 : vector<16xi1>, vector<16xi32>
    %add3A_800 = arith.constant 2 : i32
    %add3A_801 = vector.broadcast %add3A_800 : i32 to vector<16xi32>
    %add3A_802 = arith.addi %select_n3A_799, %add3A_801 : vector<16xi32>
    %gather3A_803 = tpu.vector_load_idx %arg6[%add3A_802] : memref<32xi32, #tpu.memory_space<vmem>>[vector<16xi32>], vector<16xi32>,
    %le3A_804 = arith.cmpi sle, %gather3A_803, %add3A_779 : vector<16xi32>
    %select_n3A_805 = arith.select %le3A_804, %add3A_802, %select_n3A_799 : vector<16xi1>, vector<16xi32>
    %add3A_806 = arith.constant 1 : i32
    %add3A_807 = vector.broadcast %add3A_806 : i32 to vector<16xi32>
    %add3A_808 = arith.addi %select_n3A_805, %add3A_807 : vector<16xi32>
    %gather3A_809 = tpu.vector_load_idx %arg6[%add3A_808] : memref<32xi32, #tpu.memory_space<vmem>>[vector<16xi32>], vector<16xi32>,
    %le3A_810 = arith.cmpi sle, %gather3A_809, %add3A_779 : vector<16xi32>
    %select_n3A_811 = arith.select %le3A_810, %add3A_808, %select_n3A_805 : vector<16xi1>, vector<16xi32>
    %sub3A_812 = arith.constant 15 : i32
    %sub3A_813 = vector.broadcast %sub3A_812 : i32 to vector<16xi32>
    %sub3A_814 = arith.subi %sub3A_813, %select_n3A_811 : vector<16xi32>
    %gather3A_815 = tpu.vector_load_idx %arg5[%sub3A_814] : memref<17xi32, #tpu.memory_space<vmem>>[vector<16xi32>], vector<16xi32>,
    %sub3A_816 = arith.constant 16 : i32
    %sub3A_817 = vector.broadcast %sub3A_816 : i32 to vector<16xi32>
    %sub3A_818 = arith.subi %sub3A_817, %select_n3A_811 : vector<16xi32>
    %gather3A_819 = tpu.vector_load_idx %arg5[%sub3A_818] : memref<17xi32, #tpu.memory_space<vmem>>[vector<16xi32>], vector<16xi32>,
    %add3A_820 = arith.addi %gather3A_815, %gather3A_819 : vector<16xi32>
    %add3A_821 = arith.addi %add3A_820, %add3A_779 : vector<16xi32>
    %sub3A_822 = arith.constant 16384 : i32
    %sub3A_823 = vector.broadcast %sub3A_822 : i32 to vector<16xi32>
    %sub3A_824 = arith.subi %add3A_821, %sub3A_823 : vector<16xi32>
    %dma_start3A_825 = arith.constant 0 : i32
    %dma_start3A_826 = arith.constant 0 : i32
    %dma_start3A_827 = tpu.memref_slice %arg2[%dma_start3A_825, %dma_start3A_826] : memref<16384x2048xf32, #tpu.memory_space<hbm>> -> memref<16384x2048xf32, #tpu.memory_space<hbm>>
    tpu.enqueue_indirect_dma source(%dma_start3A_827 : memref<16384x2048xf32, #tpu.memory_space<hbm>>) target(%arg9 : memref<16x2048xf32, #tpu.memory_space<vmem>>) offsets(%sub3A_824 : vector<16xi32>) semaphore(%arg12 : memref<!tpu.dma_semaphore, #tpu.memory_space<semaphore_mem>>)
    %dma_wait3A_828 = arith.constant 0 : i32
    %dma_wait3A_829 = arith.constant 0 : i32
    %dma_wait3A_830 = tpu.memref_slice %arg2[%dma_wait3A_828, %dma_wait3A_829] : memref<16384x2048xf32, #tpu.memory_space<hbm>> -> memref<16x2048xf32, #tpu.memory_space<hbm>>
    %dma_wait3A_831 = arith.constant 0 : i32
    %dma_wait3A_832 = arith.constant 0 : i32
    %dma_wait3A_833 = tpu.memref_slice %arg2[%dma_wait3A_831, %dma_wait3A_832] : memref<16384x2048xf32, #tpu.memory_space<hbm>> -> memref<16x2048xf32, #tpu.memory_space<hbm>>
    tpu.wait_dma2 semaphore(%arg11 : memref<!tpu.dma_semaphore, #tpu.memory_space<semaphore_mem>>) src(%dma_wait3A_833 : memref<16x2048xf32, #tpu.memory_space<hbm>>) dst(%arg8 : memref<16x2048xf32, #tpu.memory_space<vmem>>)
    %add3A_834 = arith.constant 160 : i32
    %add3A_835 = arith.addi %mul3A_2, %add3A_834 : i32
    %dma_start3A_836 = arith.constant 0 : i32
    %dma_start3A_837 = tpu.memref_slice %arg4[%add3A_835, %dma_start3A_836] : memref<16384x2048xf32, #tpu.memory_space<hbm>> -> memref<16x2048xf32, #tpu.memory_space<hbm>>
    %dma_start3A_838 = arith.constant 0 : i32
    %dma_start3A_839 = tpu.memref_slice %arg4[%add3A_835, %dma_start3A_838] : memref<16384x2048xf32, #tpu.memory_space<hbm>> -> memref<16x2048xf32, #tpu.memory_space<hbm>>
    tpu.enqueue_dma source(%arg8 : memref<16x2048xf32, #tpu.memory_space<vmem>>) target(%dma_start3A_839 : memref<16x2048xf32, #tpu.memory_space<hbm>>) target_semaphore(%arg14 : memref<!tpu.dma_semaphore, #tpu.memory_space<semaphore_mem>>)
    %dma_wait3A_840 = arith.constant 0 : i32
    %dma_wait3A_841 = tpu.memref_slice %arg4[%add3A_766, %dma_wait3A_840] : memref<16384x2048xf32, #tpu.memory_space<hbm>> -> memref<16x2048xf32, #tpu.memory_space<hbm>>
    %dma_wait3A_842 = arith.constant 0 : i32
    %dma_wait3A_843 = tpu.memref_slice %arg4[%add3A_766, %dma_wait3A_842] : memref<16384x2048xf32, #tpu.memory_space<hbm>> -> memref<16x2048xf32, #tpu.memory_space<hbm>>
    tpu.wait_dma2 semaphore(%arg13 : memref<!tpu.dma_semaphore, #tpu.memory_space<semaphore_mem>>) src(%arg7 : memref<16x2048xf32, #tpu.memory_space<vmem>>) dst(%dma_wait3A_843 : memref<16x2048xf32, #tpu.memory_space<hbm>>)
    %add3A_844 = arith.constant 192 : i32
    %add3A_845 = arith.addi %mul3A_2, %add3A_844 : i32
    %iota3A_846 = tpu.iota {dimensions = array<i32: 0>} : vector<16xi32>
    %add3A_847 = vector.broadcast %add3A_845 : i32 to vector<16xi32>
    %add3A_848 = arith.addi %add3A_847, %iota3A_846 : vector<16xi32>
    %broadcast_in_dim3A_849 = arith.constant 0 : i32
    %broadcast_in_dim3A_850 = vector.broadcast %broadcast_in_dim3A_849 : i32 to vector<16xi32>
    %add3A_851 = arith.constant 16 : i32
    %add3A_852 = vector.broadcast %add3A_851 : i32 to vector<16xi32>
    %add3A_853 = arith.addi %broadcast_in_dim3A_850, %add3A_852 : vector<16xi32>
    %gather3A_854 = tpu.vector_load_idx %arg6[%add3A_853] : memref<32xi32, #tpu.memory_space<vmem>>[vector<16xi32>], vector<16xi32>,
    %le3A_855 = arith.cmpi sle, %gather3A_854, %add3A_848 : vector<16xi32>
    %select_n3A_856 = arith.select %le3A_855, %add3A_853, %broadcast_in_dim3A_850 : vector<16xi1>, vector<16xi32>
    %add3A_857 = arith.constant 8 : i32
    %add3A_858 = vector.broadcast %add3A_857 : i32 to vector<16xi32>
    %add3A_859 = arith.addi %select_n3A_856, %add3A_858 : vector<16xi32>
    %gather3A_860 = tpu.vector_load_idx %arg6[%add3A_859] : memref<32xi32, #tpu.memory_space<vmem>>[vector<16xi32>], vector<16xi32>,
    %le3A_861 = arith.cmpi sle, %gather3A_860, %add3A_848 : vector<16xi32>
    %select_n3A_862 = arith.select %le3A_861, %add3A_859, %select_n3A_856 : vector<16xi1>, vector<16xi32>
    %add3A_863 = arith.constant 4 : i32
    %add3A_864 = vector.broadcast %add3A_863 : i32 to vector<16xi32>
    %add3A_865 = arith.addi %select_n3A_862, %add3A_864 : vector<16xi32>
    %gather3A_866 = tpu.vector_load_idx %arg6[%add3A_865] : memref<32xi32, #tpu.memory_space<vmem>>[vector<16xi32>], vector<16xi32>,
    %le3A_867 = arith.cmpi sle, %gather3A_866, %add3A_848 : vector<16xi32>
    %select_n3A_868 = arith.select %le3A_867, %add3A_865, %select_n3A_862 : vector<16xi1>, vector<16xi32>
    %add3A_869 = arith.constant 2 : i32
    %add3A_870 = vector.broadcast %add3A_869 : i32 to vector<16xi32>
    %add3A_871 = arith.addi %select_n3A_868, %add3A_870 : vector<16xi32>
    %gather3A_872 = tpu.vector_load_idx %arg6[%add3A_871] : memref<32xi32, #tpu.memory_space<vmem>>[vector<16xi32>], vector<16xi32>,
    %le3A_873 = arith.cmpi sle, %gather3A_872, %add3A_848 : vector<16xi32>
    %select_n3A_874 = arith.select %le3A_873, %add3A_871, %select_n3A_868 : vector<16xi1>, vector<16xi32>
    %add3A_875 = arith.constant 1 : i32
    %add3A_876 = vector.broadcast %add3A_875 : i32 to vector<16xi32>
    %add3A_877 = arith.addi %select_n3A_874, %add3A_876 : vector<16xi32>
    %gather3A_878 = tpu.vector_load_idx %arg6[%add3A_877] : memref<32xi32, #tpu.memory_space<vmem>>[vector<16xi32>], vector<16xi32>,
    %le3A_879 = arith.cmpi sle, %gather3A_878, %add3A_848 : vector<16xi32>
    %select_n3A_880 = arith.select %le3A_879, %add3A_877, %select_n3A_874 : vector<16xi1>, vector<16xi32>
    %sub3A_881 = arith.constant 15 : i32
    %sub3A_882 = vector.broadcast %sub3A_881 : i32 to vector<16xi32>
    %sub3A_883 = arith.subi %sub3A_882, %select_n3A_880 : vector<16xi32>
    %gather3A_884 = tpu.vector_load_idx %arg5[%sub3A_883] : memref<17xi32, #tpu.memory_space<vmem>>[vector<16xi32>], vector<16xi32>,
    %sub3A_885 = arith.constant 16 : i32
    %sub3A_886 = vector.broadcast %sub3A_885 : i32 to vector<16xi32>
    %sub3A_887 = arith.subi %sub3A_886, %select_n3A_880 : vector<16xi32>
    %gather3A_888 = tpu.vector_load_idx %arg5[%sub3A_887] : memref<17xi32, #tpu.memory_space<vmem>>[vector<16xi32>], vector<16xi32>,
    %add3A_889 = arith.addi %gather3A_884, %gather3A_888 : vector<16xi32>
    %add3A_890 = arith.addi %add3A_889, %add3A_848 : vector<16xi32>
    %sub3A_891 = arith.constant 16384 : i32
    %sub3A_892 = vector.broadcast %sub3A_891 : i32 to vector<16xi32>
    %sub3A_893 = arith.subi %add3A_890, %sub3A_892 : vector<16xi32>
    %dma_start3A_894 = arith.constant 0 : i32
    %dma_start3A_895 = arith.constant 0 : i32
    %dma_start3A_896 = tpu.memref_slice %arg2[%dma_start3A_894, %dma_start3A_895] : memref<16384x2048xf32, #tpu.memory_space<hbm>> -> memref<16384x2048xf32, #tpu.memory_space<hbm>>
    tpu.enqueue_indirect_dma source(%dma_start3A_896 : memref<16384x2048xf32, #tpu.memory_space<hbm>>) target(%arg7 : memref<16x2048xf32, #tpu.memory_space<vmem>>) offsets(%sub3A_893 : vector<16xi32>) semaphore(%arg10 : memref<!tpu.dma_semaphore, #tpu.memory_space<semaphore_mem>>)
    %dma_wait3A_897 = arith.constant 0 : i32
    %dma_wait3A_898 = arith.constant 0 : i32
    %dma_wait3A_899 = tpu.memref_slice %arg2[%dma_wait3A_897, %dma_wait3A_898] : memref<16384x2048xf32, #tpu.memory_space<hbm>> -> memref<16x2048xf32, #tpu.memory_space<hbm>>
    %dma_wait3A_900 = arith.constant 0 : i32
    %dma_wait3A_901 = arith.constant 0 : i32
    %dma_wait3A_902 = tpu.memref_slice %arg2[%dma_wait3A_900, %dma_wait3A_901] : memref<16384x2048xf32, #tpu.memory_space<hbm>> -> memref<16x2048xf32, #tpu.memory_space<hbm>>
    tpu.wait_dma2 semaphore(%arg12 : memref<!tpu.dma_semaphore, #tpu.memory_space<semaphore_mem>>) src(%dma_wait3A_902 : memref<16x2048xf32, #tpu.memory_space<hbm>>) dst(%arg9 : memref<16x2048xf32, #tpu.memory_space<vmem>>)
    %add3A_903 = arith.constant 176 : i32
    %add3A_904 = arith.addi %mul3A_2, %add3A_903 : i32
    %dma_start3A_905 = arith.constant 0 : i32
    %dma_start3A_906 = tpu.memref_slice %arg4[%add3A_904, %dma_start3A_905] : memref<16384x2048xf32, #tpu.memory_space<hbm>> -> memref<16x2048xf32, #tpu.memory_space<hbm>>
    %dma_start3A_907 = arith.constant 0 : i32
    %dma_start3A_908 = tpu.memref_slice %arg4[%add3A_904, %dma_start3A_907] : memref<16384x2048xf32, #tpu.memory_space<hbm>> -> memref<16x2048xf32, #tpu.memory_space<hbm>>
    tpu.enqueue_dma source(%arg9 : memref<16x2048xf32, #tpu.memory_space<vmem>>) target(%dma_start3A_908 : memref<16x2048xf32, #tpu.memory_space<hbm>>) target_semaphore(%arg15 : memref<!tpu.dma_semaphore, #tpu.memory_space<semaphore_mem>>)
    %dma_wait3A_909 = arith.constant 0 : i32
    %dma_wait3A_910 = tpu.memref_slice %arg4[%add3A_835, %dma_wait3A_909] : memref<16384x2048xf32, #tpu.memory_space<hbm>> -> memref<16x2048xf32, #tpu.memory_space<hbm>>
    %dma_wait3A_911 = arith.constant 0 : i32
    %dma_wait3A_912 = tpu.memref_slice %arg4[%add3A_835, %dma_wait3A_911] : memref<16384x2048xf32, #tpu.memory_space<hbm>> -> memref<16x2048xf32, #tpu.memory_space<hbm>>
    tpu.wait_dma2 semaphore(%arg14 : memref<!tpu.dma_semaphore, #tpu.memory_space<semaphore_mem>>) src(%arg8 : memref<16x2048xf32, #tpu.memory_space<vmem>>) dst(%dma_wait3A_912 : memref<16x2048xf32, #tpu.memory_space<hbm>>)
    %add3A_913 = arith.constant 208 : i32
    %add3A_914 = arith.addi %mul3A_2, %add3A_913 : i32
    %iota3A_915 = tpu.iota {dimensions = array<i32: 0>} : vector<16xi32>
    %add3A_916 = vector.broadcast %add3A_914 : i32 to vector<16xi32>
    %add3A_917 = arith.addi %add3A_916, %iota3A_915 : vector<16xi32>
    %broadcast_in_dim3A_918 = arith.constant 0 : i32
    %broadcast_in_dim3A_919 = vector.broadcast %broadcast_in_dim3A_918 : i32 to vector<16xi32>
    %add3A_920 = arith.constant 16 : i32
    %add3A_921 = vector.broadcast %add3A_920 : i32 to vector<16xi32>
    %add3A_922 = arith.addi %broadcast_in_dim3A_919, %add3A_921 : vector<16xi32>
    %gather3A_923 = tpu.vector_load_idx %arg6[%add3A_922] : memref<32xi32, #tpu.memory_space<vmem>>[vector<16xi32>], vector<16xi32>,
    %le3A_924 = arith.cmpi sle, %gather3A_923, %add3A_917 : vector<16xi32>
    %select_n3A_925 = arith.select %le3A_924, %add3A_922, %broadcast_in_dim3A_919 : vector<16xi1>, vector<16xi32>
    %add3A_926 = arith.constant 8 : i32
    %add3A_927 = vector.broadcast %add3A_926 : i32 to vector<16xi32>
    %add3A_928 = arith.addi %select_n3A_925, %add3A_927 : vector<16xi32>
    %gather3A_929 = tpu.vector_load_idx %arg6[%add3A_928] : memref<32xi32, #tpu.memory_space<vmem>>[vector<16xi32>], vector<16xi32>,
    %le3A_930 = arith.cmpi sle, %gather3A_929, %add3A_917 : vector<16xi32>
    %select_n3A_931 = arith.select %le3A_930, %add3A_928, %select_n3A_925 : vector<16xi1>, vector<16xi32>
    %add3A_932 = arith.constant 4 : i32
    %add3A_933 = vector.broadcast %add3A_932 : i32 to vector<16xi32>
    %add3A_934 = arith.addi %select_n3A_931, %add3A_933 : vector<16xi32>
    %gather3A_935 = tpu.vector_load_idx %arg6[%add3A_934] : memref<32xi32, #tpu.memory_space<vmem>>[vector<16xi32>], vector<16xi32>,
    %le3A_936 = arith.cmpi sle, %gather3A_935, %add3A_917 : vector<16xi32>
    %select_n3A_937 = arith.select %le3A_936, %add3A_934, %select_n3A_931 : vector<16xi1>, vector<16xi32>
    %add3A_938 = arith.constant 2 : i32
    %add3A_939 = vector.broadcast %add3A_938 : i32 to vector<16xi32>
    %add3A_940 = arith.addi %select_n3A_937, %add3A_939 : vector<16xi32>
    %gather3A_941 = tpu.vector_load_idx %arg6[%add3A_940] : memref<32xi32, #tpu.memory_space<vmem>>[vector<16xi32>], vector<16xi32>,
    %le3A_942 = arith.cmpi sle, %gather3A_941, %add3A_917 : vector<16xi32>
    %select_n3A_943 = arith.select %le3A_942, %add3A_940, %select_n3A_937 : vector<16xi1>, vector<16xi32>
    %add3A_944 = arith.constant 1 : i32
    %add3A_945 = vector.broadcast %add3A_944 : i32 to vector<16xi32>
    %add3A_946 = arith.addi %select_n3A_943, %add3A_945 : vector<16xi32>
    %gather3A_947 = tpu.vector_load_idx %arg6[%add3A_946] : memref<32xi32, #tpu.memory_space<vmem>>[vector<16xi32>], vector<16xi32>,
    %le3A_948 = arith.cmpi sle, %gather3A_947, %add3A_917 : vector<16xi32>
    %select_n3A_949 = arith.select %le3A_948, %add3A_946, %select_n3A_943 : vector<16xi1>, vector<16xi32>
    %sub3A_950 = arith.constant 15 : i32
    %sub3A_951 = vector.broadcast %sub3A_950 : i32 to vector<16xi32>
    %sub3A_952 = arith.subi %sub3A_951, %select_n3A_949 : vector<16xi32>
    %gather3A_953 = tpu.vector_load_idx %arg5[%sub3A_952] : memref<17xi32, #tpu.memory_space<vmem>>[vector<16xi32>], vector<16xi32>,
    %sub3A_954 = arith.constant 16 : i32
    %sub3A_955 = vector.broadcast %sub3A_954 : i32 to vector<16xi32>
    %sub3A_956 = arith.subi %sub3A_955, %select_n3A_949 : vector<16xi32>
    %gather3A_957 = tpu.vector_load_idx %arg5[%sub3A_956] : memref<17xi32, #tpu.memory_space<vmem>>[vector<16xi32>], vector<16xi32>,
    %add3A_958 = arith.addi %gather3A_953, %gather3A_957 : vector<16xi32>
    %add3A_959 = arith.addi %add3A_958, %add3A_917 : vector<16xi32>
    %sub3A_960 = arith.constant 16384 : i32
    %sub3A_961 = vector.broadcast %sub3A_960 : i32 to vector<16xi32>
    %sub3A_962 = arith.subi %add3A_959, %sub3A_961 : vector<16xi32>
    %dma_start3A_963 = arith.constant 0 : i32
    %dma_start3A_964 = arith.constant 0 : i32
    %dma_start3A_965 = tpu.memref_slice %arg2[%dma_start3A_963, %dma_start3A_964] : memref<16384x2048xf32, #tpu.memory_space<hbm>> -> memref<16384x2048xf32, #tpu.memory_space<hbm>>
    tpu.enqueue_indirect_dma source(%dma_start3A_965 : memref<16384x2048xf32, #tpu.memory_space<hbm>>) target(%arg8 : memref<16x2048xf32, #tpu.memory_space<vmem>>) offsets(%sub3A_962 : vector<16xi32>) semaphore(%arg11 : memref<!tpu.dma_semaphore, #tpu.memory_space<semaphore_mem>>)
    %dma_wait3A_966 = arith.constant 0 : i32
    %dma_wait3A_967 = arith.constant 0 : i32
    %dma_wait3A_968 = tpu.memref_slice %arg2[%dma_wait3A_966, %dma_wait3A_967] : memref<16384x2048xf32, #tpu.memory_space<hbm>> -> memref<16x2048xf32, #tpu.memory_space<hbm>>
    %dma_wait3A_969 = arith.constant 0 : i32
    %dma_wait3A_970 = arith.constant 0 : i32
    %dma_wait3A_971 = tpu.memref_slice %arg2[%dma_wait3A_969, %dma_wait3A_970] : memref<16384x2048xf32, #tpu.memory_space<hbm>> -> memref<16x2048xf32, #tpu.memory_space<hbm>>
    tpu.wait_dma2 semaphore(%arg10 : memref<!tpu.dma_semaphore, #tpu.memory_space<semaphore_mem>>) src(%dma_wait3A_971 : memref<16x2048xf32, #tpu.memory_space<hbm>>) dst(%arg7 : memref<16x2048xf32, #tpu.memory_space<vmem>>)
    %add3A_972 = arith.constant 192 : i32
    %add3A_973 = arith.addi %mul3A_2, %add3A_972 : i32
    %dma_start3A_974 = arith.constant 0 : i32
    %dma_start3A_975 = tpu.memref_slice %arg4[%add3A_973, %dma_start3A_974] : memref<16384x2048xf32, #tpu.memory_space<hbm>> -> memref<16x2048xf32, #tpu.memory_space<hbm>>
    %dma_start3A_976 = arith.constant 0 : i32
    %dma_start3A_977 = tpu.memref_slice %arg4[%add3A_973, %dma_start3A_976] : memref<16384x2048xf32, #tpu.memory_space<hbm>> -> memref<16x2048xf32, #tpu.memory_space<hbm>>
    tpu.enqueue_dma source(%arg7 : memref<16x2048xf32, #tpu.memory_space<vmem>>) target(%dma_start3A_977 : memref<16x2048xf32, #tpu.memory_space<hbm>>) target_semaphore(%arg13 : memref<!tpu.dma_semaphore, #tpu.memory_space<semaphore_mem>>)
    %dma_wait3A_978 = arith.constant 0 : i32
    %dma_wait3A_979 = tpu.memref_slice %arg4[%add3A_904, %dma_wait3A_978] : memref<16384x2048xf32, #tpu.memory_space<hbm>> -> memref<16x2048xf32, #tpu.memory_space<hbm>>
    %dma_wait3A_980 = arith.constant 0 : i32
    %dma_wait3A_981 = tpu.memref_slice %arg4[%add3A_904, %dma_wait3A_980] : memref<16384x2048xf32, #tpu.memory_space<hbm>> -> memref<16x2048xf32, #tpu.memory_space<hbm>>
    tpu.wait_dma2 semaphore(%arg15 : memref<!tpu.dma_semaphore, #tpu.memory_space<semaphore_mem>>) src(%arg9 : memref<16x2048xf32, #tpu.memory_space<vmem>>) dst(%dma_wait3A_981 : memref<16x2048xf32, #tpu.memory_space<hbm>>)
    %add3A_982 = arith.constant 224 : i32
    %add3A_983 = arith.addi %mul3A_2, %add3A_982 : i32
    %iota3A_984 = tpu.iota {dimensions = array<i32: 0>} : vector<16xi32>
    %add3A_985 = vector.broadcast %add3A_983 : i32 to vector<16xi32>
    %add3A_986 = arith.addi %add3A_985, %iota3A_984 : vector<16xi32>
    %broadcast_in_dim3A_987 = arith.constant 0 : i32
    %broadcast_in_dim3A_988 = vector.broadcast %broadcast_in_dim3A_987 : i32 to vector<16xi32>
    %add3A_989 = arith.constant 16 : i32
    %add3A_990 = vector.broadcast %add3A_989 : i32 to vector<16xi32>
    %add3A_991 = arith.addi %broadcast_in_dim3A_988, %add3A_990 : vector<16xi32>
    %gather3A_992 = tpu.vector_load_idx %arg6[%add3A_991] : memref<32xi32, #tpu.memory_space<vmem>>[vector<16xi32>], vector<16xi32>,
    %le3A_993 = arith.cmpi sle, %gather3A_992, %add3A_986 : vector<16xi32>
    %select_n3A_994 = arith.select %le3A_993, %add3A_991, %broadcast_in_dim3A_988 : vector<16xi1>, vector<16xi32>
    %add3A_995 = arith.constant 8 : i32
    %add3A_996 = vector.broadcast %add3A_995 : i32 to vector<16xi32>
    %add3A_997 = arith.addi %select_n3A_994, %add3A_996 : vector<16xi32>
    %gather3A_998 = tpu.vector_load_idx %arg6[%add3A_997] : memref<32xi32, #tpu.memory_space<vmem>>[vector<16xi32>], vector<16xi32>,
    %le3A_999 = arith.cmpi sle, %gather3A_998, %add3A_986 : vector<16xi32>
    %select_n3A_1000 = arith.select %le3A_999, %add3A_997, %select_n3A_994 : vector<16xi1>, vector<16xi32>
    %add3A_1001 = arith.constant 4 : i32
    %add3A_1002 = vector.broadcast %add3A_1001 : i32 to vector<16xi32>
    %add3A_1003 = arith.addi %select_n3A_1000, %add3A_1002 : vector<16xi32>
    %gather3A_1004 = tpu.vector_load_idx %arg6[%add3A_1003] : memref<32xi32, #tpu.memory_space<vmem>>[vector<16xi32>], vector<16xi32>,
    %le3A_1005 = arith.cmpi sle, %gather3A_1004, %add3A_986 : vector<16xi32>
    %select_n3A_1006 = arith.select %le3A_1005, %add3A_1003, %select_n3A_1000 : vector<16xi1>, vector<16xi32>
    %add3A_1007 = arith.constant 2 : i32
    %add3A_1008 = vector.broadcast %add3A_1007 : i32 to vector<16xi32>
    %add3A_1009 = arith.addi %select_n3A_1006, %add3A_1008 : vector<16xi32>
    %gather3A_1010 = tpu.vector_load_idx %arg6[%add3A_1009] : memref<32xi32, #tpu.memory_space<vmem>>[vector<16xi32>], vector<16xi32>,
    %le3A_1011 = arith.cmpi sle, %gather3A_1010, %add3A_986 : vector<16xi32>
    %select_n3A_1012 = arith.select %le3A_1011, %add3A_1009, %select_n3A_1006 : vector<16xi1>, vector<16xi32>
    %add3A_1013 = arith.constant 1 : i32
    %add3A_1014 = vector.broadcast %add3A_1013 : i32 to vector<16xi32>
    %add3A_1015 = arith.addi %select_n3A_1012, %add3A_1014 : vector<16xi32>
    %gather3A_1016 = tpu.vector_load_idx %arg6[%add3A_1015] : memref<32xi32, #tpu.memory_space<vmem>>[vector<16xi32>], vector<16xi32>,
    %le3A_1017 = arith.cmpi sle, %gather3A_1016, %add3A_986 : vector<16xi32>
    %select_n3A_1018 = arith.select %le3A_1017, %add3A_1015, %select_n3A_1012 : vector<16xi1>, vector<16xi32>
    %sub3A_1019 = arith.constant 15 : i32
    %sub3A_1020 = vector.broadcast %sub3A_1019 : i32 to vector<16xi32>
    %sub3A_1021 = arith.subi %sub3A_1020, %select_n3A_1018 : vector<16xi32>
    %gather3A_1022 = tpu.vector_load_idx %arg5[%sub3A_1021] : memref<17xi32, #tpu.memory_space<vmem>>[vector<16xi32>], vector<16xi32>,
    %sub3A_1023 = arith.constant 16 : i32
    %sub3A_1024 = vector.broadcast %sub3A_1023 : i32 to vector<16xi32>
    %sub3A_1025 = arith.subi %sub3A_1024, %select_n3A_1018 : vector<16xi32>
    %gather3A_1026 = tpu.vector_load_idx %arg5[%sub3A_1025] : memref<17xi32, #tpu.memory_space<vmem>>[vector<16xi32>], vector<16xi32>,
    %add3A_1027 = arith.addi %gather3A_1022, %gather3A_1026 : vector<16xi32>
    %add3A_1028 = arith.addi %add3A_1027, %add3A_986 : vector<16xi32>
    %sub3A_1029 = arith.constant 16384 : i32
    %sub3A_1030 = vector.broadcast %sub3A_1029 : i32 to vector<16xi32>
    %sub3A_1031 = arith.subi %add3A_1028, %sub3A_1030 : vector<16xi32>
    %dma_start3A_1032 = arith.constant 0 : i32
    %dma_start3A_1033 = arith.constant 0 : i32
    %dma_start3A_1034 = tpu.memref_slice %arg2[%dma_start3A_1032, %dma_start3A_1033] : memref<16384x2048xf32, #tpu.memory_space<hbm>> -> memref<16384x2048xf32, #tpu.memory_space<hbm>>
    tpu.enqueue_indirect_dma source(%dma_start3A_1034 : memref<16384x2048xf32, #tpu.memory_space<hbm>>) target(%arg9 : memref<16x2048xf32, #tpu.memory_space<vmem>>) offsets(%sub3A_1031 : vector<16xi32>) semaphore(%arg12 : memref<!tpu.dma_semaphore, #tpu.memory_space<semaphore_mem>>)
    %dma_wait3A_1035 = arith.constant 0 : i32
    %dma_wait3A_1036 = arith.constant 0 : i32
    %dma_wait3A_1037 = tpu.memref_slice %arg2[%dma_wait3A_1035, %dma_wait3A_1036] : memref<16384x2048xf32, #tpu.memory_space<hbm>> -> memref<16x2048xf32, #tpu.memory_space<hbm>>
    %dma_wait3A_1038 = arith.constant 0 : i32
    %dma_wait3A_1039 = arith.constant 0 : i32
    %dma_wait3A_1040 = tpu.memref_slice %arg2[%dma_wait3A_1038, %dma_wait3A_1039] : memref<16384x2048xf32, #tpu.memory_space<hbm>> -> memref<16x2048xf32, #tpu.memory_space<hbm>>
    tpu.wait_dma2 semaphore(%arg11 : memref<!tpu.dma_semaphore, #tpu.memory_space<semaphore_mem>>) src(%dma_wait3A_1040 : memref<16x2048xf32, #tpu.memory_space<hbm>>) dst(%arg8 : memref<16x2048xf32, #tpu.memory_space<vmem>>)
    %add3A_1041 = arith.constant 208 : i32
    %add3A_1042 = arith.addi %mul3A_2, %add3A_1041 : i32
    %dma_start3A_1043 = arith.constant 0 : i32
    %dma_start3A_1044 = tpu.memref_slice %arg4[%add3A_1042, %dma_start3A_1043] : memref<16384x2048xf32, #tpu.memory_space<hbm>> -> memref<16x2048xf32, #tpu.memory_space<hbm>>
    %dma_start3A_1045 = arith.constant 0 : i32
    %dma_start3A_1046 = tpu.memref_slice %arg4[%add3A_1042, %dma_start3A_1045] : memref<16384x2048xf32, #tpu.memory_space<hbm>> -> memref<16x2048xf32, #tpu.memory_space<hbm>>
    tpu.enqueue_dma source(%arg8 : memref<16x2048xf32, #tpu.memory_space<vmem>>) target(%dma_start3A_1046 : memref<16x2048xf32, #tpu.memory_space<hbm>>) target_semaphore(%arg14 : memref<!tpu.dma_semaphore, #tpu.memory_space<semaphore_mem>>)
    %dma_wait3A_1047 = arith.constant 0 : i32
    %dma_wait3A_1048 = tpu.memref_slice %arg4[%add3A_973, %dma_wait3A_1047] : memref<16384x2048xf32, #tpu.memory_space<hbm>> -> memref<16x2048xf32, #tpu.memory_space<hbm>>
    %dma_wait3A_1049 = arith.constant 0 : i32
    %dma_wait3A_1050 = tpu.memref_slice %arg4[%add3A_973, %dma_wait3A_1049] : memref<16384x2048xf32, #tpu.memory_space<hbm>> -> memref<16x2048xf32, #tpu.memory_space<hbm>>
    tpu.wait_dma2 semaphore(%arg13 : memref<!tpu.dma_semaphore, #tpu.memory_space<semaphore_mem>>) src(%arg7 : memref<16x2048xf32, #tpu.memory_space<vmem>>) dst(%dma_wait3A_1050 : memref<16x2048xf32, #tpu.memory_space<hbm>>)
    %add3A_1051 = arith.constant 240 : i32
    %add3A_1052 = arith.addi %mul3A_2, %add3A_1051 : i32
    %iota3A_1053 = tpu.iota {dimensions = array<i32: 0>} : vector<16xi32>
    %add3A_1054 = vector.broadcast %add3A_1052 : i32 to vector<16xi32>
    %add3A_1055 = arith.addi %add3A_1054, %iota3A_1053 : vector<16xi32>
    %broadcast_in_dim3A_1056 = arith.constant 0 : i32
    %broadcast_in_dim3A_1057 = vector.broadcast %broadcast_in_dim3A_1056 : i32 to vector<16xi32>
    %add3A_1058 = arith.constant 16 : i32
    %add3A_1059 = vector.broadcast %add3A_1058 : i32 to vector<16xi32>
    %add3A_1060 = arith.addi %broadcast_in_dim3A_1057, %add3A_1059 : vector<16xi32>
    %gather3A_1061 = tpu.vector_load_idx %arg6[%add3A_1060] : memref<32xi32, #tpu.memory_space<vmem>>[vector<16xi32>], vector<16xi32>,
    %le3A_1062 = arith.cmpi sle, %gather3A_1061, %add3A_1055 : vector<16xi32>
    %select_n3A_1063 = arith.select %le3A_1062, %add3A_1060, %broadcast_in_dim3A_1057 : vector<16xi1>, vector<16xi32>
    %add3A_1064 = arith.constant 8 : i32
    %add3A_1065 = vector.broadcast %add3A_1064 : i32 to vector<16xi32>
    %add3A_1066 = arith.addi %select_n3A_1063, %add3A_1065 : vector<16xi32>
    %gather3A_1067 = tpu.vector_load_idx %arg6[%add3A_1066] : memref<32xi32, #tpu.memory_space<vmem>>[vector<16xi32>], vector<16xi32>,
    %le3A_1068 = arith.cmpi sle, %gather3A_1067, %add3A_1055 : vector<16xi32>
    %select_n3A_1069 = arith.select %le3A_1068, %add3A_1066, %select_n3A_1063 : vector<16xi1>, vector<16xi32>
    %add3A_1070 = arith.constant 4 : i32
    %add3A_1071 = vector.broadcast %add3A_1070 : i32 to vector<16xi32>
    %add3A_1072 = arith.addi %select_n3A_1069, %add3A_1071 : vector<16xi32>
    %gather3A_1073 = tpu.vector_load_idx %arg6[%add3A_1072] : memref<32xi32, #tpu.memory_space<vmem>>[vector<16xi32>], vector<16xi32>,
    %le3A_1074 = arith.cmpi sle, %gather3A_1073, %add3A_1055 : vector<16xi32>
    %select_n3A_1075 = arith.select %le3A_1074, %add3A_1072, %select_n3A_1069 : vector<16xi1>, vector<16xi32>
    %add3A_1076 = arith.constant 2 : i32
    %add3A_1077 = vector.broadcast %add3A_1076 : i32 to vector<16xi32>
    %add3A_1078 = arith.addi %select_n3A_1075, %add3A_1077 : vector<16xi32>
    %gather3A_1079 = tpu.vector_load_idx %arg6[%add3A_1078] : memref<32xi32, #tpu.memory_space<vmem>>[vector<16xi32>], vector<16xi32>,
    %le3A_1080 = arith.cmpi sle, %gather3A_1079, %add3A_1055 : vector<16xi32>
    %select_n3A_1081 = arith.select %le3A_1080, %add3A_1078, %select_n3A_1075 : vector<16xi1>, vector<16xi32>
    %add3A_1082 = arith.constant 1 : i32
    %add3A_1083 = vector.broadcast %add3A_1082 : i32 to vector<16xi32>
    %add3A_1084 = arith.addi %select_n3A_1081, %add3A_1083 : vector<16xi32>
    %gather3A_1085 = tpu.vector_load_idx %arg6[%add3A_1084] : memref<32xi32, #tpu.memory_space<vmem>>[vector<16xi32>], vector<16xi32>,
    %le3A_1086 = arith.cmpi sle, %gather3A_1085, %add3A_1055 : vector<16xi32>
    %select_n3A_1087 = arith.select %le3A_1086, %add3A_1084, %select_n3A_1081 : vector<16xi1>, vector<16xi32>
    %sub3A_1088 = arith.constant 15 : i32
    %sub3A_1089 = vector.broadcast %sub3A_1088 : i32 to vector<16xi32>
    %sub3A_1090 = arith.subi %sub3A_1089, %select_n3A_1087 : vector<16xi32>
    %gather3A_1091 = tpu.vector_load_idx %arg5[%sub3A_1090] : memref<17xi32, #tpu.memory_space<vmem>>[vector<16xi32>], vector<16xi32>,
    %sub3A_1092 = arith.constant 16 : i32
    %sub3A_1093 = vector.broadcast %sub3A_1092 : i32 to vector<16xi32>
    %sub3A_1094 = arith.subi %sub3A_1093, %select_n3A_1087 : vector<16xi32>
    %gather3A_1095 = tpu.vector_load_idx %arg5[%sub3A_1094] : memref<17xi32, #tpu.memory_space<vmem>>[vector<16xi32>], vector<16xi32>,
    %add3A_1096 = arith.addi %gather3A_1091, %gather3A_1095 : vector<16xi32>
    %add3A_1097 = arith.addi %add3A_1096, %add3A_1055 : vector<16xi32>
    %sub3A_1098 = arith.constant 16384 : i32
    %sub3A_1099 = vector.broadcast %sub3A_1098 : i32 to vector<16xi32>
    %sub3A_1100 = arith.subi %add3A_1097, %sub3A_1099 : vector<16xi32>
    %dma_start3A_1101 = arith.constant 0 : i32
    %dma_start3A_1102 = arith.constant 0 : i32
    %dma_start3A_1103 = tpu.memref_slice %arg2[%dma_start3A_1101, %dma_start3A_1102] : memref<16384x2048xf32, #tpu.memory_space<hbm>> -> memref<16384x2048xf32, #tpu.memory_space<hbm>>
    tpu.enqueue_indirect_dma source(%dma_start3A_1103 : memref<16384x2048xf32, #tpu.memory_space<hbm>>) target(%arg7 : memref<16x2048xf32, #tpu.memory_space<vmem>>) offsets(%sub3A_1100 : vector<16xi32>) semaphore(%arg10 : memref<!tpu.dma_semaphore, #tpu.memory_space<semaphore_mem>>)
    %dma_wait3A_1104 = arith.constant 0 : i32
    %dma_wait3A_1105 = arith.constant 0 : i32
    %dma_wait3A_1106 = tpu.memref_slice %arg2[%dma_wait3A_1104, %dma_wait3A_1105] : memref<16384x2048xf32, #tpu.memory_space<hbm>> -> memref<16x2048xf32, #tpu.memory_space<hbm>>
    %dma_wait3A_1107 = arith.constant 0 : i32
    %dma_wait3A_1108 = arith.constant 0 : i32
    %dma_wait3A_1109 = tpu.memref_slice %arg2[%dma_wait3A_1107, %dma_wait3A_1108] : memref<16384x2048xf32, #tpu.memory_space<hbm>> -> memref<16x2048xf32, #tpu.memory_space<hbm>>
    tpu.wait_dma2 semaphore(%arg12 : memref<!tpu.dma_semaphore, #tpu.memory_space<semaphore_mem>>) src(%dma_wait3A_1109 : memref<16x2048xf32, #tpu.memory_space<hbm>>) dst(%arg9 : memref<16x2048xf32, #tpu.memory_space<vmem>>)
    %add3A_1110 = arith.constant 224 : i32
    %add3A_1111 = arith.addi %mul3A_2, %add3A_1110 : i32
    %dma_start3A_1112 = arith.constant 0 : i32
    %dma_start3A_1113 = tpu.memref_slice %arg4[%add3A_1111, %dma_start3A_1112] : memref<16384x2048xf32, #tpu.memory_space<hbm>> -> memref<16x2048xf32, #tpu.memory_space<hbm>>
    %dma_start3A_1114 = arith.constant 0 : i32
    %dma_start3A_1115 = tpu.memref_slice %arg4[%add3A_1111, %dma_start3A_1114] : memref<16384x2048xf32, #tpu.memory_space<hbm>> -> memref<16x2048xf32, #tpu.memory_space<hbm>>
    tpu.enqueue_dma source(%arg9 : memref<16x2048xf32, #tpu.memory_space<vmem>>) target(%dma_start3A_1115 : memref<16x2048xf32, #tpu.memory_space<hbm>>) target_semaphore(%arg15 : memref<!tpu.dma_semaphore, #tpu.memory_space<semaphore_mem>>)
    %dma_wait3A_1116 = arith.constant 0 : i32
    %dma_wait3A_1117 = tpu.memref_slice %arg4[%add3A_1042, %dma_wait3A_1116] : memref<16384x2048xf32, #tpu.memory_space<hbm>> -> memref<16x2048xf32, #tpu.memory_space<hbm>>
    %dma_wait3A_1118 = arith.constant 0 : i32
    %dma_wait3A_1119 = tpu.memref_slice %arg4[%add3A_1042, %dma_wait3A_1118] : memref<16384x2048xf32, #tpu.memory_space<hbm>> -> memref<16x2048xf32, #tpu.memory_space<hbm>>
    tpu.wait_dma2 semaphore(%arg14 : memref<!tpu.dma_semaphore, #tpu.memory_space<semaphore_mem>>) src(%arg8 : memref<16x2048xf32, #tpu.memory_space<vmem>>) dst(%dma_wait3A_1119 : memref<16x2048xf32, #tpu.memory_space<hbm>>)
    %add3A_1120 = arith.constant 256 : i32
    %add3A_1121 = arith.addi %mul3A_2, %add3A_1120 : i32
    %iota3A_1122 = tpu.iota {dimensions = array<i32: 0>} : vector<16xi32>
    %add3A_1123 = vector.broadcast %add3A_1121 : i32 to vector<16xi32>
    %add3A_1124 = arith.addi %add3A_1123, %iota3A_1122 : vector<16xi32>
    %broadcast_in_dim3A_1125 = arith.constant 0 : i32
    %broadcast_in_dim3A_1126 = vector.broadcast %broadcast_in_dim3A_1125 : i32 to vector<16xi32>
    %add3A_1127 = arith.constant 16 : i32
    %add3A_1128 = vector.broadcast %add3A_1127 : i32 to vector<16xi32>
    %add3A_1129 = arith.addi %broadcast_in_dim3A_1126, %add3A_1128 : vector<16xi32>
    %gather3A_1130 = tpu.vector_load_idx %arg6[%add3A_1129] : memref<32xi32, #tpu.memory_space<vmem>>[vector<16xi32>], vector<16xi32>,
    %le3A_1131 = arith.cmpi sle, %gather3A_1130, %add3A_1124 : vector<16xi32>
    %select_n3A_1132 = arith.select %le3A_1131, %add3A_1129, %broadcast_in_dim3A_1126 : vector<16xi1>, vector<16xi32>
    %add3A_1133 = arith.constant 8 : i32
    %add3A_1134 = vector.broadcast %add3A_1133 : i32 to vector<16xi32>
    %add3A_1135 = arith.addi %select_n3A_1132, %add3A_1134 : vector<16xi32>
    %gather3A_1136 = tpu.vector_load_idx %arg6[%add3A_1135] : memref<32xi32, #tpu.memory_space<vmem>>[vector<16xi32>], vector<16xi32>,
    %le3A_1137 = arith.cmpi sle, %gather3A_1136, %add3A_1124 : vector<16xi32>
    %select_n3A_1138 = arith.select %le3A_1137, %add3A_1135, %select_n3A_1132 : vector<16xi1>, vector<16xi32>
    %add3A_1139 = arith.constant 4 : i32
    %add3A_1140 = vector.broadcast %add3A_1139 : i32 to vector<16xi32>
    %add3A_1141 = arith.addi %select_n3A_1138, %add3A_1140 : vector<16xi32>
    %gather3A_1142 = tpu.vector_load_idx %arg6[%add3A_1141] : memref<32xi32, #tpu.memory_space<vmem>>[vector<16xi32>], vector<16xi32>,
    %le3A_1143 = arith.cmpi sle, %gather3A_1142, %add3A_1124 : vector<16xi32>
    %select_n3A_1144 = arith.select %le3A_1143, %add3A_1141, %select_n3A_1138 : vector<16xi1>, vector<16xi32>
    %add3A_1145 = arith.constant 2 : i32
    %add3A_1146 = vector.broadcast %add3A_1145 : i32 to vector<16xi32>
    %add3A_1147 = arith.addi %select_n3A_1144, %add3A_1146 : vector<16xi32>
    %gather3A_1148 = tpu.vector_load_idx %arg6[%add3A_1147] : memref<32xi32, #tpu.memory_space<vmem>>[vector<16xi32>], vector<16xi32>,
    %le3A_1149 = arith.cmpi sle, %gather3A_1148, %add3A_1124 : vector<16xi32>
    %select_n3A_1150 = arith.select %le3A_1149, %add3A_1147, %select_n3A_1144 : vector<16xi1>, vector<16xi32>
    %add3A_1151 = arith.constant 1 : i32
    %add3A_1152 = vector.broadcast %add3A_1151 : i32 to vector<16xi32>
    %add3A_1153 = arith.addi %select_n3A_1150, %add3A_1152 : vector<16xi32>
    %gather3A_1154 = tpu.vector_load_idx %arg6[%add3A_1153] : memref<32xi32, #tpu.memory_space<vmem>>[vector<16xi32>], vector<16xi32>,
    %le3A_1155 = arith.cmpi sle, %gather3A_1154, %add3A_1124 : vector<16xi32>
    %select_n3A_1156 = arith.select %le3A_1155, %add3A_1153, %select_n3A_1150 : vector<16xi1>, vector<16xi32>
    %sub3A_1157 = arith.constant 15 : i32
    %sub3A_1158 = vector.broadcast %sub3A_1157 : i32 to vector<16xi32>
    %sub3A_1159 = arith.subi %sub3A_1158, %select_n3A_1156 : vector<16xi32>
    %gather3A_1160 = tpu.vector_load_idx %arg5[%sub3A_1159] : memref<17xi32, #tpu.memory_space<vmem>>[vector<16xi32>], vector<16xi32>,
    %sub3A_1161 = arith.constant 16 : i32
    %sub3A_1162 = vector.broadcast %sub3A_1161 : i32 to vector<16xi32>
    %sub3A_1163 = arith.subi %sub3A_1162, %select_n3A_1156 : vector<16xi32>
    %gather3A_1164 = tpu.vector_load_idx %arg5[%sub3A_1163] : memref<17xi32, #tpu.memory_space<vmem>>[vector<16xi32>], vector<16xi32>,
    %add3A_1165 = arith.addi %gather3A_1160, %gather3A_1164 : vector<16xi32>
    %add3A_1166 = arith.addi %add3A_1165, %add3A_1124 : vector<16xi32>
    %sub3A_1167 = arith.constant 16384 : i32
    %sub3A_1168 = vector.broadcast %sub3A_1167 : i32 to vector<16xi32>
    %sub3A_1169 = arith.subi %add3A_1166, %sub3A_1168 : vector<16xi32>
    %dma_start3A_1170 = arith.constant 0 : i32
    %dma_start3A_1171 = arith.constant 0 : i32
    %dma_start3A_1172 = tpu.memref_slice %arg2[%dma_start3A_1170, %dma_start3A_1171] : memref<16384x2048xf32, #tpu.memory_space<hbm>> -> memref<16384x2048xf32, #tpu.memory_space<hbm>>
    tpu.enqueue_indirect_dma source(%dma_start3A_1172 : memref<16384x2048xf32, #tpu.memory_space<hbm>>) target(%arg8 : memref<16x2048xf32, #tpu.memory_space<vmem>>) offsets(%sub3A_1169 : vector<16xi32>) semaphore(%arg11 : memref<!tpu.dma_semaphore, #tpu.memory_space<semaphore_mem>>)
    %dma_wait3A_1173 = arith.constant 0 : i32
    %dma_wait3A_1174 = arith.constant 0 : i32
    %dma_wait3A_1175 = tpu.memref_slice %arg2[%dma_wait3A_1173, %dma_wait3A_1174] : memref<16384x2048xf32, #tpu.memory_space<hbm>> -> memref<16x2048xf32, #tpu.memory_space<hbm>>
    %dma_wait3A_1176 = arith.constant 0 : i32
    %dma_wait3A_1177 = arith.constant 0 : i32
    %dma_wait3A_1178 = tpu.memref_slice %arg2[%dma_wait3A_1176, %dma_wait3A_1177] : memref<16384x2048xf32, #tpu.memory_space<hbm>> -> memref<16x2048xf32, #tpu.memory_space<hbm>>
    tpu.wait_dma2 semaphore(%arg10 : memref<!tpu.dma_semaphore, #tpu.memory_space<semaphore_mem>>) src(%dma_wait3A_1178 : memref<16x2048xf32, #tpu.memory_space<hbm>>) dst(%arg7 : memref<16x2048xf32, #tpu.memory_space<vmem>>)
    %add3A_1179 = arith.constant 240 : i32
    %add3A_1180 = arith.addi %mul3A_2, %add3A_1179 : i32
    %dma_start3A_1181 = arith.constant 0 : i32
    %dma_start3A_1182 = tpu.memref_slice %arg4[%add3A_1180, %dma_start3A_1181] : memref<16384x2048xf32, #tpu.memory_space<hbm>> -> memref<16x2048xf32, #tpu.memory_space<hbm>>
    %dma_start3A_1183 = arith.constant 0 : i32
    %dma_start3A_1184 = tpu.memref_slice %arg4[%add3A_1180, %dma_start3A_1183] : memref<16384x2048xf32, #tpu.memory_space<hbm>> -> memref<16x2048xf32, #tpu.memory_space<hbm>>
    tpu.enqueue_dma source(%arg7 : memref<16x2048xf32, #tpu.memory_space<vmem>>) target(%dma_start3A_1184 : memref<16x2048xf32, #tpu.memory_space<hbm>>) target_semaphore(%arg13 : memref<!tpu.dma_semaphore, #tpu.memory_space<semaphore_mem>>)
    %dma_wait3A_1185 = arith.constant 0 : i32
    %dma_wait3A_1186 = tpu.memref_slice %arg4[%add3A_1111, %dma_wait3A_1185] : memref<16384x2048xf32, #tpu.memory_space<hbm>> -> memref<16x2048xf32, #tpu.memory_space<hbm>>
    %dma_wait3A_1187 = arith.constant 0 : i32
    %dma_wait3A_1188 = tpu.memref_slice %arg4[%add3A_1111, %dma_wait3A_1187] : memref<16384x2048xf32, #tpu.memory_space<hbm>> -> memref<16x2048xf32, #tpu.memory_space<hbm>>
    tpu.wait_dma2 semaphore(%arg15 : memref<!tpu.dma_semaphore, #tpu.memory_space<semaphore_mem>>) src(%arg9 : memref<16x2048xf32, #tpu.memory_space<vmem>>) dst(%dma_wait3A_1188 : memref<16x2048xf32, #tpu.memory_space<hbm>>)
    %add3A_1189 = arith.constant 272 : i32
    %add3A_1190 = arith.addi %mul3A_2, %add3A_1189 : i32
    %iota3A_1191 = tpu.iota {dimensions = array<i32: 0>} : vector<16xi32>
    %add3A_1192 = vector.broadcast %add3A_1190 : i32 to vector<16xi32>
    %add3A_1193 = arith.addi %add3A_1192, %iota3A_1191 : vector<16xi32>
    %broadcast_in_dim3A_1194 = arith.constant 0 : i32
    %broadcast_in_dim3A_1195 = vector.broadcast %broadcast_in_dim3A_1194 : i32 to vector<16xi32>
    %add3A_1196 = arith.constant 16 : i32
    %add3A_1197 = vector.broadcast %add3A_1196 : i32 to vector<16xi32>
    %add3A_1198 = arith.addi %broadcast_in_dim3A_1195, %add3A_1197 : vector<16xi32>
    %gather3A_1199 = tpu.vector_load_idx %arg6[%add3A_1198] : memref<32xi32, #tpu.memory_space<vmem>>[vector<16xi32>], vector<16xi32>,
    %le3A_1200 = arith.cmpi sle, %gather3A_1199, %add3A_1193 : vector<16xi32>
    %select_n3A_1201 = arith.select %le3A_1200, %add3A_1198, %broadcast_in_dim3A_1195 : vector<16xi1>, vector<16xi32>
    %add3A_1202 = arith.constant 8 : i32
    %add3A_1203 = vector.broadcast %add3A_1202 : i32 to vector<16xi32>
    %add3A_1204 = arith.addi %select_n3A_1201, %add3A_1203 : vector<16xi32>
    %gather3A_1205 = tpu.vector_load_idx %arg6[%add3A_1204] : memref<32xi32, #tpu.memory_space<vmem>>[vector<16xi32>], vector<16xi32>,
    %le3A_1206 = arith.cmpi sle, %gather3A_1205, %add3A_1193 : vector<16xi32>
    %select_n3A_1207 = arith.select %le3A_1206, %add3A_1204, %select_n3A_1201 : vector<16xi1>, vector<16xi32>
    %add3A_1208 = arith.constant 4 : i32
    %add3A_1209 = vector.broadcast %add3A_1208 : i32 to vector<16xi32>
    %add3A_1210 = arith.addi %select_n3A_1207, %add3A_1209 : vector<16xi32>
    %gather3A_1211 = tpu.vector_load_idx %arg6[%add3A_1210] : memref<32xi32, #tpu.memory_space<vmem>>[vector<16xi32>], vector<16xi32>,
    %le3A_1212 = arith.cmpi sle, %gather3A_1211, %add3A_1193 : vector<16xi32>
    %select_n3A_1213 = arith.select %le3A_1212, %add3A_1210, %select_n3A_1207 : vector<16xi1>, vector<16xi32>
    %add3A_1214 = arith.constant 2 : i32
    %add3A_1215 = vector.broadcast %add3A_1214 : i32 to vector<16xi32>
    %add3A_1216 = arith.addi %select_n3A_1213, %add3A_1215 : vector<16xi32>
    %gather3A_1217 = tpu.vector_load_idx %arg6[%add3A_1216] : memref<32xi32, #tpu.memory_space<vmem>>[vector<16xi32>], vector<16xi32>,
    %le3A_1218 = arith.cmpi sle, %gather3A_1217, %add3A_1193 : vector<16xi32>
    %select_n3A_1219 = arith.select %le3A_1218, %add3A_1216, %select_n3A_1213 : vector<16xi1>, vector<16xi32>
    %add3A_1220 = arith.constant 1 : i32
    %add3A_1221 = vector.broadcast %add3A_1220 : i32 to vector<16xi32>
    %add3A_1222 = arith.addi %select_n3A_1219, %add3A_1221 : vector<16xi32>
    %gather3A_1223 = tpu.vector_load_idx %arg6[%add3A_1222] : memref<32xi32, #tpu.memory_space<vmem>>[vector<16xi32>], vector<16xi32>,
    %le3A_1224 = arith.cmpi sle, %gather3A_1223, %add3A_1193 : vector<16xi32>
    %select_n3A_1225 = arith.select %le3A_1224, %add3A_1222, %select_n3A_1219 : vector<16xi1>, vector<16xi32>
    %sub3A_1226 = arith.constant 15 : i32
    %sub3A_1227 = vector.broadcast %sub3A_1226 : i32 to vector<16xi32>
    %sub3A_1228 = arith.subi %sub3A_1227, %select_n3A_1225 : vector<16xi32>
    %gather3A_1229 = tpu.vector_load_idx %arg5[%sub3A_1228] : memref<17xi32, #tpu.memory_space<vmem>>[vector<16xi32>], vector<16xi32>,
    %sub3A_1230 = arith.constant 16 : i32
    %sub3A_1231 = vector.broadcast %sub3A_1230 : i32 to vector<16xi32>
    %sub3A_1232 = arith.subi %sub3A_1231, %select_n3A_1225 : vector<16xi32>
    %gather3A_1233 = tpu.vector_load_idx %arg5[%sub3A_1232] : memref<17xi32, #tpu.memory_space<vmem>>[vector<16xi32>], vector<16xi32>,
    %add3A_1234 = arith.addi %gather3A_1229, %gather3A_1233 : vector<16xi32>
    %add3A_1235 = arith.addi %add3A_1234, %add3A_1193 : vector<16xi32>
    %sub3A_1236 = arith.constant 16384 : i32
    %sub3A_1237 = vector.broadcast %sub3A_1236 : i32 to vector<16xi32>
    %sub3A_1238 = arith.subi %add3A_1235, %sub3A_1237 : vector<16xi32>
    %dma_start3A_1239 = arith.constant 0 : i32
    %dma_start3A_1240 = arith.constant 0 : i32
    %dma_start3A_1241 = tpu.memref_slice %arg2[%dma_start3A_1239, %dma_start3A_1240] : memref<16384x2048xf32, #tpu.memory_space<hbm>> -> memref<16384x2048xf32, #tpu.memory_space<hbm>>
    tpu.enqueue_indirect_dma source(%dma_start3A_1241 : memref<16384x2048xf32, #tpu.memory_space<hbm>>) target(%arg9 : memref<16x2048xf32, #tpu.memory_space<vmem>>) offsets(%sub3A_1238 : vector<16xi32>) semaphore(%arg12 : memref<!tpu.dma_semaphore, #tpu.memory_space<semaphore_mem>>)
    %dma_wait3A_1242 = arith.constant 0 : i32
    %dma_wait3A_1243 = arith.constant 0 : i32
    %dma_wait3A_1244 = tpu.memref_slice %arg2[%dma_wait3A_1242, %dma_wait3A_1243] : memref<16384x2048xf32, #tpu.memory_space<hbm>> -> memref<16x2048xf32, #tpu.memory_space<hbm>>
    %dma_wait3A_1245 = arith.constant 0 : i32
    %dma_wait3A_1246 = arith.constant 0 : i32
    %dma_wait3A_1247 = tpu.memref_slice %arg2[%dma_wait3A_1245, %dma_wait3A_1246] : memref<16384x2048xf32, #tpu.memory_space<hbm>> -> memref<16x2048xf32, #tpu.memory_space<hbm>>
    tpu.wait_dma2 semaphore(%arg11 : memref<!tpu.dma_semaphore, #tpu.memory_space<semaphore_mem>>) src(%dma_wait3A_1247 : memref<16x2048xf32, #tpu.memory_space<hbm>>) dst(%arg8 : memref<16x2048xf32, #tpu.memory_space<vmem>>)
    %add3A_1248 = arith.constant 256 : i32
    %add3A_1249 = arith.addi %mul3A_2, %add3A_1248 : i32
    %dma_start3A_1250 = arith.constant 0 : i32
    %dma_start3A_1251 = tpu.memref_slice %arg4[%add3A_1249, %dma_start3A_1250] : memref<16384x2048xf32, #tpu.memory_space<hbm>> -> memref<16x2048xf32, #tpu.memory_space<hbm>>
    %dma_start3A_1252 = arith.constant 0 : i32
    %dma_start3A_1253 = tpu.memref_slice %arg4[%add3A_1249, %dma_start3A_1252] : memref<16384x2048xf32, #tpu.memory_space<hbm>> -> memref<16x2048xf32, #tpu.memory_space<hbm>>
    tpu.enqueue_dma source(%arg8 : memref<16x2048xf32, #tpu.memory_space<vmem>>) target(%dma_start3A_1253 : memref<16x2048xf32, #tpu.memory_space<hbm>>) target_semaphore(%arg14 : memref<!tpu.dma_semaphore, #tpu.memory_space<semaphore_mem>>)
    %dma_wait3A_1254 = arith.constant 0 : i32
    %dma_wait3A_1255 = tpu.memref_slice %arg4[%add3A_1180, %dma_wait3A_1254] : memref<16384x2048xf32, #tpu.memory_space<hbm>> -> memref<16x2048xf32, #tpu.memory_space<hbm>>
    %dma_wait3A_1256 = arith.constant 0 : i32
    %dma_wait3A_1257 = tpu.memref_slice %arg4[%add3A_1180, %dma_wait3A_1256] : memref<16384x2048xf32, #tpu.memory_space<hbm>> -> memref<16x2048xf32, #tpu.memory_space<hbm>>
    tpu.wait_dma2 semaphore(%arg13 : memref<!tpu.dma_semaphore, #tpu.memory_space<semaphore_mem>>) src(%arg7 : memref<16x2048xf32, #tpu.memory_space<vmem>>) dst(%dma_wait3A_1257 : memref<16x2048xf32, #tpu.memory_space<hbm>>)
    %add3A_1258 = arith.constant 288 : i32
    %add3A_1259 = arith.addi %mul3A_2, %add3A_1258 : i32
    %iota3A_1260 = tpu.iota {dimensions = array<i32: 0>} : vector<16xi32>
    %add3A_1261 = vector.broadcast %add3A_1259 : i32 to vector<16xi32>
    %add3A_1262 = arith.addi %add3A_1261, %iota3A_1260 : vector<16xi32>
    %broadcast_in_dim3A_1263 = arith.constant 0 : i32
    %broadcast_in_dim3A_1264 = vector.broadcast %broadcast_in_dim3A_1263 : i32 to vector<16xi32>
    %add3A_1265 = arith.constant 16 : i32
    %add3A_1266 = vector.broadcast %add3A_1265 : i32 to vector<16xi32>
    %add3A_1267 = arith.addi %broadcast_in_dim3A_1264, %add3A_1266 : vector<16xi32>
    %gather3A_1268 = tpu.vector_load_idx %arg6[%add3A_1267] : memref<32xi32, #tpu.memory_space<vmem>>[vector<16xi32>], vector<16xi32>,
    %le3A_1269 = arith.cmpi sle, %gather3A_1268, %add3A_1262 : vector<16xi32>
    %select_n3A_1270 = arith.select %le3A_1269, %add3A_1267, %broadcast_in_dim3A_1264 : vector<16xi1>, vector<16xi32>
    %add3A_1271 = arith.constant 8 : i32
    %add3A_1272 = vector.broadcast %add3A_1271 : i32 to vector<16xi32>
    %add3A_1273 = arith.addi %select_n3A_1270, %add3A_1272 : vector<16xi32>
    %gather3A_1274 = tpu.vector_load_idx %arg6[%add3A_1273] : memref<32xi32, #tpu.memory_space<vmem>>[vector<16xi32>], vector<16xi32>,
    %le3A_1275 = arith.cmpi sle, %gather3A_1274, %add3A_1262 : vector<16xi32>
    %select_n3A_1276 = arith.select %le3A_1275, %add3A_1273, %select_n3A_1270 : vector<16xi1>, vector<16xi32>
    %add3A_1277 = arith.constant 4 : i32
    %add3A_1278 = vector.broadcast %add3A_1277 : i32 to vector<16xi32>
    %add3A_1279 = arith.addi %select_n3A_1276, %add3A_1278 : vector<16xi32>
    %gather3A_1280 = tpu.vector_load_idx %arg6[%add3A_1279] : memref<32xi32, #tpu.memory_space<vmem>>[vector<16xi32>], vector<16xi32>,
    %le3A_1281 = arith.cmpi sle, %gather3A_1280, %add3A_1262 : vector<16xi32>
    %select_n3A_1282 = arith.select %le3A_1281, %add3A_1279, %select_n3A_1276 : vector<16xi1>, vector<16xi32>
    %add3A_1283 = arith.constant 2 : i32
    %add3A_1284 = vector.broadcast %add3A_1283 : i32 to vector<16xi32>
    %add3A_1285 = arith.addi %select_n3A_1282, %add3A_1284 : vector<16xi32>
    %gather3A_1286 = tpu.vector_load_idx %arg6[%add3A_1285] : memref<32xi32, #tpu.memory_space<vmem>>[vector<16xi32>], vector<16xi32>,
    %le3A_1287 = arith.cmpi sle, %gather3A_1286, %add3A_1262 : vector<16xi32>
    %select_n3A_1288 = arith.select %le3A_1287, %add3A_1285, %select_n3A_1282 : vector<16xi1>, vector<16xi32>
    %add3A_1289 = arith.constant 1 : i32
    %add3A_1290 = vector.broadcast %add3A_1289 : i32 to vector<16xi32>
    %add3A_1291 = arith.addi %select_n3A_1288, %add3A_1290 : vector<16xi32>
    %gather3A_1292 = tpu.vector_load_idx %arg6[%add3A_1291] : memref<32xi32, #tpu.memory_space<vmem>>[vector<16xi32>], vector<16xi32>,
    %le3A_1293 = arith.cmpi sle, %gather3A_1292, %add3A_1262 : vector<16xi32>
    %select_n3A_1294 = arith.select %le3A_1293, %add3A_1291, %select_n3A_1288 : vector<16xi1>, vector<16xi32>
    %sub3A_1295 = arith.constant 15 : i32
    %sub3A_1296 = vector.broadcast %sub3A_1295 : i32 to vector<16xi32>
    %sub3A_1297 = arith.subi %sub3A_1296, %select_n3A_1294 : vector<16xi32>
    %gather3A_1298 = tpu.vector_load_idx %arg5[%sub3A_1297] : memref<17xi32, #tpu.memory_space<vmem>>[vector<16xi32>], vector<16xi32>,
    %sub3A_1299 = arith.constant 16 : i32
    %sub3A_1300 = vector.broadcast %sub3A_1299 : i32 to vector<16xi32>
    %sub3A_1301 = arith.subi %sub3A_1300, %select_n3A_1294 : vector<16xi32>
    %gather3A_1302 = tpu.vector_load_idx %arg5[%sub3A_1301] : memref<17xi32, #tpu.memory_space<vmem>>[vector<16xi32>], vector<16xi32>,
    %add3A_1303 = arith.addi %gather3A_1298, %gather3A_1302 : vector<16xi32>
    %add3A_1304 = arith.addi %add3A_1303, %add3A_1262 : vector<16xi32>
    %sub3A_1305 = arith.constant 16384 : i32
    %sub3A_1306 = vector.broadcast %sub3A_1305 : i32 to vector<16xi32>
    %sub3A_1307 = arith.subi %add3A_1304, %sub3A_1306 : vector<16xi32>
    %dma_start3A_1308 = arith.constant 0 : i32
    %dma_start3A_1309 = arith.constant 0 : i32
    %dma_start3A_1310 = tpu.memref_slice %arg2[%dma_start3A_1308, %dma_start3A_1309] : memref<16384x2048xf32, #tpu.memory_space<hbm>> -> memref<16384x2048xf32, #tpu.memory_space<hbm>>
    tpu.enqueue_indirect_dma source(%dma_start3A_1310 : memref<16384x2048xf32, #tpu.memory_space<hbm>>) target(%arg7 : memref<16x2048xf32, #tpu.memory_space<vmem>>) offsets(%sub3A_1307 : vector<16xi32>) semaphore(%arg10 : memref<!tpu.dma_semaphore, #tpu.memory_space<semaphore_mem>>)
    %dma_wait3A_1311 = arith.constant 0 : i32
    %dma_wait3A_1312 = arith.constant 0 : i32
    %dma_wait3A_1313 = tpu.memref_slice %arg2[%dma_wait3A_1311, %dma_wait3A_1312] : memref<16384x2048xf32, #tpu.memory_space<hbm>> -> memref<16x2048xf32, #tpu.memory_space<hbm>>
    %dma_wait3A_1314 = arith.constant 0 : i32
    %dma_wait3A_1315 = arith.constant 0 : i32
    %dma_wait3A_1316 = tpu.memref_slice %arg2[%dma_wait3A_1314, %dma_wait3A_1315] : memref<16384x2048xf32, #tpu.memory_space<hbm>> -> memref<16x2048xf32, #tpu.memory_space<hbm>>
    tpu.wait_dma2 semaphore(%arg12 : memref<!tpu.dma_semaphore, #tpu.memory_space<semaphore_mem>>) src(%dma_wait3A_1316 : memref<16x2048xf32, #tpu.memory_space<hbm>>) dst(%arg9 : memref<16x2048xf32, #tpu.memory_space<vmem>>)
    %add3A_1317 = arith.constant 272 : i32
    %add3A_1318 = arith.addi %mul3A_2, %add3A_1317 : i32
    %dma_start3A_1319 = arith.constant 0 : i32
    %dma_start3A_1320 = tpu.memref_slice %arg4[%add3A_1318, %dma_start3A_1319] : memref<16384x2048xf32, #tpu.memory_space<hbm>> -> memref<16x2048xf32, #tpu.memory_space<hbm>>
    %dma_start3A_1321 = arith.constant 0 : i32
    %dma_start3A_1322 = tpu.memref_slice %arg4[%add3A_1318, %dma_start3A_1321] : memref<16384x2048xf32, #tpu.memory_space<hbm>> -> memref<16x2048xf32, #tpu.memory_space<hbm>>
    tpu.enqueue_dma source(%arg9 : memref<16x2048xf32, #tpu.memory_space<vmem>>) target(%dma_start3A_1322 : memref<16x2048xf32, #tpu.memory_space<hbm>>) target_semaphore(%arg15 : memref<!tpu.dma_semaphore, #tpu.memory_space<semaphore_mem>>)
    %dma_wait3A_1323 = arith.constant 0 : i32
    %dma_wait3A_1324 = tpu.memref_slice %arg4[%add3A_1249, %dma_wait3A_1323] : memref<16384x2048xf32, #tpu.memory_space<hbm>> -> memref<16x2048xf32, #tpu.memory_space<hbm>>
    %dma_wait3A_1325 = arith.constant 0 : i32
    %dma_wait3A_1326 = tpu.memref_slice %arg4[%add3A_1249, %dma_wait3A_1325] : memref<16384x2048xf32, #tpu.memory_space<hbm>> -> memref<16x2048xf32, #tpu.memory_space<hbm>>
    tpu.wait_dma2 semaphore(%arg14 : memref<!tpu.dma_semaphore, #tpu.memory_space<semaphore_mem>>) src(%arg8 : memref<16x2048xf32, #tpu.memory_space<vmem>>) dst(%dma_wait3A_1326 : memref<16x2048xf32, #tpu.memory_space<hbm>>)
    %add3A_1327 = arith.constant 304 : i32
    %add3A_1328 = arith.addi %mul3A_2, %add3A_1327 : i32
    %iota3A_1329 = tpu.iota {dimensions = array<i32: 0>} : vector<16xi32>
    %add3A_1330 = vector.broadcast %add3A_1328 : i32 to vector<16xi32>
    %add3A_1331 = arith.addi %add3A_1330, %iota3A_1329 : vector<16xi32>
    %broadcast_in_dim3A_1332 = arith.constant 0 : i32
    %broadcast_in_dim3A_1333 = vector.broadcast %broadcast_in_dim3A_1332 : i32 to vector<16xi32>
    %add3A_1334 = arith.constant 16 : i32
    %add3A_1335 = vector.broadcast %add3A_1334 : i32 to vector<16xi32>
    %add3A_1336 = arith.addi %broadcast_in_dim3A_1333, %add3A_1335 : vector<16xi32>
    %gather3A_1337 = tpu.vector_load_idx %arg6[%add3A_1336] : memref<32xi32, #tpu.memory_space<vmem>>[vector<16xi32>], vector<16xi32>,
    %le3A_1338 = arith.cmpi sle, %gather3A_1337, %add3A_1331 : vector<16xi32>
    %select_n3A_1339 = arith.select %le3A_1338, %add3A_1336, %broadcast_in_dim3A_1333 : vector<16xi1>, vector<16xi32>
    %add3A_1340 = arith.constant 8 : i32
    %add3A_1341 = vector.broadcast %add3A_1340 : i32 to vector<16xi32>
    %add3A_1342 = arith.addi %select_n3A_1339, %add3A_1341 : vector<16xi32>
    %gather3A_1343 = tpu.vector_load_idx %arg6[%add3A_1342] : memref<32xi32, #tpu.memory_space<vmem>>[vector<16xi32>], vector<16xi32>,
    %le3A_1344 = arith.cmpi sle, %gather3A_1343, %add3A_1331 : vector<16xi32>
    %select_n3A_1345 = arith.select %le3A_1344, %add3A_1342, %select_n3A_1339 : vector<16xi1>, vector<16xi32>
    %add3A_1346 = arith.constant 4 : i32
    %add3A_1347 = vector.broadcast %add3A_1346 : i32 to vector<16xi32>
    %add3A_1348 = arith.addi %select_n3A_1345, %add3A_1347 : vector<16xi32>
    %gather3A_1349 = tpu.vector_load_idx %arg6[%add3A_1348] : memref<32xi32, #tpu.memory_space<vmem>>[vector<16xi32>], vector<16xi32>,
    %le3A_1350 = arith.cmpi sle, %gather3A_1349, %add3A_1331 : vector<16xi32>
    %select_n3A_1351 = arith.select %le3A_1350, %add3A_1348, %select_n3A_1345 : vector<16xi1>, vector<16xi32>
    %add3A_1352 = arith.constant 2 : i32
    %add3A_1353 = vector.broadcast %add3A_1352 : i32 to vector<16xi32>
    %add3A_1354 = arith.addi %select_n3A_1351, %add3A_1353 : vector<16xi32>
    %gather3A_1355 = tpu.vector_load_idx %arg6[%add3A_1354] : memref<32xi32, #tpu.memory_space<vmem>>[vector<16xi32>], vector<16xi32>,
    %le3A_1356 = arith.cmpi sle, %gather3A_1355, %add3A_1331 : vector<16xi32>
    %select_n3A_1357 = arith.select %le3A_1356, %add3A_1354, %select_n3A_1351 : vector<16xi1>, vector<16xi32>
    %add3A_1358 = arith.constant 1 : i32
    %add3A_1359 = vector.broadcast %add3A_1358 : i32 to vector<16xi32>
    %add3A_1360 = arith.addi %select_n3A_1357, %add3A_1359 : vector<16xi32>
    %gather3A_1361 = tpu.vector_load_idx %arg6[%add3A_1360] : memref<32xi32, #tpu.memory_space<vmem>>[vector<16xi32>], vector<16xi32>,
    %le3A_1362 = arith.cmpi sle, %gather3A_1361, %add3A_1331 : vector<16xi32>
    %select_n3A_1363 = arith.select %le3A_1362, %add3A_1360, %select_n3A_1357 : vector<16xi1>, vector<16xi32>
    %sub3A_1364 = arith.constant 15 : i32
    %sub3A_1365 = vector.broadcast %sub3A_1364 : i32 to vector<16xi32>
    %sub3A_1366 = arith.subi %sub3A_1365, %select_n3A_1363 : vector<16xi32>
    %gather3A_1367 = tpu.vector_load_idx %arg5[%sub3A_1366] : memref<17xi32, #tpu.memory_space<vmem>>[vector<16xi32>], vector<16xi32>,
    %sub3A_1368 = arith.constant 16 : i32
    %sub3A_1369 = vector.broadcast %sub3A_1368 : i32 to vector<16xi32>
    %sub3A_1370 = arith.subi %sub3A_1369, %select_n3A_1363 : vector<16xi32>
    %gather3A_1371 = tpu.vector_load_idx %arg5[%sub3A_1370] : memref<17xi32, #tpu.memory_space<vmem>>[vector<16xi32>], vector<16xi32>,
    %add3A_1372 = arith.addi %gather3A_1367, %gather3A_1371 : vector<16xi32>
    %add3A_1373 = arith.addi %add3A_1372, %add3A_1331 : vector<16xi32>
    %sub3A_1374 = arith.constant 16384 : i32
    %sub3A_1375 = vector.broadcast %sub3A_1374 : i32 to vector<16xi32>
    %sub3A_1376 = arith.subi %add3A_1373, %sub3A_1375 : vector<16xi32>
    %dma_start3A_1377 = arith.constant 0 : i32
    %dma_start3A_1378 = arith.constant 0 : i32
    %dma_start3A_1379 = tpu.memref_slice %arg2[%dma_start3A_1377, %dma_start3A_1378] : memref<16384x2048xf32, #tpu.memory_space<hbm>> -> memref<16384x2048xf32, #tpu.memory_space<hbm>>
    tpu.enqueue_indirect_dma source(%dma_start3A_1379 : memref<16384x2048xf32, #tpu.memory_space<hbm>>) target(%arg8 : memref<16x2048xf32, #tpu.memory_space<vmem>>) offsets(%sub3A_1376 : vector<16xi32>) semaphore(%arg11 : memref<!tpu.dma_semaphore, #tpu.memory_space<semaphore_mem>>)
    %dma_wait3A_1380 = arith.constant 0 : i32
    %dma_wait3A_1381 = arith.constant 0 : i32
    %dma_wait3A_1382 = tpu.memref_slice %arg2[%dma_wait3A_1380, %dma_wait3A_1381] : memref<16384x2048xf32, #tpu.memory_space<hbm>> -> memref<16x2048xf32, #tpu.memory_space<hbm>>
    %dma_wait3A_1383 = arith.constant 0 : i32
    %dma_wait3A_1384 = arith.constant 0 : i32
    %dma_wait3A_1385 = tpu.memref_slice %arg2[%dma_wait3A_1383, %dma_wait3A_1384] : memref<16384x2048xf32, #tpu.memory_space<hbm>> -> memref<16x2048xf32, #tpu.memory_space<hbm>>
    tpu.wait_dma2 semaphore(%arg10 : memref<!tpu.dma_semaphore, #tpu.memory_space<semaphore_mem>>) src(%dma_wait3A_1385 : memref<16x2048xf32, #tpu.memory_space<hbm>>) dst(%arg7 : memref<16x2048xf32, #tpu.memory_space<vmem>>)
    %add3A_1386 = arith.constant 288 : i32
    %add3A_1387 = arith.addi %mul3A_2, %add3A_1386 : i32
    %dma_start3A_1388 = arith.constant 0 : i32
    %dma_start3A_1389 = tpu.memref_slice %arg4[%add3A_1387, %dma_start3A_1388] : memref<16384x2048xf32, #tpu.memory_space<hbm>> -> memref<16x2048xf32, #tpu.memory_space<hbm>>
    %dma_start3A_1390 = arith.constant 0 : i32
    %dma_start3A_1391 = tpu.memref_slice %arg4[%add3A_1387, %dma_start3A_1390] : memref<16384x2048xf32, #tpu.memory_space<hbm>> -> memref<16x2048xf32, #tpu.memory_space<hbm>>
    tpu.enqueue_dma source(%arg7 : memref<16x2048xf32, #tpu.memory_space<vmem>>) target(%dma_start3A_1391 : memref<16x2048xf32, #tpu.memory_space<hbm>>) target_semaphore(%arg13 : memref<!tpu.dma_semaphore, #tpu.memory_space<semaphore_mem>>)
    %dma_wait3A_1392 = arith.constant 0 : i32
    %dma_wait3A_1393 = tpu.memref_slice %arg4[%add3A_1318, %dma_wait3A_1392] : memref<16384x2048xf32, #tpu.memory_space<hbm>> -> memref<16x2048xf32, #tpu.memory_space<hbm>>
    %dma_wait3A_1394 = arith.constant 0 : i32
    %dma_wait3A_1395 = tpu.memref_slice %arg4[%add3A_1318, %dma_wait3A_1394] : memref<16384x2048xf32, #tpu.memory_space<hbm>> -> memref<16x2048xf32, #tpu.memory_space<hbm>>
    tpu.wait_dma2 semaphore(%arg15 : memref<!tpu.dma_semaphore, #tpu.memory_space<semaphore_mem>>) src(%arg9 : memref<16x2048xf32, #tpu.memory_space<vmem>>) dst(%dma_wait3A_1395 : memref<16x2048xf32, #tpu.memory_space<hbm>>)
    %add3A_1396 = arith.constant 320 : i32
    %add3A_1397 = arith.addi %mul3A_2, %add3A_1396 : i32
    %iota3A_1398 = tpu.iota {dimensions = array<i32: 0>} : vector<16xi32>
    %add3A_1399 = vector.broadcast %add3A_1397 : i32 to vector<16xi32>
    %add3A_1400 = arith.addi %add3A_1399, %iota3A_1398 : vector<16xi32>
    %broadcast_in_dim3A_1401 = arith.constant 0 : i32
    %broadcast_in_dim3A_1402 = vector.broadcast %broadcast_in_dim3A_1401 : i32 to vector<16xi32>
    %add3A_1403 = arith.constant 16 : i32
    %add3A_1404 = vector.broadcast %add3A_1403 : i32 to vector<16xi32>
    %add3A_1405 = arith.addi %broadcast_in_dim3A_1402, %add3A_1404 : vector<16xi32>
    %gather3A_1406 = tpu.vector_load_idx %arg6[%add3A_1405] : memref<32xi32, #tpu.memory_space<vmem>>[vector<16xi32>], vector<16xi32>,
    %le3A_1407 = arith.cmpi sle, %gather3A_1406, %add3A_1400 : vector<16xi32>
    %select_n3A_1408 = arith.select %le3A_1407, %add3A_1405, %broadcast_in_dim3A_1402 : vector<16xi1>, vector<16xi32>
    %add3A_1409 = arith.constant 8 : i32
    %add3A_1410 = vector.broadcast %add3A_1409 : i32 to vector<16xi32>
    %add3A_1411 = arith.addi %select_n3A_1408, %add3A_1410 : vector<16xi32>
    %gather3A_1412 = tpu.vector_load_idx %arg6[%add3A_1411] : memref<32xi32, #tpu.memory_space<vmem>>[vector<16xi32>], vector<16xi32>,
    %le3A_1413 = arith.cmpi sle, %gather3A_1412, %add3A_1400 : vector<16xi32>
    %select_n3A_1414 = arith.select %le3A_1413, %add3A_1411, %select_n3A_1408 : vector<16xi1>, vector<16xi32>
    %add3A_1415 = arith.constant 4 : i32
    %add3A_1416 = vector.broadcast %add3A_1415 : i32 to vector<16xi32>
    %add3A_1417 = arith.addi %select_n3A_1414, %add3A_1416 : vector<16xi32>
    %gather3A_1418 = tpu.vector_load_idx %arg6[%add3A_1417] : memref<32xi32, #tpu.memory_space<vmem>>[vector<16xi32>], vector<16xi32>,
    %le3A_1419 = arith.cmpi sle, %gather3A_1418, %add3A_1400 : vector<16xi32>
    %select_n3A_1420 = arith.select %le3A_1419, %add3A_1417, %select_n3A_1414 : vector<16xi1>, vector<16xi32>
    %add3A_1421 = arith.constant 2 : i32
    %add3A_1422 = vector.broadcast %add3A_1421 : i32 to vector<16xi32>
    %add3A_1423 = arith.addi %select_n3A_1420, %add3A_1422 : vector<16xi32>
    %gather3A_1424 = tpu.vector_load_idx %arg6[%add3A_1423] : memref<32xi32, #tpu.memory_space<vmem>>[vector<16xi32>], vector<16xi32>,
    %le3A_1425 = arith.cmpi sle, %gather3A_1424, %add3A_1400 : vector<16xi32>
    %select_n3A_1426 = arith.select %le3A_1425, %add3A_1423, %select_n3A_1420 : vector<16xi1>, vector<16xi32>
    %add3A_1427 = arith.constant 1 : i32
    %add3A_1428 = vector.broadcast %add3A_1427 : i32 to vector<16xi32>
    %add3A_1429 = arith.addi %select_n3A_1426, %add3A_1428 : vector<16xi32>
    %gather3A_1430 = tpu.vector_load_idx %arg6[%add3A_1429] : memref<32xi32, #tpu.memory_space<vmem>>[vector<16xi32>], vector<16xi32>,
    %le3A_1431 = arith.cmpi sle, %gather3A_1430, %add3A_1400 : vector<16xi32>
    %select_n3A_1432 = arith.select %le3A_1431, %add3A_1429, %select_n3A_1426 : vector<16xi1>, vector<16xi32>
    %sub3A_1433 = arith.constant 15 : i32
    %sub3A_1434 = vector.broadcast %sub3A_1433 : i32 to vector<16xi32>
    %sub3A_1435 = arith.subi %sub3A_1434, %select_n3A_1432 : vector<16xi32>
    %gather3A_1436 = tpu.vector_load_idx %arg5[%sub3A_1435] : memref<17xi32, #tpu.memory_space<vmem>>[vector<16xi32>], vector<16xi32>,
    %sub3A_1437 = arith.constant 16 : i32
    %sub3A_1438 = vector.broadcast %sub3A_1437 : i32 to vector<16xi32>
    %sub3A_1439 = arith.subi %sub3A_1438, %select_n3A_1432 : vector<16xi32>
    %gather3A_1440 = tpu.vector_load_idx %arg5[%sub3A_1439] : memref<17xi32, #tpu.memory_space<vmem>>[vector<16xi32>], vector<16xi32>,
    %add3A_1441 = arith.addi %gather3A_1436, %gather3A_1440 : vector<16xi32>
    %add3A_1442 = arith.addi %add3A_1441, %add3A_1400 : vector<16xi32>
    %sub3A_1443 = arith.constant 16384 : i32
    %sub3A_1444 = vector.broadcast %sub3A_1443 : i32 to vector<16xi32>
    %sub3A_1445 = arith.subi %add3A_1442, %sub3A_1444 : vector<16xi32>
    %dma_start3A_1446 = arith.constant 0 : i32
    %dma_start3A_1447 = arith.constant 0 : i32
    %dma_start3A_1448 = tpu.memref_slice %arg2[%dma_start3A_1446, %dma_start3A_1447] : memref<16384x2048xf32, #tpu.memory_space<hbm>> -> memref<16384x2048xf32, #tpu.memory_space<hbm>>
    tpu.enqueue_indirect_dma source(%dma_start3A_1448 : memref<16384x2048xf32, #tpu.memory_space<hbm>>) target(%arg9 : memref<16x2048xf32, #tpu.memory_space<vmem>>) offsets(%sub3A_1445 : vector<16xi32>) semaphore(%arg12 : memref<!tpu.dma_semaphore, #tpu.memory_space<semaphore_mem>>)
    %dma_wait3A_1449 = arith.constant 0 : i32
    %dma_wait3A_1450 = arith.constant 0 : i32
    %dma_wait3A_1451 = tpu.memref_slice %arg2[%dma_wait3A_1449, %dma_wait3A_1450] : memref<16384x2048xf32, #tpu.memory_space<hbm>> -> memref<16x2048xf32, #tpu.memory_space<hbm>>
    %dma_wait3A_1452 = arith.constant 0 : i32
    %dma_wait3A_1453 = arith.constant 0 : i32
    %dma_wait3A_1454 = tpu.memref_slice %arg2[%dma_wait3A_1452, %dma_wait3A_1453] : memref<16384x2048xf32, #tpu.memory_space<hbm>> -> memref<16x2048xf32, #tpu.memory_space<hbm>>
    tpu.wait_dma2 semaphore(%arg11 : memref<!tpu.dma_semaphore, #tpu.memory_space<semaphore_mem>>) src(%dma_wait3A_1454 : memref<16x2048xf32, #tpu.memory_space<hbm>>) dst(%arg8 : memref<16x2048xf32, #tpu.memory_space<vmem>>)
    %add3A_1455 = arith.constant 304 : i32
    %add3A_1456 = arith.addi %mul3A_2, %add3A_1455 : i32
    %dma_start3A_1457 = arith.constant 0 : i32
    %dma_start3A_1458 = tpu.memref_slice %arg4[%add3A_1456, %dma_start3A_1457] : memref<16384x2048xf32, #tpu.memory_space<hbm>> -> memref<16x2048xf32, #tpu.memory_space<hbm>>
    %dma_start3A_1459 = arith.constant 0 : i32
    %dma_start3A_1460 = tpu.memref_slice %arg4[%add3A_1456, %dma_start3A_1459] : memref<16384x2048xf32, #tpu.memory_space<hbm>> -> memref<16x2048xf32, #tpu.memory_space<hbm>>
    tpu.enqueue_dma source(%arg8 : memref<16x2048xf32, #tpu.memory_space<vmem>>) target(%dma_start3A_1460 : memref<16x2048xf32, #tpu.memory_space<hbm>>) target_semaphore(%arg14 : memref<!tpu.dma_semaphore, #tpu.memory_space<semaphore_mem>>)
    %dma_wait3A_1461 = arith.constant 0 : i32
    %dma_wait3A_1462 = tpu.memref_slice %arg4[%add3A_1387, %dma_wait3A_1461] : memref<16384x2048xf32, #tpu.memory_space<hbm>> -> memref<16x2048xf32, #tpu.memory_space<hbm>>
    %dma_wait3A_1463 = arith.constant 0 : i32
    %dma_wait3A_1464 = tpu.memref_slice %arg4[%add3A_1387, %dma_wait3A_1463] : memref<16384x2048xf32, #tpu.memory_space<hbm>> -> memref<16x2048xf32, #tpu.memory_space<hbm>>
    tpu.wait_dma2 semaphore(%arg13 : memref<!tpu.dma_semaphore, #tpu.memory_space<semaphore_mem>>) src(%arg7 : memref<16x2048xf32, #tpu.memory_space<vmem>>) dst(%dma_wait3A_1464 : memref<16x2048xf32, #tpu.memory_space<hbm>>)
    %add3A_1465 = arith.constant 336 : i32
    %add3A_1466 = arith.addi %mul3A_2, %add3A_1465 : i32
    %iota3A_1467 = tpu.iota {dimensions = array<i32: 0>} : vector<16xi32>
    %add3A_1468 = vector.broadcast %add3A_1466 : i32 to vector<16xi32>
    %add3A_1469 = arith.addi %add3A_1468, %iota3A_1467 : vector<16xi32>
    %broadcast_in_dim3A_1470 = arith.constant 0 : i32
    %broadcast_in_dim3A_1471 = vector.broadcast %broadcast_in_dim3A_1470 : i32 to vector<16xi32>
    %add3A_1472 = arith.constant 16 : i32
    %add3A_1473 = vector.broadcast %add3A_1472 : i32 to vector<16xi32>
    %add3A_1474 = arith.addi %broadcast_in_dim3A_1471, %add3A_1473 : vector<16xi32>
    %gather3A_1475 = tpu.vector_load_idx %arg6[%add3A_1474] : memref<32xi32, #tpu.memory_space<vmem>>[vector<16xi32>], vector<16xi32>,
    %le3A_1476 = arith.cmpi sle, %gather3A_1475, %add3A_1469 : vector<16xi32>
    %select_n3A_1477 = arith.select %le3A_1476, %add3A_1474, %broadcast_in_dim3A_1471 : vector<16xi1>, vector<16xi32>
    %add3A_1478 = arith.constant 8 : i32
    %add3A_1479 = vector.broadcast %add3A_1478 : i32 to vector<16xi32>
    %add3A_1480 = arith.addi %select_n3A_1477, %add3A_1479 : vector<16xi32>
    %gather3A_1481 = tpu.vector_load_idx %arg6[%add3A_1480] : memref<32xi32, #tpu.memory_space<vmem>>[vector<16xi32>], vector<16xi32>,
    %le3A_1482 = arith.cmpi sle, %gather3A_1481, %add3A_1469 : vector<16xi32>
    %select_n3A_1483 = arith.select %le3A_1482, %add3A_1480, %select_n3A_1477 : vector<16xi1>, vector<16xi32>
    %add3A_1484 = arith.constant 4 : i32
    %add3A_1485 = vector.broadcast %add3A_1484 : i32 to vector<16xi32>
    %add3A_1486 = arith.addi %select_n3A_1483, %add3A_1485 : vector<16xi32>
    %gather3A_1487 = tpu.vector_load_idx %arg6[%add3A_1486] : memref<32xi32, #tpu.memory_space<vmem>>[vector<16xi32>], vector<16xi32>,
    %le3A_1488 = arith.cmpi sle, %gather3A_1487, %add3A_1469 : vector<16xi32>
    %select_n3A_1489 = arith.select %le3A_1488, %add3A_1486, %select_n3A_1483 : vector<16xi1>, vector<16xi32>
    %add3A_1490 = arith.constant 2 : i32
    %add3A_1491 = vector.broadcast %add3A_1490 : i32 to vector<16xi32>
    %add3A_1492 = arith.addi %select_n3A_1489, %add3A_1491 : vector<16xi32>
    %gather3A_1493 = tpu.vector_load_idx %arg6[%add3A_1492] : memref<32xi32, #tpu.memory_space<vmem>>[vector<16xi32>], vector<16xi32>,
    %le3A_1494 = arith.cmpi sle, %gather3A_1493, %add3A_1469 : vector<16xi32>
    %select_n3A_1495 = arith.select %le3A_1494, %add3A_1492, %select_n3A_1489 : vector<16xi1>, vector<16xi32>
    %add3A_1496 = arith.constant 1 : i32
    %add3A_1497 = vector.broadcast %add3A_1496 : i32 to vector<16xi32>
    %add3A_1498 = arith.addi %select_n3A_1495, %add3A_1497 : vector<16xi32>
    %gather3A_1499 = tpu.vector_load_idx %arg6[%add3A_1498] : memref<32xi32, #tpu.memory_space<vmem>>[vector<16xi32>], vector<16xi32>,
    %le3A_1500 = arith.cmpi sle, %gather3A_1499, %add3A_1469 : vector<16xi32>
    %select_n3A_1501 = arith.select %le3A_1500, %add3A_1498, %select_n3A_1495 : vector<16xi1>, vector<16xi32>
    %sub3A_1502 = arith.constant 15 : i32
    %sub3A_1503 = vector.broadcast %sub3A_1502 : i32 to vector<16xi32>
    %sub3A_1504 = arith.subi %sub3A_1503, %select_n3A_1501 : vector<16xi32>
    %gather3A_1505 = tpu.vector_load_idx %arg5[%sub3A_1504] : memref<17xi32, #tpu.memory_space<vmem>>[vector<16xi32>], vector<16xi32>,
    %sub3A_1506 = arith.constant 16 : i32
    %sub3A_1507 = vector.broadcast %sub3A_1506 : i32 to vector<16xi32>
    %sub3A_1508 = arith.subi %sub3A_1507, %select_n3A_1501 : vector<16xi32>
    %gather3A_1509 = tpu.vector_load_idx %arg5[%sub3A_1508] : memref<17xi32, #tpu.memory_space<vmem>>[vector<16xi32>], vector<16xi32>,
    %add3A_1510 = arith.addi %gather3A_1505, %gather3A_1509 : vector<16xi32>
    %add3A_1511 = arith.addi %add3A_1510, %add3A_1469 : vector<16xi32>
    %sub3A_1512 = arith.constant 16384 : i32
    %sub3A_1513 = vector.broadcast %sub3A_1512 : i32 to vector<16xi32>
    %sub3A_1514 = arith.subi %add3A_1511, %sub3A_1513 : vector<16xi32>
    %dma_start3A_1515 = arith.constant 0 : i32
    %dma_start3A_1516 = arith.constant 0 : i32
    %dma_start3A_1517 = tpu.memref_slice %arg2[%dma_start3A_1515, %dma_start3A_1516] : memref<16384x2048xf32, #tpu.memory_space<hbm>> -> memref<16384x2048xf32, #tpu.memory_space<hbm>>
    tpu.enqueue_indirect_dma source(%dma_start3A_1517 : memref<16384x2048xf32, #tpu.memory_space<hbm>>) target(%arg7 : memref<16x2048xf32, #tpu.memory_space<vmem>>) offsets(%sub3A_1514 : vector<16xi32>) semaphore(%arg10 : memref<!tpu.dma_semaphore, #tpu.memory_space<semaphore_mem>>)
    %dma_wait3A_1518 = arith.constant 0 : i32
    %dma_wait3A_1519 = arith.constant 0 : i32
    %dma_wait3A_1520 = tpu.memref_slice %arg2[%dma_wait3A_1518, %dma_wait3A_1519] : memref<16384x2048xf32, #tpu.memory_space<hbm>> -> memref<16x2048xf32, #tpu.memory_space<hbm>>
    %dma_wait3A_1521 = arith.constant 0 : i32
    %dma_wait3A_1522 = arith.constant 0 : i32
    %dma_wait3A_1523 = tpu.memref_slice %arg2[%dma_wait3A_1521, %dma_wait3A_1522] : memref<16384x2048xf32, #tpu.memory_space<hbm>> -> memref<16x2048xf32, #tpu.memory_space<hbm>>
    tpu.wait_dma2 semaphore(%arg12 : memref<!tpu.dma_semaphore, #tpu.memory_space<semaphore_mem>>) src(%dma_wait3A_1523 : memref<16x2048xf32, #tpu.memory_space<hbm>>) dst(%arg9 : memref<16x2048xf32, #tpu.memory_space<vmem>>)
    %add3A_1524 = arith.constant 320 : i32
    %add3A_1525 = arith.addi %mul3A_2, %add3A_1524 : i32
    %dma_start3A_1526 = arith.constant 0 : i32
    %dma_start3A_1527 = tpu.memref_slice %arg4[%add3A_1525, %dma_start3A_1526] : memref<16384x2048xf32, #tpu.memory_space<hbm>> -> memref<16x2048xf32, #tpu.memory_space<hbm>>
    %dma_start3A_1528 = arith.constant 0 : i32
    %dma_start3A_1529 = tpu.memref_slice %arg4[%add3A_1525, %dma_start3A_1528] : memref<16384x2048xf32, #tpu.memory_space<hbm>> -> memref<16x2048xf32, #tpu.memory_space<hbm>>
    tpu.enqueue_dma source(%arg9 : memref<16x2048xf32, #tpu.memory_space<vmem>>) target(%dma_start3A_1529 : memref<16x2048xf32, #tpu.memory_space<hbm>>) target_semaphore(%arg15 : memref<!tpu.dma_semaphore, #tpu.memory_space<semaphore_mem>>)
    %dma_wait3A_1530 = arith.constant 0 : i32
    %dma_wait3A_1531 = tpu.memref_slice %arg4[%add3A_1456, %dma_wait3A_1530] : memref<16384x2048xf32, #tpu.memory_space<hbm>> -> memref<16x2048xf32, #tpu.memory_space<hbm>>
    %dma_wait3A_1532 = arith.constant 0 : i32
    %dma_wait3A_1533 = tpu.memref_slice %arg4[%add3A_1456, %dma_wait3A_1532] : memref<16384x2048xf32, #tpu.memory_space<hbm>> -> memref<16x2048xf32, #tpu.memory_space<hbm>>
    tpu.wait_dma2 semaphore(%arg14 : memref<!tpu.dma_semaphore, #tpu.memory_space<semaphore_mem>>) src(%arg8 : memref<16x2048xf32, #tpu.memory_space<vmem>>) dst(%dma_wait3A_1533 : memref<16x2048xf32, #tpu.memory_space<hbm>>)
    %add3A_1534 = arith.constant 352 : i32
    %add3A_1535 = arith.addi %mul3A_2, %add3A_1534 : i32
    %iota3A_1536 = tpu.iota {dimensions = array<i32: 0>} : vector<16xi32>
    %add3A_1537 = vector.broadcast %add3A_1535 : i32 to vector<16xi32>
    %add3A_1538 = arith.addi %add3A_1537, %iota3A_1536 : vector<16xi32>
    %broadcast_in_dim3A_1539 = arith.constant 0 : i32
    %broadcast_in_dim3A_1540 = vector.broadcast %broadcast_in_dim3A_1539 : i32 to vector<16xi32>
    %add3A_1541 = arith.constant 16 : i32
    %add3A_1542 = vector.broadcast %add3A_1541 : i32 to vector<16xi32>
    %add3A_1543 = arith.addi %broadcast_in_dim3A_1540, %add3A_1542 : vector<16xi32>
    %gather3A_1544 = tpu.vector_load_idx %arg6[%add3A_1543] : memref<32xi32, #tpu.memory_space<vmem>>[vector<16xi32>], vector<16xi32>,
    %le3A_1545 = arith.cmpi sle, %gather3A_1544, %add3A_1538 : vector<16xi32>
    %select_n3A_1546 = arith.select %le3A_1545, %add3A_1543, %broadcast_in_dim3A_1540 : vector<16xi1>, vector<16xi32>
    %add3A_1547 = arith.constant 8 : i32
    %add3A_1548 = vector.broadcast %add3A_1547 : i32 to vector<16xi32>
    %add3A_1549 = arith.addi %select_n3A_1546, %add3A_1548 : vector<16xi32>
    %gather3A_1550 = tpu.vector_load_idx %arg6[%add3A_1549] : memref<32xi32, #tpu.memory_space<vmem>>[vector<16xi32>], vector<16xi32>,
    %le3A_1551 = arith.cmpi sle, %gather3A_1550, %add3A_1538 : vector<16xi32>
    %select_n3A_1552 = arith.select %le3A_1551, %add3A_1549, %select_n3A_1546 : vector<16xi1>, vector<16xi32>
    %add3A_1553 = arith.constant 4 : i32
    %add3A_1554 = vector.broadcast %add3A_1553 : i32 to vector<16xi32>
    %add3A_1555 = arith.addi %select_n3A_1552, %add3A_1554 : vector<16xi32>
    %gather3A_1556 = tpu.vector_load_idx %arg6[%add3A_1555] : memref<32xi32, #tpu.memory_space<vmem>>[vector<16xi32>], vector<16xi32>,
    %le3A_1557 = arith.cmpi sle, %gather3A_1556, %add3A_1538 : vector<16xi32>
    %select_n3A_1558 = arith.select %le3A_1557, %add3A_1555, %select_n3A_1552 : vector<16xi1>, vector<16xi32>
    %add3A_1559 = arith.constant 2 : i32
    %add3A_1560 = vector.broadcast %add3A_1559 : i32 to vector<16xi32>
    %add3A_1561 = arith.addi %select_n3A_1558, %add3A_1560 : vector<16xi32>
    %gather3A_1562 = tpu.vector_load_idx %arg6[%add3A_1561] : memref<32xi32, #tpu.memory_space<vmem>>[vector<16xi32>], vector<16xi32>,
    %le3A_1563 = arith.cmpi sle, %gather3A_1562, %add3A_1538 : vector<16xi32>
    %select_n3A_1564 = arith.select %le3A_1563, %add3A_1561, %select_n3A_1558 : vector<16xi1>, vector<16xi32>
    %add3A_1565 = arith.constant 1 : i32
    %add3A_1566 = vector.broadcast %add3A_1565 : i32 to vector<16xi32>
    %add3A_1567 = arith.addi %select_n3A_1564, %add3A_1566 : vector<16xi32>
    %gather3A_1568 = tpu.vector_load_idx %arg6[%add3A_1567] : memref<32xi32, #tpu.memory_space<vmem>>[vector<16xi32>], vector<16xi32>,
    %le3A_1569 = arith.cmpi sle, %gather3A_1568, %add3A_1538 : vector<16xi32>
    %select_n3A_1570 = arith.select %le3A_1569, %add3A_1567, %select_n3A_1564 : vector<16xi1>, vector<16xi32>
    %sub3A_1571 = arith.constant 15 : i32
    %sub3A_1572 = vector.broadcast %sub3A_1571 : i32 to vector<16xi32>
    %sub3A_1573 = arith.subi %sub3A_1572, %select_n3A_1570 : vector<16xi32>
    %gather3A_1574 = tpu.vector_load_idx %arg5[%sub3A_1573] : memref<17xi32, #tpu.memory_space<vmem>>[vector<16xi32>], vector<16xi32>,
    %sub3A_1575 = arith.constant 16 : i32
    %sub3A_1576 = vector.broadcast %sub3A_1575 : i32 to vector<16xi32>
    %sub3A_1577 = arith.subi %sub3A_1576, %select_n3A_1570 : vector<16xi32>
    %gather3A_1578 = tpu.vector_load_idx %arg5[%sub3A_1577] : memref<17xi32, #tpu.memory_space<vmem>>[vector<16xi32>], vector<16xi32>,
    %add3A_1579 = arith.addi %gather3A_1574, %gather3A_1578 : vector<16xi32>
    %add3A_1580 = arith.addi %add3A_1579, %add3A_1538 : vector<16xi32>
    %sub3A_1581 = arith.constant 16384 : i32
    %sub3A_1582 = vector.broadcast %sub3A_1581 : i32 to vector<16xi32>
    %sub3A_1583 = arith.subi %add3A_1580, %sub3A_1582 : vector<16xi32>
    %dma_start3A_1584 = arith.constant 0 : i32
    %dma_start3A_1585 = arith.constant 0 : i32
    %dma_start3A_1586 = tpu.memref_slice %arg2[%dma_start3A_1584, %dma_start3A_1585] : memref<16384x2048xf32, #tpu.memory_space<hbm>> -> memref<16384x2048xf32, #tpu.memory_space<hbm>>
    tpu.enqueue_indirect_dma source(%dma_start3A_1586 : memref<16384x2048xf32, #tpu.memory_space<hbm>>) target(%arg8 : memref<16x2048xf32, #tpu.memory_space<vmem>>) offsets(%sub3A_1583 : vector<16xi32>) semaphore(%arg11 : memref<!tpu.dma_semaphore, #tpu.memory_space<semaphore_mem>>)
    %dma_wait3A_1587 = arith.constant 0 : i32
    %dma_wait3A_1588 = arith.constant 0 : i32
    %dma_wait3A_1589 = tpu.memref_slice %arg2[%dma_wait3A_1587, %dma_wait3A_1588] : memref<16384x2048xf32, #tpu.memory_space<hbm>> -> memref<16x2048xf32, #tpu.memory_space<hbm>>
    %dma_wait3A_1590 = arith.constant 0 : i32
    %dma_wait3A_1591 = arith.constant 0 : i32
    %dma_wait3A_1592 = tpu.memref_slice %arg2[%dma_wait3A_1590, %dma_wait3A_1591] : memref<16384x2048xf32, #tpu.memory_space<hbm>> -> memref<16x2048xf32, #tpu.memory_space<hbm>>
    tpu.wait_dma2 semaphore(%arg10 : memref<!tpu.dma_semaphore, #tpu.memory_space<semaphore_mem>>) src(%dma_wait3A_1592 : memref<16x2048xf32, #tpu.memory_space<hbm>>) dst(%arg7 : memref<16x2048xf32, #tpu.memory_space<vmem>>)
    %add3A_1593 = arith.constant 336 : i32
    %add3A_1594 = arith.addi %mul3A_2, %add3A_1593 : i32
    %dma_start3A_1595 = arith.constant 0 : i32
    %dma_start3A_1596 = tpu.memref_slice %arg4[%add3A_1594, %dma_start3A_1595] : memref<16384x2048xf32, #tpu.memory_space<hbm>> -> memref<16x2048xf32, #tpu.memory_space<hbm>>
    %dma_start3A_1597 = arith.constant 0 : i32
    %dma_start3A_1598 = tpu.memref_slice %arg4[%add3A_1594, %dma_start3A_1597] : memref<16384x2048xf32, #tpu.memory_space<hbm>> -> memref<16x2048xf32, #tpu.memory_space<hbm>>
    tpu.enqueue_dma source(%arg7 : memref<16x2048xf32, #tpu.memory_space<vmem>>) target(%dma_start3A_1598 : memref<16x2048xf32, #tpu.memory_space<hbm>>) target_semaphore(%arg13 : memref<!tpu.dma_semaphore, #tpu.memory_space<semaphore_mem>>)
    %dma_wait3A_1599 = arith.constant 0 : i32
    %dma_wait3A_1600 = tpu.memref_slice %arg4[%add3A_1525, %dma_wait3A_1599] : memref<16384x2048xf32, #tpu.memory_space<hbm>> -> memref<16x2048xf32, #tpu.memory_space<hbm>>
    %dma_wait3A_1601 = arith.constant 0 : i32
    %dma_wait3A_1602 = tpu.memref_slice %arg4[%add3A_1525, %dma_wait3A_1601] : memref<16384x2048xf32, #tpu.memory_space<hbm>> -> memref<16x2048xf32, #tpu.memory_space<hbm>>
    tpu.wait_dma2 semaphore(%arg15 : memref<!tpu.dma_semaphore, #tpu.memory_space<semaphore_mem>>) src(%arg9 : memref<16x2048xf32, #tpu.memory_space<vmem>>) dst(%dma_wait3A_1602 : memref<16x2048xf32, #tpu.memory_space<hbm>>)
    %add3A_1603 = arith.constant 368 : i32
    %add3A_1604 = arith.addi %mul3A_2, %add3A_1603 : i32
    %iota3A_1605 = tpu.iota {dimensions = array<i32: 0>} : vector<16xi32>
    %add3A_1606 = vector.broadcast %add3A_1604 : i32 to vector<16xi32>
    %add3A_1607 = arith.addi %add3A_1606, %iota3A_1605 : vector<16xi32>
    %broadcast_in_dim3A_1608 = arith.constant 0 : i32
    %broadcast_in_dim3A_1609 = vector.broadcast %broadcast_in_dim3A_1608 : i32 to vector<16xi32>
    %add3A_1610 = arith.constant 16 : i32
    %add3A_1611 = vector.broadcast %add3A_1610 : i32 to vector<16xi32>
    %add3A_1612 = arith.addi %broadcast_in_dim3A_1609, %add3A_1611 : vector<16xi32>
    %gather3A_1613 = tpu.vector_load_idx %arg6[%add3A_1612] : memref<32xi32, #tpu.memory_space<vmem>>[vector<16xi32>], vector<16xi32>,
    %le3A_1614 = arith.cmpi sle, %gather3A_1613, %add3A_1607 : vector<16xi32>
    %select_n3A_1615 = arith.select %le3A_1614, %add3A_1612, %broadcast_in_dim3A_1609 : vector<16xi1>, vector<16xi32>
    %add3A_1616 = arith.constant 8 : i32
    %add3A_1617 = vector.broadcast %add3A_1616 : i32 to vector<16xi32>
    %add3A_1618 = arith.addi %select_n3A_1615, %add3A_1617 : vector<16xi32>
    %gather3A_1619 = tpu.vector_load_idx %arg6[%add3A_1618] : memref<32xi32, #tpu.memory_space<vmem>>[vector<16xi32>], vector<16xi32>,
    %le3A_1620 = arith.cmpi sle, %gather3A_1619, %add3A_1607 : vector<16xi32>
    %select_n3A_1621 = arith.select %le3A_1620, %add3A_1618, %select_n3A_1615 : vector<16xi1>, vector<16xi32>
    %add3A_1622 = arith.constant 4 : i32
    %add3A_1623 = vector.broadcast %add3A_1622 : i32 to vector<16xi32>
    %add3A_1624 = arith.addi %select_n3A_1621, %add3A_1623 : vector<16xi32>
    %gather3A_1625 = tpu.vector_load_idx %arg6[%add3A_1624] : memref<32xi32, #tpu.memory_space<vmem>>[vector<16xi32>], vector<16xi32>,
    %le3A_1626 = arith.cmpi sle, %gather3A_1625, %add3A_1607 : vector<16xi32>
    %select_n3A_1627 = arith.select %le3A_1626, %add3A_1624, %select_n3A_1621 : vector<16xi1>, vector<16xi32>
    %add3A_1628 = arith.constant 2 : i32
    %add3A_1629 = vector.broadcast %add3A_1628 : i32 to vector<16xi32>
    %add3A_1630 = arith.addi %select_n3A_1627, %add3A_1629 : vector<16xi32>
    %gather3A_1631 = tpu.vector_load_idx %arg6[%add3A_1630] : memref<32xi32, #tpu.memory_space<vmem>>[vector<16xi32>], vector<16xi32>,
    %le3A_1632 = arith.cmpi sle, %gather3A_1631, %add3A_1607 : vector<16xi32>
    %select_n3A_1633 = arith.select %le3A_1632, %add3A_1630, %select_n3A_1627 : vector<16xi1>, vector<16xi32>
    %add3A_1634 = arith.constant 1 : i32
    %add3A_1635 = vector.broadcast %add3A_1634 : i32 to vector<16xi32>
    %add3A_1636 = arith.addi %select_n3A_1633, %add3A_1635 : vector<16xi32>
    %gather3A_1637 = tpu.vector_load_idx %arg6[%add3A_1636] : memref<32xi32, #tpu.memory_space<vmem>>[vector<16xi32>], vector<16xi32>,
    %le3A_1638 = arith.cmpi sle, %gather3A_1637, %add3A_1607 : vector<16xi32>
    %select_n3A_1639 = arith.select %le3A_1638, %add3A_1636, %select_n3A_1633 : vector<16xi1>, vector<16xi32>
    %sub3A_1640 = arith.constant 15 : i32
    %sub3A_1641 = vector.broadcast %sub3A_1640 : i32 to vector<16xi32>
    %sub3A_1642 = arith.subi %sub3A_1641, %select_n3A_1639 : vector<16xi32>
    %gather3A_1643 = tpu.vector_load_idx %arg5[%sub3A_1642] : memref<17xi32, #tpu.memory_space<vmem>>[vector<16xi32>], vector<16xi32>,
    %sub3A_1644 = arith.constant 16 : i32
    %sub3A_1645 = vector.broadcast %sub3A_1644 : i32 to vector<16xi32>
    %sub3A_1646 = arith.subi %sub3A_1645, %select_n3A_1639 : vector<16xi32>
    %gather3A_1647 = tpu.vector_load_idx %arg5[%sub3A_1646] : memref<17xi32, #tpu.memory_space<vmem>>[vector<16xi32>], vector<16xi32>,
    %add3A_1648 = arith.addi %gather3A_1643, %gather3A_1647 : vector<16xi32>
    %add3A_1649 = arith.addi %add3A_1648, %add3A_1607 : vector<16xi32>
    %sub3A_1650 = arith.constant 16384 : i32
    %sub3A_1651 = vector.broadcast %sub3A_1650 : i32 to vector<16xi32>
    %sub3A_1652 = arith.subi %add3A_1649, %sub3A_1651 : vector<16xi32>
    %dma_start3A_1653 = arith.constant 0 : i32
    %dma_start3A_1654 = arith.constant 0 : i32
    %dma_start3A_1655 = tpu.memref_slice %arg2[%dma_start3A_1653, %dma_start3A_1654] : memref<16384x2048xf32, #tpu.memory_space<hbm>> -> memref<16384x2048xf32, #tpu.memory_space<hbm>>
    tpu.enqueue_indirect_dma source(%dma_start3A_1655 : memref<16384x2048xf32, #tpu.memory_space<hbm>>) target(%arg9 : memref<16x2048xf32, #tpu.memory_space<vmem>>) offsets(%sub3A_1652 : vector<16xi32>) semaphore(%arg12 : memref<!tpu.dma_semaphore, #tpu.memory_space<semaphore_mem>>)
    %dma_wait3A_1656 = arith.constant 0 : i32
    %dma_wait3A_1657 = arith.constant 0 : i32
    %dma_wait3A_1658 = tpu.memref_slice %arg2[%dma_wait3A_1656, %dma_wait3A_1657] : memref<16384x2048xf32, #tpu.memory_space<hbm>> -> memref<16x2048xf32, #tpu.memory_space<hbm>>
    %dma_wait3A_1659 = arith.constant 0 : i32
    %dma_wait3A_1660 = arith.constant 0 : i32
    %dma_wait3A_1661 = tpu.memref_slice %arg2[%dma_wait3A_1659, %dma_wait3A_1660] : memref<16384x2048xf32, #tpu.memory_space<hbm>> -> memref<16x2048xf32, #tpu.memory_space<hbm>>
    tpu.wait_dma2 semaphore(%arg11 : memref<!tpu.dma_semaphore, #tpu.memory_space<semaphore_mem>>) src(%dma_wait3A_1661 : memref<16x2048xf32, #tpu.memory_space<hbm>>) dst(%arg8 : memref<16x2048xf32, #tpu.memory_space<vmem>>)
    %add3A_1662 = arith.constant 352 : i32
    %add3A_1663 = arith.addi %mul3A_2, %add3A_1662 : i32
    %dma_start3A_1664 = arith.constant 0 : i32
    %dma_start3A_1665 = tpu.memref_slice %arg4[%add3A_1663, %dma_start3A_1664] : memref<16384x2048xf32, #tpu.memory_space<hbm>> -> memref<16x2048xf32, #tpu.memory_space<hbm>>
    %dma_start3A_1666 = arith.constant 0 : i32
    %dma_start3A_1667 = tpu.memref_slice %arg4[%add3A_1663, %dma_start3A_1666] : memref<16384x2048xf32, #tpu.memory_space<hbm>> -> memref<16x2048xf32, #tpu.memory_space<hbm>>
    tpu.enqueue_dma source(%arg8 : memref<16x2048xf32, #tpu.memory_space<vmem>>) target(%dma_start3A_1667 : memref<16x2048xf32, #tpu.memory_space<hbm>>) target_semaphore(%arg14 : memref<!tpu.dma_semaphore, #tpu.memory_space<semaphore_mem>>)
    %dma_wait3A_1668 = arith.constant 0 : i32
    %dma_wait3A_1669 = tpu.memref_slice %arg4[%add3A_1594, %dma_wait3A_1668] : memref<16384x2048xf32, #tpu.memory_space<hbm>> -> memref<16x2048xf32, #tpu.memory_space<hbm>>
    %dma_wait3A_1670 = arith.constant 0 : i32
    %dma_wait3A_1671 = tpu.memref_slice %arg4[%add3A_1594, %dma_wait3A_1670] : memref<16384x2048xf32, #tpu.memory_space<hbm>> -> memref<16x2048xf32, #tpu.memory_space<hbm>>
    tpu.wait_dma2 semaphore(%arg13 : memref<!tpu.dma_semaphore, #tpu.memory_space<semaphore_mem>>) src(%arg7 : memref<16x2048xf32, #tpu.memory_space<vmem>>) dst(%dma_wait3A_1671 : memref<16x2048xf32, #tpu.memory_space<hbm>>)
    %add3A_1672 = arith.constant 384 : i32
    %add3A_1673 = arith.addi %mul3A_2, %add3A_1672 : i32
    %iota3A_1674 = tpu.iota {dimensions = array<i32: 0>} : vector<16xi32>
    %add3A_1675 = vector.broadcast %add3A_1673 : i32 to vector<16xi32>
    %add3A_1676 = arith.addi %add3A_1675, %iota3A_1674 : vector<16xi32>
    %broadcast_in_dim3A_1677 = arith.constant 0 : i32
    %broadcast_in_dim3A_1678 = vector.broadcast %broadcast_in_dim3A_1677 : i32 to vector<16xi32>
    %add3A_1679 = arith.constant 16 : i32
    %add3A_1680 = vector.broadcast %add3A_1679 : i32 to vector<16xi32>
    %add3A_1681 = arith.addi %broadcast_in_dim3A_1678, %add3A_1680 : vector<16xi32>
    %gather3A_1682 = tpu.vector_load_idx %arg6[%add3A_1681] : memref<32xi32, #tpu.memory_space<vmem>>[vector<16xi32>], vector<16xi32>,
    %le3A_1683 = arith.cmpi sle, %gather3A_1682, %add3A_1676 : vector<16xi32>
    %select_n3A_1684 = arith.select %le3A_1683, %add3A_1681, %broadcast_in_dim3A_1678 : vector<16xi1>, vector<16xi32>
    %add3A_1685 = arith.constant 8 : i32
    %add3A_1686 = vector.broadcast %add3A_1685 : i32 to vector<16xi32>
    %add3A_1687 = arith.addi %select_n3A_1684, %add3A_1686 : vector<16xi32>
    %gather3A_1688 = tpu.vector_load_idx %arg6[%add3A_1687] : memref<32xi32, #tpu.memory_space<vmem>>[vector<16xi32>], vector<16xi32>,
    %le3A_1689 = arith.cmpi sle, %gather3A_1688, %add3A_1676 : vector<16xi32>
    %select_n3A_1690 = arith.select %le3A_1689, %add3A_1687, %select_n3A_1684 : vector<16xi1>, vector<16xi32>
    %add3A_1691 = arith.constant 4 : i32
    %add3A_1692 = vector.broadcast %add3A_1691 : i32 to vector<16xi32>
    %add3A_1693 = arith.addi %select_n3A_1690, %add3A_1692 : vector<16xi32>
    %gather3A_1694 = tpu.vector_load_idx %arg6[%add3A_1693] : memref<32xi32, #tpu.memory_space<vmem>>[vector<16xi32>], vector<16xi32>,
    %le3A_1695 = arith.cmpi sle, %gather3A_1694, %add3A_1676 : vector<16xi32>
    %select_n3A_1696 = arith.select %le3A_1695, %add3A_1693, %select_n3A_1690 : vector<16xi1>, vector<16xi32>
    %add3A_1697 = arith.constant 2 : i32
    %add3A_1698 = vector.broadcast %add3A_1697 : i32 to vector<16xi32>
    %add3A_1699 = arith.addi %select_n3A_1696, %add3A_1698 : vector<16xi32>
    %gather3A_1700 = tpu.vector_load_idx %arg6[%add3A_1699] : memref<32xi32, #tpu.memory_space<vmem>>[vector<16xi32>], vector<16xi32>,
    %le3A_1701 = arith.cmpi sle, %gather3A_1700, %add3A_1676 : vector<16xi32>
    %select_n3A_1702 = arith.select %le3A_1701, %add3A_1699, %select_n3A_1696 : vector<16xi1>, vector<16xi32>
    %add3A_1703 = arith.constant 1 : i32
    %add3A_1704 = vector.broadcast %add3A_1703 : i32 to vector<16xi32>
    %add3A_1705 = arith.addi %select_n3A_1702, %add3A_1704 : vector<16xi32>
    %gather3A_1706 = tpu.vector_load_idx %arg6[%add3A_1705] : memref<32xi32, #tpu.memory_space<vmem>>[vector<16xi32>], vector<16xi32>,
    %le3A_1707 = arith.cmpi sle, %gather3A_1706, %add3A_1676 : vector<16xi32>
    %select_n3A_1708 = arith.select %le3A_1707, %add3A_1705, %select_n3A_1702 : vector<16xi1>, vector<16xi32>
    %sub3A_1709 = arith.constant 15 : i32
    %sub3A_1710 = vector.broadcast %sub3A_1709 : i32 to vector<16xi32>
    %sub3A_1711 = arith.subi %sub3A_1710, %select_n3A_1708 : vector<16xi32>
    %gather3A_1712 = tpu.vector_load_idx %arg5[%sub3A_1711] : memref<17xi32, #tpu.memory_space<vmem>>[vector<16xi32>], vector<16xi32>,
    %sub3A_1713 = arith.constant 16 : i32
    %sub3A_1714 = vector.broadcast %sub3A_1713 : i32 to vector<16xi32>
    %sub3A_1715 = arith.subi %sub3A_1714, %select_n3A_1708 : vector<16xi32>
    %gather3A_1716 = tpu.vector_load_idx %arg5[%sub3A_1715] : memref<17xi32, #tpu.memory_space<vmem>>[vector<16xi32>], vector<16xi32>,
    %add3A_1717 = arith.addi %gather3A_1712, %gather3A_1716 : vector<16xi32>
    %add3A_1718 = arith.addi %add3A_1717, %add3A_1676 : vector<16xi32>
    %sub3A_1719 = arith.constant 16384 : i32
    %sub3A_1720 = vector.broadcast %sub3A_1719 : i32 to vector<16xi32>
    %sub3A_1721 = arith.subi %add3A_1718, %sub3A_1720 : vector<16xi32>
    %dma_start3A_1722 = arith.constant 0 : i32
    %dma_start3A_1723 = arith.constant 0 : i32
    %dma_start3A_1724 = tpu.memref_slice %arg2[%dma_start3A_1722, %dma_start3A_1723] : memref<16384x2048xf32, #tpu.memory_space<hbm>> -> memref<16384x2048xf32, #tpu.memory_space<hbm>>
    tpu.enqueue_indirect_dma source(%dma_start3A_1724 : memref<16384x2048xf32, #tpu.memory_space<hbm>>) target(%arg7 : memref<16x2048xf32, #tpu.memory_space<vmem>>) offsets(%sub3A_1721 : vector<16xi32>) semaphore(%arg10 : memref<!tpu.dma_semaphore, #tpu.memory_space<semaphore_mem>>)
    %dma_wait3A_1725 = arith.constant 0 : i32
    %dma_wait3A_1726 = arith.constant 0 : i32
    %dma_wait3A_1727 = tpu.memref_slice %arg2[%dma_wait3A_1725, %dma_wait3A_1726] : memref<16384x2048xf32, #tpu.memory_space<hbm>> -> memref<16x2048xf32, #tpu.memory_space<hbm>>
    %dma_wait3A_1728 = arith.constant 0 : i32
    %dma_wait3A_1729 = arith.constant 0 : i32
    %dma_wait3A_1730 = tpu.memref_slice %arg2[%dma_wait3A_1728, %dma_wait3A_1729] : memref<16384x2048xf32, #tpu.memory_space<hbm>> -> memref<16x2048xf32, #tpu.memory_space<hbm>>
    tpu.wait_dma2 semaphore(%arg12 : memref<!tpu.dma_semaphore, #tpu.memory_space<semaphore_mem>>) src(%dma_wait3A_1730 : memref<16x2048xf32, #tpu.memory_space<hbm>>) dst(%arg9 : memref<16x2048xf32, #tpu.memory_space<vmem>>)
    %add3A_1731 = arith.constant 368 : i32
    %add3A_1732 = arith.addi %mul3A_2, %add3A_1731 : i32
    %dma_start3A_1733 = arith.constant 0 : i32
    %dma_start3A_1734 = tpu.memref_slice %arg4[%add3A_1732, %dma_start3A_1733] : memref<16384x2048xf32, #tpu.memory_space<hbm>> -> memref<16x2048xf32, #tpu.memory_space<hbm>>
    %dma_start3A_1735 = arith.constant 0 : i32
    %dma_start3A_1736 = tpu.memref_slice %arg4[%add3A_1732, %dma_start3A_1735] : memref<16384x2048xf32, #tpu.memory_space<hbm>> -> memref<16x2048xf32, #tpu.memory_space<hbm>>
    tpu.enqueue_dma source(%arg9 : memref<16x2048xf32, #tpu.memory_space<vmem>>) target(%dma_start3A_1736 : memref<16x2048xf32, #tpu.memory_space<hbm>>) target_semaphore(%arg15 : memref<!tpu.dma_semaphore, #tpu.memory_space<semaphore_mem>>)
    %dma_wait3A_1737 = arith.constant 0 : i32
    %dma_wait3A_1738 = tpu.memref_slice %arg4[%add3A_1663, %dma_wait3A_1737] : memref<16384x2048xf32, #tpu.memory_space<hbm>> -> memref<16x2048xf32, #tpu.memory_space<hbm>>
    %dma_wait3A_1739 = arith.constant 0 : i32
    %dma_wait3A_1740 = tpu.memref_slice %arg4[%add3A_1663, %dma_wait3A_1739] : memref<16384x2048xf32, #tpu.memory_space<hbm>> -> memref<16x2048xf32, #tpu.memory_space<hbm>>
    tpu.wait_dma2 semaphore(%arg14 : memref<!tpu.dma_semaphore, #tpu.memory_space<semaphore_mem>>) src(%arg8 : memref<16x2048xf32, #tpu.memory_space<vmem>>) dst(%dma_wait3A_1740 : memref<16x2048xf32, #tpu.memory_space<hbm>>)
    %add3A_1741 = arith.constant 400 : i32
    %add3A_1742 = arith.addi %mul3A_2, %add3A_1741 : i32
    %iota3A_1743 = tpu.iota {dimensions = array<i32: 0>} : vector<16xi32>
    %add3A_1744 = vector.broadcast %add3A_1742 : i32 to vector<16xi32>
    %add3A_1745 = arith.addi %add3A_1744, %iota3A_1743 : vector<16xi32>
    %broadcast_in_dim3A_1746 = arith.constant 0 : i32
    %broadcast_in_dim3A_1747 = vector.broadcast %broadcast_in_dim3A_1746 : i32 to vector<16xi32>
    %add3A_1748 = arith.constant 16 : i32
    %add3A_1749 = vector.broadcast %add3A_1748 : i32 to vector<16xi32>
    %add3A_1750 = arith.addi %broadcast_in_dim3A_1747, %add3A_1749 : vector<16xi32>
    %gather3A_1751 = tpu.vector_load_idx %arg6[%add3A_1750] : memref<32xi32, #tpu.memory_space<vmem>>[vector<16xi32>], vector<16xi32>,
    %le3A_1752 = arith.cmpi sle, %gather3A_1751, %add3A_1745 : vector<16xi32>
    %select_n3A_1753 = arith.select %le3A_1752, %add3A_1750, %broadcast_in_dim3A_1747 : vector<16xi1>, vector<16xi32>
    %add3A_1754 = arith.constant 8 : i32
    %add3A_1755 = vector.broadcast %add3A_1754 : i32 to vector<16xi32>
    %add3A_1756 = arith.addi %select_n3A_1753, %add3A_1755 : vector<16xi32>
    %gather3A_1757 = tpu.vector_load_idx %arg6[%add3A_1756] : memref<32xi32, #tpu.memory_space<vmem>>[vector<16xi32>], vector<16xi32>,
    %le3A_1758 = arith.cmpi sle, %gather3A_1757, %add3A_1745 : vector<16xi32>
    %select_n3A_1759 = arith.select %le3A_1758, %add3A_1756, %select_n3A_1753 : vector<16xi1>, vector<16xi32>
    %add3A_1760 = arith.constant 4 : i32
    %add3A_1761 = vector.broadcast %add3A_1760 : i32 to vector<16xi32>
    %add3A_1762 = arith.addi %select_n3A_1759, %add3A_1761 : vector<16xi32>
    %gather3A_1763 = tpu.vector_load_idx %arg6[%add3A_1762] : memref<32xi32, #tpu.memory_space<vmem>>[vector<16xi32>], vector<16xi32>,
    %le3A_1764 = arith.cmpi sle, %gather3A_1763, %add3A_1745 : vector<16xi32>
    %select_n3A_1765 = arith.select %le3A_1764, %add3A_1762, %select_n3A_1759 : vector<16xi1>, vector<16xi32>
    %add3A_1766 = arith.constant 2 : i32
    %add3A_1767 = vector.broadcast %add3A_1766 : i32 to vector<16xi32>
    %add3A_1768 = arith.addi %select_n3A_1765, %add3A_1767 : vector<16xi32>
    %gather3A_1769 = tpu.vector_load_idx %arg6[%add3A_1768] : memref<32xi32, #tpu.memory_space<vmem>>[vector<16xi32>], vector<16xi32>,
    %le3A_1770 = arith.cmpi sle, %gather3A_1769, %add3A_1745 : vector<16xi32>
    %select_n3A_1771 = arith.select %le3A_1770, %add3A_1768, %select_n3A_1765 : vector<16xi1>, vector<16xi32>
    %add3A_1772 = arith.constant 1 : i32
    %add3A_1773 = vector.broadcast %add3A_1772 : i32 to vector<16xi32>
    %add3A_1774 = arith.addi %select_n3A_1771, %add3A_1773 : vector<16xi32>
    %gather3A_1775 = tpu.vector_load_idx %arg6[%add3A_1774] : memref<32xi32, #tpu.memory_space<vmem>>[vector<16xi32>], vector<16xi32>,
    %le3A_1776 = arith.cmpi sle, %gather3A_1775, %add3A_1745 : vector<16xi32>
    %select_n3A_1777 = arith.select %le3A_1776, %add3A_1774, %select_n3A_1771 : vector<16xi1>, vector<16xi32>
    %sub3A_1778 = arith.constant 15 : i32
    %sub3A_1779 = vector.broadcast %sub3A_1778 : i32 to vector<16xi32>
    %sub3A_1780 = arith.subi %sub3A_1779, %select_n3A_1777 : vector<16xi32>
    %gather3A_1781 = tpu.vector_load_idx %arg5[%sub3A_1780] : memref<17xi32, #tpu.memory_space<vmem>>[vector<16xi32>], vector<16xi32>,
    %sub3A_1782 = arith.constant 16 : i32
    %sub3A_1783 = vector.broadcast %sub3A_1782 : i32 to vector<16xi32>
    %sub3A_1784 = arith.subi %sub3A_1783, %select_n3A_1777 : vector<16xi32>
    %gather3A_1785 = tpu.vector_load_idx %arg5[%sub3A_1784] : memref<17xi32, #tpu.memory_space<vmem>>[vector<16xi32>], vector<16xi32>,
    %add3A_1786 = arith.addi %gather3A_1781, %gather3A_1785 : vector<16xi32>
    %add3A_1787 = arith.addi %add3A_1786, %add3A_1745 : vector<16xi32>
    %sub3A_1788 = arith.constant 16384 : i32
    %sub3A_1789 = vector.broadcast %sub3A_1788 : i32 to vector<16xi32>
    %sub3A_1790 = arith.subi %add3A_1787, %sub3A_1789 : vector<16xi32>
    %dma_start3A_1791 = arith.constant 0 : i32
    %dma_start3A_1792 = arith.constant 0 : i32
    %dma_start3A_1793 = tpu.memref_slice %arg2[%dma_start3A_1791, %dma_start3A_1792] : memref<16384x2048xf32, #tpu.memory_space<hbm>> -> memref<16384x2048xf32, #tpu.memory_space<hbm>>
    tpu.enqueue_indirect_dma source(%dma_start3A_1793 : memref<16384x2048xf32, #tpu.memory_space<hbm>>) target(%arg8 : memref<16x2048xf32, #tpu.memory_space<vmem>>) offsets(%sub3A_1790 : vector<16xi32>) semaphore(%arg11 : memref<!tpu.dma_semaphore, #tpu.memory_space<semaphore_mem>>)
    %dma_wait3A_1794 = arith.constant 0 : i32
    %dma_wait3A_1795 = arith.constant 0 : i32
    %dma_wait3A_1796 = tpu.memref_slice %arg2[%dma_wait3A_1794, %dma_wait3A_1795] : memref<16384x2048xf32, #tpu.memory_space<hbm>> -> memref<16x2048xf32, #tpu.memory_space<hbm>>
    %dma_wait3A_1797 = arith.constant 0 : i32
    %dma_wait3A_1798 = arith.constant 0 : i32
    %dma_wait3A_1799 = tpu.memref_slice %arg2[%dma_wait3A_1797, %dma_wait3A_1798] : memref<16384x2048xf32, #tpu.memory_space<hbm>> -> memref<16x2048xf32, #tpu.memory_space<hbm>>
    tpu.wait_dma2 semaphore(%arg10 : memref<!tpu.dma_semaphore, #tpu.memory_space<semaphore_mem>>) src(%dma_wait3A_1799 : memref<16x2048xf32, #tpu.memory_space<hbm>>) dst(%arg7 : memref<16x2048xf32, #tpu.memory_space<vmem>>)
    %add3A_1800 = arith.constant 384 : i32
    %add3A_1801 = arith.addi %mul3A_2, %add3A_1800 : i32
    %dma_start3A_1802 = arith.constant 0 : i32
    %dma_start3A_1803 = tpu.memref_slice %arg4[%add3A_1801, %dma_start3A_1802] : memref<16384x2048xf32, #tpu.memory_space<hbm>> -> memref<16x2048xf32, #tpu.memory_space<hbm>>
    %dma_start3A_1804 = arith.constant 0 : i32
    %dma_start3A_1805 = tpu.memref_slice %arg4[%add3A_1801, %dma_start3A_1804] : memref<16384x2048xf32, #tpu.memory_space<hbm>> -> memref<16x2048xf32, #tpu.memory_space<hbm>>
    tpu.enqueue_dma source(%arg7 : memref<16x2048xf32, #tpu.memory_space<vmem>>) target(%dma_start3A_1805 : memref<16x2048xf32, #tpu.memory_space<hbm>>) target_semaphore(%arg13 : memref<!tpu.dma_semaphore, #tpu.memory_space<semaphore_mem>>)
    %dma_wait3A_1806 = arith.constant 0 : i32
    %dma_wait3A_1807 = tpu.memref_slice %arg4[%add3A_1732, %dma_wait3A_1806] : memref<16384x2048xf32, #tpu.memory_space<hbm>> -> memref<16x2048xf32, #tpu.memory_space<hbm>>
    %dma_wait3A_1808 = arith.constant 0 : i32
    %dma_wait3A_1809 = tpu.memref_slice %arg4[%add3A_1732, %dma_wait3A_1808] : memref<16384x2048xf32, #tpu.memory_space<hbm>> -> memref<16x2048xf32, #tpu.memory_space<hbm>>
    tpu.wait_dma2 semaphore(%arg15 : memref<!tpu.dma_semaphore, #tpu.memory_space<semaphore_mem>>) src(%arg9 : memref<16x2048xf32, #tpu.memory_space<vmem>>) dst(%dma_wait3A_1809 : memref<16x2048xf32, #tpu.memory_space<hbm>>)
    %add3A_1810 = arith.constant 416 : i32
    %add3A_1811 = arith.addi %mul3A_2, %add3A_1810 : i32
    %iota3A_1812 = tpu.iota {dimensions = array<i32: 0>} : vector<16xi32>
    %add3A_1813 = vector.broadcast %add3A_1811 : i32 to vector<16xi32>
    %add3A_1814 = arith.addi %add3A_1813, %iota3A_1812 : vector<16xi32>
    %broadcast_in_dim3A_1815 = arith.constant 0 : i32
    %broadcast_in_dim3A_1816 = vector.broadcast %broadcast_in_dim3A_1815 : i32 to vector<16xi32>
    %add3A_1817 = arith.constant 16 : i32
    %add3A_1818 = vector.broadcast %add3A_1817 : i32 to vector<16xi32>
    %add3A_1819 = arith.addi %broadcast_in_dim3A_1816, %add3A_1818 : vector<16xi32>
    %gather3A_1820 = tpu.vector_load_idx %arg6[%add3A_1819] : memref<32xi32, #tpu.memory_space<vmem>>[vector<16xi32>], vector<16xi32>,
    %le3A_1821 = arith.cmpi sle, %gather3A_1820, %add3A_1814 : vector<16xi32>
    %select_n3A_1822 = arith.select %le3A_1821, %add3A_1819, %broadcast_in_dim3A_1816 : vector<16xi1>, vector<16xi32>
    %add3A_1823 = arith.constant 8 : i32
    %add3A_1824 = vector.broadcast %add3A_1823 : i32 to vector<16xi32>
    %add3A_1825 = arith.addi %select_n3A_1822, %add3A_1824 : vector<16xi32>
    %gather3A_1826 = tpu.vector_load_idx %arg6[%add3A_1825] : memref<32xi32, #tpu.memory_space<vmem>>[vector<16xi32>], vector<16xi32>,
    %le3A_1827 = arith.cmpi sle, %gather3A_1826, %add3A_1814 : vector<16xi32>
    %select_n3A_1828 = arith.select %le3A_1827, %add3A_1825, %select_n3A_1822 : vector<16xi1>, vector<16xi32>
    %add3A_1829 = arith.constant 4 : i32
    %add3A_1830 = vector.broadcast %add3A_1829 : i32 to vector<16xi32>
    %add3A_1831 = arith.addi %select_n3A_1828, %add3A_1830 : vector<16xi32>
    %gather3A_1832 = tpu.vector_load_idx %arg6[%add3A_1831] : memref<32xi32, #tpu.memory_space<vmem>>[vector<16xi32>], vector<16xi32>,
    %le3A_1833 = arith.cmpi sle, %gather3A_1832, %add3A_1814 : vector<16xi32>
    %select_n3A_1834 = arith.select %le3A_1833, %add3A_1831, %select_n3A_1828 : vector<16xi1>, vector<16xi32>
    %add3A_1835 = arith.constant 2 : i32
    %add3A_1836 = vector.broadcast %add3A_1835 : i32 to vector<16xi32>
    %add3A_1837 = arith.addi %select_n3A_1834, %add3A_1836 : vector<16xi32>
    %gather3A_1838 = tpu.vector_load_idx %arg6[%add3A_1837] : memref<32xi32, #tpu.memory_space<vmem>>[vector<16xi32>], vector<16xi32>,
    %le3A_1839 = arith.cmpi sle, %gather3A_1838, %add3A_1814 : vector<16xi32>
    %select_n3A_1840 = arith.select %le3A_1839, %add3A_1837, %select_n3A_1834 : vector<16xi1>, vector<16xi32>
    %add3A_1841 = arith.constant 1 : i32
    %add3A_1842 = vector.broadcast %add3A_1841 : i32 to vector<16xi32>
    %add3A_1843 = arith.addi %select_n3A_1840, %add3A_1842 : vector<16xi32>
    %gather3A_1844 = tpu.vector_load_idx %arg6[%add3A_1843] : memref<32xi32, #tpu.memory_space<vmem>>[vector<16xi32>], vector<16xi32>,
    %le3A_1845 = arith.cmpi sle, %gather3A_1844, %add3A_1814 : vector<16xi32>
    %select_n3A_1846 = arith.select %le3A_1845, %add3A_1843, %select_n3A_1840 : vector<16xi1>, vector<16xi32>
    %sub3A_1847 = arith.constant 15 : i32
    %sub3A_1848 = vector.broadcast %sub3A_1847 : i32 to vector<16xi32>
    %sub3A_1849 = arith.subi %sub3A_1848, %select_n3A_1846 : vector<16xi32>
    %gather3A_1850 = tpu.vector_load_idx %arg5[%sub3A_1849] : memref<17xi32, #tpu.memory_space<vmem>>[vector<16xi32>], vector<16xi32>,
    %sub3A_1851 = arith.constant 16 : i32
    %sub3A_1852 = vector.broadcast %sub3A_1851 : i32 to vector<16xi32>
    %sub3A_1853 = arith.subi %sub3A_1852, %select_n3A_1846 : vector<16xi32>
    %gather3A_1854 = tpu.vector_load_idx %arg5[%sub3A_1853] : memref<17xi32, #tpu.memory_space<vmem>>[vector<16xi32>], vector<16xi32>,
    %add3A_1855 = arith.addi %gather3A_1850, %gather3A_1854 : vector<16xi32>
    %add3A_1856 = arith.addi %add3A_1855, %add3A_1814 : vector<16xi32>
    %sub3A_1857 = arith.constant 16384 : i32
    %sub3A_1858 = vector.broadcast %sub3A_1857 : i32 to vector<16xi32>
    %sub3A_1859 = arith.subi %add3A_1856, %sub3A_1858 : vector<16xi32>
    %dma_start3A_1860 = arith.constant 0 : i32
    %dma_start3A_1861 = arith.constant 0 : i32
    %dma_start3A_1862 = tpu.memref_slice %arg2[%dma_start3A_1860, %dma_start3A_1861] : memref<16384x2048xf32, #tpu.memory_space<hbm>> -> memref<16384x2048xf32, #tpu.memory_space<hbm>>
    tpu.enqueue_indirect_dma source(%dma_start3A_1862 : memref<16384x2048xf32, #tpu.memory_space<hbm>>) target(%arg9 : memref<16x2048xf32, #tpu.memory_space<vmem>>) offsets(%sub3A_1859 : vector<16xi32>) semaphore(%arg12 : memref<!tpu.dma_semaphore, #tpu.memory_space<semaphore_mem>>)
    %dma_wait3A_1863 = arith.constant 0 : i32
    %dma_wait3A_1864 = arith.constant 0 : i32
    %dma_wait3A_1865 = tpu.memref_slice %arg2[%dma_wait3A_1863, %dma_wait3A_1864] : memref<16384x2048xf32, #tpu.memory_space<hbm>> -> memref<16x2048xf32, #tpu.memory_space<hbm>>
    %dma_wait3A_1866 = arith.constant 0 : i32
    %dma_wait3A_1867 = arith.constant 0 : i32
    %dma_wait3A_1868 = tpu.memref_slice %arg2[%dma_wait3A_1866, %dma_wait3A_1867] : memref<16384x2048xf32, #tpu.memory_space<hbm>> -> memref<16x2048xf32, #tpu.memory_space<hbm>>
    tpu.wait_dma2 semaphore(%arg11 : memref<!tpu.dma_semaphore, #tpu.memory_space<semaphore_mem>>) src(%dma_wait3A_1868 : memref<16x2048xf32, #tpu.memory_space<hbm>>) dst(%arg8 : memref<16x2048xf32, #tpu.memory_space<vmem>>)
    %add3A_1869 = arith.constant 400 : i32
    %add3A_1870 = arith.addi %mul3A_2, %add3A_1869 : i32
    %dma_start3A_1871 = arith.constant 0 : i32
    %dma_start3A_1872 = tpu.memref_slice %arg4[%add3A_1870, %dma_start3A_1871] : memref<16384x2048xf32, #tpu.memory_space<hbm>> -> memref<16x2048xf32, #tpu.memory_space<hbm>>
    %dma_start3A_1873 = arith.constant 0 : i32
    %dma_start3A_1874 = tpu.memref_slice %arg4[%add3A_1870, %dma_start3A_1873] : memref<16384x2048xf32, #tpu.memory_space<hbm>> -> memref<16x2048xf32, #tpu.memory_space<hbm>>
    tpu.enqueue_dma source(%arg8 : memref<16x2048xf32, #tpu.memory_space<vmem>>) target(%dma_start3A_1874 : memref<16x2048xf32, #tpu.memory_space<hbm>>) target_semaphore(%arg14 : memref<!tpu.dma_semaphore, #tpu.memory_space<semaphore_mem>>)
    %dma_wait3A_1875 = arith.constant 0 : i32
    %dma_wait3A_1876 = tpu.memref_slice %arg4[%add3A_1801, %dma_wait3A_1875] : memref<16384x2048xf32, #tpu.memory_space<hbm>> -> memref<16x2048xf32, #tpu.memory_space<hbm>>
    %dma_wait3A_1877 = arith.constant 0 : i32
    %dma_wait3A_1878 = tpu.memref_slice %arg4[%add3A_1801, %dma_wait3A_1877] : memref<16384x2048xf32, #tpu.memory_space<hbm>> -> memref<16x2048xf32, #tpu.memory_space<hbm>>
    tpu.wait_dma2 semaphore(%arg13 : memref<!tpu.dma_semaphore, #tpu.memory_space<semaphore_mem>>) src(%arg7 : memref<16x2048xf32, #tpu.memory_space<vmem>>) dst(%dma_wait3A_1878 : memref<16x2048xf32, #tpu.memory_space<hbm>>)
    %add3A_1879 = arith.constant 432 : i32
    %add3A_1880 = arith.addi %mul3A_2, %add3A_1879 : i32
    %iota3A_1881 = tpu.iota {dimensions = array<i32: 0>} : vector<16xi32>
    %add3A_1882 = vector.broadcast %add3A_1880 : i32 to vector<16xi32>
    %add3A_1883 = arith.addi %add3A_1882, %iota3A_1881 : vector<16xi32>
    %broadcast_in_dim3A_1884 = arith.constant 0 : i32
    %broadcast_in_dim3A_1885 = vector.broadcast %broadcast_in_dim3A_1884 : i32 to vector<16xi32>
    %add3A_1886 = arith.constant 16 : i32
    %add3A_1887 = vector.broadcast %add3A_1886 : i32 to vector<16xi32>
    %add3A_1888 = arith.addi %broadcast_in_dim3A_1885, %add3A_1887 : vector<16xi32>
    %gather3A_1889 = tpu.vector_load_idx %arg6[%add3A_1888] : memref<32xi32, #tpu.memory_space<vmem>>[vector<16xi32>], vector<16xi32>,
    %le3A_1890 = arith.cmpi sle, %gather3A_1889, %add3A_1883 : vector<16xi32>
    %select_n3A_1891 = arith.select %le3A_1890, %add3A_1888, %broadcast_in_dim3A_1885 : vector<16xi1>, vector<16xi32>
    %add3A_1892 = arith.constant 8 : i32
    %add3A_1893 = vector.broadcast %add3A_1892 : i32 to vector<16xi32>
    %add3A_1894 = arith.addi %select_n3A_1891, %add3A_1893 : vector<16xi32>
    %gather3A_1895 = tpu.vector_load_idx %arg6[%add3A_1894] : memref<32xi32, #tpu.memory_space<vmem>>[vector<16xi32>], vector<16xi32>,
    %le3A_1896 = arith.cmpi sle, %gather3A_1895, %add3A_1883 : vector<16xi32>
    %select_n3A_1897 = arith.select %le3A_1896, %add3A_1894, %select_n3A_1891 : vector<16xi1>, vector<16xi32>
    %add3A_1898 = arith.constant 4 : i32
    %add3A_1899 = vector.broadcast %add3A_1898 : i32 to vector<16xi32>
    %add3A_1900 = arith.addi %select_n3A_1897, %add3A_1899 : vector<16xi32>
    %gather3A_1901 = tpu.vector_load_idx %arg6[%add3A_1900] : memref<32xi32, #tpu.memory_space<vmem>>[vector<16xi32>], vector<16xi32>,
    %le3A_1902 = arith.cmpi sle, %gather3A_1901, %add3A_1883 : vector<16xi32>
    %select_n3A_1903 = arith.select %le3A_1902, %add3A_1900, %select_n3A_1897 : vector<16xi1>, vector<16xi32>
    %add3A_1904 = arith.constant 2 : i32
    %add3A_1905 = vector.broadcast %add3A_1904 : i32 to vector<16xi32>
    %add3A_1906 = arith.addi %select_n3A_1903, %add3A_1905 : vector<16xi32>
    %gather3A_1907 = tpu.vector_load_idx %arg6[%add3A_1906] : memref<32xi32, #tpu.memory_space<vmem>>[vector<16xi32>], vector<16xi32>,
    %le3A_1908 = arith.cmpi sle, %gather3A_1907, %add3A_1883 : vector<16xi32>
    %select_n3A_1909 = arith.select %le3A_1908, %add3A_1906, %select_n3A_1903 : vector<16xi1>, vector<16xi32>
    %add3A_1910 = arith.constant 1 : i32
    %add3A_1911 = vector.broadcast %add3A_1910 : i32 to vector<16xi32>
    %add3A_1912 = arith.addi %select_n3A_1909, %add3A_1911 : vector<16xi32>
    %gather3A_1913 = tpu.vector_load_idx %arg6[%add3A_1912] : memref<32xi32, #tpu.memory_space<vmem>>[vector<16xi32>], vector<16xi32>,
    %le3A_1914 = arith.cmpi sle, %gather3A_1913, %add3A_1883 : vector<16xi32>
    %select_n3A_1915 = arith.select %le3A_1914, %add3A_1912, %select_n3A_1909 : vector<16xi1>, vector<16xi32>
    %sub3A_1916 = arith.constant 15 : i32
    %sub3A_1917 = vector.broadcast %sub3A_1916 : i32 to vector<16xi32>
    %sub3A_1918 = arith.subi %sub3A_1917, %select_n3A_1915 : vector<16xi32>
    %gather3A_1919 = tpu.vector_load_idx %arg5[%sub3A_1918] : memref<17xi32, #tpu.memory_space<vmem>>[vector<16xi32>], vector<16xi32>,
    %sub3A_1920 = arith.constant 16 : i32
    %sub3A_1921 = vector.broadcast %sub3A_1920 : i32 to vector<16xi32>
    %sub3A_1922 = arith.subi %sub3A_1921, %select_n3A_1915 : vector<16xi32>
    %gather3A_1923 = tpu.vector_load_idx %arg5[%sub3A_1922] : memref<17xi32, #tpu.memory_space<vmem>>[vector<16xi32>], vector<16xi32>,
    %add3A_1924 = arith.addi %gather3A_1919, %gather3A_1923 : vector<16xi32>
    %add3A_1925 = arith.addi %add3A_1924, %add3A_1883 : vector<16xi32>
    %sub3A_1926 = arith.constant 16384 : i32
    %sub3A_1927 = vector.broadcast %sub3A_1926 : i32 to vector<16xi32>
    %sub3A_1928 = arith.subi %add3A_1925, %sub3A_1927 : vector<16xi32>
    %dma_start3A_1929 = arith.constant 0 : i32
    %dma_start3A_1930 = arith.constant 0 : i32
    %dma_start3A_1931 = tpu.memref_slice %arg2[%dma_start3A_1929, %dma_start3A_1930] : memref<16384x2048xf32, #tpu.memory_space<hbm>> -> memref<16384x2048xf32, #tpu.memory_space<hbm>>
    tpu.enqueue_indirect_dma source(%dma_start3A_1931 : memref<16384x2048xf32, #tpu.memory_space<hbm>>) target(%arg7 : memref<16x2048xf32, #tpu.memory_space<vmem>>) offsets(%sub3A_1928 : vector<16xi32>) semaphore(%arg10 : memref<!tpu.dma_semaphore, #tpu.memory_space<semaphore_mem>>)
    %dma_wait3A_1932 = arith.constant 0 : i32
    %dma_wait3A_1933 = arith.constant 0 : i32
    %dma_wait3A_1934 = tpu.memref_slice %arg2[%dma_wait3A_1932, %dma_wait3A_1933] : memref<16384x2048xf32, #tpu.memory_space<hbm>> -> memref<16x2048xf32, #tpu.memory_space<hbm>>
    %dma_wait3A_1935 = arith.constant 0 : i32
    %dma_wait3A_1936 = arith.constant 0 : i32
    %dma_wait3A_1937 = tpu.memref_slice %arg2[%dma_wait3A_1935, %dma_wait3A_1936] : memref<16384x2048xf32, #tpu.memory_space<hbm>> -> memref<16x2048xf32, #tpu.memory_space<hbm>>
    tpu.wait_dma2 semaphore(%arg12 : memref<!tpu.dma_semaphore, #tpu.memory_space<semaphore_mem>>) src(%dma_wait3A_1937 : memref<16x2048xf32, #tpu.memory_space<hbm>>) dst(%arg9 : memref<16x2048xf32, #tpu.memory_space<vmem>>)
    %add3A_1938 = arith.constant 416 : i32
    %add3A_1939 = arith.addi %mul3A_2, %add3A_1938 : i32
    %dma_start3A_1940 = arith.constant 0 : i32
    %dma_start3A_1941 = tpu.memref_slice %arg4[%add3A_1939, %dma_start3A_1940] : memref<16384x2048xf32, #tpu.memory_space<hbm>> -> memref<16x2048xf32, #tpu.memory_space<hbm>>
    %dma_start3A_1942 = arith.constant 0 : i32
    %dma_start3A_1943 = tpu.memref_slice %arg4[%add3A_1939, %dma_start3A_1942] : memref<16384x2048xf32, #tpu.memory_space<hbm>> -> memref<16x2048xf32, #tpu.memory_space<hbm>>
    tpu.enqueue_dma source(%arg9 : memref<16x2048xf32, #tpu.memory_space<vmem>>) target(%dma_start3A_1943 : memref<16x2048xf32, #tpu.memory_space<hbm>>) target_semaphore(%arg15 : memref<!tpu.dma_semaphore, #tpu.memory_space<semaphore_mem>>)
    %dma_wait3A_1944 = arith.constant 0 : i32
    %dma_wait3A_1945 = tpu.memref_slice %arg4[%add3A_1870, %dma_wait3A_1944] : memref<16384x2048xf32, #tpu.memory_space<hbm>> -> memref<16x2048xf32, #tpu.memory_space<hbm>>
    %dma_wait3A_1946 = arith.constant 0 : i32
    %dma_wait3A_1947 = tpu.memref_slice %arg4[%add3A_1870, %dma_wait3A_1946] : memref<16384x2048xf32, #tpu.memory_space<hbm>> -> memref<16x2048xf32, #tpu.memory_space<hbm>>
    tpu.wait_dma2 semaphore(%arg14 : memref<!tpu.dma_semaphore, #tpu.memory_space<semaphore_mem>>) src(%arg8 : memref<16x2048xf32, #tpu.memory_space<vmem>>) dst(%dma_wait3A_1947 : memref<16x2048xf32, #tpu.memory_space<hbm>>)
    %add3A_1948 = arith.constant 448 : i32
    %add3A_1949 = arith.addi %mul3A_2, %add3A_1948 : i32
    %iota3A_1950 = tpu.iota {dimensions = array<i32: 0>} : vector<16xi32>
    %add3A_1951 = vector.broadcast %add3A_1949 : i32 to vector<16xi32>
    %add3A_1952 = arith.addi %add3A_1951, %iota3A_1950 : vector<16xi32>
    %broadcast_in_dim3A_1953 = arith.constant 0 : i32
    %broadcast_in_dim3A_1954 = vector.broadcast %broadcast_in_dim3A_1953 : i32 to vector<16xi32>
    %add3A_1955 = arith.constant 16 : i32
    %add3A_1956 = vector.broadcast %add3A_1955 : i32 to vector<16xi32>
    %add3A_1957 = arith.addi %broadcast_in_dim3A_1954, %add3A_1956 : vector<16xi32>
    %gather3A_1958 = tpu.vector_load_idx %arg6[%add3A_1957] : memref<32xi32, #tpu.memory_space<vmem>>[vector<16xi32>], vector<16xi32>,
    %le3A_1959 = arith.cmpi sle, %gather3A_1958, %add3A_1952 : vector<16xi32>
    %select_n3A_1960 = arith.select %le3A_1959, %add3A_1957, %broadcast_in_dim3A_1954 : vector<16xi1>, vector<16xi32>
    %add3A_1961 = arith.constant 8 : i32
    %add3A_1962 = vector.broadcast %add3A_1961 : i32 to vector<16xi32>
    %add3A_1963 = arith.addi %select_n3A_1960, %add3A_1962 : vector<16xi32>
    %gather3A_1964 = tpu.vector_load_idx %arg6[%add3A_1963] : memref<32xi32, #tpu.memory_space<vmem>>[vector<16xi32>], vector<16xi32>,
    %le3A_1965 = arith.cmpi sle, %gather3A_1964, %add3A_1952 : vector<16xi32>
    %select_n3A_1966 = arith.select %le3A_1965, %add3A_1963, %select_n3A_1960 : vector<16xi1>, vector<16xi32>
    %add3A_1967 = arith.constant 4 : i32
    %add3A_1968 = vector.broadcast %add3A_1967 : i32 to vector<16xi32>
    %add3A_1969 = arith.addi %select_n3A_1966, %add3A_1968 : vector<16xi32>
    %gather3A_1970 = tpu.vector_load_idx %arg6[%add3A_1969] : memref<32xi32, #tpu.memory_space<vmem>>[vector<16xi32>], vector<16xi32>,
    %le3A_1971 = arith.cmpi sle, %gather3A_1970, %add3A_1952 : vector<16xi32>
    %select_n3A_1972 = arith.select %le3A_1971, %add3A_1969, %select_n3A_1966 : vector<16xi1>, vector<16xi32>
    %add3A_1973 = arith.constant 2 : i32
    %add3A_1974 = vector.broadcast %add3A_1973 : i32 to vector<16xi32>
    %add3A_1975 = arith.addi %select_n3A_1972, %add3A_1974 : vector<16xi32>
    %gather3A_1976 = tpu.vector_load_idx %arg6[%add3A_1975] : memref<32xi32, #tpu.memory_space<vmem>>[vector<16xi32>], vector<16xi32>,
    %le3A_1977 = arith.cmpi sle, %gather3A_1976, %add3A_1952 : vector<16xi32>
    %select_n3A_1978 = arith.select %le3A_1977, %add3A_1975, %select_n3A_1972 : vector<16xi1>, vector<16xi32>
    %add3A_1979 = arith.constant 1 : i32
    %add3A_1980 = vector.broadcast %add3A_1979 : i32 to vector<16xi32>
    %add3A_1981 = arith.addi %select_n3A_1978, %add3A_1980 : vector<16xi32>
    %gather3A_1982 = tpu.vector_load_idx %arg6[%add3A_1981] : memref<32xi32, #tpu.memory_space<vmem>>[vector<16xi32>], vector<16xi32>,
    %le3A_1983 = arith.cmpi sle, %gather3A_1982, %add3A_1952 : vector<16xi32>
    %select_n3A_1984 = arith.select %le3A_1983, %add3A_1981, %select_n3A_1978 : vector<16xi1>, vector<16xi32>
    %sub3A_1985 = arith.constant 15 : i32
    %sub3A_1986 = vector.broadcast %sub3A_1985 : i32 to vector<16xi32>
    %sub3A_1987 = arith.subi %sub3A_1986, %select_n3A_1984 : vector<16xi32>
    %gather3A_1988 = tpu.vector_load_idx %arg5[%sub3A_1987] : memref<17xi32, #tpu.memory_space<vmem>>[vector<16xi32>], vector<16xi32>,
    %sub3A_1989 = arith.constant 16 : i32
    %sub3A_1990 = vector.broadcast %sub3A_1989 : i32 to vector<16xi32>
    %sub3A_1991 = arith.subi %sub3A_1990, %select_n3A_1984 : vector<16xi32>
    %gather3A_1992 = tpu.vector_load_idx %arg5[%sub3A_1991] : memref<17xi32, #tpu.memory_space<vmem>>[vector<16xi32>], vector<16xi32>,
    %add3A_1993 = arith.addi %gather3A_1988, %gather3A_1992 : vector<16xi32>
    %add3A_1994 = arith.addi %add3A_1993, %add3A_1952 : vector<16xi32>
    %sub3A_1995 = arith.constant 16384 : i32
    %sub3A_1996 = vector.broadcast %sub3A_1995 : i32 to vector<16xi32>
    %sub3A_1997 = arith.subi %add3A_1994, %sub3A_1996 : vector<16xi32>
    %dma_start3A_1998 = arith.constant 0 : i32
    %dma_start3A_1999 = arith.constant 0 : i32
    %dma_start3A_2000 = tpu.memref_slice %arg2[%dma_start3A_1998, %dma_start3A_1999] : memref<16384x2048xf32, #tpu.memory_space<hbm>> -> memref<16384x2048xf32, #tpu.memory_space<hbm>>
    tpu.enqueue_indirect_dma source(%dma_start3A_2000 : memref<16384x2048xf32, #tpu.memory_space<hbm>>) target(%arg8 : memref<16x2048xf32, #tpu.memory_space<vmem>>) offsets(%sub3A_1997 : vector<16xi32>) semaphore(%arg11 : memref<!tpu.dma_semaphore, #tpu.memory_space<semaphore_mem>>)
    %dma_wait3A_2001 = arith.constant 0 : i32
    %dma_wait3A_2002 = arith.constant 0 : i32
    %dma_wait3A_2003 = tpu.memref_slice %arg2[%dma_wait3A_2001, %dma_wait3A_2002] : memref<16384x2048xf32, #tpu.memory_space<hbm>> -> memref<16x2048xf32, #tpu.memory_space<hbm>>
    %dma_wait3A_2004 = arith.constant 0 : i32
    %dma_wait3A_2005 = arith.constant 0 : i32
    %dma_wait3A_2006 = tpu.memref_slice %arg2[%dma_wait3A_2004, %dma_wait3A_2005] : memref<16384x2048xf32, #tpu.memory_space<hbm>> -> memref<16x2048xf32, #tpu.memory_space<hbm>>
    tpu.wait_dma2 semaphore(%arg10 : memref<!tpu.dma_semaphore, #tpu.memory_space<semaphore_mem>>) src(%dma_wait3A_2006 : memref<16x2048xf32, #tpu.memory_space<hbm>>) dst(%arg7 : memref<16x2048xf32, #tpu.memory_space<vmem>>)
    %add3A_2007 = arith.constant 432 : i32
    %add3A_2008 = arith.addi %mul3A_2, %add3A_2007 : i32
    %dma_start3A_2009 = arith.constant 0 : i32
    %dma_start3A_2010 = tpu.memref_slice %arg4[%add3A_2008, %dma_start3A_2009] : memref<16384x2048xf32, #tpu.memory_space<hbm>> -> memref<16x2048xf32, #tpu.memory_space<hbm>>
    %dma_start3A_2011 = arith.constant 0 : i32
    %dma_start3A_2012 = tpu.memref_slice %arg4[%add3A_2008, %dma_start3A_2011] : memref<16384x2048xf32, #tpu.memory_space<hbm>> -> memref<16x2048xf32, #tpu.memory_space<hbm>>
    tpu.enqueue_dma source(%arg7 : memref<16x2048xf32, #tpu.memory_space<vmem>>) target(%dma_start3A_2012 : memref<16x2048xf32, #tpu.memory_space<hbm>>) target_semaphore(%arg13 : memref<!tpu.dma_semaphore, #tpu.memory_space<semaphore_mem>>)
    %dma_wait3A_2013 = arith.constant 0 : i32
    %dma_wait3A_2014 = tpu.memref_slice %arg4[%add3A_1939, %dma_wait3A_2013] : memref<16384x2048xf32, #tpu.memory_space<hbm>> -> memref<16x2048xf32, #tpu.memory_space<hbm>>
    %dma_wait3A_2015 = arith.constant 0 : i32
    %dma_wait3A_2016 = tpu.memref_slice %arg4[%add3A_1939, %dma_wait3A_2015] : memref<16384x2048xf32, #tpu.memory_space<hbm>> -> memref<16x2048xf32, #tpu.memory_space<hbm>>
    tpu.wait_dma2 semaphore(%arg15 : memref<!tpu.dma_semaphore, #tpu.memory_space<semaphore_mem>>) src(%arg9 : memref<16x2048xf32, #tpu.memory_space<vmem>>) dst(%dma_wait3A_2016 : memref<16x2048xf32, #tpu.memory_space<hbm>>)
    %add3A_2017 = arith.constant 464 : i32
    %add3A_2018 = arith.addi %mul3A_2, %add3A_2017 : i32
    %iota3A_2019 = tpu.iota {dimensions = array<i32: 0>} : vector<16xi32>
    %add3A_2020 = vector.broadcast %add3A_2018 : i32 to vector<16xi32>
    %add3A_2021 = arith.addi %add3A_2020, %iota3A_2019 : vector<16xi32>
    %broadcast_in_dim3A_2022 = arith.constant 0 : i32
    %broadcast_in_dim3A_2023 = vector.broadcast %broadcast_in_dim3A_2022 : i32 to vector<16xi32>
    %add3A_2024 = arith.constant 16 : i32
    %add3A_2025 = vector.broadcast %add3A_2024 : i32 to vector<16xi32>
    %add3A_2026 = arith.addi %broadcast_in_dim3A_2023, %add3A_2025 : vector<16xi32>
    %gather3A_2027 = tpu.vector_load_idx %arg6[%add3A_2026] : memref<32xi32, #tpu.memory_space<vmem>>[vector<16xi32>], vector<16xi32>,
    %le3A_2028 = arith.cmpi sle, %gather3A_2027, %add3A_2021 : vector<16xi32>
    %select_n3A_2029 = arith.select %le3A_2028, %add3A_2026, %broadcast_in_dim3A_2023 : vector<16xi1>, vector<16xi32>
    %add3A_2030 = arith.constant 8 : i32
    %add3A_2031 = vector.broadcast %add3A_2030 : i32 to vector<16xi32>
    %add3A_2032 = arith.addi %select_n3A_2029, %add3A_2031 : vector<16xi32>
    %gather3A_2033 = tpu.vector_load_idx %arg6[%add3A_2032] : memref<32xi32, #tpu.memory_space<vmem>>[vector<16xi32>], vector<16xi32>,
    %le3A_2034 = arith.cmpi sle, %gather3A_2033, %add3A_2021 : vector<16xi32>
    %select_n3A_2035 = arith.select %le3A_2034, %add3A_2032, %select_n3A_2029 : vector<16xi1>, vector<16xi32>
    %add3A_2036 = arith.constant 4 : i32
    %add3A_2037 = vector.broadcast %add3A_2036 : i32 to vector<16xi32>
    %add3A_2038 = arith.addi %select_n3A_2035, %add3A_2037 : vector<16xi32>
    %gather3A_2039 = tpu.vector_load_idx %arg6[%add3A_2038] : memref<32xi32, #tpu.memory_space<vmem>>[vector<16xi32>], vector<16xi32>,
    %le3A_2040 = arith.cmpi sle, %gather3A_2039, %add3A_2021 : vector<16xi32>
    %select_n3A_2041 = arith.select %le3A_2040, %add3A_2038, %select_n3A_2035 : vector<16xi1>, vector<16xi32>
    %add3A_2042 = arith.constant 2 : i32
    %add3A_2043 = vector.broadcast %add3A_2042 : i32 to vector<16xi32>
    %add3A_2044 = arith.addi %select_n3A_2041, %add3A_2043 : vector<16xi32>
    %gather3A_2045 = tpu.vector_load_idx %arg6[%add3A_2044] : memref<32xi32, #tpu.memory_space<vmem>>[vector<16xi32>], vector<16xi32>,
    %le3A_2046 = arith.cmpi sle, %gather3A_2045, %add3A_2021 : vector<16xi32>
    %select_n3A_2047 = arith.select %le3A_2046, %add3A_2044, %select_n3A_2041 : vector<16xi1>, vector<16xi32>
    %add3A_2048 = arith.constant 1 : i32
    %add3A_2049 = vector.broadcast %add3A_2048 : i32 to vector<16xi32>
    %add3A_2050 = arith.addi %select_n3A_2047, %add3A_2049 : vector<16xi32>
    %gather3A_2051 = tpu.vector_load_idx %arg6[%add3A_2050] : memref<32xi32, #tpu.memory_space<vmem>>[vector<16xi32>], vector<16xi32>,
    %le3A_2052 = arith.cmpi sle, %gather3A_2051, %add3A_2021 : vector<16xi32>
    %select_n3A_2053 = arith.select %le3A_2052, %add3A_2050, %select_n3A_2047 : vector<16xi1>, vector<16xi32>
    %sub3A_2054 = arith.constant 15 : i32
    %sub3A_2055 = vector.broadcast %sub3A_2054 : i32 to vector<16xi32>
    %sub3A_2056 = arith.subi %sub3A_2055, %select_n3A_2053 : vector<16xi32>
    %gather3A_2057 = tpu.vector_load_idx %arg5[%sub3A_2056] : memref<17xi32, #tpu.memory_space<vmem>>[vector<16xi32>], vector<16xi32>,
    %sub3A_2058 = arith.constant 16 : i32
    %sub3A_2059 = vector.broadcast %sub3A_2058 : i32 to vector<16xi32>
    %sub3A_2060 = arith.subi %sub3A_2059, %select_n3A_2053 : vector<16xi32>
    %gather3A_2061 = tpu.vector_load_idx %arg5[%sub3A_2060] : memref<17xi32, #tpu.memory_space<vmem>>[vector<16xi32>], vector<16xi32>,
    %add3A_2062 = arith.addi %gather3A_2057, %gather3A_2061 : vector<16xi32>
    %add3A_2063 = arith.addi %add3A_2062, %add3A_2021 : vector<16xi32>
    %sub3A_2064 = arith.constant 16384 : i32
    %sub3A_2065 = vector.broadcast %sub3A_2064 : i32 to vector<16xi32>
    %sub3A_2066 = arith.subi %add3A_2063, %sub3A_2065 : vector<16xi32>
    %dma_start3A_2067 = arith.constant 0 : i32
    %dma_start3A_2068 = arith.constant 0 : i32
    %dma_start3A_2069 = tpu.memref_slice %arg2[%dma_start3A_2067, %dma_start3A_2068] : memref<16384x2048xf32, #tpu.memory_space<hbm>> -> memref<16384x2048xf32, #tpu.memory_space<hbm>>
    tpu.enqueue_indirect_dma source(%dma_start3A_2069 : memref<16384x2048xf32, #tpu.memory_space<hbm>>) target(%arg9 : memref<16x2048xf32, #tpu.memory_space<vmem>>) offsets(%sub3A_2066 : vector<16xi32>) semaphore(%arg12 : memref<!tpu.dma_semaphore, #tpu.memory_space<semaphore_mem>>)
    %dma_wait3A_2070 = arith.constant 0 : i32
    %dma_wait3A_2071 = arith.constant 0 : i32
    %dma_wait3A_2072 = tpu.memref_slice %arg2[%dma_wait3A_2070, %dma_wait3A_2071] : memref<16384x2048xf32, #tpu.memory_space<hbm>> -> memref<16x2048xf32, #tpu.memory_space<hbm>>
    %dma_wait3A_2073 = arith.constant 0 : i32
    %dma_wait3A_2074 = arith.constant 0 : i32
    %dma_wait3A_2075 = tpu.memref_slice %arg2[%dma_wait3A_2073, %dma_wait3A_2074] : memref<16384x2048xf32, #tpu.memory_space<hbm>> -> memref<16x2048xf32, #tpu.memory_space<hbm>>
    tpu.wait_dma2 semaphore(%arg11 : memref<!tpu.dma_semaphore, #tpu.memory_space<semaphore_mem>>) src(%dma_wait3A_2075 : memref<16x2048xf32, #tpu.memory_space<hbm>>) dst(%arg8 : memref<16x2048xf32, #tpu.memory_space<vmem>>)
    %add3A_2076 = arith.constant 448 : i32
    %add3A_2077 = arith.addi %mul3A_2, %add3A_2076 : i32
    %dma_start3A_2078 = arith.constant 0 : i32
    %dma_start3A_2079 = tpu.memref_slice %arg4[%add3A_2077, %dma_start3A_2078] : memref<16384x2048xf32, #tpu.memory_space<hbm>> -> memref<16x2048xf32, #tpu.memory_space<hbm>>
    %dma_start3A_2080 = arith.constant 0 : i32
    %dma_start3A_2081 = tpu.memref_slice %arg4[%add3A_2077, %dma_start3A_2080] : memref<16384x2048xf32, #tpu.memory_space<hbm>> -> memref<16x2048xf32, #tpu.memory_space<hbm>>
    tpu.enqueue_dma source(%arg8 : memref<16x2048xf32, #tpu.memory_space<vmem>>) target(%dma_start3A_2081 : memref<16x2048xf32, #tpu.memory_space<hbm>>) target_semaphore(%arg14 : memref<!tpu.dma_semaphore, #tpu.memory_space<semaphore_mem>>)
    %dma_wait3A_2082 = arith.constant 0 : i32
    %dma_wait3A_2083 = tpu.memref_slice %arg4[%add3A_2008, %dma_wait3A_2082] : memref<16384x2048xf32, #tpu.memory_space<hbm>> -> memref<16x2048xf32, #tpu.memory_space<hbm>>
    %dma_wait3A_2084 = arith.constant 0 : i32
    %dma_wait3A_2085 = tpu.memref_slice %arg4[%add3A_2008, %dma_wait3A_2084] : memref<16384x2048xf32, #tpu.memory_space<hbm>> -> memref<16x2048xf32, #tpu.memory_space<hbm>>
    tpu.wait_dma2 semaphore(%arg13 : memref<!tpu.dma_semaphore, #tpu.memory_space<semaphore_mem>>) src(%arg7 : memref<16x2048xf32, #tpu.memory_space<vmem>>) dst(%dma_wait3A_2085 : memref<16x2048xf32, #tpu.memory_space<hbm>>)
    %add3A_2086 = arith.constant 480 : i32
    %add3A_2087 = arith.addi %mul3A_2, %add3A_2086 : i32
    %iota3A_2088 = tpu.iota {dimensions = array<i32: 0>} : vector<16xi32>
    %add3A_2089 = vector.broadcast %add3A_2087 : i32 to vector<16xi32>
    %add3A_2090 = arith.addi %add3A_2089, %iota3A_2088 : vector<16xi32>
    %broadcast_in_dim3A_2091 = arith.constant 0 : i32
    %broadcast_in_dim3A_2092 = vector.broadcast %broadcast_in_dim3A_2091 : i32 to vector<16xi32>
    %add3A_2093 = arith.constant 16 : i32
    %add3A_2094 = vector.broadcast %add3A_2093 : i32 to vector<16xi32>
    %add3A_2095 = arith.addi %broadcast_in_dim3A_2092, %add3A_2094 : vector<16xi32>
    %gather3A_2096 = tpu.vector_load_idx %arg6[%add3A_2095] : memref<32xi32, #tpu.memory_space<vmem>>[vector<16xi32>], vector<16xi32>,
    %le3A_2097 = arith.cmpi sle, %gather3A_2096, %add3A_2090 : vector<16xi32>
    %select_n3A_2098 = arith.select %le3A_2097, %add3A_2095, %broadcast_in_dim3A_2092 : vector<16xi1>, vector<16xi32>
    %add3A_2099 = arith.constant 8 : i32
    %add3A_2100 = vector.broadcast %add3A_2099 : i32 to vector<16xi32>
    %add3A_2101 = arith.addi %select_n3A_2098, %add3A_2100 : vector<16xi32>
    %gather3A_2102 = tpu.vector_load_idx %arg6[%add3A_2101] : memref<32xi32, #tpu.memory_space<vmem>>[vector<16xi32>], vector<16xi32>,
    %le3A_2103 = arith.cmpi sle, %gather3A_2102, %add3A_2090 : vector<16xi32>
    %select_n3A_2104 = arith.select %le3A_2103, %add3A_2101, %select_n3A_2098 : vector<16xi1>, vector<16xi32>
    %add3A_2105 = arith.constant 4 : i32
    %add3A_2106 = vector.broadcast %add3A_2105 : i32 to vector<16xi32>
    %add3A_2107 = arith.addi %select_n3A_2104, %add3A_2106 : vector<16xi32>
    %gather3A_2108 = tpu.vector_load_idx %arg6[%add3A_2107] : memref<32xi32, #tpu.memory_space<vmem>>[vector<16xi32>], vector<16xi32>,
    %le3A_2109 = arith.cmpi sle, %gather3A_2108, %add3A_2090 : vector<16xi32>
    %select_n3A_2110 = arith.select %le3A_2109, %add3A_2107, %select_n3A_2104 : vector<16xi1>, vector<16xi32>
    %add3A_2111 = arith.constant 2 : i32
    %add3A_2112 = vector.broadcast %add3A_2111 : i32 to vector<16xi32>
    %add3A_2113 = arith.addi %select_n3A_2110, %add3A_2112 : vector<16xi32>
    %gather3A_2114 = tpu.vector_load_idx %arg6[%add3A_2113] : memref<32xi32, #tpu.memory_space<vmem>>[vector<16xi32>], vector<16xi32>,
    %le3A_2115 = arith.cmpi sle, %gather3A_2114, %add3A_2090 : vector<16xi32>
    %select_n3A_2116 = arith.select %le3A_2115, %add3A_2113, %select_n3A_2110 : vector<16xi1>, vector<16xi32>
    %add3A_2117 = arith.constant 1 : i32
    %add3A_2118 = vector.broadcast %add3A_2117 : i32 to vector<16xi32>
    %add3A_2119 = arith.addi %select_n3A_2116, %add3A_2118 : vector<16xi32>
    %gather3A_2120 = tpu.vector_load_idx %arg6[%add3A_2119] : memref<32xi32, #tpu.memory_space<vmem>>[vector<16xi32>], vector<16xi32>,
    %le3A_2121 = arith.cmpi sle, %gather3A_2120, %add3A_2090 : vector<16xi32>
    %select_n3A_2122 = arith.select %le3A_2121, %add3A_2119, %select_n3A_2116 : vector<16xi1>, vector<16xi32>
    %sub3A_2123 = arith.constant 15 : i32
    %sub3A_2124 = vector.broadcast %sub3A_2123 : i32 to vector<16xi32>
    %sub3A_2125 = arith.subi %sub3A_2124, %select_n3A_2122 : vector<16xi32>
    %gather3A_2126 = tpu.vector_load_idx %arg5[%sub3A_2125] : memref<17xi32, #tpu.memory_space<vmem>>[vector<16xi32>], vector<16xi32>,
    %sub3A_2127 = arith.constant 16 : i32
    %sub3A_2128 = vector.broadcast %sub3A_2127 : i32 to vector<16xi32>
    %sub3A_2129 = arith.subi %sub3A_2128, %select_n3A_2122 : vector<16xi32>
    %gather3A_2130 = tpu.vector_load_idx %arg5[%sub3A_2129] : memref<17xi32, #tpu.memory_space<vmem>>[vector<16xi32>], vector<16xi32>,
    %add3A_2131 = arith.addi %gather3A_2126, %gather3A_2130 : vector<16xi32>
    %add3A_2132 = arith.addi %add3A_2131, %add3A_2090 : vector<16xi32>
    %sub3A_2133 = arith.constant 16384 : i32
    %sub3A_2134 = vector.broadcast %sub3A_2133 : i32 to vector<16xi32>
    %sub3A_2135 = arith.subi %add3A_2132, %sub3A_2134 : vector<16xi32>
    %dma_start3A_2136 = arith.constant 0 : i32
    %dma_start3A_2137 = arith.constant 0 : i32
    %dma_start3A_2138 = tpu.memref_slice %arg2[%dma_start3A_2136, %dma_start3A_2137] : memref<16384x2048xf32, #tpu.memory_space<hbm>> -> memref<16384x2048xf32, #tpu.memory_space<hbm>>
    tpu.enqueue_indirect_dma source(%dma_start3A_2138 : memref<16384x2048xf32, #tpu.memory_space<hbm>>) target(%arg7 : memref<16x2048xf32, #tpu.memory_space<vmem>>) offsets(%sub3A_2135 : vector<16xi32>) semaphore(%arg10 : memref<!tpu.dma_semaphore, #tpu.memory_space<semaphore_mem>>)
    %dma_wait3A_2139 = arith.constant 0 : i32
    %dma_wait3A_2140 = arith.constant 0 : i32
    %dma_wait3A_2141 = tpu.memref_slice %arg2[%dma_wait3A_2139, %dma_wait3A_2140] : memref<16384x2048xf32, #tpu.memory_space<hbm>> -> memref<16x2048xf32, #tpu.memory_space<hbm>>
    %dma_wait3A_2142 = arith.constant 0 : i32
    %dma_wait3A_2143 = arith.constant 0 : i32
    %dma_wait3A_2144 = tpu.memref_slice %arg2[%dma_wait3A_2142, %dma_wait3A_2143] : memref<16384x2048xf32, #tpu.memory_space<hbm>> -> memref<16x2048xf32, #tpu.memory_space<hbm>>
    tpu.wait_dma2 semaphore(%arg12 : memref<!tpu.dma_semaphore, #tpu.memory_space<semaphore_mem>>) src(%dma_wait3A_2144 : memref<16x2048xf32, #tpu.memory_space<hbm>>) dst(%arg9 : memref<16x2048xf32, #tpu.memory_space<vmem>>)
    %add3A_2145 = arith.constant 464 : i32
    %add3A_2146 = arith.addi %mul3A_2, %add3A_2145 : i32
    %dma_start3A_2147 = arith.constant 0 : i32
    %dma_start3A_2148 = tpu.memref_slice %arg4[%add3A_2146, %dma_start3A_2147] : memref<16384x2048xf32, #tpu.memory_space<hbm>> -> memref<16x2048xf32, #tpu.memory_space<hbm>>
    %dma_start3A_2149 = arith.constant 0 : i32
    %dma_start3A_2150 = tpu.memref_slice %arg4[%add3A_2146, %dma_start3A_2149] : memref<16384x2048xf32, #tpu.memory_space<hbm>> -> memref<16x2048xf32, #tpu.memory_space<hbm>>
    tpu.enqueue_dma source(%arg9 : memref<16x2048xf32, #tpu.memory_space<vmem>>) target(%dma_start3A_2150 : memref<16x2048xf32, #tpu.memory_space<hbm>>) target_semaphore(%arg15 : memref<!tpu.dma_semaphore, #tpu.memory_space<semaphore_mem>>)
    %dma_wait3A_2151 = arith.constant 0 : i32
    %dma_wait3A_2152 = tpu.memref_slice %arg4[%add3A_2077, %dma_wait3A_2151] : memref<16384x2048xf32, #tpu.memory_space<hbm>> -> memref<16x2048xf32, #tpu.memory_space<hbm>>
    %dma_wait3A_2153 = arith.constant 0 : i32
    %dma_wait3A_2154 = tpu.memref_slice %arg4[%add3A_2077, %dma_wait3A_2153] : memref<16384x2048xf32, #tpu.memory_space<hbm>> -> memref<16x2048xf32, #tpu.memory_space<hbm>>
    tpu.wait_dma2 semaphore(%arg14 : memref<!tpu.dma_semaphore, #tpu.memory_space<semaphore_mem>>) src(%arg8 : memref<16x2048xf32, #tpu.memory_space<vmem>>) dst(%dma_wait3A_2154 : memref<16x2048xf32, #tpu.memory_space<hbm>>)
    %add3A_2155 = arith.constant 496 : i32
    %add3A_2156 = arith.addi %mul3A_2, %add3A_2155 : i32
    %iota3A_2157 = tpu.iota {dimensions = array<i32: 0>} : vector<16xi32>
    %add3A_2158 = vector.broadcast %add3A_2156 : i32 to vector<16xi32>
    %add3A_2159 = arith.addi %add3A_2158, %iota3A_2157 : vector<16xi32>
    %broadcast_in_dim3A_2160 = arith.constant 0 : i32
    %broadcast_in_dim3A_2161 = vector.broadcast %broadcast_in_dim3A_2160 : i32 to vector<16xi32>
    %add3A_2162 = arith.constant 16 : i32
    %add3A_2163 = vector.broadcast %add3A_2162 : i32 to vector<16xi32>
    %add3A_2164 = arith.addi %broadcast_in_dim3A_2161, %add3A_2163 : vector<16xi32>
    %gather3A_2165 = tpu.vector_load_idx %arg6[%add3A_2164] : memref<32xi32, #tpu.memory_space<vmem>>[vector<16xi32>], vector<16xi32>,
    %le3A_2166 = arith.cmpi sle, %gather3A_2165, %add3A_2159 : vector<16xi32>
    %select_n3A_2167 = arith.select %le3A_2166, %add3A_2164, %broadcast_in_dim3A_2161 : vector<16xi1>, vector<16xi32>
    %add3A_2168 = arith.constant 8 : i32
    %add3A_2169 = vector.broadcast %add3A_2168 : i32 to vector<16xi32>
    %add3A_2170 = arith.addi %select_n3A_2167, %add3A_2169 : vector<16xi32>
    %gather3A_2171 = tpu.vector_load_idx %arg6[%add3A_2170] : memref<32xi32, #tpu.memory_space<vmem>>[vector<16xi32>], vector<16xi32>,
    %le3A_2172 = arith.cmpi sle, %gather3A_2171, %add3A_2159 : vector<16xi32>
    %select_n3A_2173 = arith.select %le3A_2172, %add3A_2170, %select_n3A_2167 : vector<16xi1>, vector<16xi32>
    %add3A_2174 = arith.constant 4 : i32
    %add3A_2175 = vector.broadcast %add3A_2174 : i32 to vector<16xi32>
    %add3A_2176 = arith.addi %select_n3A_2173, %add3A_2175 : vector<16xi32>
    %gather3A_2177 = tpu.vector_load_idx %arg6[%add3A_2176] : memref<32xi32, #tpu.memory_space<vmem>>[vector<16xi32>], vector<16xi32>,
    %le3A_2178 = arith.cmpi sle, %gather3A_2177, %add3A_2159 : vector<16xi32>
    %select_n3A_2179 = arith.select %le3A_2178, %add3A_2176, %select_n3A_2173 : vector<16xi1>, vector<16xi32>
    %add3A_2180 = arith.constant 2 : i32
    %add3A_2181 = vector.broadcast %add3A_2180 : i32 to vector<16xi32>
    %add3A_2182 = arith.addi %select_n3A_2179, %add3A_2181 : vector<16xi32>
    %gather3A_2183 = tpu.vector_load_idx %arg6[%add3A_2182] : memref<32xi32, #tpu.memory_space<vmem>>[vector<16xi32>], vector<16xi32>,
    %le3A_2184 = arith.cmpi sle, %gather3A_2183, %add3A_2159 : vector<16xi32>
    %select_n3A_2185 = arith.select %le3A_2184, %add3A_2182, %select_n3A_2179 : vector<16xi1>, vector<16xi32>
    %add3A_2186 = arith.constant 1 : i32
    %add3A_2187 = vector.broadcast %add3A_2186 : i32 to vector<16xi32>
    %add3A_2188 = arith.addi %select_n3A_2185, %add3A_2187 : vector<16xi32>
    %gather3A_2189 = tpu.vector_load_idx %arg6[%add3A_2188] : memref<32xi32, #tpu.memory_space<vmem>>[vector<16xi32>], vector<16xi32>,
    %le3A_2190 = arith.cmpi sle, %gather3A_2189, %add3A_2159 : vector<16xi32>
    %select_n3A_2191 = arith.select %le3A_2190, %add3A_2188, %select_n3A_2185 : vector<16xi1>, vector<16xi32>
    %sub3A_2192 = arith.constant 15 : i32
    %sub3A_2193 = vector.broadcast %sub3A_2192 : i32 to vector<16xi32>
    %sub3A_2194 = arith.subi %sub3A_2193, %select_n3A_2191 : vector<16xi32>
    %gather3A_2195 = tpu.vector_load_idx %arg5[%sub3A_2194] : memref<17xi32, #tpu.memory_space<vmem>>[vector<16xi32>], vector<16xi32>,
    %sub3A_2196 = arith.constant 16 : i32
    %sub3A_2197 = vector.broadcast %sub3A_2196 : i32 to vector<16xi32>
    %sub3A_2198 = arith.subi %sub3A_2197, %select_n3A_2191 : vector<16xi32>
    %gather3A_2199 = tpu.vector_load_idx %arg5[%sub3A_2198] : memref<17xi32, #tpu.memory_space<vmem>>[vector<16xi32>], vector<16xi32>,
    %add3A_2200 = arith.addi %gather3A_2195, %gather3A_2199 : vector<16xi32>
    %add3A_2201 = arith.addi %add3A_2200, %add3A_2159 : vector<16xi32>
    %sub3A_2202 = arith.constant 16384 : i32
    %sub3A_2203 = vector.broadcast %sub3A_2202 : i32 to vector<16xi32>
    %sub3A_2204 = arith.subi %add3A_2201, %sub3A_2203 : vector<16xi32>
    %dma_start3A_2205 = arith.constant 0 : i32
    %dma_start3A_2206 = arith.constant 0 : i32
    %dma_start3A_2207 = tpu.memref_slice %arg2[%dma_start3A_2205, %dma_start3A_2206] : memref<16384x2048xf32, #tpu.memory_space<hbm>> -> memref<16384x2048xf32, #tpu.memory_space<hbm>>
    tpu.enqueue_indirect_dma source(%dma_start3A_2207 : memref<16384x2048xf32, #tpu.memory_space<hbm>>) target(%arg8 : memref<16x2048xf32, #tpu.memory_space<vmem>>) offsets(%sub3A_2204 : vector<16xi32>) semaphore(%arg11 : memref<!tpu.dma_semaphore, #tpu.memory_space<semaphore_mem>>)
    %dma_wait3A_2208 = arith.constant 0 : i32
    %dma_wait3A_2209 = arith.constant 0 : i32
    %dma_wait3A_2210 = tpu.memref_slice %arg2[%dma_wait3A_2208, %dma_wait3A_2209] : memref<16384x2048xf32, #tpu.memory_space<hbm>> -> memref<16x2048xf32, #tpu.memory_space<hbm>>
    %dma_wait3A_2211 = arith.constant 0 : i32
    %dma_wait3A_2212 = arith.constant 0 : i32
    %dma_wait3A_2213 = tpu.memref_slice %arg2[%dma_wait3A_2211, %dma_wait3A_2212] : memref<16384x2048xf32, #tpu.memory_space<hbm>> -> memref<16x2048xf32, #tpu.memory_space<hbm>>
    tpu.wait_dma2 semaphore(%arg10 : memref<!tpu.dma_semaphore, #tpu.memory_space<semaphore_mem>>) src(%dma_wait3A_2213 : memref<16x2048xf32, #tpu.memory_space<hbm>>) dst(%arg7 : memref<16x2048xf32, #tpu.memory_space<vmem>>)
    %add3A_2214 = arith.constant 480 : i32
    %add3A_2215 = arith.addi %mul3A_2, %add3A_2214 : i32
    %dma_start3A_2216 = arith.constant 0 : i32
    %dma_start3A_2217 = tpu.memref_slice %arg4[%add3A_2215, %dma_start3A_2216] : memref<16384x2048xf32, #tpu.memory_space<hbm>> -> memref<16x2048xf32, #tpu.memory_space<hbm>>
    %dma_start3A_2218 = arith.constant 0 : i32
    %dma_start3A_2219 = tpu.memref_slice %arg4[%add3A_2215, %dma_start3A_2218] : memref<16384x2048xf32, #tpu.memory_space<hbm>> -> memref<16x2048xf32, #tpu.memory_space<hbm>>
    tpu.enqueue_dma source(%arg7 : memref<16x2048xf32, #tpu.memory_space<vmem>>) target(%dma_start3A_2219 : memref<16x2048xf32, #tpu.memory_space<hbm>>) target_semaphore(%arg13 : memref<!tpu.dma_semaphore, #tpu.memory_space<semaphore_mem>>)
    %dma_wait3A_2220 = arith.constant 0 : i32
    %dma_wait3A_2221 = arith.constant 0 : i32
    %dma_wait3A_2222 = tpu.memref_slice %arg2[%dma_wait3A_2220, %dma_wait3A_2221] : memref<16384x2048xf32, #tpu.memory_space<hbm>> -> memref<16x2048xf32, #tpu.memory_space<hbm>>
    %dma_wait3A_2223 = arith.constant 0 : i32
    %dma_wait3A_2224 = arith.constant 0 : i32
    %dma_wait3A_2225 = tpu.memref_slice %arg2[%dma_wait3A_2223, %dma_wait3A_2224] : memref<16384x2048xf32, #tpu.memory_space<hbm>> -> memref<16x2048xf32, #tpu.memory_space<hbm>>
    tpu.wait_dma2 semaphore(%arg11 : memref<!tpu.dma_semaphore, #tpu.memory_space<semaphore_mem>>) src(%dma_wait3A_2225 : memref<16x2048xf32, #tpu.memory_space<hbm>>) dst(%arg8 : memref<16x2048xf32, #tpu.memory_space<vmem>>)
    %add3A_2226 = arith.constant 496 : i32
    %add3A_2227 = arith.addi %mul3A_2, %add3A_2226 : i32
    %dma_start3A_2228 = arith.constant 0 : i32
    %dma_start3A_2229 = tpu.memref_slice %arg4[%add3A_2227, %dma_start3A_2228] : memref<16384x2048xf32, #tpu.memory_space<hbm>> -> memref<16x2048xf32, #tpu.memory_space<hbm>>
    %dma_start3A_2230 = arith.constant 0 : i32
    %dma_start3A_2231 = tpu.memref_slice %arg4[%add3A_2227, %dma_start3A_2230] : memref<16384x2048xf32, #tpu.memory_space<hbm>> -> memref<16x2048xf32, #tpu.memory_space<hbm>>
    tpu.enqueue_dma source(%arg8 : memref<16x2048xf32, #tpu.memory_space<vmem>>) target(%dma_start3A_2231 : memref<16x2048xf32, #tpu.memory_space<hbm>>) target_semaphore(%arg14 : memref<!tpu.dma_semaphore, #tpu.memory_space<semaphore_mem>>)
    %dma_wait3A_2232 = arith.constant 0 : i32
    %dma_wait3A_2233 = tpu.memref_slice %arg4[%add3A_2146, %dma_wait3A_2232] : memref<16384x2048xf32, #tpu.memory_space<hbm>> -> memref<16x2048xf32, #tpu.memory_space<hbm>>
    %dma_wait3A_2234 = arith.constant 0 : i32
    %dma_wait3A_2235 = tpu.memref_slice %arg4[%add3A_2146, %dma_wait3A_2234] : memref<16384x2048xf32, #tpu.memory_space<hbm>> -> memref<16x2048xf32, #tpu.memory_space<hbm>>
    tpu.wait_dma2 semaphore(%arg15 : memref<!tpu.dma_semaphore, #tpu.memory_space<semaphore_mem>>) src(%arg9 : memref<16x2048xf32, #tpu.memory_space<vmem>>) dst(%dma_wait3A_2235 : memref<16x2048xf32, #tpu.memory_space<hbm>>)
    %dma_wait3A_2236 = arith.constant 0 : i32
    %dma_wait3A_2237 = tpu.memref_slice %arg4[%add3A_2215, %dma_wait3A_2236] : memref<16384x2048xf32, #tpu.memory_space<hbm>> -> memref<16x2048xf32, #tpu.memory_space<hbm>>
    %dma_wait3A_2238 = arith.constant 0 : i32
    %dma_wait3A_2239 = tpu.memref_slice %arg4[%add3A_2215, %dma_wait3A_2238] : memref<16384x2048xf32, #tpu.memory_space<hbm>> -> memref<16x2048xf32, #tpu.memory_space<hbm>>
    tpu.wait_dma2 semaphore(%arg13 : memref<!tpu.dma_semaphore, #tpu.memory_space<semaphore_mem>>) src(%arg7 : memref<16x2048xf32, #tpu.memory_space<vmem>>) dst(%dma_wait3A_2239 : memref<16x2048xf32, #tpu.memory_space<hbm>>)
    %dma_wait3A_2240 = arith.constant 0 : i32
    %dma_wait3A_2241 = tpu.memref_slice %arg4[%add3A_2227, %dma_wait3A_2240] : memref<16384x2048xf32, #tpu.memory_space<hbm>> -> memref<16x2048xf32, #tpu.memory_space<hbm>>
    %dma_wait3A_2242 = arith.constant 0 : i32
    %dma_wait3A_2243 = tpu.memref_slice %arg4[%add3A_2227, %dma_wait3A_2242] : memref<16384x2048xf32, #tpu.memory_space<hbm>> -> memref<16x2048xf32, #tpu.memory_space<hbm>>
    tpu.wait_dma2 semaphore(%arg14 : memref<!tpu.dma_semaphore, #tpu.memory_space<semaphore_mem>>) src(%arg8 : memref<16x2048xf32, #tpu.memory_space<vmem>>) dst(%dma_wait3A_2243 : memref<16x2048xf32, #tpu.memory_space<hbm>>)
    return
  }
}

</mosaic_0001>

<sc_bundles>
// kernel: kernel.3.cloned.1.call-start
scs
__scs_entry_jumppad:
0x0: {  	(pc) =	sbr.rel $0x88, $3  }
0x1: {  	(tag) =	ssettag $0x0;
	lr =	simm.s32 $0x1  }
0x2: {  	[smem:$0x3F9F] =	sst lr;
	_ =	strace $0xD0000000  }
0x3: {  	_ = 	snop  }
0x4: {  	_ = 	snop  }
0x5: {  	_ = 	snop  }
0x6: {  	_ = 	snop  }
0x7: {  	_ = 	snop  }
__scs_overlays_trampoline_lowered:
0x8: {  	[smem:$0x3FAE] =	sst s0  }
0x9: {  	[smem:$0x3FAF] =	sst s1  }
0xa: {  	[smem:$0x3FB0] =	sst s2  }
0xb: {  	[smem:$0x3FB1] =	sst s3  }
0xc: {  	[smem:$0x3FB2] =	sst s4  }
0xd: {  	[smem:$0x3FB3] =	sst s5  }
0xe: {  	[smem:$0x3FB4] =	sst s6  }
0xf: {  	[smem:$0x3FB5] =	sst s7  }
0x10: {  	[smem:$0x3FB6] =	sst s8  }
0x11: {  	[smem:$0x3FB7] =	sst s9;
	s0 =	simm.s32 @!p0 $0x0  }
0x12: {  	s1 =	sld [smem:$0x3F9D];
	s0 =	simm.s32 @p0 $0x1  }
0x13: {  	[smem:$0x3FB8] =	sst s0;
	s0 =	simm.s32 @!p1 $0x0  }
0x14: {  	s2 =	sld [smem:$0x3F9C];
	s0 =	simm.s32 @p1 $0x1  }
0x15: {  	[smem:$0x3FB9] =	sst s0;
	s0 =	simm.s32 @!p2 $0x0  }
0x16: {  	s3 =	sld [smem:$0x3FDB];
	s0 =	simm.s32 @p2 $0x1  }
0x17: {  	s4 =	simm.s32 $0x1BF5;
	[smem:$0x3FBB] =	sst s0  }
0x18: {  	s0 =	sld [smem:$0x3F9E];
	_ =	swait.ge [sflag:s4], $0x0  }
0x19: {  	s7 =	sld [smem:$0x3F9F]  }
0x1a: {  	s8 =	sadd.s32 $0xFFFFE003, lr  }
0x1b: {  	s9 =	sadd.s32 $0xFFFFFEF7, lr;
	s5 =	simm.s32 $0xFFFFFFFF;
	p2 =	slt.u32 s8, $0xFFFFF086  }
0x1c: {  	p1 =	slt.u32 s9, $0xF7A;
	s5 =	simm.s32 @!p2 $0x0  }
0x1d: {  	s5 =	simm.s32 @p1 $0x1;
	p0 =	seq.s32 s7, s2  }
0x1e: {  	s7 =	smul.u32 @!p0 $0xF7A, s2;
	p2 =	seq.s32 @!p0 s5, $0x0  }
0x1f: {  	s9 =	smul.u32 $0xF7A, s1;
	s8 =	simm.s32 @!p0 $0x1BF5;
	p2 =	por !p2, p0  }
0x20: {  	[sflag:s8] =	ssyncset.s32 @!p0 $0xFFFFF086;
	s6 =	sadd.s32 @!p0 s3, s7;
	s7 =	simm.s32 @!p0 $0x108  }
0x21: {  	s3 =	sadd.s32 s3, s9;
	s6 =	sadd.s32 @!p0 $0x88, s6;
	s7 =	simm.s32 @p2 $0x1082  }
0x22: {  	[simem:s7], [sflag:s8] =	dma.local @!p0 [hbm:s6], $0xF7A  }
0x23: {  	s9 =	sor.u32 $0xD0000000, s2;
	s6 =	simm.s32 $0x108;
	_ =	swait.ge @!p0 [sflag:s8], $0x0  }
0x24: {  	s3 =	sadd.s32 $0x88, s3;
	s6 =	simm.s32 @!p1 $0x1082;
	[sflag:s4] =	ssyncset.s32 $0xFFFFF086  }
0x25: {  	[simem:s6], [sflag:s4] =	dma.local [hbm:s3], $0xF7A  }
0x26: {  	[smem:$0x3F9F] =	sst s1;
	(tag) =	ssettag s2;
	_ =	strace s9  }
0x27: {  	s1 =	sld [smem:$0x3FAF]  }
0x28: {  	s2 =	sld [smem:$0x3FB0]  }
0x29: {  	s4 =	sld [smem:$0x3FB2]  }
0x2a: {  	p0 =	seq.s32 s5, $0x0;
	s5 =	sld [smem:$0x3FB3]  }
0x2b: {  	s6 =	sld [smem:$0x3FB4]  }
0x2c: {  	s7 =	sld [smem:$0x3FB5]  }
0x2d: {  	s3 =	simm.s32 $0x108;
	s8 =	sld [smem:$0x3FB6]  }
0x2e: {  	s3 =	simm.s32 @!p0 $0x1082;
	s9 =	sld [smem:$0x3FB7]  }
0x2f: {  	lr =	sadd.s32 s0, s3;
	s0 =	sld [smem:$0x3FAE]  }
0x30: {  	s3 =	sld [smem:$0x3FB1]  }
0x31: {  	[smem:$0x3FBA] =	sst s10  }
0x32: {  	s10 =	sld [smem:$0x3FB8];
	_ =	sdelay $0x3  }
0x33: {  	p0 =	seq.s32 s10, $0x1;
	s10 =	sld [smem:$0x3FBA];
	_ =	sdelay $0x3  }
0x34: {  	[smem:$0x3FBA] =	sst s10  }
0x35: {  	s10 =	sld [smem:$0x3FB9];
	_ =	sdelay $0x3  }
0x36: {  	p1 =	seq.s32 s10, $0x1;
	s10 =	sld [smem:$0x3FBA];
	_ =	sdelay $0x3  }
0x37: {  	[smem:$0x3FBA] =	sst s10  }
0x38: {  	s10 =	sld [smem:$0x3FBB]  }
0x39: {  	_ = 	snop;
	(pc) =	sbr.ind lr, $3  }
0x3a: {  	_ = 	snop  }
0x3b: {  	_ = 	snop  }
0x3c: {  	p2 =	seq.s32 s10, $0x1;
	s10 =	sld [smem:$0x3FBA]  }
0x3d: {  	_ =	shalt  }
0x3e: {  	_ =	shalt  }
0x3f: {  	_ =	shalt  }
0x40: {  	_ =	shalt  }
0x41: {  	_ =	shalt  }
0x42: {  	_ =	shalt  }
0x43: {  	_ =	shalt  }
0x44: {  	_ =	shalt  }
0x45: {  	_ =	shalt  }
0x46: {  	_ =	shalt  }
0x47: {  	_ =	shalt  }
0x48: {  	_ =	shalt  }
0x49: {  	_ =	shalt  }
0x4a: {  	_ =	shalt  }
0x4b: {  	_ =	shalt  }
0x4c: {  	_ =	shalt  }
0x4d: {  	_ =	shalt  }
0x4e: {  	_ =	shalt  }
0x4f: {  	_ =	shalt  }
0x50: {  	_ =	shalt  }
0x51: {  	_ =	shalt  }
0x52: {  	_ =	shalt  }
0x53: {  	_ =	shalt  }
0x54: {  	_ =	shalt  }
0x55: {  	_ =	shalt  }
0x56: {  	_ =	shalt  }
0x57: {  	_ =	shalt  }
0x58: {  	_ =	shalt  }
0x59: {  	_ =	shalt  }
0x5a: {  	_ =	shalt  }
0x5b: {  	_ =	shalt  }
0x5c: {  	_ =	shalt  }
0x5d: {  	_ =	shalt  }
0x5e: {  	_ =	shalt  }
0x5f: {  	_ =	shalt  }
0x60: {  	_ =	shalt  }
0x61: {  	_ =	shalt  }
0x62: {  	_ =	shalt  }
0x63: {  	_ =	shalt  }
0x64: {  	_ =	shalt  }
0x65: {  	_ =	shalt  }
0x66: {  	_ =	shalt  }
0x67: {  	_ =	shalt  }
0x68: {  	_ =	shalt  }
0x69: {  	_ =	shalt  }
0x6a: {  	_ =	shalt  }
0x6b: {  	_ =	shalt  }
0x6c: {  	_ =	shalt  }
0x6d: {  	_ =	shalt  }
0x6e: {  	_ =	shalt  }
0x6f: {  	_ =	shalt  }
0x70: {  	_ =	shalt  }
0x71: {  	_ =	shalt  }
0x72: {  	_ =	shalt  }
0x73: {  	_ =	shalt  }
0x74: {  	_ =	shalt  }
0x75: {  	_ =	shalt  }
0x76: {  	_ =	shalt  }
0x77: {  	_ =	shalt  }
0x78: {  	_ =	shalt  }
0x79: {  	_ =	shalt  }
0x7a: {  	_ =	shalt  }
0x7b: {  	_ =	shalt  }
0x7c: {  	_ =	shalt  }
0x7d: {  	_ =	shalt  }
0x7e: {  	_ =	shalt  }
0x7f: {  	_ =	shalt  }
0x80: {  	_ =	shalt  }
0x81: {  	_ =	shalt  }
0x82: {  	_ =	shalt  }
0x83: {  	_ =	shalt  }
0x84: {  	_ =	shalt  }
0x85: {  	_ =	shalt  }
0x86: {  	_ =	shalt  }
0x87: {  	_ =	shalt  }
.Lfunc_end0:
.L_simem_size_0:
called_computation_lowered:
.L_overlay_start_0:
0x88: {  	s2 =	sld [smem:$0x3FD9]  }
0x89: {  	s3 =	sld [smem:$0x3FFE];
	_ =	sdelay $0x1  }
0x8a: {  	s1 =	srdreg.scid  }
0x8b: {  	s0 =	sand.u32 $0x1, s1  }
0x8c: {  	s18 =	sshll.u32 s0, $0xA;
	s2 =	sadd.s32 s3, s2  }
0x8d: {  	s2 =	sadd.s32 s2, s18  }
0x8e: {  	[smem:$0x3FC6] =	sst s2  }
0x8f: {  	_ = 	snop  }
0x90: {  	s2 =	sld [smem:$0x3FC9]  }
0x91: {  	s19 =	sld [smem:$0x3FC8]  }
0x92: {  	s4 =	sld [smem:$0x3FD0];
	(tm) =	ssettm $0x1  }
0x93: {  	s5 =	sld [smem:$0x3FFB];
	_ =	sdelay $0x3  }
0x94: {  	_ =	strace s5  }
0x95: {  	s5 =	sld [smem:$0x3FFC];
	_ =	sdelay $0x3  }
0x96: {  	_ =	strace s5  }
0x97: {  	s5 =	sld [smem:$0x3FFD];
	_ =	sdelay $0x3  }
0x98: {  	_ =	strace s5  }
0x99: {  	_ =	strace $0x8FFFFFFF  }
0x9a: {  	s20 =	sld [smem:$0x3FDB];
	_ =	sdelay $0x1  }
0x9b: {  	s6 =	simm.s32 $_scs_section_size  }
0x9c: {  	s7 =	simm.s32 $_size__tile_overlayer_lowered;
	s8 =	simm.s32 $_tile_overlayer_lowered  }
0x9d: {  	s23 =	simm.s32 $0x1BFF;
	s22 =	sshll.u32 s8, $0x1;
	s5 =	sadd.s32 s6, s20  }
0x9e: {  	s9 =	simm.s32 $0x0;
	s21 =	sshll.u32 s7, $0x1;
	s7 =	sadd.s32 s22, s5  }
0x9f: {  	[timem:s9], [sflag:s23] =	dma.local [hbm:s7], s21  }
0xa0: {  	_ =	swait.ge [sflag:s23], s21  }
0xa1: {  	s6 =	ssub.s32 $0x0, s21;
	[sflag:s23] =	ssyncset.done $0x0  }
0xa2: {  	[sflag:s23] =	ssyncadd.s32 s6;
	_ =	sdelay $0x1  }
0xa3: {  	s24 =	simm.s32 $0x1B8B  }
0xa4: {  	_ =	swait.ge [sflag:s24], $0x1  }
0xa5: {  	[sflag:s24] =	ssyncset.done $0x0  }
0xa6: {  	s25 =	simm.s32 $0x1B8E;
	[sflag:s24] =	ssyncadd.s32 $0xFFFFFFFF  }
0xa7: {  	s26 =	simm.s32 $execute0_lowered;
	[smem:$0x3FD2] =	sst s25  }
0xa8: {  	s6 =	sshll.u32 s26, $0x1;
	_ =	strace $0x80000046;
	[dreg:$0x1] =	wrdreg $0xFFFFFFFF  }
0xa9: {  	s28 =	simm.s32 $_size_execute0_lowered;
	s5 =	sadd.s32 s5, s6;
	[dreg:$0x0] =	wrdreg $0x0  }
0xaa: {  	s6 =	sshll.u32 s28, $0x1;
	[dreg:$0x2] =	wrdreg s5  }
0xab: {  	[dreg:$0x3] =	wrdreg s6  }
0xac: {  	[dreg:$0x4] =	wrdreg $0xC0  }
0xad: {  	_ =	task [dreg:s9], $0x5FFFF  }
0xae: {  	[dreg:$0x1] =	wrdreg $0xFFFFFFFF  }
0xaf: {  	[dreg:$0x0] =	wrdreg $0x60  }
0xb0: {  	[dreg:$0x2] =	wrdreg s2  }
0xb1: {  	[dreg:$0x3] =	wrdreg s19  }
0xb2: {  	[dreg:$0x4] =	wrdreg s4  }
0xb3: {  	[dreg:$0x5] =	wrdreg $0x9  }
0xb4: {  	_ =	task.clear_ibuf [dreg:s9], $0x6FFFF;
	_ =	strace $0x90000046  }
0xb5: {  	s29 =	simm.s32 $0x9;
	_ =	strace $0x80000048  }
0xb6: {  	_ =	swait.ge [sflag:s29], $0x1  }
0xb7: {  	[sflag:s29] =	ssyncadd.s32 $0xFFFFFFFF  }
0xb8: {  	_ =	strace $0x90000048  }
0xb9: {  	_ =	sfence  }
0xba: {  	s30 =	sld [smem:$0x0];
	_ =	sdelay $0x2  }
0xbb: {  	s31 =	sshll.u32 s1, $0xD;
	s1 =	sshrl.u32 s1, $0x2  }
0xbc: {  	s3 =	sand.u32 $0x4000, s31;
	s1 =	sadd.s32 s1, s30  }
0xbd: {  	s0 =	sor.u32 s3, s0;
	s1 =	sshll.u32 s1, $0x11  }
0xbe: {  	s0 =	sor.u32 s1, s0  }
0xbf: {  	s0 =	sadd.s32 $0x8F2B, s0  }
0xc0: {  	[sflag:s0] =	ssyncadd.remote.s32 $0x1  }
0xc1: {  	_ =	sfence.sel $0xFFFF  }
0xc2: {  	[dreg:$0x0] =	wrdreg $0xFFFFFFFF;
	(pc) =	sbr.abs _section_cstart, $3  }
0xc3: {  	[dreg:$0x1] =	wrdreg $0xFFFFFFFF  }
0xc4: {  	_ =	task.clear_ibuf [dreg:s9], $0x2FFFF;
	_ =	strace $0x9FFFFFFF  }
0xc5: {  	(tm) =	ssettm $0x7FFFFFFF  }
tec
execute0_lowered:
.L_overlay_start_1:
0x0: {  	(tag) =	ssettag $0x1  }
0x1: {  	s1 =	rddreg [dreg:$0x0];
	s17 =	srdreg.scid  }
0x2: {  	s0 =	rddreg [dreg:$0x1];
	s2 =	stileid.u32;
	s5 =	sand.u32 $0x1, s17  }
0x3: {  	s4 =	rddreg [dreg:$0x2];
	s18 =	sshll.u32 s2, $0xA;
	s19 =	sshll.u32 s5, $0x9  }
0x4: {  	s3 =	simm.s32 $0x0;
	[dreg:$0x4] =	wrdreg s0;
	s0 =	sor.u32 s19, s18  }
0x5: {  	[smem:$0x7FF] =	sst s3;
	s7 =	sor.u32 $0x30, s0  }
0x6: {  	_ =	strace $0x80000047;
	s24 =	sor.u32 $0x50, s0;
	[smem:$0x7F2] =	sst s7  }
0x7: {  	s9 =	sor.u32 $0x60, s0;
	[smem:$0x7F3] =	sst s24  }
0x8: {  	s11 =	sor.u32 $0x70, s0;
	[smem:$0x7F4] =	sst s9  }
0x9: {  	s2 =	sshll.u32 s0, $0x8;
	s13 =	sor.u32 $0x80, s0;
	[smem:$0x7F5] =	sst s11  }
0xa: {  	s2 =	sadd.s32 s4, s2;
	[smem:$0x7F6] =	sst s13  }
0xb: {  	v36 =	vlaneseq.u32;
	s29 =	sor.u32 $0x10, s0;
	[dreg:$0x5] =	wrdreg s2  }
0xc: {  	s31 =	sor.u32 $0x40, s0;
	s6 =	sshll.u32 s29, $0x8;
	v1 =	vor.u32 s29, v36;
	s29 =	sld [smem:$0x7F2]  }
0xd: {  	s26 =	sor.u32 $0x20, s0;
	s25 =	sshll.u32 s31, $0x8;
	v4 =	vor.u32 s31, v36;
	s31 =	sld [smem:$0x7F3]  }
0xe: {  	s21 =	sshll.u32 s26, $0x8;
	v2 =	vor.u32 s26, v36;
	s20 =	sadd.s32 s4, s6;
	s26 =	sld [smem:$0x7F4]  }
0xf: {  	s23 =	sshll.u32 s7, $0x8;
	s22 =	sadd.s32 s4, s21;
	[dreg:$0x6] =	wrdreg s20  }
0x10: {  	s17 =	sor.u32 $0x90, s0;
	s2 =	sadd.s32 s4, s23;
	[dreg:$0x7] =	wrdreg s22  }
0x11: {  	s8 =	sshll.u32 s24, $0x8;
	s6 =	sadd.s32 s4, s25;
	[dreg:$0x8] =	wrdreg s2  }
0x12: {  	s15 =	sshll.u32 s13, $0x8;
	s10 =	sadd.s32 s4, s8;
	[dreg:$0x9] =	wrdreg s6  }
0x13: {  	s28 =	sor.u32 $0x110, s0;
	s16 =	sadd.s32 s4, s15;
	[dreg:$0xa] =	wrdreg s10  }
0x14: {  	s12 =	sshll.u32 s9, $0x8;
	s15 =	sor.u32 $0x140, s0;
	[dreg:$0xd] =	wrdreg s16  }
0x15: {  	s2 =	sadd.s32 s4, s12;
	s6 =	sshll.u32 s11, $0x8;
	[smem:$0x7F7] =	sst s15  }
0x16: {  	s18 =	sshll.u32 s17, $0x8;
	[dreg:$0xb] =	wrdreg s2;
	s14 =	sadd.s32 s4, s6  }
0x17: {  	s12 =	sshll.u32 s28, $0x8;
	s2 =	sadd.s32 s4, s18;
	[dreg:$0xc] =	wrdreg s14  }
0x18: {  	s13 =	sadd.s32 s4, s12;
	[dreg:$0xe] =	wrdreg s2  }
0x19: {  	s5 =	ssub.s32 $0x2, s5;
	s12 =	sor.u32 $0x150, s0;
	[dreg:$0x16] =	wrdreg s13  }
0x1a: {  	s16 =	sor.u32 $0xA0, s0;
	s20 =	sor.u32 $0xB0, s0;
	[smem:$0x7F8] =	sst s12  }
0x1b: {  	s19 =	sshll.u32 s16, $0x8;
	s22 =	sshll.u32 s20, $0x8;
	v3 =	vor.u32 s29, v36;
	s29 =	sld [smem:$0x7F5]  }
0x1c: {  	s18 =	sor.u32 $0xD0, s0;
	s21 =	sadd.s32 s4, s19;
	v5 =	vor.u32 s31, v36;
	s31 =	sld [smem:$0x7F6]  }
0x1d: {  	s19 =	sor.u32 $0xC0, s0;
	s23 =	sadd.s32 s4, s22;
	[dreg:$0xf] =	wrdreg s21  }
0x1e: {  	s13 =	sshll.u32 s12, $0x8;
	s12 =	sor.u32 $0x180, s0;
	[dreg:$0x10] =	wrdreg s23  }
0x1f: {  	s25 =	sshll.u32 s18, $0x8;
	s22 =	sor.u32 $0xF0, s0;
	[smem:$0x7FA] =	sst s12  }
0x20: {  	s6 =	sadd.s32 s4, s25;
	s9 =	sshll.u32 s22, $0x8;
	v15 =	vor.u32 s22, v36;
	s22 =	sld [smem:$0x7F7]  }
0x21: {  	s24 =	sshll.u32 s19, $0x8;
	s23 =	sor.u32 $0xE0, s0;
	[dreg:$0x12] =	wrdreg s6  }
0x22: {  	s25 =	sor.u32 $0x120, s0;
	s7 =	sshll.u32 s23, $0x8;
	v14 =	vor.u32 s23, v36;
	s23 =	sld [smem:$0x7F8]  }
0x23: {  	s2 =	sadd.s32 s4, s24;
	s14 =	sshll.u32 s25, $0x8;
	v18 =	vor.u32 s25, v36;
	s25 =	sld [smem:$0x7FA]  }
0x24: {  	s21 =	sor.u32 $0x100, s0;
	[dreg:$0x11] =	wrdreg s2;
	s8 =	sadd.s32 s4, s7  }
0x25: {  	s10 =	sshll.u32 s21, $0x8;
	s2 =	sadd.s32 s4, s9;
	[dreg:$0x13] =	wrdreg s8  }
0x26: {  	s30 =	sor.u32 $0x1D0, s0;
	s11 =	sadd.s32 s4, s10;
	[dreg:$0x14] =	wrdreg s2  }
0x27: {  	s10 =	sshll.u32 s15, $0x8;
	s15 =	sor.u32 $0x170, s0;
	[dreg:$0x15] =	wrdreg s11  }
0x28: {  	v17 =	vor.u32 s28, v36;
	s28 =	simm.s32 $0x1;
	s2 =	sadd.s32 s4, s14;
	[smem:$0x7F9] =	sst s15  }
0x29: {  	s24 =	sor.u32 $0x130, s0;
	s11 =	sadd.s32 s4, s10;
	[dreg:$0x17] =	wrdreg s2  }
0x2a: {  	s10 =	sshll.u32 s15, $0x8;
	s15 =	sor.u32 $0x1A0, s0;
	[dreg:$0x19] =	wrdreg s11  }
0x2b: {  	v13 =	vor.u32 s18, v36;
	s18 =	simm.s32 $0x3;
	s8 =	sshll.u32 s24, $0x8;
	[smem:$0x7FC] =	sst s15  }
0x2c: {  	v19 =	vor.u32 s24, v36;
	s14 =	sor.u32 $0x160, s0;
	s9 =	sadd.s32 s4, s8;
	s24 =	sld [smem:$0x7F9]  }
0x2d: {  	s2 =	sadd.s32 s4, s13;
	s8 =	sshll.u32 s14, $0x8;
	[dreg:$0x18] =	wrdreg s9  }
0x2e: {  	s11 =	sadd.s32 s4, s10;
	s13 =	sshll.u32 s12, $0x8;
	[dreg:$0x1a] =	wrdreg s2  }
0x2f: {  	s10 =	sshll.u32 s15, $0x8;
	s12 =	sor.u32 $0x1C0, s0;
	[dreg:$0x1c] =	wrdreg s11  }
0x30: {  	s15 =	sor.u32 $0x1B0, s0;
	s9 =	sadd.s32 s4, s8;
	[smem:$0x7FD] =	sst s12  }
0x31: {  	v7 =	vor.u32 s29, v36;
	s8 =	sor.u32 $0x190, s0;
	s2 =	sadd.s32 s4, s13;
	s29 =	sld [smem:$0x7FC]  }
0x32: {  	s11 =	sadd.s32 s4, s10;
	s13 =	sshll.u32 s15, $0x8;
	[dreg:$0x1b] =	wrdreg s9  }
0x33: {  	s6 =	sshll.u32 s12, $0x8;
	s12 =	sor.u32 $0x1F0, s0;
	[smem:$0x7FB] =	sst s8  }
0x34: {  	v27 =	vor.u32 s15, v36;
	s15 =	simm.s32 $0x6;
	s8 =	sshll.u32 s8, $0x8;
	[dreg:$0x1d] =	wrdreg s2  }
0x35: {  	[dreg:$0x1f] =	wrdreg s11;
	s2 =	sadd.s32 s4, s13;
	s7 =	sadd.s32 s4, s6  }
0x36: {  	v8 =	vor.u32 s31, v36;
	s11 =	sshrl.u32 s5, $0x1;
	s13 =	sshll.u32 s12, $0x8;
	s31 =	sld [smem:$0x7FD]  }
0x37: {  	vm0 =	vmmov $0xffff;
	v32 =	vmul.u32 $0xFFFFFFFF, v36;
	v31 =	vor.u32 s12, v36;
	s12 =	simm.s32 $0x5;
	s9 =	sadd.s32 s4, s8;
	[smem:$0x7ED] =	sst s2  }
0x38: {  	vm1 =	vmmov $0x1;
	v33 =	vimm.s32 $0x10;
	v35 =	vshrl.u32 v36, $0x3;
	s8 =	sshll.u32 s30, $0x8;
	[smem:$0x7EE] =	sst s7;
	s2 =	sor.u32 $0x1E0, s0  }
0x39: {  	v34 =	vand.u32 $0x7, v36;
	v35 =	vmul.u32 $0x8, v35;
	v32 =	vadd.s32 $0x10, v32;
	s5 =	ssub.s32 s5, s11;
	s7 =	sadd.s32 $0x300, s1;
	s11 =	sadd.s32 $0x700, s1  }
0x3a: {  	v0 =	vor.u32 s0, v36;
	v29 =	vor.u32 s30, v36;
	v6 =	vor.u32 s26, v36;
	s26 =	sld [smem:$0x7FB];
	s30 =	simm.s32 $0x2;
	s0 =	simm.s32 $0x4  }
0x3b: {  	v9 =	vor.u32 s17, v36;
	v10 =	vor.u32 s16, v36;
	v11 =	vor.u32 s20, v36;
	[dreg:$0x1e] =	wrdreg s9;
	s9 =	sadd.s32 s4, s8;
	s10 =	sshll.u32 s2, $0x8  }
0x3c: {  	v12 =	vor.u32 s19, v36;
	v16 =	vor.u32 s21, v36;
	v20 =	vor.u32 s22, v36;
	s8 =	sadd.s32 $0x400, s1;
	[smem:$0x7EF] =	sst s9;
	s6 =	sadd.s32 s4, s10  }
0x3d: {  	v21 =	vor.u32 s23, v36;
	v22 =	vor.u32 s14, v36;
	v24 =	vor.u32 s25, v36;
	s4 =	sadd.s32 s4, s13;
	s9 =	sadd.s32 $0x500, s1;
	[smem:$0x7F0] =	sst s6  }
0x3e: {  	v23 =	vor.u32 s24, v36;
	v26 =	vor.u32 s29, v36;
	v30 =	vor.u32 s2, v36;
	s10 =	sadd.s32 $0x600, s1;
	s13 =	simm.s32 $0x80;
	[smem:$0x7F1] =	sst s4  }
0x3f: {  	v28 =	vor.u32 s31, v36;
	s4 =	smax.u32 s5, $0x1;
	s5 =	sadd.s32 $0x100, s1;
	s6 =	sadd.s32 $0x200, s1;
	v25 =	vor.u32 s26, v36;
	v36 =	vor.u32 $0x8, v36  }
.LBB2_1:
0x40: {  	[smem:$0x7EC] =	sst s4  }
0x41: {  	s16 =	rddreg [dreg:$0x4];
	s17 =	simm.s32 $0x7  }
0x42: {  	[tilespmem:s3], [sflag:$0x7] =	stream.linear.gather [hbm4b:s16+s3], $0x80, $0x38;
	[tilespmem:$0x18100] =	vst v63  }
0x43: {  	_ =	swait.ge [sflag:s17], $0x80  }
0x44: {  	[sflag:s17] =	ssyncset.done $0x0  }
0x45: {  	[sflag:s17] =	ssyncadd.s32 $0xFFFFFF80  }
0x46: {  	v37 =	vld.idx.msk [tilespmem:v32+s3+$0x0], $0xffff;
	_ =	sdelay $0x4  }
0x47: {  	v37 =	vsub.s32 $0x4000, v37  }
0x48: {  	[tilespmem:$0x80] =	vst v37  }
0x49: {  	v37 =	vld.msk [tilespmem:s3+$0x0], $0xffff;
	_ =	sdelay $0x4  }
0x4a: {  	v37 =	vsub.s32 $0x4000, v37  }
0x4b: {  	v37 =	vnsel vm1, $0x7FFFFFFF, v37  }
0x4c: {  	[tilespmem:$0x90] =	vst v37  }
0x4d: {  	v37 =	vld.idx.msk [tilespmem:v33+s13+$0x0], $0xffff;
	_ =	sdelay $0x4  }
0x4e: {  	vm2 =	vgt.s32 v37, v0  }
0x4f: {  	v37 =	vsel vm2, $0x0, v33  }
0x50: {  	v38 =	vor.u32 $0x8, v37;
	_ =	sdelay $0x4  }
0x51: {  	v39 =	vld.idx.msk [tilespmem:v38+s13+$0x0], $0xffff;
	_ =	sdelay $0x4  }
0x52: {  	vm2 =	vgt.s32 v39, v0  }
0x53: {  	v37 =	vsel vm2, v37, v38  }
0x54: {  	v38 =	vor.u32 $0x4, v37;
	_ =	sdelay $0x4  }
0x55: {  	v44 =	vld.idx.msk [tilespmem:v38+s13+$0x0], $0xffff;
	_ =	sdelay $0x4  }
0x56: {  	vm2 =	vgt.s32 v44, v0  }
0x57: {  	v37 =	vsel vm2, v37, v38  }
0x58: {  	v38 =	vor.u32 $0x2, v37;
	_ =	sdelay $0x4  }
0x59: {  	v45 =	vld.idx.msk [tilespmem:v38+s13+$0x0], $0xffff;
	_ =	sdelay $0x4  }
0x5a: {  	vm2 =	vgt.s32 v45, v0  }
0x5b: {  	v37 =	vsel vm2, v37, v38  }
0x5c: {  	v38 =	vadd.s32 $0x1, v37;
	_ =	sdelay $0x4  }
0x5d: {  	v46 =	vld.idx.msk [tilespmem:v38+s13+$0x0], $0xffff;
	_ =	sdelay $0x4  }
0x5e: {  	vm2 =	vgt.s32 v46, v0  }
0x5f: {  	v37 =	vsel vm2, v37, v38  }
0x60: {  	v38 =	vsub.s32 $0xF, v37  }
0x61: {  	v37 =	vsub.s32 $0x10, v37;
	_ =	sdelay $0x3  }
0x62: {  	v38 =	vld.idx.msk [tilespmem:v38+s3+$0x0], $0xffff  }
0x63: {  	v37 =	vld.idx.msk [tilespmem:v37+s3+$0x0], $0xffff;
	_ =	sdelay $0x3  }
0x64: {  	v38 =	vadd.s32 v0, v38  }
0x65: {  	v37 =	vadd.s32 v37, v38  }
0x66: {  	v38 =	vshll.u32 v37, $0x4  }
0x67: {  	v37 =	vand.u32 $0x7, v37;
	v38 =	vand.u32 $0xFFFFFF80, v38  }
0x68: {  	v37 =	vor.u32 v37, v38  }
0x69: {  	v37 =	vadd.s32 $0xFFFC0000, v37  }
0x6a: {  	v47 =	vperm.xlane v37, v34;
	_ =	sdelay $0x1  }
0x6b: {  	v38 =	vadd.s32 v35, v47;
	_ =	sdelay $0x3  }
0x6c: {  	s19 =	simm.s32 $0x100  }
0x6d: {  	[tilespmem:s19], [sflag:$0x1] =	stream.indirect_vreg.gather [hbm4b:s1+s3], $0x80, v38, vm0, $0xb8;
	[tilespmem:$0x18100] =	vst v63  }
0x6e: {  	s20 =	simm.s32 $0x900  }
0x6f: {  	[tilespmem:s20], [sflag:$0x1] =	stream.indirect_vreg.gather [hbm4b:s5+s3], $0x80, v38, vm0, $0xb8;
	[tilespmem:$0x18100] =	vst v63  }
0x70: {  	s21 =	simm.s32 $0x1100  }
0x71: {  	[tilespmem:s21], [sflag:$0x1] =	stream.indirect_vreg.gather [hbm4b:s6+s3], $0x80, v38, vm0, $0xb8;
	[tilespmem:$0x18100] =	vst v63  }
0x72: {  	s22 =	simm.s32 $0x1900  }
0x73: {  	[tilespmem:s22], [sflag:$0x1] =	stream.indirect_vreg.gather [hbm4b:s7+s3], $0x80, v38, vm0, $0xb8;
	[tilespmem:$0x18100] =	vst v63  }
0x74: {  	s23 =	simm.s32 $0x2100  }
0x75: {  	[tilespmem:s23], [sflag:$0x1] =	stream.indirect_vreg.gather [hbm4b:s8+s3], $0x80, v38, vm0, $0xb8;
	[tilespmem:$0x18100] =	vst v63  }
0x76: {  	s24 =	simm.s32 $0x2900;
	v37 =	vperm.xlane v37, v36  }
0x77: {  	[tilespmem:s24], [sflag:$0x1] =	stream.indirect_vreg.gather [hbm4b:s9+s3], $0x80, v38, vm0, $0xb8;
	[tilespmem:$0x18100] =	vst v63  }
0x78: {  	s25 =	simm.s32 $0x3100;
	v37 =	vadd.s32 v35, v37  }
0x79: {  	[tilespmem:s25], [sflag:$0x1] =	stream.indirect_vreg.gather [hbm4b:s10+s3], $0x80, v38, vm0, $0xb8;
	[tilespmem:$0x18100] =	vst v63  }
0x7a: {  	s26 =	simm.s32 $0x3900  }
0x7b: {  	[tilespmem:s26], [sflag:$0x1] =	stream.indirect_vreg.gather [hbm4b:s11+s3], $0x80, v38, vm0, $0xb8;
	[tilespmem:$0x18100] =	vst v63  }
0x7c: {  	s29 =	simm.s32 $0x4100  }
0x7d: {  	[tilespmem:s29], [sflag:$0x1] =	stream.indirect_vreg.gather [hbm4b:s1+s3], $0x80, v37, vm0, $0xb8;
	[tilespmem:$0x18100] =	vst v63  }
0x7e: {  	s31 =	simm.s32 $0x4900  }
0x7f: {  	[tilespmem:s31], [sflag:$0x1] =	stream.indirect_vreg.gather [hbm4b:s5+s3], $0x80, v37, vm0, $0xb8;
	[tilespmem:$0x18100] =	vst v63  }
0x80: {  	s2 =	simm.s32 $0x5100  }
0x81: {  	[tilespmem:s2], [sflag:$0x1] =	stream.indirect_vreg.gather [hbm4b:s6+s3], $0x80, v37, vm0, $0xb8;
	[tilespmem:$0x18100] =	vst v63  }
0x82: {  	s16 =	simm.s32 $0x5900  }
0x83: {  	[tilespmem:s16], [sflag:$0x1] =	stream.indirect_vreg.gather [hbm4b:s7+s3], $0x80, v37, vm0, $0xb8;
	[tilespmem:$0x18100] =	vst v63  }
0x84: {  	s19 =	simm.s32 $0x6100  }
0x85: {  	[tilespmem:s19], [sflag:$0x1] =	stream.indirect_vreg.gather [hbm4b:s8+s3], $0x80, v37, vm0, $0xb8;
	[tilespmem:$0x18100] =	vst v63  }
0x86: {  	s20 =	simm.s32 $0x6900  }
0x87: {  	[tilespmem:s20], [sflag:$0x1] =	stream.indirect_vreg.gather [hbm4b:s9+s3], $0x80, v37, vm0, $0xb8;
	[tilespmem:$0x18100] =	vst v63  }
0x88: {  	s21 =	simm.s32 $0x7100  }
0x89: {  	[tilespmem:s21], [sflag:$0x1] =	stream.indirect_vreg.gather [hbm4b:s10+s3], $0x80, v37, vm0, $0xb8;
	[tilespmem:$0x18100] =	vst v63  }
0x8a: {  	s23 =	simm.s32 $0x7900  }
0x8b: {  	[tilespmem:s23], [sflag:$0x1] =	stream.indirect_vreg.gather [hbm4b:s11+s3], $0x80, v37, vm0, $0xb8;
	[tilespmem:$0x18100] =	vst v63  }
0x8c: {  	v37 =	vld.idx.msk [tilespmem:v33+s13+$0x0], $0xffff;
	_ =	sdelay $0x4  }
0x8d: {  	vm2 =	vgt.s32 v37, v1  }
0x8e: {  	v37 =	vsel vm2, $0x0, v33  }
0x8f: {  	v48 =	vor.u32 $0x8, v37;
	_ =	sdelay $0x4  }
0x90: {  	v49 =	vld.idx.msk [tilespmem:v48+s13+$0x0], $0xffff;
	_ =	sdelay $0x4  }
0x91: {  	vm2 =	vgt.s32 v49, v1  }
0x92: {  	v37 =	vsel vm2, v37, v48  }
0x93: {  	v38 =	vor.u32 $0x4, v37;
	_ =	sdelay $0x4  }
0x94: {  	v50 =	vld.idx.msk [tilespmem:v38+s13+$0x0], $0xffff;
	_ =	sdelay $0x4  }
0x95: {  	vm2 =	vgt.s32 v50, v1  }
0x96: {  	v37 =	vsel vm2, v37, v38  }
0x97: {  	v38 =	vor.u32 $0x2, v37;
	_ =	sdelay $0x4  }
0x98: {  	v51 =	vld.idx.msk [tilespmem:v38+s13+$0x0], $0xffff;
	_ =	sdelay $0x4  }
0x99: {  	vm2 =	vgt.s32 v51, v1  }
0x9a: {  	v37 =	vsel vm2, v37, v38  }
0x9b: {  	v38 =	vadd.s32 $0x1, v37;
	_ =	sdelay $0x4  }
0x9c: {  	v52 =	vld.idx.msk [tilespmem:v38+s13+$0x0], $0xffff;
	_ =	sdelay $0x4  }
0x9d: {  	vm2 =	vgt.s32 v52, v1  }
0x9e: {  	v37 =	vsel vm2, v37, v38  }
0x9f: {  	v38 =	vsub.s32 $0xF, v37  }
0xa0: {  	v37 =	vsub.s32 $0x10, v37;
	_ =	sdelay $0x3  }
0xa1: {  	v38 =	vld.idx.msk [tilespmem:v38+s3+$0x0], $0xffff  }
0xa2: {  	v37 =	vld.idx.msk [tilespmem:v37+s3+$0x0], $0xffff;
	_ =	sdelay $0x3  }
0xa3: {  	v38 =	vadd.s32 v1, v38  }
0xa4: {  	v37 =	vadd.s32 v37, v38  }
0xa5: {  	v38 =	vshll.u32 v37, $0x4  }
0xa6: {  	v37 =	vand.u32 $0x7, v37;
	v38 =	vand.u32 $0xFFFFFF80, v38  }
0xa7: {  	v37 =	vor.u32 v37, v38  }
0xa8: {  	v37 =	vadd.s32 $0xFFFC0000, v37  }
0xa9: {  	v53 =	vperm.xlane v37, v34;
	_ =	sdelay $0x1  }
0xaa: {  	v38 =	vadd.s32 v35, v53;
	_ =	sdelay $0x3  }
0xab: {  	s2 =	simm.s32 $0x8100  }
0xac: {  	[tilespmem:s2], [sflag:$0x2] =	stream.indirect_vreg.gather [hbm4b:s1+s3], $0x80, v38, vm0, $0xb8;
	[tilespmem:$0x18100] =	vst v63  }
0xad: {  	s24 =	simm.s32 $0x8900  }
0xae: {  	[tilespmem:s24], [sflag:$0x2] =	stream.indirect_vreg.gather [hbm4b:s5+s3], $0x80, v38, vm0, $0xb8;
	[tilespmem:$0x18100] =	vst v63  }
0xaf: {  	s25 =	simm.s32 $0x9100  }
0xb0: {  	[tilespmem:s25], [sflag:$0x2] =	stream.indirect_vreg.gather [hbm4b:s6+s3], $0x80, v38, vm0, $0xb8;
	[tilespmem:$0x18100] =	vst v63  }
0xb1: {  	s26 =	simm.s32 $0x9900  }
0xb2: {  	[tilespmem:s26], [sflag:$0x2] =	stream.indirect_vreg.gather [hbm4b:s7+s3], $0x80, v38, vm0, $0xb8;
	[tilespmem:$0x18100] =	vst v63  }
0xb3: {  	s29 =	simm.s32 $0xA100  }
0xb4: {  	[tilespmem:s29], [sflag:$0x2] =	stream.indirect_vreg.gather [hbm4b:s8+s3], $0x80, v38, vm0, $0xb8;
	[tilespmem:$0x18100] =	vst v63  }
0xb5: {  	s31 =	simm.s32 $0xA900;
	v37 =	vperm.xlane v37, v36  }
0xb6: {  	[tilespmem:s31], [sflag:$0x2] =	stream.indirect_vreg.gather [hbm4b:s9+s3], $0x80, v38, vm0, $0xb8;
	[tilespmem:$0x18100] =	vst v63  }
0xb7: {  	s4 =	simm.s32 $0xB100;
	v37 =	vadd.s32 v35, v37  }
0xb8: {  	[tilespmem:s4], [sflag:$0x2] =	stream.indirect_vreg.gather [hbm4b:s10+s3], $0x80, v38, vm0, $0xb8;
	[tilespmem:$0x18100] =	vst v63  }
0xb9: {  	s19 =	simm.s32 $0xB900  }
0xba: {  	[tilespmem:s19], [sflag:$0x2] =	stream.indirect_vreg.gather [hbm4b:s11+s3], $0x80, v38, vm0, $0xb8;
	[tilespmem:$0x18100] =	vst v63  }
0xbb: {  	s20 =	simm.s32 $0xC100  }
0xbc: {  	[tilespmem:s20], [sflag:$0x2] =	stream.indirect_vreg.gather [hbm4b:s1+s3], $0x80, v37, vm0, $0xb8;
	[tilespmem:$0x18100] =	vst v63  }
0xbd: {  	s21 =	simm.s32 $0xC900  }
0xbe: {  	[tilespmem:s21], [sflag:$0x2] =	stream.indirect_vreg.gather [hbm4b:s5+s3], $0x80, v37, vm0, $0xb8;
	[tilespmem:$0x18100] =	vst v63  }
0xbf: {  	s23 =	simm.s32 $0xD100  }
0xc0: {  	[tilespmem:s23], [sflag:$0x2] =	stream.indirect_vreg.gather [hbm4b:s6+s3], $0x80, v37, vm0, $0xb8;
	[tilespmem:$0x18100] =	vst v63  }
0xc1: {  	s24 =	simm.s32 $0xD900  }
0xc2: {  	[tilespmem:s24], [sflag:$0x2] =	stream.indirect_vreg.gather [hbm4b:s7+s3], $0x80, v37, vm0, $0xb8;
	[tilespmem:$0x18100] =	vst v63  }
0xc3: {  	s25 =	simm.s32 $0xE100  }
0xc4: {  	[tilespmem:s25], [sflag:$0x2] =	stream.indirect_vreg.gather [hbm4b:s8+s3], $0x80, v37, vm0, $0xb8;
	[tilespmem:$0x18100] =	vst v63  }
0xc5: {  	s26 =	simm.s32 $0xE900  }
0xc6: {  	[tilespmem:s26], [sflag:$0x2] =	stream.indirect_vreg.gather [hbm4b:s9+s3], $0x80, v37, vm0, $0xb8;
	[tilespmem:$0x18100] =	vst v63  }
0xc7: {  	s29 =	simm.s32 $0xF100  }
0xc8: {  	[tilespmem:s29], [sflag:$0x2] =	stream.indirect_vreg.gather [hbm4b:s10+s3], $0x80, v37, vm0, $0xb8;
	[tilespmem:$0x18100] =	vst v63  }
0xc9: {  	s31 =	simm.s32 $0xF900  }
0xca: {  	[tilespmem:s31], [sflag:$0x2] =	stream.indirect_vreg.gather [hbm4b:s11+s3], $0x80, v37, vm0, $0xb8;
	[tilespmem:$0x18100] =	vst v63  }
0xcb: {  	_ =	swait.ge [sflag:s28], $0x8000  }
0xcc: {  	[sflag:s28] =	ssyncset.done $0x0  }
0xcd: {  	s14 =	simm.s32 $0x100;
	s4 =	rddreg [dreg:$0x5];
	[sflag:s28] =	ssyncadd.s32 $0xFFFF8000  }
0xce: {  	[hbm4b:s4+s3] =	stream.linear.scatter [tilespmem:s14], [sflag:$0x4], $0x8000, $0x38;
	[tilespmem:$0x18100] =	vst v63  }
0xcf: {  	v54 =	vld.idx.msk [tilespmem:v33+s13+$0x0], $0xffff;
	_ =	sdelay $0x4  }
0xd0: {  	vm2 =	vgt.s32 v54, v2  }
0xd1: {  	v37 =	vsel vm2, $0x0, v33  }
0xd2: {  	v55 =	vor.u32 $0x8, v37;
	_ =	sdelay $0x4  }
0xd3: {  	v56 =	vld.idx.msk [tilespmem:v55+s13+$0x0], $0xffff;
	_ =	sdelay $0x4  }
0xd4: {  	vm2 =	vgt.s32 v56, v2  }
0xd5: {  	v37 =	vsel vm2, v37, v55  }
0xd6: {  	v38 =	vor.u32 $0x4, v37;
	_ =	sdelay $0x4  }
0xd7: {  	v57 =	vld.idx.msk [tilespmem:v38+s13+$0x0], $0xffff;
	_ =	sdelay $0x4  }
0xd8: {  	vm2 =	vgt.s32 v57, v2  }
0xd9: {  	v37 =	vsel vm2, v37, v38  }
0xda: {  	v38 =	vor.u32 $0x2, v37;
	_ =	sdelay $0x4  }
0xdb: {  	v58 =	vld.idx.msk [tilespmem:v38+s13+$0x0], $0xffff;
	_ =	sdelay $0x4  }
0xdc: {  	vm2 =	vgt.s32 v58, v2  }
0xdd: {  	v37 =	vsel vm2, v37, v38  }
0xde: {  	v38 =	vadd.s32 $0x1, v37;
	_ =	sdelay $0x4  }
0xdf: {  	v59 =	vld.idx.msk [tilespmem:v38+s13+$0x0], $0xffff;
	_ =	sdelay $0x4  }
0xe0: {  	vm2 =	vgt.s32 v59, v2  }
0xe1: {  	v37 =	vsel vm2, v37, v38  }
0xe2: {  	v38 =	vsub.s32 $0xF, v37  }
0xe3: {  	v37 =	vsub.s32 $0x10, v37;
	_ =	sdelay $0x3  }
0xe4: {  	v38 =	vld.idx.msk [tilespmem:v38+s3+$0x0], $0xffff  }
0xe5: {  	v37 =	vld.idx.msk [tilespmem:v37+s3+$0x0], $0xffff;
	_ =	sdelay $0x3  }
0xe6: {  	v38 =	vadd.s32 v2, v38  }
0xe7: {  	v37 =	vadd.s32 v37, v38  }
0xe8: {  	v38 =	vshll.u32 v37, $0x4  }
0xe9: {  	v37 =	vand.u32 $0x7, v37;
	v38 =	vand.u32 $0xFFFFFF80, v38  }
0xea: {  	v37 =	vor.u32 v37, v38  }
0xeb: {  	v37 =	vadd.s32 $0xFFFC0000, v37  }
0xec: {  	v60 =	vperm.xlane v37, v34;
	_ =	sdelay $0x1  }
0xed: {  	v38 =	vadd.s32 v35, v60;
	_ =	sdelay $0x3  }
0xee: {  	s16 =	simm.s32 $0x10100  }
0xef: {  	[tilespmem:s16], [sflag:$0x3] =	stream.indirect_vreg.gather [hbm4b:s1+s3], $0x80, v38, vm0, $0xb8;
	[tilespmem:$0x18100] =	vst v63  }
0xf0: {  	s19 =	simm.s32 $0x10900  }
0xf1: {  	[tilespmem:s19], [sflag:$0x3] =	stream.indirect_vreg.gather [hbm4b:s5+s3], $0x80, v38, vm0, $0xb8;
	[tilespmem:$0x18100] =	vst v63  }
0xf2: {  	s20 =	simm.s32 $0x11100  }
0xf3: {  	[tilespmem:s20], [sflag:$0x3] =	stream.indirect_vreg.gather [hbm4b:s6+s3], $0x80, v38, vm0, $0xb8;
	[tilespmem:$0x18100] =	vst v63  }
0xf4: {  	s21 =	simm.s32 $0x11900  }
0xf5: {  	[tilespmem:s21], [sflag:$0x3] =	stream.indirect_vreg.gather [hbm4b:s7+s3], $0x80, v38, vm0, $0xb8;
	[tilespmem:$0x18100] =	vst v63  }
0xf6: {  	s23 =	simm.s32 $0x12100  }
0xf7: {  	[tilespmem:s23], [sflag:$0x3] =	stream.indirect_vreg.gather [hbm4b:s8+s3], $0x80, v38, vm0, $0xb8;
	[tilespmem:$0x18100] =	vst v63  }
0xf8: {  	s24 =	simm.s32 $0x12900;
	v37 =	vperm.xlane v37, v36  }
0xf9: {  	[tilespmem:s24], [sflag:$0x3] =	stream.indirect_vreg.gather [hbm4b:s9+s3], $0x80, v38, vm0, $0xb8;
	[tilespmem:$0x18100] =	vst v63  }
0xfa: {  	s25 =	simm.s32 $0x13100;
	v37 =	vadd.s32 v35, v37  }
0xfb: {  	[tilespmem:s25], [sflag:$0x3] =	stream.indirect_vreg.gather [hbm4b:s10+s3], $0x80, v38, vm0, $0xb8;
	[tilespmem:$0x18100] =	vst v63  }
0xfc: {  	s26 =	simm.s32 $0x13900  }
0xfd: {  	[tilespmem:s26], [sflag:$0x3] =	stream.indirect_vreg.gather [hbm4b:s11+s3], $0x80, v38, vm0, $0xb8;
	[tilespmem:$0x18100] =	vst v63  }
0xfe: {  	s29 =	simm.s32 $0x14100  }
0xff: {  	[tilespmem:s29], [sflag:$0x3] =	stream.indirect_vreg.gather [hbm4b:s1+s3], $0x80, v37, vm0, $0xb8;
	[tilespmem:$0x18100] =	vst v63  }
0x100: {  	s4 =	simm.s32 $0x14900  }
0x101: {  	[tilespmem:s4], [sflag:$0x3] =	stream.indirect_vreg.gather [hbm4b:s5+s3], $0x80, v37, vm0, $0xb8;
	[tilespmem:$0x18100] =	vst v63  }
0x102: {  	s19 =	simm.s32 $0x15100  }
0x103: {  	[tilespmem:s19], [sflag:$0x3] =	stream.indirect_vreg.gather [hbm4b:s6+s3], $0x80, v37, vm0, $0xb8;
	[tilespmem:$0x18100] =	vst v63  }
0x104: {  	s20 =	simm.s32 $0x15900  }
0x105: {  	[tilespmem:s20], [sflag:$0x3] =	stream.indirect_vreg.gather [hbm4b:s7+s3], $0x80, v37, vm0, $0xb8;
	[tilespmem:$0x18100] =	vst v63  }
0x106: {  	s21 =	simm.s32 $0x16100  }
0x107: {  	[tilespmem:s21], [sflag:$0x3] =	stream.indirect_vreg.gather [hbm4b:s8+s3], $0x80, v37, vm0, $0xb8;
	[tilespmem:$0x18100] =	vst v63  }
0x108: {  	s23 =	simm.s32 $0x16900  }
0x109: {  	[tilespmem:s23], [sflag:$0x3] =	stream.indirect_vreg.gather [hbm4b:s9+s3], $0x80, v37, vm0, $0xb8;
	[tilespmem:$0x18100] =	vst v63  }
0x10a: {  	s24 =	simm.s32 $0x17100  }
0x10b: {  	[tilespmem:s24], [sflag:$0x3] =	stream.indirect_vreg.gather [hbm4b:s10+s3], $0x80, v37, vm0, $0xb8;
	[tilespmem:$0x18100] =	vst v63  }
0x10c: {  	s25 =	simm.s32 $0x17900  }
0x10d: {  	[tilespmem:s25], [sflag:$0x3] =	stream.indirect_vreg.gather [hbm4b:s11+s3], $0x80, v37, vm0, $0xb8;
	[tilespmem:$0x18100] =	vst v63  }
0x10e: {  	_ =	swait.ge [sflag:s30], $0x8000  }
0x10f: {  	[sflag:s30] =	ssyncset.done $0x0  }
0x110: {  	s2 =	simm.s32 $0x8100;
	s26 =	rddreg [dreg:$0x6];
	[sflag:s30] =	ssyncadd.s32 $0xFFFF8000  }
0x111: {  	[hbm4b:s26+s3] =	stream.linear.scatter [tilespmem:s2], [sflag:$0x5], $0x8000, $0x38;
	[tilespmem:$0x18100] =	vst v63  }
0x112: {  	_ =	swait.ge [sflag:s0], $0x8000  }
0x113: {  	[sflag:s0] =	ssyncset.done $0x0  }
0x114: {  	[sflag:s0] =	ssyncadd.s32 $0xFFFF8000  }
0x115: {  	v61 =	vld.idx.msk [tilespmem:v33+s13+$0x0], $0xffff;
	_ =	sdelay $0x4  }
0x116: {  	vm2 =	vgt.s32 v61, v3  }
0x117: {  	v37 =	vsel vm2, $0x0, v33  }
0x118: {  	v62 =	vor.u32 $0x8, v37;
	_ =	sdelay $0x4  }
0x119: {  	v63 =	vld.idx.msk [tilespmem:v62+s13+$0x0], $0xffff;
	_ =	sdelay $0x4  }
0x11a: {  	vm2 =	vgt.s32 v63, v3  }
0x11b: {  	v37 =	vsel vm2, v37, v62  }
0x11c: {  	v38 =	vor.u32 $0x4, v37;
	_ =	sdelay $0x4  }
0x11d: {  	v42 =	vld.idx.msk [tilespmem:v38+s13+$0x0], $0xffff;
	_ =	sdelay $0x4  }
0x11e: {  	vm2 =	vgt.s32 v42, v3  }
0x11f: {  	v37 =	vsel vm2, v37, v38  }
0x120: {  	v38 =	vor.u32 $0x2, v37;
	_ =	sdelay $0x4  }
0x121: {  	v43 =	vld.idx.msk [tilespmem:v38+s13+$0x0], $0xffff;
	_ =	sdelay $0x4  }
0x122: {  	vm2 =	vgt.s32 v43, v3  }
0x123: {  	v37 =	vsel vm2, v37, v38  }
0x124: {  	v38 =	vadd.s32 $0x1, v37;
	_ =	sdelay $0x4  }
0x125: {  	v44 =	vld.idx.msk [tilespmem:v38+s13+$0x0], $0xffff;
	_ =	sdelay $0x4  }
0x126: {  	vm2 =	vgt.s32 v44, v3  }
0x127: {  	v37 =	vsel vm2, v37, v38  }
0x128: {  	v38 =	vsub.s32 $0xF, v37  }
0x129: {  	v37 =	vsub.s32 $0x10, v37;
	_ =	sdelay $0x3  }
0x12a: {  	v38 =	vld.idx.msk [tilespmem:v38+s3+$0x0], $0xffff  }
0x12b: {  	v37 =	vld.idx.msk [tilespmem:v37+s3+$0x0], $0xffff;
	_ =	sdelay $0x3  }
0x12c: {  	v38 =	vadd.s32 v3, v38  }
0x12d: {  	v37 =	vadd.s32 v37, v38  }
0x12e: {  	v38 =	vshll.u32 v37, $0x4  }
0x12f: {  	v37 =	vand.u32 $0x7, v37;
	v38 =	vand.u32 $0xFFFFFF80, v38  }
0x130: {  	v37 =	vor.u32 v37, v38  }
0x131: {  	v37 =	vadd.s32 $0xFFFC0000, v37  }
0x132: {  	v45 =	vperm.xlane v37, v34;
	_ =	sdelay $0x1  }
0x133: {  	v38 =	vadd.s32 v35, v45;
	_ =	sdelay $0x3  }
0x134: {  	s14 =	simm.s32 $0x100  }
0x135: {  	[tilespmem:s14], [sflag:$0x1] =	stream.indirect_vreg.gather [hbm4b:s1+s3], $0x80, v38, vm0, $0xb8;
	[tilespmem:$0x18100] =	vst v63  }
0x136: {  	s19 =	simm.s32 $0x900  }
0x137: {  	[tilespmem:s19], [sflag:$0x1] =	stream.indirect_vreg.gather [hbm4b:s5+s3], $0x80, v38, vm0, $0xb8;
	[tilespmem:$0x18100] =	vst v63  }
0x138: {  	s20 =	simm.s32 $0x1100  }
0x139: {  	[tilespmem:s20], [sflag:$0x1] =	stream.indirect_vreg.gather [hbm4b:s6+s3], $0x80, v38, vm0, $0xb8;
	[tilespmem:$0x18100] =	vst v63  }
0x13a: {  	s21 =	simm.s32 $0x1900  }
0x13b: {  	[tilespmem:s21], [sflag:$0x1] =	stream.indirect_vreg.gather [hbm4b:s7+s3], $0x80, v38, vm0, $0xb8;
	[tilespmem:$0x18100] =	vst v63  }
0x13c: {  	s22 =	simm.s32 $0x2100  }
0x13d: {  	[tilespmem:s22], [sflag:$0x1] =	stream.indirect_vreg.gather [hbm4b:s8+s3], $0x80, v38, vm0, $0xb8;
	[tilespmem:$0x18100] =	vst v63  }
0x13e: {  	s17 =	simm.s32 $0x2900;
	v37 =	vperm.xlane v37, v36  }
0x13f: {  	[tilespmem:s17], [sflag:$0x1] =	stream.indirect_vreg.gather [hbm4b:s9+s3], $0x80, v38, vm0, $0xb8;
	[tilespmem:$0x18100] =	vst v63  }
0x140: {  	v37 =	vadd.s32 v35, v37;
	s22 =	simm.s32 $0x3100  }
0x141: {  	[tilespmem:s22], [sflag:$0x1] =	stream.indirect_vreg.gather [hbm4b:s10+s3], $0x80, v38, vm0, $0xb8;
	[tilespmem:$0x18100] =	vst v63  }
0x142: {  	s23 =	simm.s32 $0x3900  }
0x143: {  	[tilespmem:s23], [sflag:$0x1] =	stream.indirect_vreg.gather [hbm4b:s11+s3], $0x80, v38, vm0, $0xb8;
	[tilespmem:$0x18100] =	vst v63  }
0x144: {  	s24 =	simm.s32 $0x4100  }
0x145: {  	[tilespmem:s24], [sflag:$0x1] =	stream.indirect_vreg.gather [hbm4b:s1+s3], $0x80, v37, vm0, $0xb8;
	[tilespmem:$0x18100] =	vst v63  }
0x146: {  	s25 =	simm.s32 $0x4900  }
0x147: {  	[tilespmem:s25], [sflag:$0x1] =	stream.indirect_vreg.gather [hbm4b:s5+s3], $0x80, v37, vm0, $0xb8;
	[tilespmem:$0x18100] =	vst v63  }
0x148: {  	s26 =	simm.s32 $0x5100  }
0x149: {  	[tilespmem:s26], [sflag:$0x1] =	stream.indirect_vreg.gather [hbm4b:s6+s3], $0x80, v37, vm0, $0xb8;
	[tilespmem:$0x18100] =	vst v63  }
0x14a: {  	s29 =	simm.s32 $0x5900  }
0x14b: {  	[tilespmem:s29], [sflag:$0x1] =	stream.indirect_vreg.gather [hbm4b:s7+s3], $0x80, v37, vm0, $0xb8;
	[tilespmem:$0x18100] =	vst v63  }
0x14c: {  	s16 =	simm.s32 $0x6100  }
0x14d: {  	[tilespmem:s16], [sflag:$0x1] =	stream.indirect_vreg.gather [hbm4b:s8+s3], $0x80, v37, vm0, $0xb8;
	[tilespmem:$0x18100] =	vst v63  }
0x14e: {  	s14 =	simm.s32 $0x6900  }
0x14f: {  	[tilespmem:s14], [sflag:$0x1] =	stream.indirect_vreg.gather [hbm4b:s9+s3], $0x80, v37, vm0, $0xb8;
	[tilespmem:$0x18100] =	vst v63  }
0x150: {  	s29 =	simm.s32 $0x7100  }
0x151: {  	[tilespmem:s29], [sflag:$0x1] =	stream.indirect_vreg.gather [hbm4b:s10+s3], $0x80, v37, vm0, $0xb8;
	[tilespmem:$0x18100] =	vst v63  }
0x152: {  	s17 =	simm.s32 $0x7900  }
0x153: {  	[tilespmem:s17], [sflag:$0x1] =	stream.indirect_vreg.gather [hbm4b:s11+s3], $0x80, v37, vm0, $0xb8;
	[tilespmem:$0x18100] =	vst v63  }
0x154: {  	_ =	swait.ge [sflag:s18], $0x8000  }
0x155: {  	[sflag:s18] =	ssyncset.done $0x0  }
0x156: {  	s31 =	simm.s32 $0x10100;
	s17 =	rddreg [dreg:$0x7];
	[sflag:s18] =	ssyncadd.s32 $0xFFFF8000  }
0x157: {  	[hbm4b:s17+s3] =	stream.linear.scatter [tilespmem:s31], [sflag:$0x6], $0x8000, $0x38;
	[tilespmem:$0x18100] =	vst v63  }
0x158: {  	_ =	swait.ge [sflag:s12], $0x8000  }
0x159: {  	[sflag:s12] =	ssyncset.done $0x0  }
0x15a: {  	[sflag:s12] =	ssyncadd.s32 $0xFFFF8000  }
0x15b: {  	v46 =	vld.idx.msk [tilespmem:v33+s13+$0x0], $0xffff;
	_ =	sdelay $0x4  }
0x15c: {  	vm2 =	vgt.s32 v46, v4  }
0x15d: {  	v37 =	vsel vm2, $0x0, v33  }
0x15e: {  	v47 =	vor.u32 $0x8, v37;
	_ =	sdelay $0x4  }
0x15f: {  	v48 =	vld.idx.msk [tilespmem:v47+s13+$0x0], $0xffff;
	_ =	sdelay $0x4  }
0x160: {  	vm2 =	vgt.s32 v48, v4  }
0x161: {  	v37 =	vsel vm2, v37, v47  }
0x162: {  	v38 =	vor.u32 $0x4, v37;
	_ =	sdelay $0x4  }
0x163: {  	v49 =	vld.idx.msk [tilespmem:v38+s13+$0x0], $0xffff;
	_ =	sdelay $0x4  }
0x164: {  	vm2 =	vgt.s32 v49, v4  }
0x165: {  	v37 =	vsel vm2, v37, v38  }
0x166: {  	v38 =	vor.u32 $0x2, v37;
	_ =	sdelay $0x4  }
0x167: {  	v50 =	vld.idx.msk [tilespmem:v38+s13+$0x0], $0xffff;
	_ =	sdelay $0x4  }
0x168: {  	vm2 =	vgt.s32 v50, v4  }
0x169: {  	v37 =	vsel vm2, v37, v38  }
0x16a: {  	v38 =	vadd.s32 $0x1, v37;
	_ =	sdelay $0x4  }
0x16b: {  	v51 =	vld.idx.msk [tilespmem:v38+s13+$0x0], $0xffff;
	_ =	sdelay $0x4  }
0x16c: {  	vm2 =	vgt.s32 v51, v4  }
0x16d: {  	v37 =	vsel vm2, v37, v38  }
0x16e: {  	v38 =	vsub.s32 $0xF, v37  }
0x16f: {  	v37 =	vsub.s32 $0x10, v37;
	_ =	sdelay $0x3  }
0x170: {  	v38 =	vld.idx.msk [tilespmem:v38+s3+$0x0], $0xffff  }
0x171: {  	v37 =	vld.idx.msk [tilespmem:v37+s3+$0x0], $0xffff;
	_ =	sdelay $0x3  }
0x172: {  	v38 =	vadd.s32 v4, v38  }
0x173: {  	v37 =	vadd.s32 v37, v38  }
0x174: {  	v38 =	vshll.u32 v37, $0x4  }
0x175: {  	v37 =	vand.u32 $0x7, v37;
	v38 =	vand.u32 $0xFFFFFF80, v38  }
0x176: {  	v37 =	vor.u32 v37, v38  }
0x177: {  	v37 =	vadd.s32 $0xFFFC0000, v37  }
0x178: {  	v52 =	vperm.xlane v37, v34;
	_ =	sdelay $0x1  }
0x179: {  	v38 =	vadd.s32 v35, v52;
	_ =	sdelay $0x3  }
0x17a: {  	s4 =	simm.s32 $0x8100  }
0x17b: {  	[tilespmem:s4], [sflag:$0x2] =	stream.indirect_vreg.gather [hbm4b:s1+s3], $0x80, v38, vm0, $0xb8;
	[tilespmem:$0x18100] =	vst v63  }
0x17c: {  	s16 =	simm.s32 $0x8900  }
0x17d: {  	[tilespmem:s16], [sflag:$0x2] =	stream.indirect_vreg.gather [hbm4b:s5+s3], $0x80, v38, vm0, $0xb8;
	[tilespmem:$0x18100] =	vst v63  }
0x17e: {  	s16 =	simm.s32 $0x9100  }
0x17f: {  	[tilespmem:s16], [sflag:$0x2] =	stream.indirect_vreg.gather [hbm4b:s6+s3], $0x80, v38, vm0, $0xb8;
	[tilespmem:$0x18100] =	vst v63  }
0x180: {  	s16 =	simm.s32 $0x9900  }
0x181: {  	[tilespmem:s16], [sflag:$0x2] =	stream.indirect_vreg.gather [hbm4b:s7+s3], $0x80, v38, vm0, $0xb8;
	[tilespmem:$0x18100] =	vst v63  }
0x182: {  	s16 =	simm.s32 $0xA100  }
0x183: {  	[tilespmem:s16], [sflag:$0x2] =	stream.indirect_vreg.gather [hbm4b:s8+s3], $0x80, v38, vm0, $0xb8;
	[tilespmem:$0x18100] =	vst v63  }
0x184: {  	v37 =	vperm.xlane v37, v36;
	s16 =	simm.s32 $0xA900  }
0x185: {  	[tilespmem:s16], [sflag:$0x2] =	stream.indirect_vreg.gather [hbm4b:s9+s3], $0x80, v38, vm0, $0xb8;
	[tilespmem:$0x18100] =	vst v63  }
0x186: {  	v37 =	vadd.s32 v35, v37;
	s16 =	simm.s32 $0xB100  }
0x187: {  	[tilespmem:s16], [sflag:$0x2] =	stream.indirect_vreg.gather [hbm4b:s10+s3], $0x80, v38, vm0, $0xb8;
	[tilespmem:$0x18100] =	vst v63  }
0x188: {  	s16 =	simm.s32 $0xB900  }
0x189: {  	[tilespmem:s16], [sflag:$0x2] =	stream.indirect_vreg.gather [hbm4b:s11+s3], $0x80, v38, vm0, $0xb8;
	[tilespmem:$0x18100] =	vst v63  }
0x18a: {  	s16 =	simm.s32 $0xC100  }
0x18b: {  	[tilespmem:s16], [sflag:$0x2] =	stream.indirect_vreg.gather [hbm4b:s1+s3], $0x80, v37, vm0, $0xb8;
	[tilespmem:$0x18100] =	vst v63  }
0x18c: {  	s16 =	simm.s32 $0xC900  }
0x18d: {  	[tilespmem:s16], [sflag:$0x2] =	stream.indirect_vreg.gather [hbm4b:s5+s3], $0x80, v37, vm0, $0xb8;
	[tilespmem:$0x18100] =	vst v63  }
0x18e: {  	s16 =	simm.s32 $0xD100  }
0x18f: {  	[tilespmem:s16], [sflag:$0x2] =	stream.indirect_vreg.gather [hbm4b:s6+s3], $0x80, v37, vm0, $0xb8;
	[tilespmem:$0x18100] =	vst v63  }
0x190: {  	s16 =	simm.s32 $0xD900  }
0x191: {  	[tilespmem:s16], [sflag:$0x2] =	stream.indirect_vreg.gather [hbm4b:s7+s3], $0x80, v37, vm0, $0xb8;
	[tilespmem:$0x18100] =	vst v63  }
0x192: {  	s16 =	simm.s32 $0xE100  }
0x193: {  	[tilespmem:s16], [sflag:$0x2] =	stream.indirect_vreg.gather [hbm4b:s8+s3], $0x80, v37, vm0, $0xb8;
	[tilespmem:$0x18100] =	vst v63  }
0x194: {  	s16 =	simm.s32 $0xE900  }
0x195: {  	[tilespmem:s16], [sflag:$0x2] =	stream.indirect_vreg.gather [hbm4b:s9+s3], $0x80, v37, vm0, $0xb8;
	[tilespmem:$0x18100] =	vst v63  }
0x196: {  	s16 =	simm.s32 $0xF100  }
0x197: {  	[tilespmem:s16], [sflag:$0x2] =	stream.indirect_vreg.gather [hbm4b:s10+s3], $0x80, v37, vm0, $0xb8;
	[tilespmem:$0x18100] =	vst v63  }
0x198: {  	s16 =	simm.s32 $0xF900  }
0x199: {  	[tilespmem:s16], [sflag:$0x2] =	stream.indirect_vreg.gather [hbm4b:s11+s3], $0x80, v37, vm0, $0xb8;
	[tilespmem:$0x18100] =	vst v63  }
0x19a: {  	_ =	swait.ge [sflag:s28], $0x8000  }
0x19b: {  	[sflag:s28] =	ssyncset.done $0x0  }
0x19c: {  	s2 =	simm.s32 $0x100;
	s4 =	rddreg [dreg:$0x8];
	[sflag:s28] =	ssyncadd.s32 $0xFFFF8000  }
0x19d: {  	[hbm4b:s4+s3] =	stream.linear.scatter [tilespmem:s2], [sflag:$0x4], $0x8000, $0x38;
	[tilespmem:$0x18100] =	vst v63  }
0x19e: {  	_ =	swait.ge [sflag:s15], $0x8000  }
0x19f: {  	[sflag:s15] =	ssyncset.done $0x0  }
0x1a0: {  	[sflag:s15] =	ssyncadd.s32 $0xFFFF8000  }
0x1a1: {  	v53 =	vld.idx.msk [tilespmem:v33+s13+$0x0], $0xffff;
	_ =	sdelay $0x4  }
0x1a2: {  	vm2 =	vgt.s32 v53, v5  }
0x1a3: {  	v37 =	vsel vm2, $0x0, v33  }
0x1a4: {  	v54 =	vor.u32 $0x8, v37;
	_ =	sdelay $0x4  }
0x1a5: {  	v55 =	vld.idx.msk [tilespmem:v54+s13+$0x0], $0xffff;
	_ =	sdelay $0x4  }
0x1a6: {  	vm2 =	vgt.s32 v55, v5  }
0x1a7: {  	v37 =	vsel vm2, v37, v54  }
0x1a8: {  	v38 =	vor.u32 $0x4, v37;
	_ =	sdelay $0x4  }
0x1a9: {  	v56 =	vld.idx.msk [tilespmem:v38+s13+$0x0], $0xffff;
	_ =	sdelay $0x4  }
0x1aa: {  	vm2 =	vgt.s32 v56, v5  }
0x1ab: {  	v37 =	vsel vm2, v37, v38  }
0x1ac: {  	v38 =	vor.u32 $0x2, v37;
	_ =	sdelay $0x4  }
0x1ad: {  	v57 =	vld.idx.msk [tilespmem:v38+s13+$0x0], $0xffff;
	_ =	sdelay $0x4  }
0x1ae: {  	vm2 =	vgt.s32 v57, v5  }
0x1af: {  	v37 =	vsel vm2, v37, v38  }
0x1b0: {  	v38 =	vadd.s32 $0x1, v37;
	_ =	sdelay $0x4  }
0x1b1: {  	v58 =	vld.idx.msk [tilespmem:v38+s13+$0x0], $0xffff;
	_ =	sdelay $0x4  }
0x1b2: {  	vm2 =	vgt.s32 v58, v5  }
0x1b3: {  	v37 =	vsel vm2, v37, v38  }
0x1b4: {  	v38 =	vsub.s32 $0xF, v37  }
0x1b5: {  	v37 =	vsub.s32 $0x10, v37;
	_ =	sdelay $0x3  }
0x1b6: {  	v38 =	vld.idx.msk [tilespmem:v38+s3+$0x0], $0xffff  }
0x1b7: {  	v37 =	vld.idx.msk [tilespmem:v37+s3+$0x0], $0xffff;
	_ =	sdelay $0x3  }
0x1b8: {  	v38 =	vadd.s32 v5, v38  }
0x1b9: {  	v37 =	vadd.s32 v37, v38  }
0x1ba: {  	v38 =	vshll.u32 v37, $0x4  }
0x1bb: {  	v37 =	vand.u32 $0x7, v37;
	v38 =	vand.u32 $0xFFFFFF80, v38  }
0x1bc: {  	v37 =	vor.u32 v37, v38  }
0x1bd: {  	v37 =	vadd.s32 $0xFFFC0000, v37  }
0x1be: {  	v59 =	vperm.xlane v37, v34;
	_ =	sdelay $0x1  }
0x1bf: {  	v38 =	vadd.s32 v35, v59;
	_ =	sdelay $0x3  }
0x1c0: {  	s31 =	simm.s32 $0x10100  }
0x1c1: {  	[tilespmem:s31], [sflag:$0x3] =	stream.indirect_vreg.gather [hbm4b:s1+s3], $0x80, v38, vm0, $0xb8;
	[tilespmem:$0x18100] =	vst v63  }
0x1c2: {  	s31 =	simm.s32 $0x10900  }
0x1c3: {  	[tilespmem:s31], [sflag:$0x3] =	stream.indirect_vreg.gather [hbm4b:s5+s3], $0x80, v38, vm0, $0xb8;
	[tilespmem:$0x18100] =	vst v63  }
0x1c4: {  	s31 =	simm.s32 $0x11100  }
0x1c5: {  	[tilespmem:s31], [sflag:$0x3] =	stream.indirect_vreg.gather [hbm4b:s6+s3], $0x80, v38, vm0, $0xb8;
	[tilespmem:$0x18100] =	vst v63  }
0x1c6: {  	s31 =	simm.s32 $0x11900  }
0x1c7: {  	[tilespmem:s31], [sflag:$0x3] =	stream.indirect_vreg.gather [hbm4b:s7+s3], $0x80, v38, vm0, $0xb8;
	[tilespmem:$0x18100] =	vst v63  }
0x1c8: {  	s31 =	simm.s32 $0x12100  }
0x1c9: {  	[tilespmem:s31], [sflag:$0x3] =	stream.indirect_vreg.gather [hbm4b:s8+s3], $0x80, v38, vm0, $0xb8;
	[tilespmem:$0x18100] =	vst v63  }
0x1ca: {  	v37 =	vperm.xlane v37, v36;
	s31 =	simm.s32 $0x12900  }
0x1cb: {  	[tilespmem:s31], [sflag:$0x3] =	stream.indirect_vreg.gather [hbm4b:s9+s3], $0x80, v38, vm0, $0xb8;
	[tilespmem:$0x18100] =	vst v63  }
0x1cc: {  	v37 =	vadd.s32 v35, v37;
	s31 =	simm.s32 $0x13100  }
0x1cd: {  	[tilespmem:s31], [sflag:$0x3] =	stream.indirect_vreg.gather [hbm4b:s10+s3], $0x80, v38, vm0, $0xb8;
	[tilespmem:$0x18100] =	vst v63  }
0x1ce: {  	s31 =	simm.s32 $0x13900  }
0x1cf: {  	[tilespmem:s31], [sflag:$0x3] =	stream.indirect_vreg.gather [hbm4b:s11+s3], $0x80, v38, vm0, $0xb8;
	[tilespmem:$0x18100] =	vst v63  }
0x1d0: {  	s31 =	simm.s32 $0x14100  }
0x1d1: {  	[tilespmem:s31], [sflag:$0x3] =	stream.indirect_vreg.gather [hbm4b:s1+s3], $0x80, v37, vm0, $0xb8;
	[tilespmem:$0x18100] =	vst v63  }
0x1d2: {  	s31 =	simm.s32 $0x14900  }
0x1d3: {  	[tilespmem:s31], [sflag:$0x3] =	stream.indirect_vreg.gather [hbm4b:s5+s3], $0x80, v37, vm0, $0xb8;
	[tilespmem:$0x18100] =	vst v63  }
0x1d4: {  	s31 =	simm.s32 $0x15100  }
0x1d5: {  	[tilespmem:s31], [sflag:$0x3] =	stream.indirect_vreg.gather [hbm4b:s6+s3], $0x80, v37, vm0, $0xb8;
	[tilespmem:$0x18100] =	vst v63  }
0x1d6: {  	s31 =	simm.s32 $0x15900  }
0x1d7: {  	[tilespmem:s31], [sflag:$0x3] =	stream.indirect_vreg.gather [hbm4b:s7+s3], $0x80, v37, vm0, $0xb8;
	[tilespmem:$0x18100] =	vst v63  }
0x1d8: {  	s31 =	simm.s32 $0x16100  }
0x1d9: {  	[tilespmem:s31], [sflag:$0x3] =	stream.indirect_vreg.gather [hbm4b:s8+s3], $0x80, v37, vm0, $0xb8;
	[tilespmem:$0x18100] =	vst v63  }
0x1da: {  	s31 =	simm.s32 $0x16900  }
0x1db: {  	[tilespmem:s31], [sflag:$0x3] =	stream.indirect_vreg.gather [hbm4b:s9+s3], $0x80, v37, vm0, $0xb8;
	[tilespmem:$0x18100] =	vst v63  }
0x1dc: {  	s31 =	simm.s32 $0x17100  }
0x1dd: {  	[tilespmem:s31], [sflag:$0x3] =	stream.indirect_vreg.gather [hbm4b:s10+s3], $0x80, v37, vm0, $0xb8;
	[tilespmem:$0x18100] =	vst v63  }
0x1de: {  	s31 =	simm.s32 $0x17900  }
0x1df: {  	[tilespmem:s31], [sflag:$0x3] =	stream.indirect_vreg.gather [hbm4b:s11+s3], $0x80, v37, vm0, $0xb8;
	[tilespmem:$0x18100] =	vst v63  }
0x1e0: {  	_ =	swait.ge [sflag:s30], $0x8000  }
0x1e1: {  	[sflag:s30] =	ssyncset.done $0x0  }
0x1e2: {  	s17 =	simm.s32 $0x8100;
	s31 =	rddreg [dreg:$0x9];
	[sflag:s30] =	ssyncadd.s32 $0xFFFF8000  }
0x1e3: {  	[hbm4b:s31+s3] =	stream.linear.scatter [tilespmem:s17], [sflag:$0x5], $0x8000, $0x38;
	[tilespmem:$0x18100] =	vst v63  }
0x1e4: {  	_ =	swait.ge [sflag:s0], $0x8000  }
0x1e5: {  	[sflag:s0] =	ssyncset.done $0x0  }
0x1e6: {  	[sflag:s0] =	ssyncadd.s32 $0xFFFF8000  }
0x1e7: {  	v60 =	vld.idx.msk [tilespmem:v33+s13+$0x0], $0xffff;
	_ =	sdelay $0x4  }
0x1e8: {  	vm2 =	vgt.s32 v60, v6  }
0x1e9: {  	v37 =	vsel vm2, $0x0, v33  }
0x1ea: {  	v61 =	vor.u32 $0x8, v37;
	_ =	sdelay $0x4  }
0x1eb: {  	v62 =	vld.idx.msk [tilespmem:v61+s13+$0x0], $0xffff;
	_ =	sdelay $0x4  }
0x1ec: {  	vm2 =	vgt.s32 v62, v6  }
0x1ed: {  	v37 =	vsel vm2, v37, v61  }
0x1ee: {  	v38 =	vor.u32 $0x4, v37;
	_ =	sdelay $0x4  }
0x1ef: {  	v63 =	vld.idx.msk [tilespmem:v38+s13+$0x0], $0xffff;
	_ =	sdelay $0x4  }
0x1f0: {  	vm2 =	vgt.s32 v63, v6  }
0x1f1: {  	v37 =	vsel vm2, v37, v38  }
0x1f2: {  	v38 =	vor.u32 $0x2, v37;
	_ =	sdelay $0x4  }
0x1f3: {  	v42 =	vld.idx.msk [tilespmem:v38+s13+$0x0], $0xffff;
	_ =	sdelay $0x4  }
0x1f4: {  	vm2 =	vgt.s32 v42, v6  }
0x1f5: {  	v37 =	vsel vm2, v37, v38  }
0x1f6: {  	v38 =	vadd.s32 $0x1, v37;
	_ =	sdelay $0x4  }
0x1f7: {  	v43 =	vld.idx.msk [tilespmem:v38+s13+$0x0], $0xffff;
	_ =	sdelay $0x4  }
0x1f8: {  	vm2 =	vgt.s32 v43, v6  }
0x1f9: {  	v37 =	vsel vm2, v37, v38  }
0x1fa: {  	v38 =	vsub.s32 $0xF, v37  }
0x1fb: {  	v37 =	vsub.s32 $0x10, v37;
	_ =	sdelay $0x3  }
0x1fc: {  	v38 =	vld.idx.msk [tilespmem:v38+s3+$0x0], $0xffff  }
0x1fd: {  	v37 =	vld.idx.msk [tilespmem:v37+s3+$0x0], $0xffff;
	_ =	sdelay $0x3  }
0x1fe: {  	v38 =	vadd.s32 v6, v38  }
0x1ff: {  	v37 =	vadd.s32 v37, v38  }
0x200: {  	v38 =	vshll.u32 v37, $0x4  }
0x201: {  	v37 =	vand.u32 $0x7, v37;
	v38 =	vand.u32 $0xFFFFFF80, v38  }
0x202: {  	v37 =	vor.u32 v37, v38  }
0x203: {  	v37 =	vadd.s32 $0xFFFC0000, v37  }
0x204: {  	v44 =	vperm.xlane v37, v34;
	_ =	sdelay $0x1  }
0x205: {  	v38 =	vadd.s32 v35, v44;
	_ =	sdelay $0x3  }
0x206: {  	s2 =	simm.s32 $0x100  }
0x207: {  	[tilespmem:s2], [sflag:$0x1] =	stream.indirect_vreg.gather [hbm4b:s1+s3], $0x80, v38, vm0, $0xb8;
	[tilespmem:$0x18100] =	vst v63  }
0x208: {  	_ = 	snop  }
0x209: {  	[tilespmem:s19], [sflag:$0x1] =	stream.indirect_vreg.gather [hbm4b:s5+s3], $0x80, v38, vm0, $0xb8;
	[tilespmem:$0x18100] =	vst v63  }
0x20a: {  	_ = 	snop  }
0x20b: {  	[tilespmem:s20], [sflag:$0x1] =	stream.indirect_vreg.gather [hbm4b:s6+s3], $0x80, v38, vm0, $0xb8;
	[tilespmem:$0x18100] =	vst v63  }
0x20c: {  	_ = 	snop  }
0x20d: {  	[tilespmem:s21], [sflag:$0x1] =	stream.indirect_vreg.gather [hbm4b:s7+s3], $0x80, v38, vm0, $0xb8;
	[tilespmem:$0x18100] =	vst v63  }
0x20e: {  	s17 =	simm.s32 $0x2100  }
0x20f: {  	[tilespmem:s17], [sflag:$0x1] =	stream.indirect_vreg.gather [hbm4b:s8+s3], $0x80, v38, vm0, $0xb8;
	[tilespmem:$0x18100] =	vst v63  }
0x210: {  	v37 =	vperm.xlane v37, v36;
	s21 =	simm.s32 $0x2900  }
0x211: {  	[tilespmem:s21], [sflag:$0x1] =	stream.indirect_vreg.gather [hbm4b:s9+s3], $0x80, v38, vm0, $0xb8;
	[tilespmem:$0x18100] =	vst v63  }
0x212: {  	v37 =	vadd.s32 v35, v37  }
0x213: {  	[tilespmem:s22], [sflag:$0x1] =	stream.indirect_vreg.gather [hbm4b:s10+s3], $0x80, v38, vm0, $0xb8;
	[tilespmem:$0x18100] =	vst v63  }
0x214: {  	_ = 	snop  }
0x215: {  	[tilespmem:s23], [sflag:$0x1] =	stream.indirect_vreg.gather [hbm4b:s11+s3], $0x80, v38, vm0, $0xb8;
	[tilespmem:$0x18100] =	vst v63  }
0x216: {  	_ = 	snop  }
0x217: {  	[tilespmem:s24], [sflag:$0x1] =	stream.indirect_vreg.gather [hbm4b:s1+s3], $0x80, v37, vm0, $0xb8;
	[tilespmem:$0x18100] =	vst v63  }
0x218: {  	_ = 	snop  }
0x219: {  	[tilespmem:s25], [sflag:$0x1] =	stream.indirect_vreg.gather [hbm4b:s5+s3], $0x80, v37, vm0, $0xb8;
	[tilespmem:$0x18100] =	vst v63  }
0x21a: {  	_ = 	snop  }
0x21b: {  	[tilespmem:s26], [sflag:$0x1] =	stream.indirect_vreg.gather [hbm4b:s6+s3], $0x80, v37, vm0, $0xb8;
	[tilespmem:$0x18100] =	vst v63  }
0x21c: {  	s26 =	simm.s32 $0x5900  }
0x21d: {  	[tilespmem:s26], [sflag:$0x1] =	stream.indirect_vreg.gather [hbm4b:s7+s3], $0x80, v37, vm0, $0xb8;
	[tilespmem:$0x18100] =	vst v63  }
0x21e: {  	s17 =	simm.s32 $0x6100  }
0x21f: {  	[tilespmem:s17], [sflag:$0x1] =	stream.indirect_vreg.gather [hbm4b:s8+s3], $0x80, v37, vm0, $0xb8;
	[tilespmem:$0x18100] =	vst v63  }
0x220: {  	_ = 	snop  }
0x221: {  	[tilespmem:s14], [sflag:$0x1] =	stream.indirect_vreg.gather [hbm4b:s9+s3], $0x80, v37, vm0, $0xb8;
	[tilespmem:$0x18100] =	vst v63  }
0x222: {  	_ = 	snop  }
0x223: {  	[tilespmem:s29], [sflag:$0x1] =	stream.indirect_vreg.gather [hbm4b:s10+s3], $0x80, v37, vm0, $0xb8;
	[tilespmem:$0x18100] =	vst v63  }
0x224: {  	s17 =	simm.s32 $0x7900  }
0x225: {  	[tilespmem:s17], [sflag:$0x1] =	stream.indirect_vreg.gather [hbm4b:s11+s3], $0x80, v37, vm0, $0xb8;
	[tilespmem:$0x18100] =	vst v63  }
0x226: {  	_ =	swait.ge [sflag:s18], $0x8000  }
0x227: {  	[sflag:s18] =	ssyncset.done $0x0  }
0x228: {  	s4 =	simm.s32 $0x10100;
	s14 =	rddreg [dreg:$0xa];
	[sflag:s18] =	ssyncadd.s32 $0xFFFF8000  }
0x229: {  	[hbm4b:s14+s3] =	stream.linear.scatter [tilespmem:s4], [sflag:$0x6], $0x8000, $0x38;
	[tilespmem:$0x18100] =	vst v63  }
0x22a: {  	_ =	swait.ge [sflag:s12], $0x8000  }
0x22b: {  	[sflag:s12] =	ssyncset.done $0x0  }
0x22c: {  	[sflag:s12] =	ssyncadd.s32 $0xFFFF8000  }
0x22d: {  	v45 =	vld.idx.msk [tilespmem:v33+s13+$0x0], $0xffff;
	_ =	sdelay $0x4  }
0x22e: {  	vm2 =	vgt.s32 v45, v7  }
0x22f: {  	v37 =	vsel vm2, $0x0, v33  }
0x230: {  	v46 =	vor.u32 $0x8, v37;
	_ =	sdelay $0x4  }
0x231: {  	v47 =	vld.idx.msk [tilespmem:v46+s13+$0x0], $0xffff;
	_ =	sdelay $0x4  }
0x232: {  	vm2 =	vgt.s32 v47, v7  }
0x233: {  	v37 =	vsel vm2, v37, v46  }
0x234: {  	v38 =	vor.u32 $0x4, v37;
	_ =	sdelay $0x4  }
0x235: {  	v48 =	vld.idx.msk [tilespmem:v38+s13+$0x0], $0xffff;
	_ =	sdelay $0x4  }
0x236: {  	vm2 =	vgt.s32 v48, v7  }
0x237: {  	v37 =	vsel vm2, v37, v38  }
0x238: {  	v38 =	vor.u32 $0x2, v37;
	_ =	sdelay $0x4  }
0x239: {  	v49 =	vld.idx.msk [tilespmem:v38+s13+$0x0], $0xffff;
	_ =	sdelay $0x4  }
0x23a: {  	vm2 =	vgt.s32 v49, v7  }
0x23b: {  	v37 =	vsel vm2, v37, v38  }
0x23c: {  	v38 =	vadd.s32 $0x1, v37;
	_ =	sdelay $0x4  }
0x23d: {  	v50 =	vld.idx.msk [tilespmem:v38+s13+$0x0], $0xffff;
	_ =	sdelay $0x4  }
0x23e: {  	vm2 =	vgt.s32 v50, v7  }
0x23f: {  	v37 =	vsel vm2, v37, v38  }
0x240: {  	v38 =	vsub.s32 $0xF, v37  }
0x241: {  	v37 =	vsub.s32 $0x10, v37;
	_ =	sdelay $0x3  }
0x242: {  	v38 =	vld.idx.msk [tilespmem:v38+s3+$0x0], $0xffff  }
0x243: {  	v37 =	vld.idx.msk [tilespmem:v37+s3+$0x0], $0xffff;
	_ =	sdelay $0x3  }
0x244: {  	v38 =	vadd.s32 v7, v38  }
0x245: {  	v37 =	vadd.s32 v37, v38  }
0x246: {  	v38 =	vshll.u32 v37, $0x4  }
0x247: {  	v37 =	vand.u32 $0x7, v37;
	v38 =	vand.u32 $0xFFFFFF80, v38  }
0x248: {  	v37 =	vor.u32 v37, v38  }
0x249: {  	v37 =	vadd.s32 $0xFFFC0000, v37  }
0x24a: {  	v51 =	vperm.xlane v37, v34;
	_ =	sdelay $0x1  }
0x24b: {  	v38 =	vadd.s32 v35, v51;
	_ =	sdelay $0x3  }
0x24c: {  	s31 =	simm.s32 $0x8100  }
0x24d: {  	[tilespmem:s31], [sflag:$0x2] =	stream.indirect_vreg.gather [hbm4b:s1+s3], $0x80, v38, vm0, $0xb8;
	[tilespmem:$0x18100] =	vst v63  }
0x24e: {  	s17 =	simm.s32 $0x8900  }
0x24f: {  	[tilespmem:s17], [sflag:$0x2] =	stream.indirect_vreg.gather [hbm4b:s5+s3], $0x80, v38, vm0, $0xb8;
	[tilespmem:$0x18100] =	vst v63  }
0x250: {  	s16 =	simm.s32 $0x9100  }
0x251: {  	[tilespmem:s16], [sflag:$0x2] =	stream.indirect_vreg.gather [hbm4b:s6+s3], $0x80, v38, vm0, $0xb8;
	[tilespmem:$0x18100] =	vst v63  }
0x252: {  	s17 =	simm.s32 $0x9900  }
0x253: {  	[tilespmem:s17], [sflag:$0x2] =	stream.indirect_vreg.gather [hbm4b:s7+s3], $0x80, v38, vm0, $0xb8;
	[tilespmem:$0x18100] =	vst v63  }
0x254: {  	s16 =	simm.s32 $0xA100  }
0x255: {  	[tilespmem:s16], [sflag:$0x2] =	stream.indirect_vreg.gather [hbm4b:s8+s3], $0x80, v38, vm0, $0xb8;
	[tilespmem:$0x18100] =	vst v63  }
0x256: {  	v37 =	vperm.xlane v37, v36;
	s17 =	simm.s32 $0xA900  }
0x257: {  	[tilespmem:s17], [sflag:$0x2] =	stream.indirect_vreg.gather [hbm4b:s9+s3], $0x80, v38, vm0, $0xb8;
	[tilespmem:$0x18100] =	vst v63  }
0x258: {  	v37 =	vadd.s32 v35, v37;
	s16 =	simm.s32 $0xB100  }
0x259: {  	[tilespmem:s16], [sflag:$0x2] =	stream.indirect_vreg.gather [hbm4b:s10+s3], $0x80, v38, vm0, $0xb8;
	[tilespmem:$0x18100] =	vst v63  }
0x25a: {  	s17 =	simm.s32 $0xB900  }
0x25b: {  	[tilespmem:s17], [sflag:$0x2] =	stream.indirect_vreg.gather [hbm4b:s11+s3], $0x80, v38, vm0, $0xb8;
	[tilespmem:$0x18100] =	vst v63  }
0x25c: {  	s16 =	simm.s32 $0xC100  }
0x25d: {  	[tilespmem:s16], [sflag:$0x2] =	stream.indirect_vreg.gather [hbm4b:s1+s3], $0x80, v37, vm0, $0xb8;
	[tilespmem:$0x18100] =	vst v63  }
0x25e: {  	s17 =	simm.s32 $0xC900  }
0x25f: {  	[tilespmem:s17], [sflag:$0x2] =	stream.indirect_vreg.gather [hbm4b:s5+s3], $0x80, v37, vm0, $0xb8;
	[tilespmem:$0x18100] =	vst v63  }
0x260: {  	s16 =	simm.s32 $0xD100  }
0x261: {  	[tilespmem:s16], [sflag:$0x2] =	stream.indirect_vreg.gather [hbm4b:s6+s3], $0x80, v37, vm0, $0xb8;
	[tilespmem:$0x18100] =	vst v63  }
0x262: {  	s17 =	simm.s32 $0xD900  }
0x263: {  	[tilespmem:s17], [sflag:$0x2] =	stream.indirect_vreg.gather [hbm4b:s7+s3], $0x80, v37, vm0, $0xb8;
	[tilespmem:$0x18100] =	vst v63  }
0x264: {  	s16 =	simm.s32 $0xE100  }
0x265: {  	[tilespmem:s16], [sflag:$0x2] =	stream.indirect_vreg.gather [hbm4b:s8+s3], $0x80, v37, vm0, $0xb8;
	[tilespmem:$0x18100] =	vst v63  }
0x266: {  	s17 =	simm.s32 $0xE900  }
0x267: {  	[tilespmem:s17], [sflag:$0x2] =	stream.indirect_vreg.gather [hbm4b:s9+s3], $0x80, v37, vm0, $0xb8;
	[tilespmem:$0x18100] =	vst v63  }
0x268: {  	s16 =	simm.s32 $0xF100  }
0x269: {  	[tilespmem:s16], [sflag:$0x2] =	stream.indirect_vreg.gather [hbm4b:s10+s3], $0x80, v37, vm0, $0xb8;
	[tilespmem:$0x18100] =	vst v63  }
0x26a: {  	s17 =	simm.s32 $0xF900  }
0x26b: {  	[tilespmem:s17], [sflag:$0x2] =	stream.indirect_vreg.gather [hbm4b:s11+s3], $0x80, v37, vm0, $0xb8;
	[tilespmem:$0x18100] =	vst v63  }
0x26c: {  	_ =	swait.ge [sflag:s28], $0x8000  }
0x26d: {  	[sflag:s28] =	ssyncset.done $0x0  }
0x26e: {  	s2 =	simm.s32 $0x100;
	s14 =	rddreg [dreg:$0xb];
	[sflag:s28] =	ssyncadd.s32 $0xFFFF8000  }
0x26f: {  	[hbm4b:s14+s3] =	stream.linear.scatter [tilespmem:s2], [sflag:$0x4], $0x8000, $0x38;
	[tilespmem:$0x18100] =	vst v63  }
0x270: {  	_ =	swait.ge [sflag:s15], $0x8000  }
0x271: {  	[sflag:s15] =	ssyncset.done $0x0  }
0x272: {  	[sflag:s15] =	ssyncadd.s32 $0xFFFF8000  }
0x273: {  	v52 =	vld.idx.msk [tilespmem:v33+s13+$0x0], $0xffff;
	_ =	sdelay $0x4  }
0x274: {  	vm2 =	vgt.s32 v52, v8  }
0x275: {  	v37 =	vsel vm2, $0x0, v33  }
0x276: {  	v53 =	vor.u32 $0x8, v37;
	_ =	sdelay $0x4  }
0x277: {  	v54 =	vld.idx.msk [tilespmem:v53+s13+$0x0], $0xffff;
	_ =	sdelay $0x4  }
0x278: {  	vm2 =	vgt.s32 v54, v8  }
0x279: {  	v37 =	vsel vm2, v37, v53  }
0x27a: {  	v38 =	vor.u32 $0x4, v37;
	_ =	sdelay $0x4  }
0x27b: {  	v55 =	vld.idx.msk [tilespmem:v38+s13+$0x0], $0xffff;
	_ =	sdelay $0x4  }
0x27c: {  	vm2 =	vgt.s32 v55, v8  }
0x27d: {  	v37 =	vsel vm2, v37, v38  }
0x27e: {  	v38 =	vor.u32 $0x2, v37;
	_ =	sdelay $0x4  }
0x27f: {  	v56 =	vld.idx.msk [tilespmem:v38+s13+$0x0], $0xffff;
	_ =	sdelay $0x4  }
0x280: {  	vm2 =	vgt.s32 v56, v8  }
0x281: {  	v37 =	vsel vm2, v37, v38  }
0x282: {  	v38 =	vadd.s32 $0x1, v37;
	_ =	sdelay $0x4  }
0x283: {  	v57 =	vld.idx.msk [tilespmem:v38+s13+$0x0], $0xffff;
	_ =	sdelay $0x4  }
0x284: {  	vm2 =	vgt.s32 v57, v8  }
0x285: {  	v37 =	vsel vm2, v37, v38  }
0x286: {  	v38 =	vsub.s32 $0xF, v37  }
0x287: {  	v37 =	vsub.s32 $0x10, v37;
	_ =	sdelay $0x3  }
0x288: {  	v38 =	vld.idx.msk [tilespmem:v38+s3+$0x0], $0xffff  }
0x289: {  	v37 =	vld.idx.msk [tilespmem:v37+s3+$0x0], $0xffff;
	_ =	sdelay $0x3  }
0x28a: {  	v38 =	vadd.s32 v8, v38  }
0x28b: {  	v37 =	vadd.s32 v37, v38  }
0x28c: {  	v38 =	vshll.u32 v37, $0x4  }
0x28d: {  	v37 =	vand.u32 $0x7, v37;
	v38 =	vand.u32 $0xFFFFFF80, v38  }
0x28e: {  	v37 =	vor.u32 v37, v38  }
0x28f: {  	v37 =	vadd.s32 $0xFFFC0000, v37  }
0x290: {  	v58 =	vperm.xlane v37, v34;
	_ =	sdelay $0x1  }
0x291: {  	v38 =	vadd.s32 v35, v58;
	_ =	sdelay $0x4  }
0x292: {  	[tilespmem:s4], [sflag:$0x3] =	stream.indirect_vreg.gather [hbm4b:s1+s3], $0x80, v38, vm0, $0xb8;
	[tilespmem:$0x18100] =	vst v63  }
0x293: {  	s17 =	simm.s32 $0x10900  }
0x294: {  	[tilespmem:s17], [sflag:$0x3] =	stream.indirect_vreg.gather [hbm4b:s5+s3], $0x80, v38, vm0, $0xb8;
	[tilespmem:$0x18100] =	vst v63  }
0x295: {  	s17 =	simm.s32 $0x11100  }
0x296: {  	[tilespmem:s17], [sflag:$0x3] =	stream.indirect_vreg.gather [hbm4b:s6+s3], $0x80, v38, vm0, $0xb8;
	[tilespmem:$0x18100] =	vst v63  }
0x297: {  	s16 =	simm.s32 $0x11900  }
0x298: {  	[tilespmem:s16], [sflag:$0x3] =	stream.indirect_vreg.gather [hbm4b:s7+s3], $0x80, v38, vm0, $0xb8;
	[tilespmem:$0x18100] =	vst v63  }
0x299: {  	s16 =	simm.s32 $0x12100  }
0x29a: {  	[tilespmem:s16], [sflag:$0x3] =	stream.indirect_vreg.gather [hbm4b:s8+s3], $0x80, v38, vm0, $0xb8;
	[tilespmem:$0x18100] =	vst v63  }
0x29b: {  	s2 =	simm.s32 $0x12900;
	v37 =	vperm.xlane v37, v36  }
0x29c: {  	[tilespmem:s2], [sflag:$0x3] =	stream.indirect_vreg.gather [hbm4b:s9+s3], $0x80, v38, vm0, $0xb8;
	[tilespmem:$0x18100] =	vst v63  }
0x29d: {  	v37 =	vadd.s32 v35, v37;
	s16 =	simm.s32 $0x13100  }
0x29e: {  	[tilespmem:s16], [sflag:$0x3] =	stream.indirect_vreg.gather [hbm4b:s10+s3], $0x80, v38, vm0, $0xb8;
	[tilespmem:$0x18100] =	vst v63  }
0x29f: {  	s16 =	simm.s32 $0x13900  }
0x2a0: {  	[tilespmem:s16], [sflag:$0x3] =	stream.indirect_vreg.gather [hbm4b:s11+s3], $0x80, v38, vm0, $0xb8;
	[tilespmem:$0x18100] =	vst v63  }
0x2a1: {  	s16 =	simm.s32 $0x14100  }
0x2a2: {  	[tilespmem:s16], [sflag:$0x3] =	stream.indirect_vreg.gather [hbm4b:s1+s3], $0x80, v37, vm0, $0xb8;
	[tilespmem:$0x18100] =	vst v63  }
0x2a3: {  	s16 =	simm.s32 $0x14900  }
0x2a4: {  	[tilespmem:s16], [sflag:$0x3] =	stream.indirect_vreg.gather [hbm4b:s5+s3], $0x80, v37, vm0, $0xb8;
	[tilespmem:$0x18100] =	vst v63  }
0x2a5: {  	s16 =	simm.s32 $0x15100  }
0x2a6: {  	[tilespmem:s16], [sflag:$0x3] =	stream.indirect_vreg.gather [hbm4b:s6+s3], $0x80, v37, vm0, $0xb8;
	[tilespmem:$0x18100] =	vst v63  }
0x2a7: {  	s16 =	simm.s32 $0x15900  }
0x2a8: {  	[tilespmem:s16], [sflag:$0x3] =	stream.indirect_vreg.gather [hbm4b:s7+s3], $0x80, v37, vm0, $0xb8;
	[tilespmem:$0x18100] =	vst v63  }
0x2a9: {  	s16 =	simm.s32 $0x16100  }
0x2aa: {  	[tilespmem:s16], [sflag:$0x3] =	stream.indirect_vreg.gather [hbm4b:s8+s3], $0x80, v37, vm0, $0xb8;
	[tilespmem:$0x18100] =	vst v63  }
0x2ab: {  	s16 =	simm.s32 $0x16900  }
0x2ac: {  	[tilespmem:s16], [sflag:$0x3] =	stream.indirect_vreg.gather [hbm4b:s9+s3], $0x80, v37, vm0, $0xb8;
	[tilespmem:$0x18100] =	vst v63  }
0x2ad: {  	s16 =	simm.s32 $0x17100  }
0x2ae: {  	[tilespmem:s16], [sflag:$0x3] =	stream.indirect_vreg.gather [hbm4b:s10+s3], $0x80, v37, vm0, $0xb8;
	[tilespmem:$0x18100] =	vst v63  }
0x2af: {  	s16 =	simm.s32 $0x17900  }
0x2b0: {  	[tilespmem:s16], [sflag:$0x3] =	stream.indirect_vreg.gather [hbm4b:s11+s3], $0x80, v37, vm0, $0xb8;
	[tilespmem:$0x18100] =	vst v63  }
0x2b1: {  	_ =	swait.ge [sflag:s30], $0x8000  }
0x2b2: {  	[sflag:s30] =	ssyncset.done $0x0  }
0x2b3: {  	s16 =	rddreg [dreg:$0xc];
	[sflag:s30] =	ssyncadd.s32 $0xFFFF8000  }
0x2b4: {  	[hbm4b:s16+s3] =	stream.linear.scatter [tilespmem:s31], [sflag:$0x5], $0x8000, $0x38;
	[tilespmem:$0x18100] =	vst v63  }
0x2b5: {  	_ =	swait.ge [sflag:s0], $0x8000  }
0x2b6: {  	[sflag:s0] =	ssyncset.done $0x0  }
0x2b7: {  	[sflag:s0] =	ssyncadd.s32 $0xFFFF8000  }
0x2b8: {  	v59 =	vld.idx.msk [tilespmem:v33+s13+$0x0], $0xffff;
	_ =	sdelay $0x4  }
0x2b9: {  	vm2 =	vgt.s32 v59, v9  }
0x2ba: {  	v37 =	vsel vm2, $0x0, v33  }
0x2bb: {  	v60 =	vor.u32 $0x8, v37;
	_ =	sdelay $0x4  }
0x2bc: {  	v61 =	vld.idx.msk [tilespmem:v60+s13+$0x0], $0xffff;
	_ =	sdelay $0x4  }
0x2bd: {  	vm2 =	vgt.s32 v61, v9  }
0x2be: {  	v37 =	vsel vm2, v37, v60  }
0x2bf: {  	v38 =	vor.u32 $0x4, v37;
	_ =	sdelay $0x4  }
0x2c0: {  	v62 =	vld.idx.msk [tilespmem:v38+s13+$0x0], $0xffff;
	_ =	sdelay $0x4  }
0x2c1: {  	vm2 =	vgt.s32 v62, v9  }
0x2c2: {  	v37 =	vsel vm2, v37, v38  }
0x2c3: {  	v38 =	vor.u32 $0x2, v37;
	_ =	sdelay $0x4  }
0x2c4: {  	v63 =	vld.idx.msk [tilespmem:v38+s13+$0x0], $0xffff;
	_ =	sdelay $0x4  }
0x2c5: {  	vm2 =	vgt.s32 v63, v9  }
0x2c6: {  	v37 =	vsel vm2, v37, v38  }
0x2c7: {  	v38 =	vadd.s32 $0x1, v37;
	_ =	sdelay $0x4  }
0x2c8: {  	v42 =	vld.idx.msk [tilespmem:v38+s13+$0x0], $0xffff;
	_ =	sdelay $0x4  }
0x2c9: {  	vm2 =	vgt.s32 v42, v9  }
0x2ca: {  	v37 =	vsel vm2, v37, v38  }
0x2cb: {  	v38 =	vsub.s32 $0xF, v37  }
0x2cc: {  	v37 =	vsub.s32 $0x10, v37;
	_ =	sdelay $0x3  }
0x2cd: {  	v38 =	vld.idx.msk [tilespmem:v38+s3+$0x0], $0xffff  }
0x2ce: {  	v37 =	vld.idx.msk [tilespmem:v37+s3+$0x0], $0xffff;
	_ =	sdelay $0x3  }
0x2cf: {  	v38 =	vadd.s32 v9, v38  }
0x2d0: {  	v37 =	vadd.s32 v37, v38  }
0x2d1: {  	v38 =	vshll.u32 v37, $0x4  }
0x2d2: {  	v37 =	vand.u32 $0x7, v37;
	v38 =	vand.u32 $0xFFFFFF80, v38  }
0x2d3: {  	v37 =	vor.u32 v37, v38  }
0x2d4: {  	v37 =	vadd.s32 $0xFFFC0000, v37  }
0x2d5: {  	v43 =	vperm.xlane v37, v34;
	_ =	sdelay $0x1  }
0x2d6: {  	v38 =	vadd.s32 v35, v43;
	_ =	sdelay $0x3  }
0x2d7: {  	s14 =	simm.s32 $0x100  }
0x2d8: {  	[tilespmem:s14], [sflag:$0x1] =	stream.indirect_vreg.gather [hbm4b:s1+s3], $0x80, v38, vm0, $0xb8;
	[tilespmem:$0x18100] =	vst v63  }
0x2d9: {  	s16 =	simm.s32 $0x900  }
0x2da: {  	[tilespmem:s16], [sflag:$0x1] =	stream.indirect_vreg.gather [hbm4b:s5+s3], $0x80, v38, vm0, $0xb8;
	[tilespmem:$0x18100] =	vst v63  }
0x2db: {  	s19 =	simm.s32 $0x1100  }
0x2dc: {  	[tilespmem:s19], [sflag:$0x1] =	stream.indirect_vreg.gather [hbm4b:s6+s3], $0x80, v38, vm0, $0xb8;
	[tilespmem:$0x18100] =	vst v63  }
0x2dd: {  	s20 =	simm.s32 $0x1900  }
0x2de: {  	[tilespmem:s20], [sflag:$0x1] =	stream.indirect_vreg.gather [hbm4b:s7+s3], $0x80, v38, vm0, $0xb8;
	[tilespmem:$0x18100] =	vst v63  }
0x2df: {  	s16 =	simm.s32 $0x2100  }
0x2e0: {  	[tilespmem:s16], [sflag:$0x1] =	stream.indirect_vreg.gather [hbm4b:s8+s3], $0x80, v38, vm0, $0xb8;
	[tilespmem:$0x18100] =	vst v63  }
0x2e1: {  	v37 =	vperm.xlane v37, v36;
	s16 =	simm.s32 $0x2900  }
0x2e2: {  	[tilespmem:s16], [sflag:$0x1] =	stream.indirect_vreg.gather [hbm4b:s9+s3], $0x80, v38, vm0, $0xb8;
	[tilespmem:$0x18100] =	vst v63  }
0x2e3: {  	s21 =	simm.s32 $0x3100;
	v37 =	vadd.s32 v35, v37  }
0x2e4: {  	[tilespmem:s21], [sflag:$0x1] =	stream.indirect_vreg.gather [hbm4b:s10+s3], $0x80, v38, vm0, $0xb8;
	[tilespmem:$0x18100] =	vst v63  }
0x2e5: {  	s22 =	simm.s32 $0x3900  }
0x2e6: {  	[tilespmem:s22], [sflag:$0x1] =	stream.indirect_vreg.gather [hbm4b:s11+s3], $0x80, v38, vm0, $0xb8;
	[tilespmem:$0x18100] =	vst v63  }
0x2e7: {  	s23 =	simm.s32 $0x4100  }
0x2e8: {  	[tilespmem:s23], [sflag:$0x1] =	stream.indirect_vreg.gather [hbm4b:s1+s3], $0x80, v37, vm0, $0xb8;
	[tilespmem:$0x18100] =	vst v63  }
0x2e9: {  	s24 =	simm.s32 $0x4900  }
0x2ea: {  	[tilespmem:s24], [sflag:$0x1] =	stream.indirect_vreg.gather [hbm4b:s5+s3], $0x80, v37, vm0, $0xb8;
	[tilespmem:$0x18100] =	vst v63  }
0x2eb: {  	s25 =	simm.s32 $0x5100  }
0x2ec: {  	[tilespmem:s25], [sflag:$0x1] =	stream.indirect_vreg.gather [hbm4b:s6+s3], $0x80, v37, vm0, $0xb8;
	[tilespmem:$0x18100] =	vst v63  }
0x2ed: {  	s26 =	simm.s32 $0x5900  }
0x2ee: {  	[tilespmem:s26], [sflag:$0x1] =	stream.indirect_vreg.gather [hbm4b:s7+s3], $0x80, v37, vm0, $0xb8;
	[tilespmem:$0x18100] =	vst v63  }
0x2ef: {  	s16 =	simm.s32 $0x6100  }
0x2f0: {  	[tilespmem:s16], [sflag:$0x1] =	stream.indirect_vreg.gather [hbm4b:s8+s3], $0x80, v37, vm0, $0xb8;
	[tilespmem:$0x18100] =	vst v63  }
0x2f1: {  	s16 =	simm.s32 $0x6900  }
0x2f2: {  	[tilespmem:s16], [sflag:$0x1] =	stream.indirect_vreg.gather [hbm4b:s9+s3], $0x80, v37, vm0, $0xb8;
	[tilespmem:$0x18100] =	vst v63  }
0x2f3: {  	s29 =	simm.s32 $0x7100  }
0x2f4: {  	[tilespmem:s29], [sflag:$0x1] =	stream.indirect_vreg.gather [hbm4b:s10+s3], $0x80, v37, vm0, $0xb8;
	[tilespmem:$0x18100] =	vst v63  }
0x2f5: {  	s16 =	simm.s32 $0x7900  }
0x2f6: {  	[tilespmem:s16], [sflag:$0x1] =	stream.indirect_vreg.gather [hbm4b:s11+s3], $0x80, v37, vm0, $0xb8;
	[tilespmem:$0x18100] =	vst v63  }
0x2f7: {  	_ =	swait.ge [sflag:s18], $0x8000  }
0x2f8: {  	[sflag:s18] =	ssyncset.done $0x0  }
0x2f9: {  	s16 =	rddreg [dreg:$0xd];
	[sflag:s18] =	ssyncadd.s32 $0xFFFF8000  }
0x2fa: {  	[hbm4b:s16+s3] =	stream.linear.scatter [tilespmem:s4], [sflag:$0x6], $0x8000, $0x38;
	[tilespmem:$0x18100] =	vst v63  }
0x2fb: {  	_ =	swait.ge [sflag:s12], $0x8000  }
0x2fc: {  	[sflag:s12] =	ssyncset.done $0x0  }
0x2fd: {  	[sflag:s12] =	ssyncadd.s32 $0xFFFF8000  }
0x2fe: {  	v44 =	vld.idx.msk [tilespmem:v33+s13+$0x0], $0xffff;
	_ =	sdelay $0x4  }
0x2ff: {  	vm2 =	vgt.s32 v44, v10  }
0x300: {  	v37 =	vsel vm2, $0x0, v33  }
0x301: {  	v45 =	vor.u32 $0x8, v37;
	_ =	sdelay $0x4  }
0x302: {  	v46 =	vld.idx.msk [tilespmem:v45+s13+$0x0], $0xffff;
	_ =	sdelay $0x4  }
0x303: {  	vm2 =	vgt.s32 v46, v10  }
0x304: {  	v37 =	vsel vm2, v37, v45  }
0x305: {  	v38 =	vor.u32 $0x4, v37;
	_ =	sdelay $0x4  }
0x306: {  	v47 =	vld.idx.msk [tilespmem:v38+s13+$0x0], $0xffff;
	_ =	sdelay $0x4  }
0x307: {  	vm2 =	vgt.s32 v47, v10  }
0x308: {  	v37 =	vsel vm2, v37, v38  }
0x309: {  	v38 =	vor.u32 $0x2, v37;
	_ =	sdelay $0x4  }
0x30a: {  	v48 =	vld.idx.msk [tilespmem:v38+s13+$0x0], $0xffff;
	_ =	sdelay $0x4  }
0x30b: {  	vm2 =	vgt.s32 v48, v10  }
0x30c: {  	v37 =	vsel vm2, v37, v38  }
0x30d: {  	v38 =	vadd.s32 $0x1, v37;
	_ =	sdelay $0x4  }
0x30e: {  	v49 =	vld.idx.msk [tilespmem:v38+s13+$0x0], $0xffff;
	_ =	sdelay $0x4  }
0x30f: {  	vm2 =	vgt.s32 v49, v10  }
0x310: {  	v37 =	vsel vm2, v37, v38  }
0x311: {  	v38 =	vsub.s32 $0xF, v37  }
0x312: {  	v37 =	vsub.s32 $0x10, v37;
	_ =	sdelay $0x3  }
0x313: {  	v38 =	vld.idx.msk [tilespmem:v38+s3+$0x0], $0xffff  }
0x314: {  	v37 =	vld.idx.msk [tilespmem:v37+s3+$0x0], $0xffff;
	_ =	sdelay $0x3  }
0x315: {  	v38 =	vadd.s32 v10, v38  }
0x316: {  	v37 =	vadd.s32 v37, v38  }
0x317: {  	v38 =	vshll.u32 v37, $0x4  }
0x318: {  	v37 =	vand.u32 $0x7, v37;
	v38 =	vand.u32 $0xFFFFFF80, v38  }
0x319: {  	v37 =	vor.u32 v37, v38  }
0x31a: {  	v37 =	vadd.s32 $0xFFFC0000, v37  }
0x31b: {  	v50 =	vperm.xlane v37, v34;
	_ =	sdelay $0x1  }
0x31c: {  	v38 =	vadd.s32 v35, v50;
	_ =	sdelay $0x4  }
0x31d: {  	[tilespmem:s31], [sflag:$0x2] =	stream.indirect_vreg.gather [hbm4b:s1+s3], $0x80, v38, vm0, $0xb8;
	[tilespmem:$0x18100] =	vst v63  }
0x31e: {  	s16 =	simm.s32 $0x8900  }
0x31f: {  	[tilespmem:s16], [sflag:$0x2] =	stream.indirect_vreg.gather [hbm4b:s5+s3], $0x80, v38, vm0, $0xb8;
	[tilespmem:$0x18100] =	vst v63  }
0x320: {  	s16 =	simm.s32 $0x9100  }
0x321: {  	[tilespmem:s16], [sflag:$0x2] =	stream.indirect_vreg.gather [hbm4b:s6+s3], $0x80, v38, vm0, $0xb8;
	[tilespmem:$0x18100] =	vst v63  }
0x322: {  	s16 =	simm.s32 $0x9900  }
0x323: {  	[tilespmem:s16], [sflag:$0x2] =	stream.indirect_vreg.gather [hbm4b:s7+s3], $0x80, v38, vm0, $0xb8;
	[tilespmem:$0x18100] =	vst v63  }
0x324: {  	s16 =	simm.s32 $0xA100  }
0x325: {  	[tilespmem:s16], [sflag:$0x2] =	stream.indirect_vreg.gather [hbm4b:s8+s3], $0x80, v38, vm0, $0xb8;
	[tilespmem:$0x18100] =	vst v63  }
0x326: {  	v37 =	vperm.xlane v37, v36;
	s16 =	simm.s32 $0xA900  }
0x327: {  	[tilespmem:s16], [sflag:$0x2] =	stream.indirect_vreg.gather [hbm4b:s9+s3], $0x80, v38, vm0, $0xb8;
	[tilespmem:$0x18100] =	vst v63  }
0x328: {  	v37 =	vadd.s32 v35, v37;
	s16 =	simm.s32 $0xB100  }
0x329: {  	[tilespmem:s16], [sflag:$0x2] =	stream.indirect_vreg.gather [hbm4b:s10+s3], $0x80, v38, vm0, $0xb8;
	[tilespmem:$0x18100] =	vst v63  }
0x32a: {  	s16 =	simm.s32 $0xB900  }
0x32b: {  	[tilespmem:s16], [sflag:$0x2] =	stream.indirect_vreg.gather [hbm4b:s11+s3], $0x80, v38, vm0, $0xb8;
	[tilespmem:$0x18100] =	vst v63  }
0x32c: {  	s16 =	simm.s32 $0xC100  }
0x32d: {  	[tilespmem:s16], [sflag:$0x2] =	stream.indirect_vreg.gather [hbm4b:s1+s3], $0x80, v37, vm0, $0xb8;
	[tilespmem:$0x18100] =	vst v63  }
0x32e: {  	s16 =	simm.s32 $0xC900  }
0x32f: {  	[tilespmem:s16], [sflag:$0x2] =	stream.indirect_vreg.gather [hbm4b:s5+s3], $0x80, v37, vm0, $0xb8;
	[tilespmem:$0x18100] =	vst v63  }
0x330: {  	s16 =	simm.s32 $0xD100  }
0x331: {  	[tilespmem:s16], [sflag:$0x2] =	stream.indirect_vreg.gather [hbm4b:s6+s3], $0x80, v37, vm0, $0xb8;
	[tilespmem:$0x18100] =	vst v63  }
0x332: {  	s16 =	simm.s32 $0xD900  }
0x333: {  	[tilespmem:s16], [sflag:$0x2] =	stream.indirect_vreg.gather [hbm4b:s7+s3], $0x80, v37, vm0, $0xb8;
	[tilespmem:$0x18100] =	vst v63  }
0x334: {  	s16 =	simm.s32 $0xE100  }
0x335: {  	[tilespmem:s16], [sflag:$0x2] =	stream.indirect_vreg.gather [hbm4b:s8+s3], $0x80, v37, vm0, $0xb8;
	[tilespmem:$0x18100] =	vst v63  }
0x336: {  	s16 =	simm.s32 $0xE900  }
0x337: {  	[tilespmem:s16], [sflag:$0x2] =	stream.indirect_vreg.gather [hbm4b:s9+s3], $0x80, v37, vm0, $0xb8;
	[tilespmem:$0x18100] =	vst v63  }
0x338: {  	s16 =	simm.s32 $0xF100  }
0x339: {  	[tilespmem:s16], [sflag:$0x2] =	stream.indirect_vreg.gather [hbm4b:s10+s3], $0x80, v37, vm0, $0xb8;
	[tilespmem:$0x18100] =	vst v63  }
0x33a: {  	s16 =	simm.s32 $0xF900  }
0x33b: {  	[tilespmem:s16], [sflag:$0x2] =	stream.indirect_vreg.gather [hbm4b:s11+s3], $0x80, v37, vm0, $0xb8;
	[tilespmem:$0x18100] =	vst v63  }
0x33c: {  	_ =	swait.ge [sflag:s28], $0x8000  }
0x33d: {  	[sflag:s28] =	ssyncset.done $0x0  }
0x33e: {  	s16 =	rddreg [dreg:$0xe];
	[sflag:s28] =	ssyncadd.s32 $0xFFFF8000  }
0x33f: {  	[hbm4b:s16+s3] =	stream.linear.scatter [tilespmem:s14], [sflag:$0x4], $0x8000, $0x38;
	[tilespmem:$0x18100] =	vst v63  }
0x340: {  	_ =	swait.ge [sflag:s15], $0x8000  }
0x341: {  	[sflag:s15] =	ssyncset.done $0x0  }
0x342: {  	[sflag:s15] =	ssyncadd.s32 $0xFFFF8000  }
0x343: {  	v51 =	vld.idx.msk [tilespmem:v33+s13+$0x0], $0xffff;
	_ =	sdelay $0x4  }
0x344: {  	vm2 =	vgt.s32 v51, v11  }
0x345: {  	v37 =	vsel vm2, $0x0, v33  }
0x346: {  	v52 =	vor.u32 $0x8, v37;
	_ =	sdelay $0x4  }
0x347: {  	v53 =	vld.idx.msk [tilespmem:v52+s13+$0x0], $0xffff;
	_ =	sdelay $0x4  }
0x348: {  	vm2 =	vgt.s32 v53, v11  }
0x349: {  	v37 =	vsel vm2, v37, v52  }
0x34a: {  	v38 =	vor.u32 $0x4, v37;
	_ =	sdelay $0x4  }
0x34b: {  	v54 =	vld.idx.msk [tilespmem:v38+s13+$0x0], $0xffff;
	_ =	sdelay $0x4  }
0x34c: {  	vm2 =	vgt.s32 v54, v11  }
0x34d: {  	v37 =	vsel vm2, v37, v38  }
0x34e: {  	v38 =	vor.u32 $0x2, v37;
	_ =	sdelay $0x4  }
0x34f: {  	v55 =	vld.idx.msk [tilespmem:v38+s13+$0x0], $0xffff;
	_ =	sdelay $0x4  }
0x350: {  	vm2 =	vgt.s32 v55, v11  }
0x351: {  	v37 =	vsel vm2, v37, v38  }
0x352: {  	v38 =	vadd.s32 $0x1, v37;
	_ =	sdelay $0x4  }
0x353: {  	v56 =	vld.idx.msk [tilespmem:v38+s13+$0x0], $0xffff;
	_ =	sdelay $0x4  }
0x354: {  	vm2 =	vgt.s32 v56, v11  }
0x355: {  	v37 =	vsel vm2, v37, v38  }
0x356: {  	v38 =	vsub.s32 $0xF, v37  }
0x357: {  	v37 =	vsub.s32 $0x10, v37;
	_ =	sdelay $0x3  }
0x358: {  	v38 =	vld.idx.msk [tilespmem:v38+s3+$0x0], $0xffff  }
0x359: {  	v37 =	vld.idx.msk [tilespmem:v37+s3+$0x0], $0xffff;
	_ =	sdelay $0x3  }
0x35a: {  	v38 =	vadd.s32 v11, v38  }
0x35b: {  	v37 =	vadd.s32 v37, v38  }
0x35c: {  	v38 =	vshll.u32 v37, $0x4  }
0x35d: {  	v37 =	vand.u32 $0x7, v37;
	v38 =	vand.u32 $0xFFFFFF80, v38  }
0x35e: {  	v37 =	vor.u32 v37, v38  }
0x35f: {  	v37 =	vadd.s32 $0xFFFC0000, v37  }
0x360: {  	v57 =	vperm.xlane v37, v34;
	_ =	sdelay $0x1  }
0x361: {  	v38 =	vadd.s32 v35, v57;
	_ =	sdelay $0x4  }
0x362: {  	[tilespmem:s4], [sflag:$0x3] =	stream.indirect_vreg.gather [hbm4b:s1+s3], $0x80, v38, vm0, $0xb8;
	[tilespmem:$0x18100] =	vst v63  }
0x363: {  	s16 =	simm.s32 $0x10900  }
0x364: {  	[tilespmem:s16], [sflag:$0x3] =	stream.indirect_vreg.gather [hbm4b:s5+s3], $0x80, v38, vm0, $0xb8;
	[tilespmem:$0x18100] =	vst v63  }
0x365: {  	_ = 	snop  }
0x366: {  	[tilespmem:s17], [sflag:$0x3] =	stream.indirect_vreg.gather [hbm4b:s6+s3], $0x80, v38, vm0, $0xb8;
	[tilespmem:$0x18100] =	vst v63  }
0x367: {  	s16 =	simm.s32 $0x11900  }
0x368: {  	[tilespmem:s16], [sflag:$0x3] =	stream.indirect_vreg.gather [hbm4b:s7+s3], $0x80, v38, vm0, $0xb8;
	[tilespmem:$0x18100] =	vst v63  }
0x369: {  	s16 =	simm.s32 $0x12100  }
0x36a: {  	[tilespmem:s16], [sflag:$0x3] =	stream.indirect_vreg.gather [hbm4b:s8+s3], $0x80, v38, vm0, $0xb8;
	[tilespmem:$0x18100] =	vst v63  }
0x36b: {  	v37 =	vperm.xlane v37, v36  }
0x36c: {  	[tilespmem:s2], [sflag:$0x3] =	stream.indirect_vreg.gather [hbm4b:s9+s3], $0x80, v38, vm0, $0xb8;
	[tilespmem:$0x18100] =	vst v63  }
0x36d: {  	v37 =	vadd.s32 v35, v37;
	s16 =	simm.s32 $0x13100  }
0x36e: {  	[tilespmem:s16], [sflag:$0x3] =	stream.indirect_vreg.gather [hbm4b:s10+s3], $0x80, v38, vm0, $0xb8;
	[tilespmem:$0x18100] =	vst v63  }
0x36f: {  	s16 =	simm.s32 $0x13900  }
0x370: {  	[tilespmem:s16], [sflag:$0x3] =	stream.indirect_vreg.gather [hbm4b:s11+s3], $0x80, v38, vm0, $0xb8;
	[tilespmem:$0x18100] =	vst v63  }
0x371: {  	s16 =	simm.s32 $0x14100  }
0x372: {  	[tilespmem:s16], [sflag:$0x3] =	stream.indirect_vreg.gather [hbm4b:s1+s3], $0x80, v37, vm0, $0xb8;
	[tilespmem:$0x18100] =	vst v63  }
0x373: {  	s16 =	simm.s32 $0x14900  }
0x374: {  	[tilespmem:s16], [sflag:$0x3] =	stream.indirect_vreg.gather [hbm4b:s5+s3], $0x80, v37, vm0, $0xb8;
	[tilespmem:$0x18100] =	vst v63  }
0x375: {  	s16 =	simm.s32 $0x15100  }
0x376: {  	[tilespmem:s16], [sflag:$0x3] =	stream.indirect_vreg.gather [hbm4b:s6+s3], $0x80, v37, vm0, $0xb8;
	[tilespmem:$0x18100] =	vst v63  }
0x377: {  	s16 =	simm.s32 $0x15900  }
0x378: {  	[tilespmem:s16], [sflag:$0x3] =	stream.indirect_vreg.gather [hbm4b:s7+s3], $0x80, v37, vm0, $0xb8;
	[tilespmem:$0x18100] =	vst v63  }
0x379: {  	s16 =	simm.s32 $0x16100  }
0x37a: {  	[tilespmem:s16], [sflag:$0x3] =	stream.indirect_vreg.gather [hbm4b:s8+s3], $0x80, v37, vm0, $0xb8;
	[tilespmem:$0x18100] =	vst v63  }
0x37b: {  	s16 =	simm.s32 $0x16900  }
0x37c: {  	[tilespmem:s16], [sflag:$0x3] =	stream.indirect_vreg.gather [hbm4b:s9+s3], $0x80, v37, vm0, $0xb8;
	[tilespmem:$0x18100] =	vst v63  }
0x37d: {  	s16 =	simm.s32 $0x17100  }
0x37e: {  	[tilespmem:s16], [sflag:$0x3] =	stream.indirect_vreg.gather [hbm4b:s10+s3], $0x80, v37, vm0, $0xb8;
	[tilespmem:$0x18100] =	vst v63  }
0x37f: {  	s16 =	simm.s32 $0x17900  }
0x380: {  	[tilespmem:s16], [sflag:$0x3] =	stream.indirect_vreg.gather [hbm4b:s11+s3], $0x80, v37, vm0, $0xb8;
	[tilespmem:$0x18100] =	vst v63  }
0x381: {  	_ =	swait.ge [sflag:s30], $0x8000  }
0x382: {  	[sflag:s30] =	ssyncset.done $0x0  }
0x383: {  	s2 =	rddreg [dreg:$0xf];
	[sflag:s30] =	ssyncadd.s32 $0xFFFF8000  }
0x384: {  	[hbm4b:s2+s3] =	stream.linear.scatter [tilespmem:s31], [sflag:$0x5], $0x8000, $0x38;
	[tilespmem:$0x18100] =	vst v63  }
0x385: {  	_ =	swait.ge [sflag:s0], $0x8000  }
0x386: {  	[sflag:s0] =	ssyncset.done $0x0  }
0x387: {  	[sflag:s0] =	ssyncadd.s32 $0xFFFF8000  }
0x388: {  	v58 =	vld.idx.msk [tilespmem:v33+s13+$0x0], $0xffff;
	_ =	sdelay $0x4  }
0x389: {  	vm2 =	vgt.s32 v58, v12  }
0x38a: {  	v37 =	vsel vm2, $0x0, v33  }
0x38b: {  	v59 =	vor.u32 $0x8, v37;
	_ =	sdelay $0x4  }
0x38c: {  	v60 =	vld.idx.msk [tilespmem:v59+s13+$0x0], $0xffff;
	_ =	sdelay $0x4  }
0x38d: {  	vm2 =	vgt.s32 v60, v12  }
0x38e: {  	v37 =	vsel vm2, v37, v59  }
0x38f: {  	v38 =	vor.u32 $0x4, v37;
	_ =	sdelay $0x4  }
0x390: {  	v61 =	vld.idx.msk [tilespmem:v38+s13+$0x0], $0xffff;
	_ =	sdelay $0x4  }
0x391: {  	vm2 =	vgt.s32 v61, v12  }
0x392: {  	v37 =	vsel vm2, v37, v38  }
0x393: {  	v38 =	vor.u32 $0x2, v37;
	_ =	sdelay $0x4  }
0x394: {  	v62 =	vld.idx.msk [tilespmem:v38+s13+$0x0], $0xffff;
	_ =	sdelay $0x4  }
0x395: {  	vm2 =	vgt.s32 v62, v12  }
0x396: {  	v37 =	vsel vm2, v37, v38  }
0x397: {  	v38 =	vadd.s32 $0x1, v37;
	_ =	sdelay $0x4  }
0x398: {  	v63 =	vld.idx.msk [tilespmem:v38+s13+$0x0], $0xffff;
	_ =	sdelay $0x4  }
0x399: {  	vm2 =	vgt.s32 v63, v12  }
0x39a: {  	v37 =	vsel vm2, v37, v38  }
0x39b: {  	v38 =	vsub.s32 $0xF, v37  }
0x39c: {  	v37 =	vsub.s32 $0x10, v37;
	_ =	sdelay $0x3  }
0x39d: {  	v38 =	vld.idx.msk [tilespmem:v38+s3+$0x0], $0xffff  }
0x39e: {  	v37 =	vld.idx.msk [tilespmem:v37+s3+$0x0], $0xffff;
	_ =	sdelay $0x3  }
0x39f: {  	v38 =	vadd.s32 v12, v38  }
0x3a0: {  	v37 =	vadd.s32 v37, v38  }
0x3a1: {  	v38 =	vshll.u32 v37, $0x4  }
0x3a2: {  	v37 =	vand.u32 $0x7, v37;
	v38 =	vand.u32 $0xFFFFFF80, v38  }
0x3a3: {  	v37 =	vor.u32 v37, v38  }
0x3a4: {  	v37 =	vadd.s32 $0xFFFC0000, v37  }
0x3a5: {  	v40 =	vperm.xlane v37, v34;
	_ =	sdelay $0x1  }
0x3a6: {  	v38 =	vadd.s32 v35, v40;
	_ =	sdelay $0x4  }
0x3a7: {  	[tilespmem:s14], [sflag:$0x1] =	stream.indirect_vreg.gather [hbm4b:s1+s3], $0x80, v38, vm0, $0xb8;
	[tilespmem:$0x18100] =	vst v63  }
0x3a8: {  	s16 =	simm.s32 $0x900  }
0x3a9: {  	[tilespmem:s16], [sflag:$0x1] =	stream.indirect_vreg.gather [hbm4b:s5+s3], $0x80, v38, vm0, $0xb8;
	[tilespmem:$0x18100] =	vst v63  }
0x3aa: {  	s19 =	simm.s32 $0x1100  }
0x3ab: {  	[tilespmem:s19], [sflag:$0x1] =	stream.indirect_vreg.gather [hbm4b:s6+s3], $0x80, v38, vm0, $0xb8;
	[tilespmem:$0x18100] =	vst v63  }
0x3ac: {  	s20 =	simm.s32 $0x1900  }
0x3ad: {  	[tilespmem:s20], [sflag:$0x1] =	stream.indirect_vreg.gather [hbm4b:s7+s3], $0x80, v38, vm0, $0xb8;
	[tilespmem:$0x18100] =	vst v63  }
0x3ae: {  	s16 =	simm.s32 $0x2100  }
0x3af: {  	[tilespmem:s16], [sflag:$0x1] =	stream.indirect_vreg.gather [hbm4b:s8+s3], $0x80, v38, vm0, $0xb8;
	[tilespmem:$0x18100] =	vst v63  }
0x3b0: {  	v37 =	vperm.xlane v37, v36;
	s16 =	simm.s32 $0x2900  }
0x3b1: {  	[tilespmem:s16], [sflag:$0x1] =	stream.indirect_vreg.gather [hbm4b:s9+s3], $0x80, v38, vm0, $0xb8;
	[tilespmem:$0x18100] =	vst v63  }
0x3b2: {  	s21 =	simm.s32 $0x3100;
	v37 =	vadd.s32 v35, v37  }
0x3b3: {  	[tilespmem:s21], [sflag:$0x1] =	stream.indirect_vreg.gather [hbm4b:s10+s3], $0x80, v38, vm0, $0xb8;
	[tilespmem:$0x18100] =	vst v63  }
0x3b4: {  	s22 =	simm.s32 $0x3900  }
0x3b5: {  	[tilespmem:s22], [sflag:$0x1] =	stream.indirect_vreg.gather [hbm4b:s11+s3], $0x80, v38, vm0, $0xb8;
	[tilespmem:$0x18100] =	vst v63  }
0x3b6: {  	s23 =	simm.s32 $0x4100  }
0x3b7: {  	[tilespmem:s23], [sflag:$0x1] =	stream.indirect_vreg.gather [hbm4b:s1+s3], $0x80, v37, vm0, $0xb8;
	[tilespmem:$0x18100] =	vst v63  }
0x3b8: {  	s24 =	simm.s32 $0x4900  }
0x3b9: {  	[tilespmem:s24], [sflag:$0x1] =	stream.indirect_vreg.gather [hbm4b:s5+s3], $0x80, v37, vm0, $0xb8;
	[tilespmem:$0x18100] =	vst v63  }
0x3ba: {  	s25 =	simm.s32 $0x5100  }
0x3bb: {  	[tilespmem:s25], [sflag:$0x1] =	stream.indirect_vreg.gather [hbm4b:s6+s3], $0x80, v37, vm0, $0xb8;
	[tilespmem:$0x18100] =	vst v63  }
0x3bc: {  	s26 =	simm.s32 $0x5900  }
0x3bd: {  	[tilespmem:s26], [sflag:$0x1] =	stream.indirect_vreg.gather [hbm4b:s7+s3], $0x80, v37, vm0, $0xb8;
	[tilespmem:$0x18100] =	vst v63  }
0x3be: {  	s16 =	simm.s32 $0x6100  }
0x3bf: {  	[tilespmem:s16], [sflag:$0x1] =	stream.indirect_vreg.gather [hbm4b:s8+s3], $0x80, v37, vm0, $0xb8;
	[tilespmem:$0x18100] =	vst v63  }
0x3c0: {  	s16 =	simm.s32 $0x6900  }
0x3c1: {  	[tilespmem:s16], [sflag:$0x1] =	stream.indirect_vreg.gather [hbm4b:s9+s3], $0x80, v37, vm0, $0xb8;
	[tilespmem:$0x18100] =	vst v63  }
0x3c2: {  	s29 =	simm.s32 $0x7100  }
0x3c3: {  	[tilespmem:s29], [sflag:$0x1] =	stream.indirect_vreg.gather [hbm4b:s10+s3], $0x80, v37, vm0, $0xb8;
	[tilespmem:$0x18100] =	vst v63  }
0x3c4: {  	s16 =	simm.s32 $0x7900  }
0x3c5: {  	[tilespmem:s16], [sflag:$0x1] =	stream.indirect_vreg.gather [hbm4b:s11+s3], $0x80, v37, vm0, $0xb8;
	[tilespmem:$0x18100] =	vst v63  }
0x3c6: {  	_ =	swait.ge [sflag:s18], $0x8000  }
0x3c7: {  	[sflag:s18] =	ssyncset.done $0x0  }
0x3c8: {  	s2 =	rddreg [dreg:$0x10];
	[sflag:s18] =	ssyncadd.s32 $0xFFFF8000  }
0x3c9: {  	[hbm4b:s2+s3] =	stream.linear.scatter [tilespmem:s4], [sflag:$0x6], $0x8000, $0x38;
	[tilespmem:$0x18100] =	vst v63  }
0x3ca: {  	_ =	swait.ge [sflag:s12], $0x8000  }
0x3cb: {  	[sflag:s12] =	ssyncset.done $0x0  }
0x3cc: {  	[sflag:s12] =	ssyncadd.s32 $0xFFFF8000  }
0x3cd: {  	v41 =	vld.idx.msk [tilespmem:v33+s13+$0x0], $0xffff;
	_ =	sdelay $0x4  }
0x3ce: {  	vm2 =	vgt.s32 v41, v13  }
0x3cf: {  	v37 =	vsel vm2, $0x0, v33  }
0x3d0: {  	v42 =	vor.u32 $0x8, v37;
	_ =	sdelay $0x4  }
0x3d1: {  	v43 =	vld.idx.msk [tilespmem:v42+s13+$0x0], $0xffff;
	_ =	sdelay $0x4  }
0x3d2: {  	vm2 =	vgt.s32 v43, v13  }
0x3d3: {  	v37 =	vsel vm2, v37, v42  }
0x3d4: {  	v38 =	vor.u32 $0x4, v37;
	_ =	sdelay $0x4  }
0x3d5: {  	v44 =	vld.idx.msk [tilespmem:v38+s13+$0x0], $0xffff;
	_ =	sdelay $0x4  }
0x3d6: {  	vm2 =	vgt.s32 v44, v13  }
0x3d7: {  	v37 =	vsel vm2, v37, v38  }
0x3d8: {  	v38 =	vor.u32 $0x2, v37;
	_ =	sdelay $0x4  }
0x3d9: {  	v45 =	vld.idx.msk [tilespmem:v38+s13+$0x0], $0xffff;
	_ =	sdelay $0x4  }
0x3da: {  	vm2 =	vgt.s32 v45, v13  }
0x3db: {  	v37 =	vsel vm2, v37, v38  }
0x3dc: {  	v38 =	vadd.s32 $0x1, v37;
	_ =	sdelay $0x4  }
0x3dd: {  	v46 =	vld.idx.msk [tilespmem:v38+s13+$0x0], $0xffff;
	_ =	sdelay $0x4  }
0x3de: {  	vm2 =	vgt.s32 v46, v13  }
0x3df: {  	v37 =	vsel vm2, v37, v38  }
0x3e0: {  	v38 =	vsub.s32 $0xF, v37  }
0x3e1: {  	v37 =	vsub.s32 $0x10, v37;
	_ =	sdelay $0x3  }
0x3e2: {  	v38 =	vld.idx.msk [tilespmem:v38+s3+$0x0], $0xffff  }
0x3e3: {  	v37 =	vld.idx.msk [tilespmem:v37+s3+$0x0], $0xffff;
	_ =	sdelay $0x3  }
0x3e4: {  	v38 =	vadd.s32 v13, v38  }
0x3e5: {  	v37 =	vadd.s32 v37, v38  }
0x3e6: {  	v38 =	vshll.u32 v37, $0x4  }
0x3e7: {  	v37 =	vand.u32 $0x7, v37;
	v38 =	vand.u32 $0xFFFFFF80, v38  }
0x3e8: {  	v37 =	vor.u32 v37, v38  }
0x3e9: {  	v37 =	vadd.s32 $0xFFFC0000, v37  }
0x3ea: {  	v47 =	vperm.xlane v37, v34;
	_ =	sdelay $0x1  }
0x3eb: {  	v38 =	vadd.s32 v35, v47;
	_ =	sdelay $0x4  }
0x3ec: {  	[tilespmem:s31], [sflag:$0x2] =	stream.indirect_vreg.gather [hbm4b:s1+s3], $0x80, v38, vm0, $0xb8;
	[tilespmem:$0x18100] =	vst v63  }
0x3ed: {  	s16 =	simm.s32 $0x8900  }
0x3ee: {  	[tilespmem:s16], [sflag:$0x2] =	stream.indirect_vreg.gather [hbm4b:s5+s3], $0x80, v38, vm0, $0xb8;
	[tilespmem:$0x18100] =	vst v63  }
0x3ef: {  	s16 =	simm.s32 $0x9100  }
0x3f0: {  	[tilespmem:s16], [sflag:$0x2] =	stream.indirect_vreg.gather [hbm4b:s6+s3], $0x80, v38, vm0, $0xb8;
	[tilespmem:$0x18100] =	vst v63  }
0x3f1: {  	s16 =	simm.s32 $0x9900  }
0x3f2: {  	[tilespmem:s16], [sflag:$0x2] =	stream.indirect_vreg.gather [hbm4b:s7+s3], $0x80, v38, vm0, $0xb8;
	[tilespmem:$0x18100] =	vst v63  }
0x3f3: {  	s16 =	simm.s32 $0xA100  }
0x3f4: {  	[tilespmem:s16], [sflag:$0x2] =	stream.indirect_vreg.gather [hbm4b:s8+s3], $0x80, v38, vm0, $0xb8;
	[tilespmem:$0x18100] =	vst v63  }
0x3f5: {  	v37 =	vperm.xlane v37, v36;
	s16 =	simm.s32 $0xA900  }
0x3f6: {  	[tilespmem:s16], [sflag:$0x2] =	stream.indirect_vreg.gather [hbm4b:s9+s3], $0x80, v38, vm0, $0xb8;
	[tilespmem:$0x18100] =	vst v63  }
0x3f7: {  	v37 =	vadd.s32 v35, v37;
	s16 =	simm.s32 $0xB100  }
0x3f8: {  	[tilespmem:s16], [sflag:$0x2] =	stream.indirect_vreg.gather [hbm4b:s10+s3], $0x80, v38, vm0, $0xb8;
	[tilespmem:$0x18100] =	vst v63  }
0x3f9: {  	s16 =	simm.s32 $0xB900  }
0x3fa: {  	[tilespmem:s16], [sflag:$0x2] =	stream.indirect_vreg.gather [hbm4b:s11+s3], $0x80, v38, vm0, $0xb8;
	[tilespmem:$0x18100] =	vst v63  }
0x3fb: {  	s16 =	simm.s32 $0xC100  }
0x3fc: {  	[tilespmem:s16], [sflag:$0x2] =	stream.indirect_vreg.gather [hbm4b:s1+s3], $0x80, v37, vm0, $0xb8;
	[tilespmem:$0x18100] =	vst v63  }
0x3fd: {  	s16 =	simm.s32 $0xC900  }
0x3fe: {  	[tilespmem:s16], [sflag:$0x2] =	stream.indirect_vreg.gather [hbm4b:s5+s3], $0x80, v37, vm0, $0xb8;
	[tilespmem:$0x18100] =	vst v63  }
0x3ff: {  	s16 =	simm.s32 $0xD100  }
0x400: {  	[tilespmem:s16], [sflag:$0x2] =	stream.indirect_vreg.gather [hbm4b:s6+s3], $0x80, v37, vm0, $0xb8;
	[tilespmem:$0x18100] =	vst v63  }
0x401: {  	s16 =	simm.s32 $0xD900  }
0x402: {  	[tilespmem:s16], [sflag:$0x2] =	stream.indirect_vreg.gather [hbm4b:s7+s3], $0x80, v37, vm0, $0xb8;
	[tilespmem:$0x18100] =	vst v63  }
0x403: {  	s16 =	simm.s32 $0xE100  }
0x404: {  	[tilespmem:s16], [sflag:$0x2] =	stream.indirect_vreg.gather [hbm4b:s8+s3], $0x80, v37, vm0, $0xb8;
	[tilespmem:$0x18100] =	vst v63  }
0x405: {  	s16 =	simm.s32 $0xE900  }
0x406: {  	[tilespmem:s16], [sflag:$0x2] =	stream.indirect_vreg.gather [hbm4b:s9+s3], $0x80, v37, vm0, $0xb8;
	[tilespmem:$0x18100] =	vst v63  }
0x407: {  	s16 =	simm.s32 $0xF100  }
0x408: {  	[tilespmem:s16], [sflag:$0x2] =	stream.indirect_vreg.gather [hbm4b:s10+s3], $0x80, v37, vm0, $0xb8;
	[tilespmem:$0x18100] =	vst v63  }
0x409: {  	s16 =	simm.s32 $0xF900  }
0x40a: {  	[tilespmem:s16], [sflag:$0x2] =	stream.indirect_vreg.gather [hbm4b:s11+s3], $0x80, v37, vm0, $0xb8;
	[tilespmem:$0x18100] =	vst v63  }
0x40b: {  	_ =	swait.ge [sflag:s28], $0x8000  }
0x40c: {  	[sflag:s28] =	ssyncset.done $0x0  }
0x40d: {  	s2 =	rddreg [dreg:$0x11];
	[sflag:s28] =	ssyncadd.s32 $0xFFFF8000  }
0x40e: {  	[hbm4b:s2+s3] =	stream.linear.scatter [tilespmem:s14], [sflag:$0x4], $0x8000, $0x38;
	[tilespmem:$0x18100] =	vst v63  }
0x40f: {  	_ =	swait.ge [sflag:s15], $0x8000  }
0x410: {  	[sflag:s15] =	ssyncset.done $0x0  }
0x411: {  	[sflag:s15] =	ssyncadd.s32 $0xFFFF8000  }
0x412: {  	v48 =	vld.idx.msk [tilespmem:v33+s13+$0x0], $0xffff;
	_ =	sdelay $0x4  }
0x413: {  	vm2 =	vgt.s32 v48, v14  }
0x414: {  	v37 =	vsel vm2, $0x0, v33  }
0x415: {  	v49 =	vor.u32 $0x8, v37;
	_ =	sdelay $0x4  }
0x416: {  	v50 =	vld.idx.msk [tilespmem:v49+s13+$0x0], $0xffff;
	_ =	sdelay $0x4  }
0x417: {  	vm2 =	vgt.s32 v50, v14  }
0x418: {  	v37 =	vsel vm2, v37, v49  }
0x419: {  	v38 =	vor.u32 $0x4, v37;
	_ =	sdelay $0x4  }
0x41a: {  	v51 =	vld.idx.msk [tilespmem:v38+s13+$0x0], $0xffff;
	_ =	sdelay $0x4  }
0x41b: {  	vm2 =	vgt.s32 v51, v14  }
0x41c: {  	v37 =	vsel vm2, v37, v38  }
0x41d: {  	v38 =	vor.u32 $0x2, v37;
	_ =	sdelay $0x4  }
0x41e: {  	v52 =	vld.idx.msk [tilespmem:v38+s13+$0x0], $0xffff;
	_ =	sdelay $0x4  }
0x41f: {  	vm2 =	vgt.s32 v52, v14  }
0x420: {  	v37 =	vsel vm2, v37, v38  }
0x421: {  	v38 =	vadd.s32 $0x1, v37;
	_ =	sdelay $0x4  }
0x422: {  	v53 =	vld.idx.msk [tilespmem:v38+s13+$0x0], $0xffff;
	_ =	sdelay $0x4  }
0x423: {  	vm2 =	vgt.s32 v53, v14  }
0x424: {  	v37 =	vsel vm2, v37, v38  }
0x425: {  	v38 =	vsub.s32 $0xF, v37  }
0x426: {  	v37 =	vsub.s32 $0x10, v37;
	_ =	sdelay $0x3  }
0x427: {  	v38 =	vld.idx.msk [tilespmem:v38+s3+$0x0], $0xffff  }
0x428: {  	v37 =	vld.idx.msk [tilespmem:v37+s3+$0x0], $0xffff;
	_ =	sdelay $0x3  }
0x429: {  	v38 =	vadd.s32 v14, v38  }
0x42a: {  	v37 =	vadd.s32 v37, v38  }
0x42b: {  	v38 =	vshll.u32 v37, $0x4  }
0x42c: {  	v37 =	vand.u32 $0x7, v37;
	v38 =	vand.u32 $0xFFFFFF80, v38  }
0x42d: {  	v37 =	vor.u32 v37, v38  }
0x42e: {  	v37 =	vadd.s32 $0xFFFC0000, v37  }
0x42f: {  	v54 =	vperm.xlane v37, v34;
	_ =	sdelay $0x1  }
0x430: {  	v38 =	vadd.s32 v35, v54;
	_ =	sdelay $0x4  }
0x431: {  	[tilespmem:s4], [sflag:$0x3] =	stream.indirect_vreg.gather [hbm4b:s1+s3], $0x80, v38, vm0, $0xb8;
	[tilespmem:$0x18100] =	vst v63  }
0x432: {  	s16 =	simm.s32 $0x10900  }
0x433: {  	[tilespmem:s16], [sflag:$0x3] =	stream.indirect_vreg.gather [hbm4b:s5+s3], $0x80, v38, vm0, $0xb8;
	[tilespmem:$0x18100] =	vst v63  }
0x434: {  	_ = 	snop  }
0x435: {  	[tilespmem:s17], [sflag:$0x3] =	stream.indirect_vreg.gather [hbm4b:s6+s3], $0x80, v38, vm0, $0xb8;
	[tilespmem:$0x18100] =	vst v63  }
0x436: {  	s17 =	simm.s32 $0x11900  }
0x437: {  	[tilespmem:s17], [sflag:$0x3] =	stream.indirect_vreg.gather [hbm4b:s7+s3], $0x80, v38, vm0, $0xb8;
	[tilespmem:$0x18100] =	vst v63  }
0x438: {  	s17 =	simm.s32 $0x12100  }
0x439: {  	[tilespmem:s17], [sflag:$0x3] =	stream.indirect_vreg.gather [hbm4b:s8+s3], $0x80, v38, vm0, $0xb8;
	[tilespmem:$0x18100] =	vst v63  }
0x43a: {  	v37 =	vperm.xlane v37, v36;
	s17 =	simm.s32 $0x12900  }
0x43b: {  	[tilespmem:s17], [sflag:$0x3] =	stream.indirect_vreg.gather [hbm4b:s9+s3], $0x80, v38, vm0, $0xb8;
	[tilespmem:$0x18100] =	vst v63  }
0x43c: {  	v37 =	vadd.s32 v35, v37;
	s17 =	simm.s32 $0x13100  }
0x43d: {  	[tilespmem:s17], [sflag:$0x3] =	stream.indirect_vreg.gather [hbm4b:s10+s3], $0x80, v38, vm0, $0xb8;
	[tilespmem:$0x18100] =	vst v63  }
0x43e: {  	s17 =	simm.s32 $0x13900  }
0x43f: {  	[tilespmem:s17], [sflag:$0x3] =	stream.indirect_vreg.gather [hbm4b:s11+s3], $0x80, v38, vm0, $0xb8;
	[tilespmem:$0x18100] =	vst v63  }
0x440: {  	s17 =	simm.s32 $0x14100  }
0x441: {  	[tilespmem:s17], [sflag:$0x3] =	stream.indirect_vreg.gather [hbm4b:s1+s3], $0x80, v37, vm0, $0xb8;
	[tilespmem:$0x18100] =	vst v63  }
0x442: {  	s17 =	simm.s32 $0x14900  }
0x443: {  	[tilespmem:s17], [sflag:$0x3] =	stream.indirect_vreg.gather [hbm4b:s5+s3], $0x80, v37, vm0, $0xb8;
	[tilespmem:$0x18100] =	vst v63  }
0x444: {  	s17 =	simm.s32 $0x15100  }
0x445: {  	[tilespmem:s17], [sflag:$0x3] =	stream.indirect_vreg.gather [hbm4b:s6+s3], $0x80, v37, vm0, $0xb8;
	[tilespmem:$0x18100] =	vst v63  }
0x446: {  	s17 =	simm.s32 $0x15900  }
0x447: {  	[tilespmem:s17], [sflag:$0x3] =	stream.indirect_vreg.gather [hbm4b:s7+s3], $0x80, v37, vm0, $0xb8;
	[tilespmem:$0x18100] =	vst v63  }
0x448: {  	s17 =	simm.s32 $0x16100  }
0x449: {  	[tilespmem:s17], [sflag:$0x3] =	stream.indirect_vreg.gather [hbm4b:s8+s3], $0x80, v37, vm0, $0xb8;
	[tilespmem:$0x18100] =	vst v63  }
0x44a: {  	s17 =	simm.s32 $0x16900  }
0x44b: {  	[tilespmem:s17], [sflag:$0x3] =	stream.indirect_vreg.gather [hbm4b:s9+s3], $0x80, v37, vm0, $0xb8;
	[tilespmem:$0x18100] =	vst v63  }
0x44c: {  	s17 =	simm.s32 $0x17100  }
0x44d: {  	[tilespmem:s17], [sflag:$0x3] =	stream.indirect_vreg.gather [hbm4b:s10+s3], $0x80, v37, vm0, $0xb8;
	[tilespmem:$0x18100] =	vst v63  }
0x44e: {  	s17 =	simm.s32 $0x17900  }
0x44f: {  	[tilespmem:s17], [sflag:$0x3] =	stream.indirect_vreg.gather [hbm4b:s11+s3], $0x80, v37, vm0, $0xb8;
	[tilespmem:$0x18100] =	vst v63  }
0x450: {  	_ =	swait.ge [sflag:s30], $0x8000  }
0x451: {  	[sflag:s30] =	ssyncset.done $0x0  }
0x452: {  	s17 =	rddreg [dreg:$0x12];
	[sflag:s30] =	ssyncadd.s32 $0xFFFF8000  }
0x453: {  	[hbm4b:s17+s3] =	stream.linear.scatter [tilespmem:s31], [sflag:$0x5], $0x8000, $0x38;
	[tilespmem:$0x18100] =	vst v63  }
0x454: {  	_ =	swait.ge [sflag:s0], $0x8000  }
0x455: {  	[sflag:s0] =	ssyncset.done $0x0  }
0x456: {  	[sflag:s0] =	ssyncadd.s32 $0xFFFF8000  }
0x457: {  	v55 =	vld.idx.msk [tilespmem:v33+s13+$0x0], $0xffff;
	_ =	sdelay $0x4  }
0x458: {  	vm2 =	vgt.s32 v55, v15  }
0x459: {  	v37 =	vsel vm2, $0x0, v33  }
0x45a: {  	v56 =	vor.u32 $0x8, v37;
	_ =	sdelay $0x4  }
0x45b: {  	v57 =	vld.idx.msk [tilespmem:v56+s13+$0x0], $0xffff;
	_ =	sdelay $0x4  }
0x45c: {  	vm2 =	vgt.s32 v57, v15  }
0x45d: {  	v37 =	vsel vm2, v37, v56  }
0x45e: {  	v38 =	vor.u32 $0x4, v37;
	_ =	sdelay $0x4  }
0x45f: {  	v58 =	vld.idx.msk [tilespmem:v38+s13+$0x0], $0xffff;
	_ =	sdelay $0x4  }
0x460: {  	vm2 =	vgt.s32 v58, v15  }
0x461: {  	v37 =	vsel vm2, v37, v38  }
0x462: {  	v38 =	vor.u32 $0x2, v37;
	_ =	sdelay $0x4  }
0x463: {  	v59 =	vld.idx.msk [tilespmem:v38+s13+$0x0], $0xffff;
	_ =	sdelay $0x4  }
0x464: {  	vm2 =	vgt.s32 v59, v15  }
0x465: {  	v37 =	vsel vm2, v37, v38  }
0x466: {  	v38 =	vadd.s32 $0x1, v37;
	_ =	sdelay $0x4  }
0x467: {  	v60 =	vld.idx.msk [tilespmem:v38+s13+$0x0], $0xffff;
	_ =	sdelay $0x4  }
0x468: {  	vm2 =	vgt.s32 v60, v15  }
0x469: {  	v37 =	vsel vm2, v37, v38  }
0x46a: {  	v38 =	vsub.s32 $0xF, v37  }
0x46b: {  	v37 =	vsub.s32 $0x10, v37;
	_ =	sdelay $0x3  }
0x46c: {  	v38 =	vld.idx.msk [tilespmem:v38+s3+$0x0], $0xffff  }
0x46d: {  	v37 =	vld.idx.msk [tilespmem:v37+s3+$0x0], $0xffff;
	_ =	sdelay $0x3  }
0x46e: {  	v38 =	vadd.s32 v15, v38  }
0x46f: {  	v37 =	vadd.s32 v37, v38  }
0x470: {  	v38 =	vshll.u32 v37, $0x4  }
0x471: {  	v37 =	vand.u32 $0x7, v37;
	v38 =	vand.u32 $0xFFFFFF80, v38  }
0x472: {  	v37 =	vor.u32 v37, v38  }
0x473: {  	v37 =	vadd.s32 $0xFFFC0000, v37  }
0x474: {  	v61 =	vperm.xlane v37, v34;
	_ =	sdelay $0x1  }
0x475: {  	v38 =	vadd.s32 v35, v61;
	_ =	sdelay $0x4  }
0x476: {  	[tilespmem:s14], [sflag:$0x1] =	stream.indirect_vreg.gather [hbm4b:s1+s3], $0x80, v38, vm0, $0xb8;
	[tilespmem:$0x18100] =	vst v63  }
0x477: {  	s17 =	simm.s32 $0x900  }
0x478: {  	[tilespmem:s17], [sflag:$0x1] =	stream.indirect_vreg.gather [hbm4b:s5+s3], $0x80, v38, vm0, $0xb8;
	[tilespmem:$0x18100] =	vst v63  }
0x479: {  	s19 =	simm.s32 $0x1100  }
0x47a: {  	[tilespmem:s19], [sflag:$0x1] =	stream.indirect_vreg.gather [hbm4b:s6+s3], $0x80, v38, vm0, $0xb8;
	[tilespmem:$0x18100] =	vst v63  }
0x47b: {  	s20 =	simm.s32 $0x1900  }
0x47c: {  	[tilespmem:s20], [sflag:$0x1] =	stream.indirect_vreg.gather [hbm4b:s7+s3], $0x80, v38, vm0, $0xb8;
	[tilespmem:$0x18100] =	vst v63  }
0x47d: {  	s16 =	simm.s32 $0x2100  }
0x47e: {  	[tilespmem:s16], [sflag:$0x1] =	stream.indirect_vreg.gather [hbm4b:s8+s3], $0x80, v38, vm0, $0xb8;
	[tilespmem:$0x18100] =	vst v63  }
0x47f: {  	v37 =	vperm.xlane v37, v36;
	s16 =	simm.s32 $0x2900  }
0x480: {  	[tilespmem:s16], [sflag:$0x1] =	stream.indirect_vreg.gather [hbm4b:s9+s3], $0x80, v38, vm0, $0xb8;
	[tilespmem:$0x18100] =	vst v63  }
0x481: {  	s21 =	simm.s32 $0x3100;
	v37 =	vadd.s32 v35, v37  }
0x482: {  	[tilespmem:s21], [sflag:$0x1] =	stream.indirect_vreg.gather [hbm4b:s10+s3], $0x80, v38, vm0, $0xb8;
	[tilespmem:$0x18100] =	vst v63  }
0x483: {  	s22 =	simm.s32 $0x3900  }
0x484: {  	[tilespmem:s22], [sflag:$0x1] =	stream.indirect_vreg.gather [hbm4b:s11+s3], $0x80, v38, vm0, $0xb8;
	[tilespmem:$0x18100] =	vst v63  }
0x485: {  	s23 =	simm.s32 $0x4100  }
0x486: {  	[tilespmem:s23], [sflag:$0x1] =	stream.indirect_vreg.gather [hbm4b:s1+s3], $0x80, v37, vm0, $0xb8;
	[tilespmem:$0x18100] =	vst v63  }
0x487: {  	s24 =	simm.s32 $0x4900  }
0x488: {  	[tilespmem:s24], [sflag:$0x1] =	stream.indirect_vreg.gather [hbm4b:s5+s3], $0x80, v37, vm0, $0xb8;
	[tilespmem:$0x18100] =	vst v63  }
0x489: {  	s25 =	simm.s32 $0x5100  }
0x48a: {  	[tilespmem:s25], [sflag:$0x1] =	stream.indirect_vreg.gather [hbm4b:s6+s3], $0x80, v37, vm0, $0xb8;
	[tilespmem:$0x18100] =	vst v63  }
0x48b: {  	s26 =	simm.s32 $0x5900  }
0x48c: {  	[tilespmem:s26], [sflag:$0x1] =	stream.indirect_vreg.gather [hbm4b:s7+s3], $0x80, v37, vm0, $0xb8;
	[tilespmem:$0x18100] =	vst v63  }
0x48d: {  	s16 =	simm.s32 $0x6100  }
0x48e: {  	[tilespmem:s16], [sflag:$0x1] =	stream.indirect_vreg.gather [hbm4b:s8+s3], $0x80, v37, vm0, $0xb8;
	[tilespmem:$0x18100] =	vst v63  }
0x48f: {  	s16 =	simm.s32 $0x6900  }
0x490: {  	[tilespmem:s16], [sflag:$0x1] =	stream.indirect_vreg.gather [hbm4b:s9+s3], $0x80, v37, vm0, $0xb8;
	[tilespmem:$0x18100] =	vst v63  }
0x491: {  	s29 =	simm.s32 $0x7100  }
0x492: {  	[tilespmem:s29], [sflag:$0x1] =	stream.indirect_vreg.gather [hbm4b:s10+s3], $0x80, v37, vm0, $0xb8;
	[tilespmem:$0x18100] =	vst v63  }
0x493: {  	s16 =	simm.s32 $0x7900  }
0x494: {  	[tilespmem:s16], [sflag:$0x1] =	stream.indirect_vreg.gather [hbm4b:s11+s3], $0x80, v37, vm0, $0xb8;
	[tilespmem:$0x18100] =	vst v63  }
0x495: {  	_ =	swait.ge [sflag:s18], $0x8000  }
0x496: {  	[sflag:s18] =	ssyncset.done $0x0  }
0x497: {  	s16 =	rddreg [dreg:$0x13];
	[sflag:s18] =	ssyncadd.s32 $0xFFFF8000  }
0x498: {  	[hbm4b:s16+s3] =	stream.linear.scatter [tilespmem:s4], [sflag:$0x6], $0x8000, $0x38;
	[tilespmem:$0x18100] =	vst v63  }
0x499: {  	_ =	swait.ge [sflag:s12], $0x8000  }
0x49a: {  	[sflag:s12] =	ssyncset.done $0x0  }
0x49b: {  	[sflag:s12] =	ssyncadd.s32 $0xFFFF8000  }
0x49c: {  	v62 =	vld.idx.msk [tilespmem:v33+s13+$0x0], $0xffff;
	_ =	sdelay $0x4  }
0x49d: {  	vm2 =	vgt.s32 v62, v16  }
0x49e: {  	v37 =	vsel vm2, $0x0, v33  }
0x49f: {  	v63 =	vor.u32 $0x8, v37;
	_ =	sdelay $0x4  }
0x4a0: {  	v42 =	vld.idx.msk [tilespmem:v63+s13+$0x0], $0xffff;
	_ =	sdelay $0x4  }
0x4a1: {  	vm2 =	vgt.s32 v42, v16  }
0x4a2: {  	v37 =	vsel vm2, v37, v63  }
0x4a3: {  	v38 =	vor.u32 $0x4, v37;
	_ =	sdelay $0x4  }
0x4a4: {  	v43 =	vld.idx.msk [tilespmem:v38+s13+$0x0], $0xffff;
	_ =	sdelay $0x4  }
0x4a5: {  	vm2 =	vgt.s32 v43, v16  }
0x4a6: {  	v37 =	vsel vm2, v37, v38  }
0x4a7: {  	v38 =	vor.u32 $0x2, v37;
	_ =	sdelay $0x4  }
0x4a8: {  	v44 =	vld.idx.msk [tilespmem:v38+s13+$0x0], $0xffff;
	_ =	sdelay $0x4  }
0x4a9: {  	vm2 =	vgt.s32 v44, v16  }
0x4aa: {  	v37 =	vsel vm2, v37, v38  }
0x4ab: {  	v38 =	vadd.s32 $0x1, v37;
	_ =	sdelay $0x4  }
0x4ac: {  	v45 =	vld.idx.msk [tilespmem:v38+s13+$0x0], $0xffff;
	_ =	sdelay $0x4  }
0x4ad: {  	vm2 =	vgt.s32 v45, v16  }
0x4ae: {  	v37 =	vsel vm2, v37, v38  }
0x4af: {  	v38 =	vsub.s32 $0xF, v37  }
0x4b0: {  	v37 =	vsub.s32 $0x10, v37;
	_ =	sdelay $0x3  }
0x4b1: {  	v38 =	vld.idx.msk [tilespmem:v38+s3+$0x0], $0xffff  }
0x4b2: {  	v37 =	vld.idx.msk [tilespmem:v37+s3+$0x0], $0xffff;
	_ =	sdelay $0x3  }
0x4b3: {  	v38 =	vadd.s32 v16, v38  }
0x4b4: {  	v37 =	vadd.s32 v37, v38  }
0x4b5: {  	v38 =	vshll.u32 v37, $0x4  }
0x4b6: {  	v37 =	vand.u32 $0x7, v37;
	v38 =	vand.u32 $0xFFFFFF80, v38  }
0x4b7: {  	v37 =	vor.u32 v37, v38  }
0x4b8: {  	v37 =	vadd.s32 $0xFFFC0000, v37  }
0x4b9: {  	v46 =	vperm.xlane v37, v34;
	_ =	sdelay $0x1  }
0x4ba: {  	v38 =	vadd.s32 v35, v46;
	_ =	sdelay $0x4  }
0x4bb: {  	[tilespmem:s31], [sflag:$0x2] =	stream.indirect_vreg.gather [hbm4b:s1+s3], $0x80, v38, vm0, $0xb8;
	[tilespmem:$0x18100] =	vst v63  }
0x4bc: {  	s16 =	simm.s32 $0x8900  }
0x4bd: {  	[tilespmem:s16], [sflag:$0x2] =	stream.indirect_vreg.gather [hbm4b:s5+s3], $0x80, v38, vm0, $0xb8;
	[tilespmem:$0x18100] =	vst v63  }
0x4be: {  	s16 =	simm.s32 $0x9100  }
0x4bf: {  	[tilespmem:s16], [sflag:$0x2] =	stream.indirect_vreg.gather [hbm4b:s6+s3], $0x80, v38, vm0, $0xb8;
	[tilespmem:$0x18100] =	vst v63  }
0x4c0: {  	s16 =	simm.s32 $0x9900  }
0x4c1: {  	[tilespmem:s16], [sflag:$0x2] =	stream.indirect_vreg.gather [hbm4b:s7+s3], $0x80, v38, vm0, $0xb8;
	[tilespmem:$0x18100] =	vst v63  }
0x4c2: {  	s16 =	simm.s32 $0xA100  }
0x4c3: {  	[tilespmem:s16], [sflag:$0x2] =	stream.indirect_vreg.gather [hbm4b:s8+s3], $0x80, v38, vm0, $0xb8;
	[tilespmem:$0x18100] =	vst v63  }
0x4c4: {  	v37 =	vperm.xlane v37, v36;
	s16 =	simm.s32 $0xA900  }
0x4c5: {  	[tilespmem:s16], [sflag:$0x2] =	stream.indirect_vreg.gather [hbm4b:s9+s3], $0x80, v38, vm0, $0xb8;
	[tilespmem:$0x18100] =	vst v63  }
0x4c6: {  	v37 =	vadd.s32 v35, v37;
	s16 =	simm.s32 $0xB100  }
0x4c7: {  	[tilespmem:s16], [sflag:$0x2] =	stream.indirect_vreg.gather [hbm4b:s10+s3], $0x80, v38, vm0, $0xb8;
	[tilespmem:$0x18100] =	vst v63  }
0x4c8: {  	s16 =	simm.s32 $0xB900  }
0x4c9: {  	[tilespmem:s16], [sflag:$0x2] =	stream.indirect_vreg.gather [hbm4b:s11+s3], $0x80, v38, vm0, $0xb8;
	[tilespmem:$0x18100] =	vst v63  }
0x4ca: {  	s16 =	simm.s32 $0xC100  }
0x4cb: {  	[tilespmem:s16], [sflag:$0x2] =	stream.indirect_vreg.gather [hbm4b:s1+s3], $0x80, v37, vm0, $0xb8;
	[tilespmem:$0x18100] =	vst v63  }
0x4cc: {  	s16 =	simm.s32 $0xC900  }
0x4cd: {  	[tilespmem:s16], [sflag:$0x2] =	stream.indirect_vreg.gather [hbm4b:s5+s3], $0x80, v37, vm0, $0xb8;
	[tilespmem:$0x18100] =	vst v63  }
0x4ce: {  	s16 =	simm.s32 $0xD100  }
0x4cf: {  	[tilespmem:s16], [sflag:$0x2] =	stream.indirect_vreg.gather [hbm4b:s6+s3], $0x80, v37, vm0, $0xb8;
	[tilespmem:$0x18100] =	vst v63  }
0x4d0: {  	s16 =	simm.s32 $0xD900  }
0x4d1: {  	[tilespmem:s16], [sflag:$0x2] =	stream.indirect_vreg.gather [hbm4b:s7+s3], $0x80, v37, vm0, $0xb8;
	[tilespmem:$0x18100] =	vst v63  }
0x4d2: {  	s16 =	simm.s32 $0xE100  }
0x4d3: {  	[tilespmem:s16], [sflag:$0x2] =	stream.indirect_vreg.gather [hbm4b:s8+s3], $0x80, v37, vm0, $0xb8;
	[tilespmem:$0x18100] =	vst v63  }
0x4d4: {  	s16 =	simm.s32 $0xE900  }
0x4d5: {  	[tilespmem:s16], [sflag:$0x2] =	stream.indirect_vreg.gather [hbm4b:s9+s3], $0x80, v37, vm0, $0xb8;
	[tilespmem:$0x18100] =	vst v63  }
0x4d6: {  	s16 =	simm.s32 $0xF100  }
0x4d7: {  	[tilespmem:s16], [sflag:$0x2] =	stream.indirect_vreg.gather [hbm4b:s10+s3], $0x80, v37, vm0, $0xb8;
	[tilespmem:$0x18100] =	vst v63  }
0x4d8: {  	s16 =	simm.s32 $0xF900  }
0x4d9: {  	[tilespmem:s16], [sflag:$0x2] =	stream.indirect_vreg.gather [hbm4b:s11+s3], $0x80, v37, vm0, $0xb8;
	[tilespmem:$0x18100] =	vst v63  }
0x4da: {  	_ =	swait.ge [sflag:s28], $0x8000  }
0x4db: {  	[sflag:s28] =	ssyncset.done $0x0  }
0x4dc: {  	s16 =	rddreg [dreg:$0x14];
	[sflag:s28] =	ssyncadd.s32 $0xFFFF8000  }
0x4dd: {  	[hbm4b:s16+s3] =	stream.linear.scatter [tilespmem:s14], [sflag:$0x4], $0x8000, $0x38;
	[tilespmem:$0x18100] =	vst v63  }
0x4de: {  	_ =	swait.ge [sflag:s15], $0x8000  }
0x4df: {  	[sflag:s15] =	ssyncset.done $0x0  }
0x4e0: {  	[sflag:s15] =	ssyncadd.s32 $0xFFFF8000  }
0x4e1: {  	v47 =	vld.idx.msk [tilespmem:v33+s13+$0x0], $0xffff;
	_ =	sdelay $0x4  }
0x4e2: {  	vm2 =	vgt.s32 v47, v17  }
0x4e3: {  	v37 =	vsel vm2, $0x0, v33  }
0x4e4: {  	v48 =	vor.u32 $0x8, v37;
	_ =	sdelay $0x4  }
0x4e5: {  	v49 =	vld.idx.msk [tilespmem:v48+s13+$0x0], $0xffff;
	_ =	sdelay $0x4  }
0x4e6: {  	vm2 =	vgt.s32 v49, v17  }
0x4e7: {  	v37 =	vsel vm2, v37, v48  }
0x4e8: {  	v38 =	vor.u32 $0x4, v37;
	_ =	sdelay $0x4  }
0x4e9: {  	v50 =	vld.idx.msk [tilespmem:v38+s13+$0x0], $0xffff;
	_ =	sdelay $0x4  }
0x4ea: {  	vm2 =	vgt.s32 v50, v17  }
0x4eb: {  	v37 =	vsel vm2, v37, v38  }
0x4ec: {  	v38 =	vor.u32 $0x2, v37;
	_ =	sdelay $0x4  }
0x4ed: {  	v51 =	vld.idx.msk [tilespmem:v38+s13+$0x0], $0xffff;
	_ =	sdelay $0x4  }
0x4ee: {  	vm2 =	vgt.s32 v51, v17  }
0x4ef: {  	v37 =	vsel vm2, v37, v38  }
0x4f0: {  	v38 =	vadd.s32 $0x1, v37;
	_ =	sdelay $0x4  }
0x4f1: {  	v52 =	vld.idx.msk [tilespmem:v38+s13+$0x0], $0xffff;
	_ =	sdelay $0x4  }
0x4f2: {  	vm2 =	vgt.s32 v52, v17  }
0x4f3: {  	v37 =	vsel vm2, v37, v38  }
0x4f4: {  	v38 =	vsub.s32 $0xF, v37  }
0x4f5: {  	v37 =	vsub.s32 $0x10, v37;
	_ =	sdelay $0x3  }
0x4f6: {  	v38 =	vld.idx.msk [tilespmem:v38+s3+$0x0], $0xffff  }
0x4f7: {  	v37 =	vld.idx.msk [tilespmem:v37+s3+$0x0], $0xffff;
	_ =	sdelay $0x3  }
0x4f8: {  	v38 =	vadd.s32 v17, v38  }
0x4f9: {  	v37 =	vadd.s32 v37, v38  }
0x4fa: {  	v38 =	vshll.u32 v37, $0x4  }
0x4fb: {  	v37 =	vand.u32 $0x7, v37;
	v38 =	vand.u32 $0xFFFFFF80, v38  }
0x4fc: {  	v37 =	vor.u32 v37, v38  }
0x4fd: {  	v37 =	vadd.s32 $0xFFFC0000, v37  }
0x4fe: {  	v53 =	vperm.xlane v37, v34;
	_ =	sdelay $0x1  }
0x4ff: {  	v38 =	vadd.s32 v35, v53;
	_ =	sdelay $0x4  }
0x500: {  	[tilespmem:s4], [sflag:$0x3] =	stream.indirect_vreg.gather [hbm4b:s1+s3], $0x80, v38, vm0, $0xb8;
	[tilespmem:$0x18100] =	vst v63  }
0x501: {  	s16 =	simm.s32 $0x10900  }
0x502: {  	[tilespmem:s16], [sflag:$0x3] =	stream.indirect_vreg.gather [hbm4b:s5+s3], $0x80, v38, vm0, $0xb8;
	[tilespmem:$0x18100] =	vst v63  }
0x503: {  	s2 =	simm.s32 $0x11100  }
0x504: {  	[tilespmem:s2], [sflag:$0x3] =	stream.indirect_vreg.gather [hbm4b:s6+s3], $0x80, v38, vm0, $0xb8;
	[tilespmem:$0x18100] =	vst v63  }
0x505: {  	s16 =	simm.s32 $0x11900  }
0x506: {  	[tilespmem:s16], [sflag:$0x3] =	stream.indirect_vreg.gather [hbm4b:s7+s3], $0x80, v38, vm0, $0xb8;
	[tilespmem:$0x18100] =	vst v63  }
0x507: {  	s16 =	simm.s32 $0x12100  }
0x508: {  	[tilespmem:s16], [sflag:$0x3] =	stream.indirect_vreg.gather [hbm4b:s8+s3], $0x80, v38, vm0, $0xb8;
	[tilespmem:$0x18100] =	vst v63  }
0x509: {  	v37 =	vperm.xlane v37, v36;
	s16 =	simm.s32 $0x12900  }
0x50a: {  	[tilespmem:s16], [sflag:$0x3] =	stream.indirect_vreg.gather [hbm4b:s9+s3], $0x80, v38, vm0, $0xb8;
	[tilespmem:$0x18100] =	vst v63  }
0x50b: {  	v37 =	vadd.s32 v35, v37;
	s16 =	simm.s32 $0x13100  }
0x50c: {  	[tilespmem:s16], [sflag:$0x3] =	stream.indirect_vreg.gather [hbm4b:s10+s3], $0x80, v38, vm0, $0xb8;
	[tilespmem:$0x18100] =	vst v63  }
0x50d: {  	s16 =	simm.s32 $0x13900  }
0x50e: {  	[tilespmem:s16], [sflag:$0x3] =	stream.indirect_vreg.gather [hbm4b:s11+s3], $0x80, v38, vm0, $0xb8;
	[tilespmem:$0x18100] =	vst v63  }
0x50f: {  	s16 =	simm.s32 $0x14100  }
0x510: {  	[tilespmem:s16], [sflag:$0x3] =	stream.indirect_vreg.gather [hbm4b:s1+s3], $0x80, v37, vm0, $0xb8;
	[tilespmem:$0x18100] =	vst v63  }
0x511: {  	s16 =	simm.s32 $0x14900  }
0x512: {  	[tilespmem:s16], [sflag:$0x3] =	stream.indirect_vreg.gather [hbm4b:s5+s3], $0x80, v37, vm0, $0xb8;
	[tilespmem:$0x18100] =	vst v63  }
0x513: {  	s16 =	simm.s32 $0x15100  }
0x514: {  	[tilespmem:s16], [sflag:$0x3] =	stream.indirect_vreg.gather [hbm4b:s6+s3], $0x80, v37, vm0, $0xb8;
	[tilespmem:$0x18100] =	vst v63  }
0x515: {  	s16 =	simm.s32 $0x15900  }
0x516: {  	[tilespmem:s16], [sflag:$0x3] =	stream.indirect_vreg.gather [hbm4b:s7+s3], $0x80, v37, vm0, $0xb8;
	[tilespmem:$0x18100] =	vst v63  }
0x517: {  	s16 =	simm.s32 $0x16100  }
0x518: {  	[tilespmem:s16], [sflag:$0x3] =	stream.indirect_vreg.gather [hbm4b:s8+s3], $0x80, v37, vm0, $0xb8;
	[tilespmem:$0x18100] =	vst v63  }
0x519: {  	s16 =	simm.s32 $0x16900  }
0x51a: {  	[tilespmem:s16], [sflag:$0x3] =	stream.indirect_vreg.gather [hbm4b:s9+s3], $0x80, v37, vm0, $0xb8;
	[tilespmem:$0x18100] =	vst v63  }
0x51b: {  	s16 =	simm.s32 $0x17100  }
0x51c: {  	[tilespmem:s16], [sflag:$0x3] =	stream.indirect_vreg.gather [hbm4b:s10+s3], $0x80, v37, vm0, $0xb8;
	[tilespmem:$0x18100] =	vst v63  }
0x51d: {  	s16 =	simm.s32 $0x17900  }
0x51e: {  	[tilespmem:s16], [sflag:$0x3] =	stream.indirect_vreg.gather [hbm4b:s11+s3], $0x80, v37, vm0, $0xb8;
	[tilespmem:$0x18100] =	vst v63  }
0x51f: {  	_ =	swait.ge [sflag:s30], $0x8000  }
0x520: {  	[sflag:s30] =	ssyncset.done $0x0  }
0x521: {  	s16 =	rddreg [dreg:$0x15];
	[sflag:s30] =	ssyncadd.s32 $0xFFFF8000  }
0x522: {  	[hbm4b:s16+s3] =	stream.linear.scatter [tilespmem:s31], [sflag:$0x5], $0x8000, $0x38;
	[tilespmem:$0x18100] =	vst v63  }
0x523: {  	_ =	swait.ge [sflag:s0], $0x8000  }
0x524: {  	[sflag:s0] =	ssyncset.done $0x0  }
0x525: {  	[sflag:s0] =	ssyncadd.s32 $0xFFFF8000  }
0x526: {  	v54 =	vld.idx.msk [tilespmem:v33+s13+$0x0], $0xffff;
	_ =	sdelay $0x4  }
0x527: {  	vm2 =	vgt.s32 v54, v18  }
0x528: {  	v37 =	vsel vm2, $0x0, v33  }
0x529: {  	v55 =	vor.u32 $0x8, v37;
	_ =	sdelay $0x4  }
0x52a: {  	v56 =	vld.idx.msk [tilespmem:v55+s13+$0x0], $0xffff;
	_ =	sdelay $0x4  }
0x52b: {  	vm2 =	vgt.s32 v56, v18  }
0x52c: {  	v37 =	vsel vm2, v37, v55  }
0x52d: {  	v38 =	vor.u32 $0x4, v37;
	_ =	sdelay $0x4  }
0x52e: {  	v57 =	vld.idx.msk [tilespmem:v38+s13+$0x0], $0xffff;
	_ =	sdelay $0x4  }
0x52f: {  	vm2 =	vgt.s32 v57, v18  }
0x530: {  	v37 =	vsel vm2, v37, v38  }
0x531: {  	v38 =	vor.u32 $0x2, v37;
	_ =	sdelay $0x4  }
0x532: {  	v58 =	vld.idx.msk [tilespmem:v38+s13+$0x0], $0xffff;
	_ =	sdelay $0x4  }
0x533: {  	vm2 =	vgt.s32 v58, v18  }
0x534: {  	v37 =	vsel vm2, v37, v38  }
0x535: {  	v38 =	vadd.s32 $0x1, v37;
	_ =	sdelay $0x4  }
0x536: {  	v59 =	vld.idx.msk [tilespmem:v38+s13+$0x0], $0xffff;
	_ =	sdelay $0x4  }
0x537: {  	vm2 =	vgt.s32 v59, v18  }
0x538: {  	v37 =	vsel vm2, v37, v38  }
0x539: {  	v38 =	vsub.s32 $0xF, v37  }
0x53a: {  	v37 =	vsub.s32 $0x10, v37;
	_ =	sdelay $0x3  }
0x53b: {  	v38 =	vld.idx.msk [tilespmem:v38+s3+$0x0], $0xffff  }
0x53c: {  	v37 =	vld.idx.msk [tilespmem:v37+s3+$0x0], $0xffff;
	_ =	sdelay $0x3  }
0x53d: {  	v38 =	vadd.s32 v18, v38  }
0x53e: {  	v37 =	vadd.s32 v37, v38  }
0x53f: {  	v38 =	vshll.u32 v37, $0x4  }
0x540: {  	v37 =	vand.u32 $0x7, v37;
	v38 =	vand.u32 $0xFFFFFF80, v38  }
0x541: {  	v37 =	vor.u32 v37, v38  }
0x542: {  	v37 =	vadd.s32 $0xFFFC0000, v37  }
0x543: {  	v60 =	vperm.xlane v37, v34;
	_ =	sdelay $0x1  }
0x544: {  	v38 =	vadd.s32 v35, v60;
	_ =	sdelay $0x4  }
0x545: {  	[tilespmem:s14], [sflag:$0x1] =	stream.indirect_vreg.gather [hbm4b:s1+s3], $0x80, v38, vm0, $0xb8;
	[tilespmem:$0x18100] =	vst v63  }
0x546: {  	s17 =	simm.s32 $0x900  }
0x547: {  	[tilespmem:s17], [sflag:$0x1] =	stream.indirect_vreg.gather [hbm4b:s5+s3], $0x80, v38, vm0, $0xb8;
	[tilespmem:$0x18100] =	vst v63  }
0x548: {  	s19 =	simm.s32 $0x1100  }
0x549: {  	[tilespmem:s19], [sflag:$0x1] =	stream.indirect_vreg.gather [hbm4b:s6+s3], $0x80, v38, vm0, $0xb8;
	[tilespmem:$0x18100] =	vst v63  }
0x54a: {  	s20 =	simm.s32 $0x1900  }
0x54b: {  	[tilespmem:s20], [sflag:$0x1] =	stream.indirect_vreg.gather [hbm4b:s7+s3], $0x80, v38, vm0, $0xb8;
	[tilespmem:$0x18100] =	vst v63  }
0x54c: {  	s16 =	simm.s32 $0x2100  }
0x54d: {  	[tilespmem:s16], [sflag:$0x1] =	stream.indirect_vreg.gather [hbm4b:s8+s3], $0x80, v38, vm0, $0xb8;
	[tilespmem:$0x18100] =	vst v63  }
0x54e: {  	v37 =	vperm.xlane v37, v36;
	s16 =	simm.s32 $0x2900  }
0x54f: {  	[tilespmem:s16], [sflag:$0x1] =	stream.indirect_vreg.gather [hbm4b:s9+s3], $0x80, v38, vm0, $0xb8;
	[tilespmem:$0x18100] =	vst v63  }
0x550: {  	s21 =	simm.s32 $0x3100;
	v37 =	vadd.s32 v35, v37  }
0x551: {  	[tilespmem:s21], [sflag:$0x1] =	stream.indirect_vreg.gather [hbm4b:s10+s3], $0x80, v38, vm0, $0xb8;
	[tilespmem:$0x18100] =	vst v63  }
0x552: {  	s22 =	simm.s32 $0x3900  }
0x553: {  	[tilespmem:s22], [sflag:$0x1] =	stream.indirect_vreg.gather [hbm4b:s11+s3], $0x80, v38, vm0, $0xb8;
	[tilespmem:$0x18100] =	vst v63  }
0x554: {  	s23 =	simm.s32 $0x4100  }
0x555: {  	[tilespmem:s23], [sflag:$0x1] =	stream.indirect_vreg.gather [hbm4b:s1+s3], $0x80, v37, vm0, $0xb8;
	[tilespmem:$0x18100] =	vst v63  }
0x556: {  	s24 =	simm.s32 $0x4900  }
0x557: {  	[tilespmem:s24], [sflag:$0x1] =	stream.indirect_vreg.gather [hbm4b:s5+s3], $0x80, v37, vm0, $0xb8;
	[tilespmem:$0x18100] =	vst v63  }
0x558: {  	s25 =	simm.s32 $0x5100  }
0x559: {  	[tilespmem:s25], [sflag:$0x1] =	stream.indirect_vreg.gather [hbm4b:s6+s3], $0x80, v37, vm0, $0xb8;
	[tilespmem:$0x18100] =	vst v63  }
0x55a: {  	s26 =	simm.s32 $0x5900  }
0x55b: {  	[tilespmem:s26], [sflag:$0x1] =	stream.indirect_vreg.gather [hbm4b:s7+s3], $0x80, v37, vm0, $0xb8;
	[tilespmem:$0x18100] =	vst v63  }
0x55c: {  	s16 =	simm.s32 $0x6100  }
0x55d: {  	[tilespmem:s16], [sflag:$0x1] =	stream.indirect_vreg.gather [hbm4b:s8+s3], $0x80, v37, vm0, $0xb8;
	[tilespmem:$0x18100] =	vst v63  }
0x55e: {  	s16 =	simm.s32 $0x6900  }
0x55f: {  	[tilespmem:s16], [sflag:$0x1] =	stream.indirect_vreg.gather [hbm4b:s9+s3], $0x80, v37, vm0, $0xb8;
	[tilespmem:$0x18100] =	vst v63  }
0x560: {  	s29 =	simm.s32 $0x7100  }
0x561: {  	[tilespmem:s29], [sflag:$0x1] =	stream.indirect_vreg.gather [hbm4b:s10+s3], $0x80, v37, vm0, $0xb8;
	[tilespmem:$0x18100] =	vst v63  }
0x562: {  	s16 =	simm.s32 $0x7900  }
0x563: {  	[tilespmem:s16], [sflag:$0x1] =	stream.indirect_vreg.gather [hbm4b:s11+s3], $0x80, v37, vm0, $0xb8;
	[tilespmem:$0x18100] =	vst v63  }
0x564: {  	_ =	swait.ge [sflag:s18], $0x8000  }
0x565: {  	[sflag:s18] =	ssyncset.done $0x0  }
0x566: {  	s16 =	rddreg [dreg:$0x16];
	[sflag:s18] =	ssyncadd.s32 $0xFFFF8000  }
0x567: {  	[hbm4b:s16+s3] =	stream.linear.scatter [tilespmem:s4], [sflag:$0x6], $0x8000, $0x38;
	[tilespmem:$0x18100] =	vst v63  }
0x568: {  	_ =	swait.ge [sflag:s12], $0x8000  }
0x569: {  	[sflag:s12] =	ssyncset.done $0x0  }
0x56a: {  	[sflag:s12] =	ssyncadd.s32 $0xFFFF8000  }
0x56b: {  	v61 =	vld.idx.msk [tilespmem:v33+s13+$0x0], $0xffff;
	_ =	sdelay $0x4  }
0x56c: {  	vm2 =	vgt.s32 v61, v19  }
0x56d: {  	v37 =	vsel vm2, $0x0, v33  }
0x56e: {  	v62 =	vor.u32 $0x8, v37;
	_ =	sdelay $0x4  }
0x56f: {  	v63 =	vld.idx.msk [tilespmem:v62+s13+$0x0], $0xffff;
	_ =	sdelay $0x4  }
0x570: {  	vm2 =	vgt.s32 v63, v19  }
0x571: {  	v37 =	vsel vm2, v37, v62  }
0x572: {  	v38 =	vor.u32 $0x4, v37;
	_ =	sdelay $0x4  }
0x573: {  	v42 =	vld.idx.msk [tilespmem:v38+s13+$0x0], $0xffff;
	_ =	sdelay $0x4  }
0x574: {  	vm2 =	vgt.s32 v42, v19  }
0x575: {  	v37 =	vsel vm2, v37, v38  }
0x576: {  	v38 =	vor.u32 $0x2, v37;
	_ =	sdelay $0x4  }
0x577: {  	v43 =	vld.idx.msk [tilespmem:v38+s13+$0x0], $0xffff;
	_ =	sdelay $0x4  }
0x578: {  	vm2 =	vgt.s32 v43, v19  }
0x579: {  	v37 =	vsel vm2, v37, v38  }
0x57a: {  	v38 =	vadd.s32 $0x1, v37;
	_ =	sdelay $0x4  }
0x57b: {  	v44 =	vld.idx.msk [tilespmem:v38+s13+$0x0], $0xffff;
	_ =	sdelay $0x4  }
0x57c: {  	vm2 =	vgt.s32 v44, v19  }
0x57d: {  	v37 =	vsel vm2, v37, v38  }
0x57e: {  	v38 =	vsub.s32 $0xF, v37  }
0x57f: {  	v37 =	vsub.s32 $0x10, v37;
	_ =	sdelay $0x3  }
0x580: {  	v38 =	vld.idx.msk [tilespmem:v38+s3+$0x0], $0xffff  }
0x581: {  	v37 =	vld.idx.msk [tilespmem:v37+s3+$0x0], $0xffff;
	_ =	sdelay $0x3  }
0x582: {  	v38 =	vadd.s32 v19, v38  }
0x583: {  	v37 =	vadd.s32 v37, v38  }
0x584: {  	v38 =	vshll.u32 v37, $0x4  }
0x585: {  	v37 =	vand.u32 $0x7, v37;
	v38 =	vand.u32 $0xFFFFFF80, v38  }
0x586: {  	v37 =	vor.u32 v37, v38  }
0x587: {  	v37 =	vadd.s32 $0xFFFC0000, v37  }
0x588: {  	v45 =	vperm.xlane v37, v34;
	_ =	sdelay $0x1  }
0x589: {  	v38 =	vadd.s32 v35, v45;
	_ =	sdelay $0x4  }
0x58a: {  	[tilespmem:s31], [sflag:$0x2] =	stream.indirect_vreg.gather [hbm4b:s1+s3], $0x80, v38, vm0, $0xb8;
	[tilespmem:$0x18100] =	vst v63  }
0x58b: {  	s16 =	simm.s32 $0x8900  }
0x58c: {  	[tilespmem:s16], [sflag:$0x2] =	stream.indirect_vreg.gather [hbm4b:s5+s3], $0x80, v38, vm0, $0xb8;
	[tilespmem:$0x18100] =	vst v63  }
0x58d: {  	s16 =	simm.s32 $0x9100  }
0x58e: {  	[tilespmem:s16], [sflag:$0x2] =	stream.indirect_vreg.gather [hbm4b:s6+s3], $0x80, v38, vm0, $0xb8;
	[tilespmem:$0x18100] =	vst v63  }
0x58f: {  	s16 =	simm.s32 $0x9900  }
0x590: {  	[tilespmem:s16], [sflag:$0x2] =	stream.indirect_vreg.gather [hbm4b:s7+s3], $0x80, v38, vm0, $0xb8;
	[tilespmem:$0x18100] =	vst v63  }
0x591: {  	s16 =	simm.s32 $0xA100  }
0x592: {  	[tilespmem:s16], [sflag:$0x2] =	stream.indirect_vreg.gather [hbm4b:s8+s3], $0x80, v38, vm0, $0xb8;
	[tilespmem:$0x18100] =	vst v63  }
0x593: {  	v37 =	vperm.xlane v37, v36;
	s16 =	simm.s32 $0xA900  }
0x594: {  	[tilespmem:s16], [sflag:$0x2] =	stream.indirect_vreg.gather [hbm4b:s9+s3], $0x80, v38, vm0, $0xb8;
	[tilespmem:$0x18100] =	vst v63  }
0x595: {  	v37 =	vadd.s32 v35, v37;
	s16 =	simm.s32 $0xB100  }
0x596: {  	[tilespmem:s16], [sflag:$0x2] =	stream.indirect_vreg.gather [hbm4b:s10+s3], $0x80, v38, vm0, $0xb8;
	[tilespmem:$0x18100] =	vst v63  }
0x597: {  	s16 =	simm.s32 $0xB900  }
0x598: {  	[tilespmem:s16], [sflag:$0x2] =	stream.indirect_vreg.gather [hbm4b:s11+s3], $0x80, v38, vm0, $0xb8;
	[tilespmem:$0x18100] =	vst v63  }
0x599: {  	s16 =	simm.s32 $0xC100  }
0x59a: {  	[tilespmem:s16], [sflag:$0x2] =	stream.indirect_vreg.gather [hbm4b:s1+s3], $0x80, v37, vm0, $0xb8;
	[tilespmem:$0x18100] =	vst v63  }
0x59b: {  	s16 =	simm.s32 $0xC900  }
0x59c: {  	[tilespmem:s16], [sflag:$0x2] =	stream.indirect_vreg.gather [hbm4b:s5+s3], $0x80, v37, vm0, $0xb8;
	[tilespmem:$0x18100] =	vst v63  }
0x59d: {  	s16 =	simm.s32 $0xD100  }
0x59e: {  	[tilespmem:s16], [sflag:$0x2] =	stream.indirect_vreg.gather [hbm4b:s6+s3], $0x80, v37, vm0, $0xb8;
	[tilespmem:$0x18100] =	vst v63  }
0x59f: {  	s16 =	simm.s32 $0xD900  }
0x5a0: {  	[tilespmem:s16], [sflag:$0x2] =	stream.indirect_vreg.gather [hbm4b:s7+s3], $0x80, v37, vm0, $0xb8;
	[tilespmem:$0x18100] =	vst v63  }
0x5a1: {  	s16 =	simm.s32 $0xE100  }
0x5a2: {  	[tilespmem:s16], [sflag:$0x2] =	stream.indirect_vreg.gather [hbm4b:s8+s3], $0x80, v37, vm0, $0xb8;
	[tilespmem:$0x18100] =	vst v63  }
0x5a3: {  	s16 =	simm.s32 $0xE900  }
0x5a4: {  	[tilespmem:s16], [sflag:$0x2] =	stream.indirect_vreg.gather [hbm4b:s9+s3], $0x80, v37, vm0, $0xb8;
	[tilespmem:$0x18100] =	vst v63  }
0x5a5: {  	s16 =	simm.s32 $0xF100  }
0x5a6: {  	[tilespmem:s16], [sflag:$0x2] =	stream.indirect_vreg.gather [hbm4b:s10+s3], $0x80, v37, vm0, $0xb8;
	[tilespmem:$0x18100] =	vst v63  }
0x5a7: {  	s16 =	simm.s32 $0xF900  }
0x5a8: {  	[tilespmem:s16], [sflag:$0x2] =	stream.indirect_vreg.gather [hbm4b:s11+s3], $0x80, v37, vm0, $0xb8;
	[tilespmem:$0x18100] =	vst v63  }
0x5a9: {  	_ =	swait.ge [sflag:s28], $0x8000  }
0x5aa: {  	[sflag:s28] =	ssyncset.done $0x0  }
0x5ab: {  	s16 =	rddreg [dreg:$0x17];
	[sflag:s28] =	ssyncadd.s32 $0xFFFF8000  }
0x5ac: {  	[hbm4b:s16+s3] =	stream.linear.scatter [tilespmem:s14], [sflag:$0x4], $0x8000, $0x38;
	[tilespmem:$0x18100] =	vst v63  }
0x5ad: {  	_ =	swait.ge [sflag:s15], $0x8000  }
0x5ae: {  	[sflag:s15] =	ssyncset.done $0x0  }
0x5af: {  	[sflag:s15] =	ssyncadd.s32 $0xFFFF8000  }
0x5b0: {  	v46 =	vld.idx.msk [tilespmem:v33+s13+$0x0], $0xffff;
	_ =	sdelay $0x4  }
0x5b1: {  	vm2 =	vgt.s32 v46, v20  }
0x5b2: {  	v37 =	vsel vm2, $0x0, v33  }
0x5b3: {  	v47 =	vor.u32 $0x8, v37;
	_ =	sdelay $0x4  }
0x5b4: {  	v48 =	vld.idx.msk [tilespmem:v47+s13+$0x0], $0xffff;
	_ =	sdelay $0x4  }
0x5b5: {  	vm2 =	vgt.s32 v48, v20  }
0x5b6: {  	v37 =	vsel vm2, v37, v47  }
0x5b7: {  	v38 =	vor.u32 $0x4, v37;
	_ =	sdelay $0x4  }
0x5b8: {  	v49 =	vld.idx.msk [tilespmem:v38+s13+$0x0], $0xffff;
	_ =	sdelay $0x4  }
0x5b9: {  	vm2 =	vgt.s32 v49, v20  }
0x5ba: {  	v37 =	vsel vm2, v37, v38  }
0x5bb: {  	v38 =	vor.u32 $0x2, v37;
	_ =	sdelay $0x4  }
0x5bc: {  	v50 =	vld.idx.msk [tilespmem:v38+s13+$0x0], $0xffff;
	_ =	sdelay $0x4  }
0x5bd: {  	vm2 =	vgt.s32 v50, v20  }
0x5be: {  	v37 =	vsel vm2, v37, v38  }
0x5bf: {  	v38 =	vadd.s32 $0x1, v37;
	_ =	sdelay $0x4  }
0x5c0: {  	v51 =	vld.idx.msk [tilespmem:v38+s13+$0x0], $0xffff;
	_ =	sdelay $0x4  }
0x5c1: {  	vm2 =	vgt.s32 v51, v20  }
0x5c2: {  	v37 =	vsel vm2, v37, v38  }
0x5c3: {  	v38 =	vsub.s32 $0xF, v37  }
0x5c4: {  	v37 =	vsub.s32 $0x10, v37;
	_ =	sdelay $0x3  }
0x5c5: {  	v38 =	vld.idx.msk [tilespmem:v38+s3+$0x0], $0xffff  }
0x5c6: {  	v37 =	vld.idx.msk [tilespmem:v37+s3+$0x0], $0xffff;
	_ =	sdelay $0x3  }
0x5c7: {  	v38 =	vadd.s32 v20, v38  }
0x5c8: {  	v37 =	vadd.s32 v37, v38  }
0x5c9: {  	v38 =	vshll.u32 v37, $0x4  }
0x5ca: {  	v37 =	vand.u32 $0x7, v37;
	v38 =	vand.u32 $0xFFFFFF80, v38  }
0x5cb: {  	v37 =	vor.u32 v37, v38  }
0x5cc: {  	v37 =	vadd.s32 $0xFFFC0000, v37  }
0x5cd: {  	v52 =	vperm.xlane v37, v34;
	_ =	sdelay $0x1  }
0x5ce: {  	v38 =	vadd.s32 v35, v52;
	_ =	sdelay $0x4  }
0x5cf: {  	[tilespmem:s4], [sflag:$0x3] =	stream.indirect_vreg.gather [hbm4b:s1+s3], $0x80, v38, vm0, $0xb8;
	[tilespmem:$0x18100] =	vst v63  }
0x5d0: {  	s16 =	simm.s32 $0x10900  }
0x5d1: {  	[tilespmem:s16], [sflag:$0x3] =	stream.indirect_vreg.gather [hbm4b:s5+s3], $0x80, v38, vm0, $0xb8;
	[tilespmem:$0x18100] =	vst v63  }
0x5d2: {  	s2 =	simm.s32 $0x11100  }
0x5d3: {  	[tilespmem:s2], [sflag:$0x3] =	stream.indirect_vreg.gather [hbm4b:s6+s3], $0x80, v38, vm0, $0xb8;
	[tilespmem:$0x18100] =	vst v63  }
0x5d4: {  	s16 =	simm.s32 $0x11900  }
0x5d5: {  	[tilespmem:s16], [sflag:$0x3] =	stream.indirect_vreg.gather [hbm4b:s7+s3], $0x80, v38, vm0, $0xb8;
	[tilespmem:$0x18100] =	vst v63  }
0x5d6: {  	s16 =	simm.s32 $0x12100  }
0x5d7: {  	[tilespmem:s16], [sflag:$0x3] =	stream.indirect_vreg.gather [hbm4b:s8+s3], $0x80, v38, vm0, $0xb8;
	[tilespmem:$0x18100] =	vst v63  }
0x5d8: {  	v37 =	vperm.xlane v37, v36;
	s16 =	simm.s32 $0x12900  }
0x5d9: {  	[tilespmem:s16], [sflag:$0x3] =	stream.indirect_vreg.gather [hbm4b:s9+s3], $0x80, v38, vm0, $0xb8;
	[tilespmem:$0x18100] =	vst v63  }
0x5da: {  	v37 =	vadd.s32 v35, v37;
	s16 =	simm.s32 $0x13100  }
0x5db: {  	[tilespmem:s16], [sflag:$0x3] =	stream.indirect_vreg.gather [hbm4b:s10+s3], $0x80, v38, vm0, $0xb8;
	[tilespmem:$0x18100] =	vst v63  }
0x5dc: {  	s16 =	simm.s32 $0x13900  }
0x5dd: {  	[tilespmem:s16], [sflag:$0x3] =	stream.indirect_vreg.gather [hbm4b:s11+s3], $0x80, v38, vm0, $0xb8;
	[tilespmem:$0x18100] =	vst v63  }
0x5de: {  	s16 =	simm.s32 $0x14100  }
0x5df: {  	[tilespmem:s16], [sflag:$0x3] =	stream.indirect_vreg.gather [hbm4b:s1+s3], $0x80, v37, vm0, $0xb8;
	[tilespmem:$0x18100] =	vst v63  }
0x5e0: {  	s16 =	simm.s32 $0x14900  }
0x5e1: {  	[tilespmem:s16], [sflag:$0x3] =	stream.indirect_vreg.gather [hbm4b:s5+s3], $0x80, v37, vm0, $0xb8;
	[tilespmem:$0x18100] =	vst v63  }
0x5e2: {  	s16 =	simm.s32 $0x15100  }
0x5e3: {  	[tilespmem:s16], [sflag:$0x3] =	stream.indirect_vreg.gather [hbm4b:s6+s3], $0x80, v37, vm0, $0xb8;
	[tilespmem:$0x18100] =	vst v63  }
0x5e4: {  	s16 =	simm.s32 $0x15900  }
0x5e5: {  	[tilespmem:s16], [sflag:$0x3] =	stream.indirect_vreg.gather [hbm4b:s7+s3], $0x80, v37, vm0, $0xb8;
	[tilespmem:$0x18100] =	vst v63  }
0x5e6: {  	s16 =	simm.s32 $0x16100  }
0x5e7: {  	[tilespmem:s16], [sflag:$0x3] =	stream.indirect_vreg.gather [hbm4b:s8+s3], $0x80, v37, vm0, $0xb8;
	[tilespmem:$0x18100] =	vst v63  }
0x5e8: {  	s16 =	simm.s32 $0x16900  }
0x5e9: {  	[tilespmem:s16], [sflag:$0x3] =	stream.indirect_vreg.gather [hbm4b:s9+s3], $0x80, v37, vm0, $0xb8;
	[tilespmem:$0x18100] =	vst v63  }
0x5ea: {  	s16 =	simm.s32 $0x17100  }
0x5eb: {  	[tilespmem:s16], [sflag:$0x3] =	stream.indirect_vreg.gather [hbm4b:s10+s3], $0x80, v37, vm0, $0xb8;
	[tilespmem:$0x18100] =	vst v63  }
0x5ec: {  	s16 =	simm.s32 $0x17900  }
0x5ed: {  	[tilespmem:s16], [sflag:$0x3] =	stream.indirect_vreg.gather [hbm4b:s11+s3], $0x80, v37, vm0, $0xb8;
	[tilespmem:$0x18100] =	vst v63  }
0x5ee: {  	_ =	swait.ge [sflag:s30], $0x8000  }
0x5ef: {  	[sflag:s30] =	ssyncset.done $0x0  }
0x5f0: {  	s16 =	rddreg [dreg:$0x18];
	[sflag:s30] =	ssyncadd.s32 $0xFFFF8000  }
0x5f1: {  	[hbm4b:s16+s3] =	stream.linear.scatter [tilespmem:s31], [sflag:$0x5], $0x8000, $0x38;
	[tilespmem:$0x18100] =	vst v63  }
0x5f2: {  	_ =	swait.ge [sflag:s0], $0x8000  }
0x5f3: {  	[sflag:s0] =	ssyncset.done $0x0  }
0x5f4: {  	[sflag:s0] =	ssyncadd.s32 $0xFFFF8000  }
0x5f5: {  	v53 =	vld.idx.msk [tilespmem:v33+s13+$0x0], $0xffff;
	_ =	sdelay $0x4  }
0x5f6: {  	vm2 =	vgt.s32 v53, v21  }
0x5f7: {  	v37 =	vsel vm2, $0x0, v33  }
0x5f8: {  	v54 =	vor.u32 $0x8, v37;
	_ =	sdelay $0x4  }
0x5f9: {  	v55 =	vld.idx.msk [tilespmem:v54+s13+$0x0], $0xffff;
	_ =	sdelay $0x4  }
0x5fa: {  	vm2 =	vgt.s32 v55, v21  }
0x5fb: {  	v37 =	vsel vm2, v37, v54  }
0x5fc: {  	v38 =	vor.u32 $0x4, v37;
	_ =	sdelay $0x4  }
0x5fd: {  	v56 =	vld.idx.msk [tilespmem:v38+s13+$0x0], $0xffff;
	_ =	sdelay $0x4  }
0x5fe: {  	vm2 =	vgt.s32 v56, v21  }
0x5ff: {  	v37 =	vsel vm2, v37, v38  }
0x600: {  	v38 =	vor.u32 $0x2, v37;
	_ =	sdelay $0x4  }
0x601: {  	v57 =	vld.idx.msk [tilespmem:v38+s13+$0x0], $0xffff;
	_ =	sdelay $0x4  }
0x602: {  	vm2 =	vgt.s32 v57, v21  }
0x603: {  	v37 =	vsel vm2, v37, v38  }
0x604: {  	v38 =	vadd.s32 $0x1, v37;
	_ =	sdelay $0x4  }
0x605: {  	v58 =	vld.idx.msk [tilespmem:v38+s13+$0x0], $0xffff;
	_ =	sdelay $0x4  }
0x606: {  	vm2 =	vgt.s32 v58, v21  }
0x607: {  	v37 =	vsel vm2, v37, v38  }
0x608: {  	v38 =	vsub.s32 $0xF, v37  }
0x609: {  	v37 =	vsub.s32 $0x10, v37;
	_ =	sdelay $0x3  }
0x60a: {  	v38 =	vld.idx.msk [tilespmem:v38+s3+$0x0], $0xffff  }
0x60b: {  	v37 =	vld.idx.msk [tilespmem:v37+s3+$0x0], $0xffff;
	_ =	sdelay $0x3  }
0x60c: {  	v38 =	vadd.s32 v21, v38  }
0x60d: {  	v37 =	vadd.s32 v37, v38  }
0x60e: {  	v38 =	vshll.u32 v37, $0x4  }
0x60f: {  	v37 =	vand.u32 $0x7, v37;
	v38 =	vand.u32 $0xFFFFFF80, v38  }
0x610: {  	v37 =	vor.u32 v37, v38  }
0x611: {  	v37 =	vadd.s32 $0xFFFC0000, v37  }
0x612: {  	v59 =	vperm.xlane v37, v34;
	_ =	sdelay $0x1  }
0x613: {  	v38 =	vadd.s32 v35, v59;
	_ =	sdelay $0x4  }
0x614: {  	[tilespmem:s14], [sflag:$0x1] =	stream.indirect_vreg.gather [hbm4b:s1+s3], $0x80, v38, vm0, $0xb8;
	[tilespmem:$0x18100] =	vst v63  }
0x615: {  	s17 =	simm.s32 $0x900  }
0x616: {  	[tilespmem:s17], [sflag:$0x1] =	stream.indirect_vreg.gather [hbm4b:s5+s3], $0x80, v38, vm0, $0xb8;
	[tilespmem:$0x18100] =	vst v63  }
0x617: {  	s19 =	simm.s32 $0x1100  }
0x618: {  	[tilespmem:s19], [sflag:$0x1] =	stream.indirect_vreg.gather [hbm4b:s6+s3], $0x80, v38, vm0, $0xb8;
	[tilespmem:$0x18100] =	vst v63  }
0x619: {  	s20 =	simm.s32 $0x1900  }
0x61a: {  	[tilespmem:s20], [sflag:$0x1] =	stream.indirect_vreg.gather [hbm4b:s7+s3], $0x80, v38, vm0, $0xb8;
	[tilespmem:$0x18100] =	vst v63  }
0x61b: {  	s16 =	simm.s32 $0x2100  }
0x61c: {  	[tilespmem:s16], [sflag:$0x1] =	stream.indirect_vreg.gather [hbm4b:s8+s3], $0x80, v38, vm0, $0xb8;
	[tilespmem:$0x18100] =	vst v63  }
0x61d: {  	v37 =	vperm.xlane v37, v36;
	s16 =	simm.s32 $0x2900  }
0x61e: {  	[tilespmem:s16], [sflag:$0x1] =	stream.indirect_vreg.gather [hbm4b:s9+s3], $0x80, v38, vm0, $0xb8;
	[tilespmem:$0x18100] =	vst v63  }
0x61f: {  	s21 =	simm.s32 $0x3100;
	v37 =	vadd.s32 v35, v37  }
0x620: {  	[tilespmem:s21], [sflag:$0x1] =	stream.indirect_vreg.gather [hbm4b:s10+s3], $0x80, v38, vm0, $0xb8;
	[tilespmem:$0x18100] =	vst v63  }
0x621: {  	s22 =	simm.s32 $0x3900  }
0x622: {  	[tilespmem:s22], [sflag:$0x1] =	stream.indirect_vreg.gather [hbm4b:s11+s3], $0x80, v38, vm0, $0xb8;
	[tilespmem:$0x18100] =	vst v63  }
0x623: {  	s23 =	simm.s32 $0x4100  }
0x624: {  	[tilespmem:s23], [sflag:$0x1] =	stream.indirect_vreg.gather [hbm4b:s1+s3], $0x80, v37, vm0, $0xb8;
	[tilespmem:$0x18100] =	vst v63  }
0x625: {  	s24 =	simm.s32 $0x4900  }
0x626: {  	[tilespmem:s24], [sflag:$0x1] =	stream.indirect_vreg.gather [hbm4b:s5+s3], $0x80, v37, vm0, $0xb8;
	[tilespmem:$0x18100] =	vst v63  }
0x627: {  	s25 =	simm.s32 $0x5100  }
0x628: {  	[tilespmem:s25], [sflag:$0x1] =	stream.indirect_vreg.gather [hbm4b:s6+s3], $0x80, v37, vm0, $0xb8;
	[tilespmem:$0x18100] =	vst v63  }
0x629: {  	s26 =	simm.s32 $0x5900  }
0x62a: {  	[tilespmem:s26], [sflag:$0x1] =	stream.indirect_vreg.gather [hbm4b:s7+s3], $0x80, v37, vm0, $0xb8;
	[tilespmem:$0x18100] =	vst v63  }
0x62b: {  	s23 =	simm.s32 $0x6100  }
0x62c: {  	[tilespmem:s23], [sflag:$0x1] =	stream.indirect_vreg.gather [hbm4b:s8+s3], $0x80, v37, vm0, $0xb8;
	[tilespmem:$0x18100] =	vst v63  }
0x62d: {  	s23 =	simm.s32 $0x6900  }
0x62e: {  	[tilespmem:s23], [sflag:$0x1] =	stream.indirect_vreg.gather [hbm4b:s9+s3], $0x80, v37, vm0, $0xb8;
	[tilespmem:$0x18100] =	vst v63  }
0x62f: {  	s29 =	simm.s32 $0x7100  }
0x630: {  	[tilespmem:s29], [sflag:$0x1] =	stream.indirect_vreg.gather [hbm4b:s10+s3], $0x80, v37, vm0, $0xb8;
	[tilespmem:$0x18100] =	vst v63  }
0x631: {  	s23 =	simm.s32 $0x7900  }
0x632: {  	[tilespmem:s23], [sflag:$0x1] =	stream.indirect_vreg.gather [hbm4b:s11+s3], $0x80, v37, vm0, $0xb8;
	[tilespmem:$0x18100] =	vst v63  }
0x633: {  	_ =	swait.ge [sflag:s18], $0x8000  }
0x634: {  	[sflag:s18] =	ssyncset.done $0x0  }
0x635: {  	s23 =	rddreg [dreg:$0x19];
	[sflag:s18] =	ssyncadd.s32 $0xFFFF8000  }
0x636: {  	[hbm4b:s23+s3] =	stream.linear.scatter [tilespmem:s4], [sflag:$0x6], $0x8000, $0x38;
	[tilespmem:$0x18100] =	vst v63  }
0x637: {  	_ =	swait.ge [sflag:s12], $0x8000  }
0x638: {  	[sflag:s12] =	ssyncset.done $0x0  }
0x639: {  	[sflag:s12] =	ssyncadd.s32 $0xFFFF8000  }
0x63a: {  	v60 =	vld.idx.msk [tilespmem:v33+s13+$0x0], $0xffff;
	_ =	sdelay $0x4  }
0x63b: {  	vm2 =	vgt.s32 v60, v22  }
0x63c: {  	v37 =	vsel vm2, $0x0, v33  }
0x63d: {  	v61 =	vor.u32 $0x8, v37;
	_ =	sdelay $0x4  }
0x63e: {  	v62 =	vld.idx.msk [tilespmem:v61+s13+$0x0], $0xffff;
	_ =	sdelay $0x4  }
0x63f: {  	vm2 =	vgt.s32 v62, v22  }
0x640: {  	v37 =	vsel vm2, v37, v61  }
0x641: {  	v38 =	vor.u32 $0x4, v37;
	_ =	sdelay $0x4  }
0x642: {  	v63 =	vld.idx.msk [tilespmem:v38+s13+$0x0], $0xffff;
	_ =	sdelay $0x4  }
0x643: {  	vm2 =	vgt.s32 v63, v22  }
0x644: {  	v37 =	vsel vm2, v37, v38  }
0x645: {  	v38 =	vor.u32 $0x2, v37;
	_ =	sdelay $0x4  }
0x646: {  	v42 =	vld.idx.msk [tilespmem:v38+s13+$0x0], $0xffff;
	_ =	sdelay $0x4  }
0x647: {  	vm2 =	vgt.s32 v42, v22  }
0x648: {  	v37 =	vsel vm2, v37, v38  }
0x649: {  	v38 =	vadd.s32 $0x1, v37;
	_ =	sdelay $0x4  }
0x64a: {  	v43 =	vld.idx.msk [tilespmem:v38+s13+$0x0], $0xffff;
	_ =	sdelay $0x4  }
0x64b: {  	vm2 =	vgt.s32 v43, v22  }
0x64c: {  	v37 =	vsel vm2, v37, v38  }
0x64d: {  	v38 =	vsub.s32 $0xF, v37  }
0x64e: {  	v37 =	vsub.s32 $0x10, v37;
	_ =	sdelay $0x3  }
0x64f: {  	v38 =	vld.idx.msk [tilespmem:v38+s3+$0x0], $0xffff  }
0x650: {  	v37 =	vld.idx.msk [tilespmem:v37+s3+$0x0], $0xffff;
	_ =	sdelay $0x3  }
0x651: {  	v38 =	vadd.s32 v22, v38  }
0x652: {  	v37 =	vadd.s32 v37, v38  }
0x653: {  	v38 =	vshll.u32 v37, $0x4  }
0x654: {  	v37 =	vand.u32 $0x7, v37;
	v38 =	vand.u32 $0xFFFFFF80, v38  }
0x655: {  	v37 =	vor.u32 v37, v38  }
0x656: {  	v37 =	vadd.s32 $0xFFFC0000, v37  }
0x657: {  	v44 =	vperm.xlane v37, v34;
	_ =	sdelay $0x1  }
0x658: {  	v38 =	vadd.s32 v35, v44;
	_ =	sdelay $0x4  }
0x659: {  	[tilespmem:s31], [sflag:$0x2] =	stream.indirect_vreg.gather [hbm4b:s1+s3], $0x80, v38, vm0, $0xb8;
	[tilespmem:$0x18100] =	vst v63  }
0x65a: {  	s23 =	simm.s32 $0x8900  }
0x65b: {  	[tilespmem:s23], [sflag:$0x2] =	stream.indirect_vreg.gather [hbm4b:s5+s3], $0x80, v38, vm0, $0xb8;
	[tilespmem:$0x18100] =	vst v63  }
0x65c: {  	s16 =	simm.s32 $0x9100  }
0x65d: {  	[tilespmem:s16], [sflag:$0x2] =	stream.indirect_vreg.gather [hbm4b:s6+s3], $0x80, v38, vm0, $0xb8;
	[tilespmem:$0x18100] =	vst v63  }
0x65e: {  	s16 =	simm.s32 $0x9900  }
0x65f: {  	[tilespmem:s16], [sflag:$0x2] =	stream.indirect_vreg.gather [hbm4b:s7+s3], $0x80, v38, vm0, $0xb8;
	[tilespmem:$0x18100] =	vst v63  }
0x660: {  	s16 =	simm.s32 $0xA100  }
0x661: {  	[tilespmem:s16], [sflag:$0x2] =	stream.indirect_vreg.gather [hbm4b:s8+s3], $0x80, v38, vm0, $0xb8;
	[tilespmem:$0x18100] =	vst v63  }
0x662: {  	v37 =	vperm.xlane v37, v36;
	s16 =	simm.s32 $0xA900  }
0x663: {  	[tilespmem:s16], [sflag:$0x2] =	stream.indirect_vreg.gather [hbm4b:s9+s3], $0x80, v38, vm0, $0xb8;
	[tilespmem:$0x18100] =	vst v63  }
0x664: {  	v37 =	vadd.s32 v35, v37;
	s16 =	simm.s32 $0xB100  }
0x665: {  	[tilespmem:s16], [sflag:$0x2] =	stream.indirect_vreg.gather [hbm4b:s10+s3], $0x80, v38, vm0, $0xb8;
	[tilespmem:$0x18100] =	vst v63  }
0x666: {  	s16 =	simm.s32 $0xB900  }
0x667: {  	[tilespmem:s16], [sflag:$0x2] =	stream.indirect_vreg.gather [hbm4b:s11+s3], $0x80, v38, vm0, $0xb8;
	[tilespmem:$0x18100] =	vst v63  }
0x668: {  	s16 =	simm.s32 $0xC100  }
0x669: {  	[tilespmem:s16], [sflag:$0x2] =	stream.indirect_vreg.gather [hbm4b:s1+s3], $0x80, v37, vm0, $0xb8;
	[tilespmem:$0x18100] =	vst v63  }
0x66a: {  	s16 =	simm.s32 $0xC900  }
0x66b: {  	[tilespmem:s16], [sflag:$0x2] =	stream.indirect_vreg.gather [hbm4b:s5+s3], $0x80, v37, vm0, $0xb8;
	[tilespmem:$0x18100] =	vst v63  }
0x66c: {  	s16 =	simm.s32 $0xD100  }
0x66d: {  	[tilespmem:s16], [sflag:$0x2] =	stream.indirect_vreg.gather [hbm4b:s6+s3], $0x80, v37, vm0, $0xb8;
	[tilespmem:$0x18100] =	vst v63  }
0x66e: {  	s16 =	simm.s32 $0xD900  }
0x66f: {  	[tilespmem:s16], [sflag:$0x2] =	stream.indirect_vreg.gather [hbm4b:s7+s3], $0x80, v37, vm0, $0xb8;
	[tilespmem:$0x18100] =	vst v63  }
0x670: {  	s16 =	simm.s32 $0xE100  }
0x671: {  	[tilespmem:s16], [sflag:$0x2] =	stream.indirect_vreg.gather [hbm4b:s8+s3], $0x80, v37, vm0, $0xb8;
	[tilespmem:$0x18100] =	vst v63  }
0x672: {  	s16 =	simm.s32 $0xE900  }
0x673: {  	[tilespmem:s16], [sflag:$0x2] =	stream.indirect_vreg.gather [hbm4b:s9+s3], $0x80, v37, vm0, $0xb8;
	[tilespmem:$0x18100] =	vst v63  }
0x674: {  	s16 =	simm.s32 $0xF100  }
0x675: {  	[tilespmem:s16], [sflag:$0x2] =	stream.indirect_vreg.gather [hbm4b:s10+s3], $0x80, v37, vm0, $0xb8;
	[tilespmem:$0x18100] =	vst v63  }
0x676: {  	s16 =	simm.s32 $0xF900  }
0x677: {  	[tilespmem:s16], [sflag:$0x2] =	stream.indirect_vreg.gather [hbm4b:s11+s3], $0x80, v37, vm0, $0xb8;
	[tilespmem:$0x18100] =	vst v63  }
0x678: {  	_ =	swait.ge [sflag:s28], $0x8000  }
0x679: {  	[sflag:s28] =	ssyncset.done $0x0  }
0x67a: {  	s16 =	rddreg [dreg:$0x1a];
	[sflag:s28] =	ssyncadd.s32 $0xFFFF8000  }
0x67b: {  	[hbm4b:s16+s3] =	stream.linear.scatter [tilespmem:s14], [sflag:$0x4], $0x8000, $0x38;
	[tilespmem:$0x18100] =	vst v63  }
0x67c: {  	_ =	swait.ge [sflag:s15], $0x8000  }
0x67d: {  	[sflag:s15] =	ssyncset.done $0x0  }
0x67e: {  	[sflag:s15] =	ssyncadd.s32 $0xFFFF8000  }
0x67f: {  	v45 =	vld.idx.msk [tilespmem:v33+s13+$0x0], $0xffff;
	_ =	sdelay $0x4  }
0x680: {  	vm2 =	vgt.s32 v45, v23  }
0x681: {  	v37 =	vsel vm2, $0x0, v33  }
0x682: {  	v46 =	vor.u32 $0x8, v37;
	_ =	sdelay $0x4  }
0x683: {  	v47 =	vld.idx.msk [tilespmem:v46+s13+$0x0], $0xffff;
	_ =	sdelay $0x4  }
0x684: {  	vm2 =	vgt.s32 v47, v23  }
0x685: {  	v37 =	vsel vm2, v37, v46  }
0x686: {  	v38 =	vor.u32 $0x4, v37;
	_ =	sdelay $0x4  }
0x687: {  	v48 =	vld.idx.msk [tilespmem:v38+s13+$0x0], $0xffff;
	_ =	sdelay $0x4  }
0x688: {  	vm2 =	vgt.s32 v48, v23  }
0x689: {  	v37 =	vsel vm2, v37, v38  }
0x68a: {  	v38 =	vor.u32 $0x2, v37;
	_ =	sdelay $0x4  }
0x68b: {  	v49 =	vld.idx.msk [tilespmem:v38+s13+$0x0], $0xffff;
	_ =	sdelay $0x4  }
0x68c: {  	vm2 =	vgt.s32 v49, v23  }
0x68d: {  	v37 =	vsel vm2, v37, v38  }
0x68e: {  	v38 =	vadd.s32 $0x1, v37;
	_ =	sdelay $0x4  }
0x68f: {  	v50 =	vld.idx.msk [tilespmem:v38+s13+$0x0], $0xffff;
	_ =	sdelay $0x4  }
0x690: {  	vm2 =	vgt.s32 v50, v23  }
0x691: {  	v37 =	vsel vm2, v37, v38  }
0x692: {  	v38 =	vsub.s32 $0xF, v37  }
0x693: {  	v37 =	vsub.s32 $0x10, v37;
	_ =	sdelay $0x3  }
0x694: {  	v38 =	vld.idx.msk [tilespmem:v38+s3+$0x0], $0xffff  }
0x695: {  	v37 =	vld.idx.msk [tilespmem:v37+s3+$0x0], $0xffff;
	_ =	sdelay $0x3  }
0x696: {  	v38 =	vadd.s32 v23, v38  }
0x697: {  	v37 =	vadd.s32 v37, v38  }
0x698: {  	v38 =	vshll.u32 v37, $0x4  }
0x699: {  	v37 =	vand.u32 $0x7, v37;
	v38 =	vand.u32 $0xFFFFFF80, v38  }
0x69a: {  	v37 =	vor.u32 v37, v38  }
0x69b: {  	v37 =	vadd.s32 $0xFFFC0000, v37  }
0x69c: {  	v51 =	vperm.xlane v37, v34;
	_ =	sdelay $0x1  }
0x69d: {  	v38 =	vadd.s32 v35, v51;
	_ =	sdelay $0x4  }
0x69e: {  	[tilespmem:s4], [sflag:$0x3] =	stream.indirect_vreg.gather [hbm4b:s1+s3], $0x80, v38, vm0, $0xb8;
	[tilespmem:$0x18100] =	vst v63  }
0x69f: {  	s16 =	simm.s32 $0x10900  }
0x6a0: {  	[tilespmem:s16], [sflag:$0x3] =	stream.indirect_vreg.gather [hbm4b:s5+s3], $0x80, v38, vm0, $0xb8;
	[tilespmem:$0x18100] =	vst v63  }
0x6a1: {  	s2 =	simm.s32 $0x11100  }
0x6a2: {  	[tilespmem:s2], [sflag:$0x3] =	stream.indirect_vreg.gather [hbm4b:s6+s3], $0x80, v38, vm0, $0xb8;
	[tilespmem:$0x18100] =	vst v63  }
0x6a3: {  	s16 =	simm.s32 $0x11900  }
0x6a4: {  	[tilespmem:s16], [sflag:$0x3] =	stream.indirect_vreg.gather [hbm4b:s7+s3], $0x80, v38, vm0, $0xb8;
	[tilespmem:$0x18100] =	vst v63  }
0x6a5: {  	s16 =	simm.s32 $0x12100  }
0x6a6: {  	[tilespmem:s16], [sflag:$0x3] =	stream.indirect_vreg.gather [hbm4b:s8+s3], $0x80, v38, vm0, $0xb8;
	[tilespmem:$0x18100] =	vst v63  }
0x6a7: {  	v37 =	vperm.xlane v37, v36;
	s16 =	simm.s32 $0x12900  }
0x6a8: {  	[tilespmem:s16], [sflag:$0x3] =	stream.indirect_vreg.gather [hbm4b:s9+s3], $0x80, v38, vm0, $0xb8;
	[tilespmem:$0x18100] =	vst v63  }
0x6a9: {  	v37 =	vadd.s32 v35, v37;
	s16 =	simm.s32 $0x13100  }
0x6aa: {  	[tilespmem:s16], [sflag:$0x3] =	stream.indirect_vreg.gather [hbm4b:s10+s3], $0x80, v38, vm0, $0xb8;
	[tilespmem:$0x18100] =	vst v63  }
0x6ab: {  	s16 =	simm.s32 $0x13900  }
0x6ac: {  	[tilespmem:s16], [sflag:$0x3] =	stream.indirect_vreg.gather [hbm4b:s11+s3], $0x80, v38, vm0, $0xb8;
	[tilespmem:$0x18100] =	vst v63  }
0x6ad: {  	s16 =	simm.s32 $0x14100  }
0x6ae: {  	[tilespmem:s16], [sflag:$0x3] =	stream.indirect_vreg.gather [hbm4b:s1+s3], $0x80, v37, vm0, $0xb8;
	[tilespmem:$0x18100] =	vst v63  }
0x6af: {  	s16 =	simm.s32 $0x14900  }
0x6b0: {  	[tilespmem:s16], [sflag:$0x3] =	stream.indirect_vreg.gather [hbm4b:s5+s3], $0x80, v37, vm0, $0xb8;
	[tilespmem:$0x18100] =	vst v63  }
0x6b1: {  	s16 =	simm.s32 $0x15100  }
0x6b2: {  	[tilespmem:s16], [sflag:$0x3] =	stream.indirect_vreg.gather [hbm4b:s6+s3], $0x80, v37, vm0, $0xb8;
	[tilespmem:$0x18100] =	vst v63  }
0x6b3: {  	s16 =	simm.s32 $0x15900  }
0x6b4: {  	[tilespmem:s16], [sflag:$0x3] =	stream.indirect_vreg.gather [hbm4b:s7+s3], $0x80, v37, vm0, $0xb8;
	[tilespmem:$0x18100] =	vst v63  }
0x6b5: {  	s16 =	simm.s32 $0x16100  }
0x6b6: {  	[tilespmem:s16], [sflag:$0x3] =	stream.indirect_vreg.gather [hbm4b:s8+s3], $0x80, v37, vm0, $0xb8;
	[tilespmem:$0x18100] =	vst v63  }
0x6b7: {  	s16 =	simm.s32 $0x16900  }
0x6b8: {  	[tilespmem:s16], [sflag:$0x3] =	stream.indirect_vreg.gather [hbm4b:s9+s3], $0x80, v37, vm0, $0xb8;
	[tilespmem:$0x18100] =	vst v63  }
0x6b9: {  	s16 =	simm.s32 $0x17100  }
0x6ba: {  	[tilespmem:s16], [sflag:$0x3] =	stream.indirect_vreg.gather [hbm4b:s10+s3], $0x80, v37, vm0, $0xb8;
	[tilespmem:$0x18100] =	vst v63  }
0x6bb: {  	s16 =	simm.s32 $0x17900  }
0x6bc: {  	[tilespmem:s16], [sflag:$0x3] =	stream.indirect_vreg.gather [hbm4b:s11+s3], $0x80, v37, vm0, $0xb8;
	[tilespmem:$0x18100] =	vst v63  }
0x6bd: {  	_ =	swait.ge [sflag:s30], $0x8000  }
0x6be: {  	[sflag:s30] =	ssyncset.done $0x0  }
0x6bf: {  	s2 =	rddreg [dreg:$0x1b];
	[sflag:s30] =	ssyncadd.s32 $0xFFFF8000  }
0x6c0: {  	[hbm4b:s2+s3] =	stream.linear.scatter [tilespmem:s31], [sflag:$0x5], $0x8000, $0x38;
	[tilespmem:$0x18100] =	vst v63  }
0x6c1: {  	_ =	swait.ge [sflag:s0], $0x8000  }
0x6c2: {  	[sflag:s0] =	ssyncset.done $0x0  }
0x6c3: {  	[sflag:s0] =	ssyncadd.s32 $0xFFFF8000  }
0x6c4: {  	v52 =	vld.idx.msk [tilespmem:v33+s13+$0x0], $0xffff;
	_ =	sdelay $0x4  }
0x6c5: {  	vm2 =	vgt.s32 v52, v24  }
0x6c6: {  	v37 =	vsel vm2, $0x0, v33  }
0x6c7: {  	v53 =	vor.u32 $0x8, v37;
	_ =	sdelay $0x4  }
0x6c8: {  	v54 =	vld.idx.msk [tilespmem:v53+s13+$0x0], $0xffff;
	_ =	sdelay $0x4  }
0x6c9: {  	vm2 =	vgt.s32 v54, v24  }
0x6ca: {  	v37 =	vsel vm2, v37, v53  }
0x6cb: {  	v38 =	vor.u32 $0x4, v37;
	_ =	sdelay $0x4  }
0x6cc: {  	v55 =	vld.idx.msk [tilespmem:v38+s13+$0x0], $0xffff;
	_ =	sdelay $0x4  }
0x6cd: {  	vm2 =	vgt.s32 v55, v24  }
0x6ce: {  	v37 =	vsel vm2, v37, v38  }
0x6cf: {  	v38 =	vor.u32 $0x2, v37;
	_ =	sdelay $0x4  }
0x6d0: {  	v56 =	vld.idx.msk [tilespmem:v38+s13+$0x0], $0xffff;
	_ =	sdelay $0x4  }
0x6d1: {  	vm2 =	vgt.s32 v56, v24  }
0x6d2: {  	v37 =	vsel vm2, v37, v38  }
0x6d3: {  	v38 =	vadd.s32 $0x1, v37;
	_ =	sdelay $0x4  }
0x6d4: {  	v57 =	vld.idx.msk [tilespmem:v38+s13+$0x0], $0xffff;
	_ =	sdelay $0x4  }
0x6d5: {  	vm2 =	vgt.s32 v57, v24  }
0x6d6: {  	v37 =	vsel vm2, v37, v38  }
0x6d7: {  	v38 =	vsub.s32 $0xF, v37  }
0x6d8: {  	v37 =	vsub.s32 $0x10, v37;
	_ =	sdelay $0x3  }
0x6d9: {  	v38 =	vld.idx.msk [tilespmem:v38+s3+$0x0], $0xffff  }
0x6da: {  	v37 =	vld.idx.msk [tilespmem:v37+s3+$0x0], $0xffff;
	_ =	sdelay $0x3  }
0x6db: {  	v38 =	vadd.s32 v24, v38  }
0x6dc: {  	v37 =	vadd.s32 v37, v38  }
0x6dd: {  	v38 =	vshll.u32 v37, $0x4  }
0x6de: {  	v37 =	vand.u32 $0x7, v37;
	v38 =	vand.u32 $0xFFFFFF80, v38  }
0x6df: {  	v37 =	vor.u32 v37, v38  }
0x6e0: {  	v37 =	vadd.s32 $0xFFFC0000, v37  }
0x6e1: {  	v58 =	vperm.xlane v37, v34;
	_ =	sdelay $0x1  }
0x6e2: {  	v38 =	vadd.s32 v35, v58;
	_ =	sdelay $0x4  }
0x6e3: {  	[tilespmem:s14], [sflag:$0x1] =	stream.indirect_vreg.gather [hbm4b:s1+s3], $0x80, v38, vm0, $0xb8;
	[tilespmem:$0x18100] =	vst v63  }
0x6e4: {  	s17 =	simm.s32 $0x900  }
0x6e5: {  	[tilespmem:s17], [sflag:$0x1] =	stream.indirect_vreg.gather [hbm4b:s5+s3], $0x80, v38, vm0, $0xb8;
	[tilespmem:$0x18100] =	vst v63  }
0x6e6: {  	s19 =	simm.s32 $0x1100  }
0x6e7: {  	[tilespmem:s19], [sflag:$0x1] =	stream.indirect_vreg.gather [hbm4b:s6+s3], $0x80, v38, vm0, $0xb8;
	[tilespmem:$0x18100] =	vst v63  }
0x6e8: {  	s20 =	simm.s32 $0x1900  }
0x6e9: {  	[tilespmem:s20], [sflag:$0x1] =	stream.indirect_vreg.gather [hbm4b:s7+s3], $0x80, v38, vm0, $0xb8;
	[tilespmem:$0x18100] =	vst v63  }
0x6ea: {  	s20 =	simm.s32 $0x2100  }
0x6eb: {  	[tilespmem:s20], [sflag:$0x1] =	stream.indirect_vreg.gather [hbm4b:s8+s3], $0x80, v38, vm0, $0xb8;
	[tilespmem:$0x18100] =	vst v63  }
0x6ec: {  	s16 =	simm.s32 $0x2900;
	v37 =	vperm.xlane v37, v36  }
0x6ed: {  	[tilespmem:s16], [sflag:$0x1] =	stream.indirect_vreg.gather [hbm4b:s9+s3], $0x80, v38, vm0, $0xb8;
	[tilespmem:$0x18100] =	vst v63  }
0x6ee: {  	s21 =	simm.s32 $0x3100;
	v37 =	vadd.s32 v35, v37  }
0x6ef: {  	[tilespmem:s21], [sflag:$0x1] =	stream.indirect_vreg.gather [hbm4b:s10+s3], $0x80, v38, vm0, $0xb8;
	[tilespmem:$0x18100] =	vst v63  }
0x6f0: {  	s22 =	simm.s32 $0x3900  }
0x6f1: {  	[tilespmem:s22], [sflag:$0x1] =	stream.indirect_vreg.gather [hbm4b:s11+s3], $0x80, v38, vm0, $0xb8;
	[tilespmem:$0x18100] =	vst v63  }
0x6f2: {  	s17 =	simm.s32 $0x4100  }
0x6f3: {  	[tilespmem:s17], [sflag:$0x1] =	stream.indirect_vreg.gather [hbm4b:s1+s3], $0x80, v37, vm0, $0xb8;
	[tilespmem:$0x18100] =	vst v63  }
0x6f4: {  	s24 =	simm.s32 $0x4900  }
0x6f5: {  	[tilespmem:s24], [sflag:$0x1] =	stream.indirect_vreg.gather [hbm4b:s5+s3], $0x80, v37, vm0, $0xb8;
	[tilespmem:$0x18100] =	vst v63  }
0x6f6: {  	s25 =	simm.s32 $0x5100  }
0x6f7: {  	[tilespmem:s25], [sflag:$0x1] =	stream.indirect_vreg.gather [hbm4b:s6+s3], $0x80, v37, vm0, $0xb8;
	[tilespmem:$0x18100] =	vst v63  }
0x6f8: {  	s26 =	simm.s32 $0x5900  }
0x6f9: {  	[tilespmem:s26], [sflag:$0x1] =	stream.indirect_vreg.gather [hbm4b:s7+s3], $0x80, v37, vm0, $0xb8;
	[tilespmem:$0x18100] =	vst v63  }
0x6fa: {  	s19 =	simm.s32 $0x6100  }
0x6fb: {  	[tilespmem:s19], [sflag:$0x1] =	stream.indirect_vreg.gather [hbm4b:s8+s3], $0x80, v37, vm0, $0xb8;
	[tilespmem:$0x18100] =	vst v63  }
0x6fc: {  	s20 =	simm.s32 $0x6900  }
0x6fd: {  	[tilespmem:s20], [sflag:$0x1] =	stream.indirect_vreg.gather [hbm4b:s9+s3], $0x80, v37, vm0, $0xb8;
	[tilespmem:$0x18100] =	vst v63  }
0x6fe: {  	s29 =	simm.s32 $0x7100  }
0x6ff: {  	[tilespmem:s29], [sflag:$0x1] =	stream.indirect_vreg.gather [hbm4b:s10+s3], $0x80, v37, vm0, $0xb8;
	[tilespmem:$0x18100] =	vst v63  }
0x700: {  	s21 =	simm.s32 $0x7900  }
0x701: {  	[tilespmem:s21], [sflag:$0x1] =	stream.indirect_vreg.gather [hbm4b:s11+s3], $0x80, v37, vm0, $0xb8;
	[tilespmem:$0x18100] =	vst v63  }
0x702: {  	_ =	swait.ge [sflag:s18], $0x8000  }
0x703: {  	[sflag:s18] =	ssyncset.done $0x0  }
0x704: {  	s22 =	rddreg [dreg:$0x1c];
	[sflag:s18] =	ssyncadd.s32 $0xFFFF8000  }
0x705: {  	[hbm4b:s22+s3] =	stream.linear.scatter [tilespmem:s4], [sflag:$0x6], $0x8000, $0x38;
	[tilespmem:$0x18100] =	vst v63  }
0x706: {  	_ =	swait.ge [sflag:s12], $0x8000  }
0x707: {  	[sflag:s12] =	ssyncset.done $0x0  }
0x708: {  	[sflag:s12] =	ssyncadd.s32 $0xFFFF8000  }
0x709: {  	v59 =	vld.idx.msk [tilespmem:v33+s13+$0x0], $0xffff;
	_ =	sdelay $0x4  }
0x70a: {  	vm2 =	vgt.s32 v59, v25  }
0x70b: {  	v37 =	vsel vm2, $0x0, v33  }
0x70c: {  	v60 =	vor.u32 $0x8, v37;
	_ =	sdelay $0x4  }
0x70d: {  	v61 =	vld.idx.msk [tilespmem:v60+s13+$0x0], $0xffff;
	_ =	sdelay $0x4  }
0x70e: {  	vm2 =	vgt.s32 v61, v25  }
0x70f: {  	v37 =	vsel vm2, v37, v60  }
0x710: {  	v38 =	vor.u32 $0x4, v37;
	_ =	sdelay $0x4  }
0x711: {  	v62 =	vld.idx.msk [tilespmem:v38+s13+$0x0], $0xffff;
	_ =	sdelay $0x4  }
0x712: {  	vm2 =	vgt.s32 v62, v25  }
0x713: {  	v37 =	vsel vm2, v37, v38  }
0x714: {  	v38 =	vor.u32 $0x2, v37;
	_ =	sdelay $0x4  }
0x715: {  	v63 =	vld.idx.msk [tilespmem:v38+s13+$0x0], $0xffff;
	_ =	sdelay $0x4  }
0x716: {  	vm2 =	vgt.s32 v63, v25  }
0x717: {  	v37 =	vsel vm2, v37, v38  }
0x718: {  	v38 =	vadd.s32 $0x1, v37;
	_ =	sdelay $0x4  }
0x719: {  	v42 =	vld.idx.msk [tilespmem:v38+s13+$0x0], $0xffff;
	_ =	sdelay $0x4  }
0x71a: {  	vm2 =	vgt.s32 v42, v25  }
0x71b: {  	v37 =	vsel vm2, v37, v38  }
0x71c: {  	v38 =	vsub.s32 $0xF, v37  }
0x71d: {  	v37 =	vsub.s32 $0x10, v37;
	_ =	sdelay $0x3  }
0x71e: {  	v38 =	vld.idx.msk [tilespmem:v38+s3+$0x0], $0xffff  }
0x71f: {  	v37 =	vld.idx.msk [tilespmem:v37+s3+$0x0], $0xffff;
	_ =	sdelay $0x3  }
0x720: {  	v38 =	vadd.s32 v25, v38  }
0x721: {  	v37 =	vadd.s32 v37, v38  }
0x722: {  	v38 =	vshll.u32 v37, $0x4  }
0x723: {  	v37 =	vand.u32 $0x7, v37;
	v38 =	vand.u32 $0xFFFFFF80, v38  }
0x724: {  	v37 =	vor.u32 v37, v38  }
0x725: {  	v37 =	vadd.s32 $0xFFFC0000, v37  }
0x726: {  	v43 =	vperm.xlane v37, v34;
	_ =	sdelay $0x1  }
0x727: {  	v38 =	vadd.s32 v35, v43;
	_ =	sdelay $0x4  }
0x728: {  	[tilespmem:s31], [sflag:$0x2] =	stream.indirect_vreg.gather [hbm4b:s1+s3], $0x80, v38, vm0, $0xb8;
	[tilespmem:$0x18100] =	vst v63  }
0x729: {  	s23 =	simm.s32 $0x8900  }
0x72a: {  	[tilespmem:s23], [sflag:$0x2] =	stream.indirect_vreg.gather [hbm4b:s5+s3], $0x80, v38, vm0, $0xb8;
	[tilespmem:$0x18100] =	vst v63  }
0x72b: {  	s23 =	simm.s32 $0x9100  }
0x72c: {  	[tilespmem:s23], [sflag:$0x2] =	stream.indirect_vreg.gather [hbm4b:s6+s3], $0x80, v38, vm0, $0xb8;
	[tilespmem:$0x18100] =	vst v63  }
0x72d: {  	s24 =	simm.s32 $0x9900  }
0x72e: {  	[tilespmem:s24], [sflag:$0x2] =	stream.indirect_vreg.gather [hbm4b:s7+s3], $0x80, v38, vm0, $0xb8;
	[tilespmem:$0x18100] =	vst v63  }
0x72f: {  	s25 =	simm.s32 $0xA100  }
0x730: {  	[tilespmem:s25], [sflag:$0x2] =	stream.indirect_vreg.gather [hbm4b:s8+s3], $0x80, v38, vm0, $0xb8;
	[tilespmem:$0x18100] =	vst v63  }
0x731: {  	s26 =	simm.s32 $0xA900;
	v37 =	vperm.xlane v37, v36  }
0x732: {  	[tilespmem:s26], [sflag:$0x2] =	stream.indirect_vreg.gather [hbm4b:s9+s3], $0x80, v38, vm0, $0xb8;
	[tilespmem:$0x18100] =	vst v63  }
0x733: {  	s16 =	simm.s32 $0xB100;
	v37 =	vadd.s32 v35, v37  }
0x734: {  	[tilespmem:s16], [sflag:$0x2] =	stream.indirect_vreg.gather [hbm4b:s10+s3], $0x80, v38, vm0, $0xb8;
	[tilespmem:$0x18100] =	vst v63  }
0x735: {  	s17 =	simm.s32 $0xB900  }
0x736: {  	[tilespmem:s17], [sflag:$0x2] =	stream.indirect_vreg.gather [hbm4b:s11+s3], $0x80, v38, vm0, $0xb8;
	[tilespmem:$0x18100] =	vst v63  }
0x737: {  	s19 =	simm.s32 $0xC100  }
0x738: {  	[tilespmem:s19], [sflag:$0x2] =	stream.indirect_vreg.gather [hbm4b:s1+s3], $0x80, v37, vm0, $0xb8;
	[tilespmem:$0x18100] =	vst v63  }
0x739: {  	s20 =	simm.s32 $0xC900  }
0x73a: {  	[tilespmem:s20], [sflag:$0x2] =	stream.indirect_vreg.gather [hbm4b:s5+s3], $0x80, v37, vm0, $0xb8;
	[tilespmem:$0x18100] =	vst v63  }
0x73b: {  	s21 =	simm.s32 $0xD100  }
0x73c: {  	[tilespmem:s21], [sflag:$0x2] =	stream.indirect_vreg.gather [hbm4b:s6+s3], $0x80, v37, vm0, $0xb8;
	[tilespmem:$0x18100] =	vst v63  }
0x73d: {  	s22 =	simm.s32 $0xD900  }
0x73e: {  	[tilespmem:s22], [sflag:$0x2] =	stream.indirect_vreg.gather [hbm4b:s7+s3], $0x80, v37, vm0, $0xb8;
	[tilespmem:$0x18100] =	vst v63  }
0x73f: {  	s23 =	simm.s32 $0xE100  }
0x740: {  	[tilespmem:s23], [sflag:$0x2] =	stream.indirect_vreg.gather [hbm4b:s8+s3], $0x80, v37, vm0, $0xb8;
	[tilespmem:$0x18100] =	vst v63  }
0x741: {  	s24 =	simm.s32 $0xE900  }
0x742: {  	[tilespmem:s24], [sflag:$0x2] =	stream.indirect_vreg.gather [hbm4b:s9+s3], $0x80, v37, vm0, $0xb8;
	[tilespmem:$0x18100] =	vst v63  }
0x743: {  	s25 =	simm.s32 $0xF100  }
0x744: {  	[tilespmem:s25], [sflag:$0x2] =	stream.indirect_vreg.gather [hbm4b:s10+s3], $0x80, v37, vm0, $0xb8;
	[tilespmem:$0x18100] =	vst v63  }
0x745: {  	s26 =	simm.s32 $0xF900  }
0x746: {  	[tilespmem:s26], [sflag:$0x2] =	stream.indirect_vreg.gather [hbm4b:s11+s3], $0x80, v37, vm0, $0xb8;
	[tilespmem:$0x18100] =	vst v63  }
0x747: {  	_ =	swait.ge [sflag:s28], $0x8000  }
0x748: {  	[sflag:s28] =	ssyncset.done $0x0  }
0x749: {  	s2 =	rddreg [dreg:$0x1d];
	[sflag:s28] =	ssyncadd.s32 $0xFFFF8000  }
0x74a: {  	[hbm4b:s2+s3] =	stream.linear.scatter [tilespmem:s14], [sflag:$0x4], $0x8000, $0x38;
	[tilespmem:$0x18100] =	vst v63  }
0x74b: {  	_ =	swait.ge [sflag:s15], $0x8000  }
0x74c: {  	[sflag:s15] =	ssyncset.done $0x0  }
0x74d: {  	[sflag:s15] =	ssyncadd.s32 $0xFFFF8000  }
0x74e: {  	v44 =	vld.idx.msk [tilespmem:v33+s13+$0x0], $0xffff;
	_ =	sdelay $0x4  }
0x74f: {  	vm2 =	vgt.s32 v44, v26  }
0x750: {  	v37 =	vsel vm2, $0x0, v33  }
0x751: {  	v45 =	vor.u32 $0x8, v37;
	_ =	sdelay $0x4  }
0x752: {  	v46 =	vld.idx.msk [tilespmem:v45+s13+$0x0], $0xffff;
	_ =	sdelay $0x4  }
0x753: {  	vm2 =	vgt.s32 v46, v26  }
0x754: {  	v37 =	vsel vm2, v37, v45  }
0x755: {  	v38 =	vor.u32 $0x4, v37;
	_ =	sdelay $0x4  }
0x756: {  	v47 =	vld.idx.msk [tilespmem:v38+s13+$0x0], $0xffff;
	_ =	sdelay $0x4  }
0x757: {  	vm2 =	vgt.s32 v47, v26  }
0x758: {  	v37 =	vsel vm2, v37, v38  }
0x759: {  	v38 =	vor.u32 $0x2, v37;
	_ =	sdelay $0x4  }
0x75a: {  	v48 =	vld.idx.msk [tilespmem:v38+s13+$0x0], $0xffff;
	_ =	sdelay $0x4  }
0x75b: {  	vm2 =	vgt.s32 v48, v26  }
0x75c: {  	v37 =	vsel vm2, v37, v38  }
0x75d: {  	v38 =	vadd.s32 $0x1, v37;
	_ =	sdelay $0x4  }
0x75e: {  	v49 =	vld.idx.msk [tilespmem:v38+s13+$0x0], $0xffff;
	_ =	sdelay $0x4  }
0x75f: {  	vm2 =	vgt.s32 v49, v26  }
0x760: {  	v37 =	vsel vm2, v37, v38  }
0x761: {  	v38 =	vsub.s32 $0xF, v37  }
0x762: {  	v37 =	vsub.s32 $0x10, v37;
	_ =	sdelay $0x3  }
0x763: {  	v38 =	vld.idx.msk [tilespmem:v38+s3+$0x0], $0xffff  }
0x764: {  	v37 =	vld.idx.msk [tilespmem:v37+s3+$0x0], $0xffff;
	_ =	sdelay $0x3  }
0x765: {  	v38 =	vadd.s32 v26, v38  }
0x766: {  	v37 =	vadd.s32 v37, v38  }
0x767: {  	v38 =	vshll.u32 v37, $0x4  }
0x768: {  	v37 =	vand.u32 $0x7, v37;
	v38 =	vand.u32 $0xFFFFFF80, v38  }
0x769: {  	v37 =	vor.u32 v37, v38  }
0x76a: {  	v37 =	vadd.s32 $0xFFFC0000, v37  }
0x76b: {  	v50 =	vperm.xlane v37, v34;
	_ =	sdelay $0x1  }
0x76c: {  	v38 =	vadd.s32 v35, v50;
	_ =	sdelay $0x4  }
0x76d: {  	[tilespmem:s4], [sflag:$0x3] =	stream.indirect_vreg.gather [hbm4b:s1+s3], $0x80, v38, vm0, $0xb8;
	[tilespmem:$0x18100] =	vst v63  }
0x76e: {  	s16 =	simm.s32 $0x10900  }
0x76f: {  	[tilespmem:s16], [sflag:$0x3] =	stream.indirect_vreg.gather [hbm4b:s5+s3], $0x80, v38, vm0, $0xb8;
	[tilespmem:$0x18100] =	vst v63  }
0x770: {  	s17 =	simm.s32 $0x11100  }
0x771: {  	[tilespmem:s17], [sflag:$0x3] =	stream.indirect_vreg.gather [hbm4b:s6+s3], $0x80, v38, vm0, $0xb8;
	[tilespmem:$0x18100] =	vst v63  }
0x772: {  	s19 =	simm.s32 $0x11900  }
0x773: {  	[tilespmem:s19], [sflag:$0x3] =	stream.indirect_vreg.gather [hbm4b:s7+s3], $0x80, v38, vm0, $0xb8;
	[tilespmem:$0x18100] =	vst v63  }
0x774: {  	s20 =	simm.s32 $0x12100  }
0x775: {  	[tilespmem:s20], [sflag:$0x3] =	stream.indirect_vreg.gather [hbm4b:s8+s3], $0x80, v38, vm0, $0xb8;
	[tilespmem:$0x18100] =	vst v63  }
0x776: {  	s21 =	simm.s32 $0x12900;
	v37 =	vperm.xlane v37, v36  }
0x777: {  	[tilespmem:s21], [sflag:$0x3] =	stream.indirect_vreg.gather [hbm4b:s9+s3], $0x80, v38, vm0, $0xb8;
	[tilespmem:$0x18100] =	vst v63  }
0x778: {  	s22 =	simm.s32 $0x13100;
	v37 =	vadd.s32 v35, v37  }
0x779: {  	[tilespmem:s22], [sflag:$0x3] =	stream.indirect_vreg.gather [hbm4b:s10+s3], $0x80, v38, vm0, $0xb8;
	[tilespmem:$0x18100] =	vst v63  }
0x77a: {  	s23 =	simm.s32 $0x13900  }
0x77b: {  	[tilespmem:s23], [sflag:$0x3] =	stream.indirect_vreg.gather [hbm4b:s11+s3], $0x80, v38, vm0, $0xb8;
	[tilespmem:$0x18100] =	vst v63  }
0x77c: {  	s24 =	simm.s32 $0x14100  }
0x77d: {  	[tilespmem:s24], [sflag:$0x3] =	stream.indirect_vreg.gather [hbm4b:s1+s3], $0x80, v37, vm0, $0xb8;
	[tilespmem:$0x18100] =	vst v63  }
0x77e: {  	s25 =	simm.s32 $0x14900  }
0x77f: {  	[tilespmem:s25], [sflag:$0x3] =	stream.indirect_vreg.gather [hbm4b:s5+s3], $0x80, v37, vm0, $0xb8;
	[tilespmem:$0x18100] =	vst v63  }
0x780: {  	s26 =	simm.s32 $0x15100  }
0x781: {  	[tilespmem:s26], [sflag:$0x3] =	stream.indirect_vreg.gather [hbm4b:s6+s3], $0x80, v37, vm0, $0xb8;
	[tilespmem:$0x18100] =	vst v63  }
0x782: {  	s21 =	simm.s32 $0x15900  }
0x783: {  	[tilespmem:s21], [sflag:$0x3] =	stream.indirect_vreg.gather [hbm4b:s7+s3], $0x80, v37, vm0, $0xb8;
	[tilespmem:$0x18100] =	vst v63  }
0x784: {  	s22 =	simm.s32 $0x16100  }
0x785: {  	[tilespmem:s22], [sflag:$0x3] =	stream.indirect_vreg.gather [hbm4b:s8+s3], $0x80, v37, vm0, $0xb8;
	[tilespmem:$0x18100] =	vst v63  }
0x786: {  	s23 =	simm.s32 $0x16900  }
0x787: {  	[tilespmem:s23], [sflag:$0x3] =	stream.indirect_vreg.gather [hbm4b:s9+s3], $0x80, v37, vm0, $0xb8;
	[tilespmem:$0x18100] =	vst v63  }
0x788: {  	s24 =	simm.s32 $0x17100  }
0x789: {  	[tilespmem:s24], [sflag:$0x3] =	stream.indirect_vreg.gather [hbm4b:s10+s3], $0x80, v37, vm0, $0xb8;
	[tilespmem:$0x18100] =	vst v63  }
0x78a: {  	s25 =	simm.s32 $0x17900  }
0x78b: {  	[tilespmem:s25], [sflag:$0x3] =	stream.indirect_vreg.gather [hbm4b:s11+s3], $0x80, v37, vm0, $0xb8;
	[tilespmem:$0x18100] =	vst v63  }
0x78c: {  	_ =	swait.ge [sflag:s30], $0x8000  }
0x78d: {  	[sflag:s30] =	ssyncset.done $0x0  }
0x78e: {  	s26 =	rddreg [dreg:$0x1e];
	[sflag:s30] =	ssyncadd.s32 $0xFFFF8000  }
0x78f: {  	[hbm4b:s26+s3] =	stream.linear.scatter [tilespmem:s31], [sflag:$0x5], $0x8000, $0x38;
	[tilespmem:$0x18100] =	vst v63  }
0x790: {  	_ =	swait.ge [sflag:s0], $0x8000  }
0x791: {  	[sflag:s0] =	ssyncset.done $0x0  }
0x792: {  	[sflag:s0] =	ssyncadd.s32 $0xFFFF8000  }
0x793: {  	v51 =	vld.idx.msk [tilespmem:v33+s13+$0x0], $0xffff;
	_ =	sdelay $0x4  }
0x794: {  	vm2 =	vgt.s32 v51, v27  }
0x795: {  	v37 =	vsel vm2, $0x0, v33  }
0x796: {  	v52 =	vor.u32 $0x8, v37;
	_ =	sdelay $0x4  }
0x797: {  	v53 =	vld.idx.msk [tilespmem:v52+s13+$0x0], $0xffff;
	_ =	sdelay $0x4  }
0x798: {  	vm2 =	vgt.s32 v53, v27  }
0x799: {  	v37 =	vsel vm2, v37, v52  }
0x79a: {  	v38 =	vor.u32 $0x4, v37;
	_ =	sdelay $0x4  }
0x79b: {  	v54 =	vld.idx.msk [tilespmem:v38+s13+$0x0], $0xffff;
	_ =	sdelay $0x4  }
0x79c: {  	vm2 =	vgt.s32 v54, v27  }
0x79d: {  	v37 =	vsel vm2, v37, v38  }
0x79e: {  	v38 =	vor.u32 $0x2, v37;
	_ =	sdelay $0x4  }
0x79f: {  	v55 =	vld.idx.msk [tilespmem:v38+s13+$0x0], $0xffff;
	_ =	sdelay $0x4  }
0x7a0: {  	vm2 =	vgt.s32 v55, v27  }
0x7a1: {  	v37 =	vsel vm2, v37, v38  }
0x7a2: {  	v38 =	vadd.s32 $0x1, v37;
	_ =	sdelay $0x4  }
0x7a3: {  	v56 =	vld.idx.msk [tilespmem:v38+s13+$0x0], $0xffff;
	_ =	sdelay $0x4  }
0x7a4: {  	vm2 =	vgt.s32 v56, v27  }
0x7a5: {  	v37 =	vsel vm2, v37, v38  }
0x7a6: {  	v38 =	vsub.s32 $0xF, v37  }
0x7a7: {  	v37 =	vsub.s32 $0x10, v37;
	_ =	sdelay $0x3  }
0x7a8: {  	v38 =	vld.idx.msk [tilespmem:v38+s3+$0x0], $0xffff  }
0x7a9: {  	v37 =	vld.idx.msk [tilespmem:v37+s3+$0x0], $0xffff;
	_ =	sdelay $0x3  }
0x7aa: {  	v38 =	vadd.s32 v27, v38  }
0x7ab: {  	v37 =	vadd.s32 v37, v38  }
0x7ac: {  	v38 =	vshll.u32 v37, $0x4  }
0x7ad: {  	v37 =	vand.u32 $0x7, v37;
	v38 =	vand.u32 $0xFFFFFF80, v38  }
0x7ae: {  	v37 =	vor.u32 v37, v38  }
0x7af: {  	v37 =	vadd.s32 $0xFFFC0000, v37  }
0x7b0: {  	v57 =	vperm.xlane v37, v34;
	_ =	sdelay $0x1  }
0x7b1: {  	v38 =	vadd.s32 v35, v57;
	_ =	sdelay $0x4  }
0x7b2: {  	[tilespmem:s14], [sflag:$0x1] =	stream.indirect_vreg.gather [hbm4b:s1+s3], $0x80, v38, vm0, $0xb8;
	[tilespmem:$0x18100] =	vst v63  }
0x7b3: {  	s22 =	simm.s32 $0x900  }
0x7b4: {  	[tilespmem:s22], [sflag:$0x1] =	stream.indirect_vreg.gather [hbm4b:s5+s3], $0x80, v38, vm0, $0xb8;
	[tilespmem:$0x18100] =	vst v63  }
0x7b5: {  	s23 =	simm.s32 $0x1100  }
0x7b6: {  	[tilespmem:s23], [sflag:$0x1] =	stream.indirect_vreg.gather [hbm4b:s6+s3], $0x80, v38, vm0, $0xb8;
	[tilespmem:$0x18100] =	vst v63  }
0x7b7: {  	s24 =	simm.s32 $0x1900  }
0x7b8: {  	[tilespmem:s24], [sflag:$0x1] =	stream.indirect_vreg.gather [hbm4b:s7+s3], $0x80, v38, vm0, $0xb8;
	[tilespmem:$0x18100] =	vst v63  }
0x7b9: {  	s25 =	simm.s32 $0x2100  }
0x7ba: {  	[tilespmem:s25], [sflag:$0x1] =	stream.indirect_vreg.gather [hbm4b:s8+s3], $0x80, v38, vm0, $0xb8;
	[tilespmem:$0x18100] =	vst v63  }
0x7bb: {  	s26 =	simm.s32 $0x2900;
	v37 =	vperm.xlane v37, v36  }
0x7bc: {  	[tilespmem:s26], [sflag:$0x1] =	stream.indirect_vreg.gather [hbm4b:s9+s3], $0x80, v38, vm0, $0xb8;
	[tilespmem:$0x18100] =	vst v63  }
0x7bd: {  	v37 =	vadd.s32 v35, v37;
	s25 =	simm.s32 $0x3100  }
0x7be: {  	[tilespmem:s25], [sflag:$0x1] =	stream.indirect_vreg.gather [hbm4b:s10+s3], $0x80, v38, vm0, $0xb8;
	[tilespmem:$0x18100] =	vst v63  }
0x7bf: {  	s26 =	simm.s32 $0x3900  }
0x7c0: {  	[tilespmem:s26], [sflag:$0x1] =	stream.indirect_vreg.gather [hbm4b:s11+s3], $0x80, v38, vm0, $0xb8;
	[tilespmem:$0x18100] =	vst v63  }
0x7c1: {  	s16 =	simm.s32 $0x4100  }
0x7c2: {  	[tilespmem:s16], [sflag:$0x1] =	stream.indirect_vreg.gather [hbm4b:s1+s3], $0x80, v37, vm0, $0xb8;
	[tilespmem:$0x18100] =	vst v63  }
0x7c3: {  	s16 =	simm.s32 $0x4900  }
0x7c4: {  	[tilespmem:s16], [sflag:$0x1] =	stream.indirect_vreg.gather [hbm4b:s5+s3], $0x80, v37, vm0, $0xb8;
	[tilespmem:$0x18100] =	vst v63  }
0x7c5: {  	s16 =	simm.s32 $0x5100  }
0x7c6: {  	[tilespmem:s16], [sflag:$0x1] =	stream.indirect_vreg.gather [hbm4b:s6+s3], $0x80, v37, vm0, $0xb8;
	[tilespmem:$0x18100] =	vst v63  }
0x7c7: {  	s16 =	simm.s32 $0x5900  }
0x7c8: {  	[tilespmem:s16], [sflag:$0x1] =	stream.indirect_vreg.gather [hbm4b:s7+s3], $0x80, v37, vm0, $0xb8;
	[tilespmem:$0x18100] =	vst v63  }
0x7c9: {  	s16 =	simm.s32 $0x6100  }
0x7ca: {  	[tilespmem:s16], [sflag:$0x1] =	stream.indirect_vreg.gather [hbm4b:s8+s3], $0x80, v37, vm0, $0xb8;
	[tilespmem:$0x18100] =	vst v63  }
0x7cb: {  	s16 =	simm.s32 $0x6900  }
0x7cc: {  	[tilespmem:s16], [sflag:$0x1] =	stream.indirect_vreg.gather [hbm4b:s9+s3], $0x80, v37, vm0, $0xb8;
	[tilespmem:$0x18100] =	vst v63  }
0x7cd: {  	s16 =	simm.s32 $0x7100  }
0x7ce: {  	[tilespmem:s16], [sflag:$0x1] =	stream.indirect_vreg.gather [hbm4b:s10+s3], $0x80, v37, vm0, $0xb8;
	[tilespmem:$0x18100] =	vst v63  }
0x7cf: {  	s16 =	simm.s32 $0x7900  }
0x7d0: {  	[tilespmem:s16], [sflag:$0x1] =	stream.indirect_vreg.gather [hbm4b:s11+s3], $0x80, v37, vm0, $0xb8;
	[tilespmem:$0x18100] =	vst v63  }
0x7d1: {  	_ =	swait.ge [sflag:s18], $0x8000  }
0x7d2: {  	[sflag:s18] =	ssyncset.done $0x0  }
0x7d3: {  	s16 =	rddreg [dreg:$0x1f];
	[sflag:s18] =	ssyncadd.s32 $0xFFFF8000  }
0x7d4: {  	[hbm4b:s16+s3] =	stream.linear.scatter [tilespmem:s4], [sflag:$0x6], $0x8000, $0x38;
	[tilespmem:$0x18100] =	vst v63  }
0x7d5: {  	_ =	swait.ge [sflag:s12], $0x8000  }
0x7d6: {  	[sflag:s12] =	ssyncset.done $0x0  }
0x7d7: {  	[sflag:s12] =	ssyncadd.s32 $0xFFFF8000  }
0x7d8: {  	v58 =	vld.idx.msk [tilespmem:v33+s13+$0x0], $0xffff;
	_ =	sdelay $0x4  }
0x7d9: {  	vm2 =	vgt.s32 v58, v28  }
0x7da: {  	v37 =	vsel vm2, $0x0, v33  }
0x7db: {  	v59 =	vor.u32 $0x8, v37;
	_ =	sdelay $0x4  }
0x7dc: {  	v60 =	vld.idx.msk [tilespmem:v59+s13+$0x0], $0xffff;
	_ =	sdelay $0x4  }
0x7dd: {  	vm2 =	vgt.s32 v60, v28  }
0x7de: {  	v37 =	vsel vm2, v37, v59  }
0x7df: {  	v38 =	vor.u32 $0x4, v37;
	_ =	sdelay $0x4  }
0x7e0: {  	v61 =	vld.idx.msk [tilespmem:v38+s13+$0x0], $0xffff;
	_ =	sdelay $0x4  }
0x7e1: {  	vm2 =	vgt.s32 v61, v28  }
0x7e2: {  	v37 =	vsel vm2, v37, v38  }
0x7e3: {  	v38 =	vor.u32 $0x2, v37;
	_ =	sdelay $0x4  }
0x7e4: {  	v62 =	vld.idx.msk [tilespmem:v38+s13+$0x0], $0xffff;
	_ =	sdelay $0x4  }
0x7e5: {  	vm2 =	vgt.s32 v62, v28  }
0x7e6: {  	v37 =	vsel vm2, v37, v38  }
0x7e7: {  	v38 =	vadd.s32 $0x1, v37;
	_ =	sdelay $0x4  }
0x7e8: {  	v63 =	vld.idx.msk [tilespmem:v38+s13+$0x0], $0xffff;
	_ =	sdelay $0x4  }
0x7e9: {  	vm2 =	vgt.s32 v63, v28  }
0x7ea: {  	v37 =	vsel vm2, v37, v38  }
0x7eb: {  	v38 =	vsub.s32 $0xF, v37  }
0x7ec: {  	v37 =	vsub.s32 $0x10, v37;
	_ =	sdelay $0x3  }
0x7ed: {  	v38 =	vld.idx.msk [tilespmem:v38+s3+$0x0], $0xffff  }
0x7ee: {  	v37 =	vld.idx.msk [tilespmem:v37+s3+$0x0], $0xffff;
	_ =	sdelay $0x3  }
0x7ef: {  	v38 =	vadd.s32 v28, v38  }
0x7f0: {  	v37 =	vadd.s32 v37, v38  }
0x7f1: {  	v38 =	vshll.u32 v37, $0x4  }
0x7f2: {  	v37 =	vand.u32 $0x7, v37;
	v38 =	vand.u32 $0xFFFFFF80, v38  }
0x7f3: {  	v37 =	vor.u32 v37, v38  }
0x7f4: {  	v37 =	vadd.s32 $0xFFFC0000, v37  }
0x7f5: {  	v42 =	vperm.xlane v37, v34;
	_ =	sdelay $0x1  }
0x7f6: {  	v38 =	vadd.s32 v35, v42;
	_ =	sdelay $0x4  }
0x7f7: {  	[tilespmem:s31], [sflag:$0x2] =	stream.indirect_vreg.gather [hbm4b:s1+s3], $0x80, v38, vm0, $0xb8;
	[tilespmem:$0x18100] =	vst v63  }
0x7f8: {  	s29 =	simm.s32 $0x8900  }
0x7f9: {  	[tilespmem:s29], [sflag:$0x2] =	stream.indirect_vreg.gather [hbm4b:s5+s3], $0x80, v38, vm0, $0xb8;
	[tilespmem:$0x18100] =	vst v63  }
0x7fa: {  	s16 =	simm.s32 $0x9100  }
0x7fb: {  	[tilespmem:s16], [sflag:$0x2] =	stream.indirect_vreg.gather [hbm4b:s6+s3], $0x80, v38, vm0, $0xb8;
	[tilespmem:$0x18100] =	vst v63  }
0x7fc: {  	s16 =	simm.s32 $0x9900  }
0x7fd: {  	[tilespmem:s16], [sflag:$0x2] =	stream.indirect_vreg.gather [hbm4b:s7+s3], $0x80, v38, vm0, $0xb8;
	[tilespmem:$0x18100] =	vst v63  }
0x7fe: {  	s16 =	simm.s32 $0xA100  }
0x7ff: {  	[tilespmem:s16], [sflag:$0x2] =	stream.indirect_vreg.gather [hbm4b:s8+s3], $0x80, v38, vm0, $0xb8;
	[tilespmem:$0x18100] =	vst v63  }
0x800: {  	v37 =	vperm.xlane v37, v36;
	s16 =	simm.s32 $0xA900  }
0x801: {  	[tilespmem:s16], [sflag:$0x2] =	stream.indirect_vreg.gather [hbm4b:s9+s3], $0x80, v38, vm0, $0xb8;
	[tilespmem:$0x18100] =	vst v63  }
0x802: {  	v37 =	vadd.s32 v35, v37;
	s16 =	simm.s32 $0xB100  }
0x803: {  	[tilespmem:s16], [sflag:$0x2] =	stream.indirect_vreg.gather [hbm4b:s10+s3], $0x80, v38, vm0, $0xb8;
	[tilespmem:$0x18100] =	vst v63  }
0x804: {  	s16 =	simm.s32 $0xB900  }
0x805: {  	[tilespmem:s16], [sflag:$0x2] =	stream.indirect_vreg.gather [hbm4b:s11+s3], $0x80, v38, vm0, $0xb8;
	[tilespmem:$0x18100] =	vst v63  }
0x806: {  	s16 =	simm.s32 $0xC100  }
0x807: {  	[tilespmem:s16], [sflag:$0x2] =	stream.indirect_vreg.gather [hbm4b:s1+s3], $0x80, v37, vm0, $0xb8;
	[tilespmem:$0x18100] =	vst v63  }
0x808: {  	s16 =	simm.s32 $0xC900  }
0x809: {  	[tilespmem:s16], [sflag:$0x2] =	stream.indirect_vreg.gather [hbm4b:s5+s3], $0x80, v37, vm0, $0xb8;
	[tilespmem:$0x18100] =	vst v63  }
0x80a: {  	s16 =	simm.s32 $0xD100  }
0x80b: {  	[tilespmem:s16], [sflag:$0x2] =	stream.indirect_vreg.gather [hbm4b:s6+s3], $0x80, v37, vm0, $0xb8;
	[tilespmem:$0x18100] =	vst v63  }
0x80c: {  	s16 =	simm.s32 $0xD900  }
0x80d: {  	[tilespmem:s16], [sflag:$0x2] =	stream.indirect_vreg.gather [hbm4b:s7+s3], $0x80, v37, vm0, $0xb8;
	[tilespmem:$0x18100] =	vst v63  }
0x80e: {  	s16 =	simm.s32 $0xE100  }
0x80f: {  	[tilespmem:s16], [sflag:$0x2] =	stream.indirect_vreg.gather [hbm4b:s8+s3], $0x80, v37, vm0, $0xb8;
	[tilespmem:$0x18100] =	vst v63  }
0x810: {  	s16 =	simm.s32 $0xE900  }
0x811: {  	[tilespmem:s16], [sflag:$0x2] =	stream.indirect_vreg.gather [hbm4b:s9+s3], $0x80, v37, vm0, $0xb8;
	[tilespmem:$0x18100] =	vst v63  }
0x812: {  	s16 =	simm.s32 $0xF100  }
0x813: {  	[tilespmem:s16], [sflag:$0x2] =	stream.indirect_vreg.gather [hbm4b:s10+s3], $0x80, v37, vm0, $0xb8;
	[tilespmem:$0x18100] =	vst v63  }
0x814: {  	s16 =	simm.s32 $0xF900  }
0x815: {  	[tilespmem:s16], [sflag:$0x2] =	stream.indirect_vreg.gather [hbm4b:s11+s3], $0x80, v37, vm0, $0xb8;
	[tilespmem:$0x18100] =	vst v63  }
0x816: {  	_ =	swait.ge [sflag:s28], $0x8000  }
0x817: {  	s16 =	sld [smem:$0x7ED]  }
0x818: {  	[sflag:s28] =	ssyncset.done $0x0  }
0x819: {  	[sflag:s28] =	ssyncadd.s32 $0xFFFF8000  }
0x81a: {  	[hbm4b:s16+s3] =	stream.linear.scatter [tilespmem:s14], [sflag:$0x4], $0x8000, $0x38;
	[tilespmem:$0x18100] =	vst v63  }
0x81b: {  	_ =	swait.ge [sflag:s15], $0x8000  }
0x81c: {  	[sflag:s15] =	ssyncset.done $0x0  }
0x81d: {  	[sflag:s15] =	ssyncadd.s32 $0xFFFF8000  }
0x81e: {  	v43 =	vld.idx.msk [tilespmem:v33+s13+$0x0], $0xffff;
	_ =	sdelay $0x4  }
0x81f: {  	vm2 =	vgt.s32 v43, v29  }
0x820: {  	v37 =	vsel vm2, $0x0, v33  }
0x821: {  	v44 =	vor.u32 $0x8, v37;
	_ =	sdelay $0x4  }
0x822: {  	v45 =	vld.idx.msk [tilespmem:v44+s13+$0x0], $0xffff;
	_ =	sdelay $0x4  }
0x823: {  	vm2 =	vgt.s32 v45, v29  }
0x824: {  	v37 =	vsel vm2, v37, v44  }
0x825: {  	v38 =	vor.u32 $0x4, v37;
	_ =	sdelay $0x4  }
0x826: {  	v46 =	vld.idx.msk [tilespmem:v38+s13+$0x0], $0xffff;
	_ =	sdelay $0x4  }
0x827: {  	vm2 =	vgt.s32 v46, v29  }
0x828: {  	v37 =	vsel vm2, v37, v38  }
0x829: {  	v38 =	vor.u32 $0x2, v37;
	_ =	sdelay $0x4  }
0x82a: {  	v47 =	vld.idx.msk [tilespmem:v38+s13+$0x0], $0xffff;
	_ =	sdelay $0x4  }
0x82b: {  	vm2 =	vgt.s32 v47, v29  }
0x82c: {  	v37 =	vsel vm2, v37, v38  }
0x82d: {  	v38 =	vadd.s32 $0x1, v37;
	_ =	sdelay $0x4  }
0x82e: {  	v48 =	vld.idx.msk [tilespmem:v38+s13+$0x0], $0xffff;
	_ =	sdelay $0x4  }
0x82f: {  	vm2 =	vgt.s32 v48, v29  }
0x830: {  	v37 =	vsel vm2, v37, v38  }
0x831: {  	v38 =	vsub.s32 $0xF, v37  }
0x832: {  	v37 =	vsub.s32 $0x10, v37;
	_ =	sdelay $0x3  }
0x833: {  	v38 =	vld.idx.msk [tilespmem:v38+s3+$0x0], $0xffff  }
0x834: {  	v37 =	vld.idx.msk [tilespmem:v37+s3+$0x0], $0xffff;
	_ =	sdelay $0x3  }
0x835: {  	v38 =	vadd.s32 v29, v38  }
0x836: {  	v37 =	vadd.s32 v37, v38  }
0x837: {  	v38 =	vshll.u32 v37, $0x4  }
0x838: {  	v37 =	vand.u32 $0x7, v37;
	v38 =	vand.u32 $0xFFFFFF80, v38  }
0x839: {  	v37 =	vor.u32 v37, v38  }
0x83a: {  	v37 =	vadd.s32 $0xFFFC0000, v37  }
0x83b: {  	v49 =	vperm.xlane v37, v34;
	_ =	sdelay $0x1  }
0x83c: {  	v38 =	vadd.s32 v35, v49;
	_ =	sdelay $0x4  }
0x83d: {  	[tilespmem:s4], [sflag:$0x3] =	stream.indirect_vreg.gather [hbm4b:s1+s3], $0x80, v38, vm0, $0xb8;
	[tilespmem:$0x18100] =	vst v63  }
0x83e: {  	s2 =	simm.s32 $0x10900  }
0x83f: {  	[tilespmem:s2], [sflag:$0x3] =	stream.indirect_vreg.gather [hbm4b:s5+s3], $0x80, v38, vm0, $0xb8;
	[tilespmem:$0x18100] =	vst v63  }
0x840: {  	s17 =	simm.s32 $0x11100  }
0x841: {  	[tilespmem:s17], [sflag:$0x3] =	stream.indirect_vreg.gather [hbm4b:s6+s3], $0x80, v38, vm0, $0xb8;
	[tilespmem:$0x18100] =	vst v63  }
0x842: {  	s17 =	simm.s32 $0x11900  }
0x843: {  	[tilespmem:s17], [sflag:$0x3] =	stream.indirect_vreg.gather [hbm4b:s7+s3], $0x80, v38, vm0, $0xb8;
	[tilespmem:$0x18100] =	vst v63  }
0x844: {  	s19 =	simm.s32 $0x12100  }
0x845: {  	[tilespmem:s19], [sflag:$0x3] =	stream.indirect_vreg.gather [hbm4b:s8+s3], $0x80, v38, vm0, $0xb8;
	[tilespmem:$0x18100] =	vst v63  }
0x846: {  	s20 =	simm.s32 $0x12900;
	v37 =	vperm.xlane v37, v36  }
0x847: {  	[tilespmem:s20], [sflag:$0x3] =	stream.indirect_vreg.gather [hbm4b:s9+s3], $0x80, v38, vm0, $0xb8;
	[tilespmem:$0x18100] =	vst v63  }
0x848: {  	v37 =	vadd.s32 v35, v37;
	s20 =	simm.s32 $0x13100  }
0x849: {  	[tilespmem:s20], [sflag:$0x3] =	stream.indirect_vreg.gather [hbm4b:s10+s3], $0x80, v38, vm0, $0xb8;
	[tilespmem:$0x18100] =	vst v63  }
0x84a: {  	s16 =	simm.s32 $0x13900  }
0x84b: {  	[tilespmem:s16], [sflag:$0x3] =	stream.indirect_vreg.gather [hbm4b:s11+s3], $0x80, v38, vm0, $0xb8;
	[tilespmem:$0x18100] =	vst v63  }
0x84c: {  	s17 =	simm.s32 $0x14100  }
0x84d: {  	[tilespmem:s17], [sflag:$0x3] =	stream.indirect_vreg.gather [hbm4b:s1+s3], $0x80, v37, vm0, $0xb8;
	[tilespmem:$0x18100] =	vst v63  }
0x84e: {  	s19 =	simm.s32 $0x14900  }
0x84f: {  	[tilespmem:s19], [sflag:$0x3] =	stream.indirect_vreg.gather [hbm4b:s5+s3], $0x80, v37, vm0, $0xb8;
	[tilespmem:$0x18100] =	vst v63  }
0x850: {  	s20 =	simm.s32 $0x15100  }
0x851: {  	[tilespmem:s20], [sflag:$0x3] =	stream.indirect_vreg.gather [hbm4b:s6+s3], $0x80, v37, vm0, $0xb8;
	[tilespmem:$0x18100] =	vst v63  }
0x852: {  	s16 =	simm.s32 $0x15900  }
0x853: {  	[tilespmem:s16], [sflag:$0x3] =	stream.indirect_vreg.gather [hbm4b:s7+s3], $0x80, v37, vm0, $0xb8;
	[tilespmem:$0x18100] =	vst v63  }
0x854: {  	s17 =	simm.s32 $0x16100  }
0x855: {  	[tilespmem:s17], [sflag:$0x3] =	stream.indirect_vreg.gather [hbm4b:s8+s3], $0x80, v37, vm0, $0xb8;
	[tilespmem:$0x18100] =	vst v63  }
0x856: {  	s19 =	simm.s32 $0x16900  }
0x857: {  	[tilespmem:s19], [sflag:$0x3] =	stream.indirect_vreg.gather [hbm4b:s9+s3], $0x80, v37, vm0, $0xb8;
	[tilespmem:$0x18100] =	vst v63  }
0x858: {  	s20 =	simm.s32 $0x17100  }
0x859: {  	[tilespmem:s20], [sflag:$0x3] =	stream.indirect_vreg.gather [hbm4b:s10+s3], $0x80, v37, vm0, $0xb8;
	[tilespmem:$0x18100] =	vst v63  }
0x85a: {  	s21 =	simm.s32 $0x17900  }
0x85b: {  	[tilespmem:s21], [sflag:$0x3] =	stream.indirect_vreg.gather [hbm4b:s11+s3], $0x80, v37, vm0, $0xb8;
	[tilespmem:$0x18100] =	vst v63  }
0x85c: {  	_ =	swait.ge [sflag:s30], $0x8000  }
0x85d: {  	s21 =	sld [smem:$0x7EE]  }
0x85e: {  	[sflag:s30] =	ssyncset.done $0x0  }
0x85f: {  	[sflag:s30] =	ssyncadd.s32 $0xFFFF8000  }
0x860: {  	[hbm4b:s21+s3] =	stream.linear.scatter [tilespmem:s31], [sflag:$0x5], $0x8000, $0x38;
	[tilespmem:$0x18100] =	vst v63  }
0x861: {  	_ =	swait.ge [sflag:s0], $0x8000  }
0x862: {  	[sflag:s0] =	ssyncset.done $0x0  }
0x863: {  	[sflag:s0] =	ssyncadd.s32 $0xFFFF8000  }
0x864: {  	v50 =	vld.idx.msk [tilespmem:v33+s13+$0x0], $0xffff;
	_ =	sdelay $0x4  }
0x865: {  	vm2 =	vgt.s32 v50, v30  }
0x866: {  	v37 =	vsel vm2, $0x0, v33  }
0x867: {  	v51 =	vor.u32 $0x8, v37;
	_ =	sdelay $0x4  }
0x868: {  	v52 =	vld.idx.msk [tilespmem:v51+s13+$0x0], $0xffff;
	_ =	sdelay $0x4  }
0x869: {  	vm2 =	vgt.s32 v52, v30  }
0x86a: {  	v37 =	vsel vm2, v37, v51  }
0x86b: {  	v38 =	vor.u32 $0x4, v37;
	_ =	sdelay $0x4  }
0x86c: {  	v53 =	vld.idx.msk [tilespmem:v38+s13+$0x0], $0xffff;
	_ =	sdelay $0x4  }
0x86d: {  	vm2 =	vgt.s32 v53, v30  }
0x86e: {  	v37 =	vsel vm2, v37, v38  }
0x86f: {  	v38 =	vor.u32 $0x2, v37;
	_ =	sdelay $0x4  }
0x870: {  	v54 =	vld.idx.msk [tilespmem:v38+s13+$0x0], $0xffff;
	_ =	sdelay $0x4  }
0x871: {  	vm2 =	vgt.s32 v54, v30  }
0x872: {  	v37 =	vsel vm2, v37, v38  }
0x873: {  	v38 =	vadd.s32 $0x1, v37;
	_ =	sdelay $0x4  }
0x874: {  	v55 =	vld.idx.msk [tilespmem:v38+s13+$0x0], $0xffff;
	_ =	sdelay $0x4  }
0x875: {  	vm2 =	vgt.s32 v55, v30  }
0x876: {  	v37 =	vsel vm2, v37, v38  }
0x877: {  	v38 =	vsub.s32 $0xF, v37  }
0x878: {  	v37 =	vsub.s32 $0x10, v37;
	_ =	sdelay $0x3  }
0x879: {  	v38 =	vld.idx.msk [tilespmem:v38+s3+$0x0], $0xffff  }
0x87a: {  	v37 =	vld.idx.msk [tilespmem:v37+s3+$0x0], $0xffff;
	_ =	sdelay $0x3  }
0x87b: {  	v38 =	vadd.s32 v30, v38  }
0x87c: {  	v37 =	vadd.s32 v37, v38  }
0x87d: {  	v38 =	vshll.u32 v37, $0x4  }
0x87e: {  	v37 =	vand.u32 $0x7, v37;
	v38 =	vand.u32 $0xFFFFFF80, v38  }
0x87f: {  	v37 =	vor.u32 v37, v38  }
0x880: {  	v37 =	vadd.s32 $0xFFFC0000, v37  }
0x881: {  	v56 =	vperm.xlane v37, v34;
	_ =	sdelay $0x1  }
0x882: {  	v38 =	vadd.s32 v35, v56;
	_ =	sdelay $0x4  }
0x883: {  	[tilespmem:s14], [sflag:$0x1] =	stream.indirect_vreg.gather [hbm4b:s1+s3], $0x80, v38, vm0, $0xb8;
	[tilespmem:$0x18100] =	vst v63  }
0x884: {  	s22 =	simm.s32 $0x900  }
0x885: {  	[tilespmem:s22], [sflag:$0x1] =	stream.indirect_vreg.gather [hbm4b:s5+s3], $0x80, v38, vm0, $0xb8;
	[tilespmem:$0x18100] =	vst v63  }
0x886: {  	s23 =	simm.s32 $0x1100  }
0x887: {  	[tilespmem:s23], [sflag:$0x1] =	stream.indirect_vreg.gather [hbm4b:s6+s3], $0x80, v38, vm0, $0xb8;
	[tilespmem:$0x18100] =	vst v63  }
0x888: {  	s24 =	simm.s32 $0x1900  }
0x889: {  	[tilespmem:s24], [sflag:$0x1] =	stream.indirect_vreg.gather [hbm4b:s7+s3], $0x80, v38, vm0, $0xb8;
	[tilespmem:$0x18100] =	vst v63  }
0x88a: {  	s23 =	simm.s32 $0x2100  }
0x88b: {  	[tilespmem:s23], [sflag:$0x1] =	stream.indirect_vreg.gather [hbm4b:s8+s3], $0x80, v38, vm0, $0xb8;
	[tilespmem:$0x18100] =	vst v63  }
0x88c: {  	v37 =	vperm.xlane v37, v36;
	s24 =	simm.s32 $0x2900  }
0x88d: {  	[tilespmem:s24], [sflag:$0x1] =	stream.indirect_vreg.gather [hbm4b:s9+s3], $0x80, v38, vm0, $0xb8;
	[tilespmem:$0x18100] =	vst v63  }
0x88e: {  	s25 =	simm.s32 $0x3100;
	v37 =	vadd.s32 v35, v37  }
0x88f: {  	[tilespmem:s25], [sflag:$0x1] =	stream.indirect_vreg.gather [hbm4b:s10+s3], $0x80, v38, vm0, $0xb8;
	[tilespmem:$0x18100] =	vst v63  }
0x890: {  	s26 =	simm.s32 $0x3900  }
0x891: {  	[tilespmem:s26], [sflag:$0x1] =	stream.indirect_vreg.gather [hbm4b:s11+s3], $0x80, v38, vm0, $0xb8;
	[tilespmem:$0x18100] =	vst v63  }
0x892: {  	s26 =	simm.s32 $0x4100  }
0x893: {  	[tilespmem:s26], [sflag:$0x1] =	stream.indirect_vreg.gather [hbm4b:s1+s3], $0x80, v37, vm0, $0xb8;
	[tilespmem:$0x18100] =	vst v63  }
0x894: {  	s31 =	simm.s32 $0x4900  }
0x895: {  	[tilespmem:s31], [sflag:$0x1] =	stream.indirect_vreg.gather [hbm4b:s5+s3], $0x80, v37, vm0, $0xb8;
	[tilespmem:$0x18100] =	vst v63  }
0x896: {  	s16 =	simm.s32 $0x5100  }
0x897: {  	[tilespmem:s16], [sflag:$0x1] =	stream.indirect_vreg.gather [hbm4b:s6+s3], $0x80, v37, vm0, $0xb8;
	[tilespmem:$0x18100] =	vst v63  }
0x898: {  	s17 =	simm.s32 $0x5900  }
0x899: {  	[tilespmem:s17], [sflag:$0x1] =	stream.indirect_vreg.gather [hbm4b:s7+s3], $0x80, v37, vm0, $0xb8;
	[tilespmem:$0x18100] =	vst v63  }
0x89a: {  	s19 =	simm.s32 $0x6100  }
0x89b: {  	[tilespmem:s19], [sflag:$0x1] =	stream.indirect_vreg.gather [hbm4b:s8+s3], $0x80, v37, vm0, $0xb8;
	[tilespmem:$0x18100] =	vst v63  }
0x89c: {  	s20 =	simm.s32 $0x6900  }
0x89d: {  	[tilespmem:s20], [sflag:$0x1] =	stream.indirect_vreg.gather [hbm4b:s9+s3], $0x80, v37, vm0, $0xb8;
	[tilespmem:$0x18100] =	vst v63  }
0x89e: {  	s21 =	simm.s32 $0x7100  }
0x89f: {  	[tilespmem:s21], [sflag:$0x1] =	stream.indirect_vreg.gather [hbm4b:s10+s3], $0x80, v37, vm0, $0xb8;
	[tilespmem:$0x18100] =	vst v63  }
0x8a0: {  	s22 =	simm.s32 $0x7900  }
0x8a1: {  	[tilespmem:s22], [sflag:$0x1] =	stream.indirect_vreg.gather [hbm4b:s11+s3], $0x80, v37, vm0, $0xb8;
	[tilespmem:$0x18100] =	vst v63  }
0x8a2: {  	_ =	swait.ge [sflag:s18], $0x8000  }
0x8a3: {  	s23 =	sld [smem:$0x7EF]  }
0x8a4: {  	[sflag:s18] =	ssyncset.done $0x0  }
0x8a5: {  	[sflag:s18] =	ssyncadd.s32 $0xFFFF8000  }
0x8a6: {  	[hbm4b:s23+s3] =	stream.linear.scatter [tilespmem:s4], [sflag:$0x6], $0x8000, $0x38;
	[tilespmem:$0x18100] =	vst v63  }
0x8a7: {  	_ =	swait.ge [sflag:s12], $0x8000  }
0x8a8: {  	[sflag:s12] =	ssyncset.done $0x0  }
0x8a9: {  	[sflag:s12] =	ssyncadd.s32 $0xFFFF8000  }
0x8aa: {  	v57 =	vld.idx.msk [tilespmem:v33+s13+$0x0], $0xffff;
	_ =	sdelay $0x4  }
0x8ab: {  	vm2 =	vgt.s32 v57, v31  }
0x8ac: {  	v37 =	vsel vm2, $0x0, v33  }
0x8ad: {  	v58 =	vor.u32 $0x8, v37;
	_ =	sdelay $0x4  }
0x8ae: {  	v59 =	vld.idx.msk [tilespmem:v58+s13+$0x0], $0xffff;
	_ =	sdelay $0x4  }
0x8af: {  	vm2 =	vgt.s32 v59, v31  }
0x8b0: {  	v37 =	vsel vm2, v37, v58  }
0x8b1: {  	v38 =	vor.u32 $0x4, v37;
	_ =	sdelay $0x4  }
0x8b2: {  	v60 =	vld.idx.msk [tilespmem:v38+s13+$0x0], $0xffff;
	_ =	sdelay $0x4  }
0x8b3: {  	vm2 =	vgt.s32 v60, v31  }
0x8b4: {  	v37 =	vsel vm2, v37, v38  }
0x8b5: {  	v38 =	vor.u32 $0x2, v37;
	_ =	sdelay $0x4  }
0x8b6: {  	v61 =	vld.idx.msk [tilespmem:v38+s13+$0x0], $0xffff;
	_ =	sdelay $0x4  }
0x8b7: {  	vm2 =	vgt.s32 v61, v31  }
0x8b8: {  	v37 =	vsel vm2, v37, v38  }
0x8b9: {  	v38 =	vadd.s32 $0x1, v37;
	_ =	sdelay $0x4  }
0x8ba: {  	v62 =	vld.idx.msk [tilespmem:v38+s13+$0x0], $0xffff;
	_ =	sdelay $0x4  }
0x8bb: {  	vm2 =	vgt.s32 v62, v31  }
0x8bc: {  	v37 =	vsel vm2, v37, v38  }
0x8bd: {  	v38 =	vsub.s32 $0xF, v37  }
0x8be: {  	v37 =	vsub.s32 $0x10, v37;
	_ =	sdelay $0x3  }
0x8bf: {  	v38 =	vld.idx.msk [tilespmem:v38+s3+$0x0], $0xffff  }
0x8c0: {  	v37 =	vld.idx.msk [tilespmem:v37+s3+$0x0], $0xffff;
	_ =	sdelay $0x3  }
0x8c1: {  	v38 =	vadd.s32 v31, v38  }
0x8c2: {  	v37 =	vadd.s32 v37, v38  }
0x8c3: {  	v38 =	vshll.u32 v37, $0x4  }
0x8c4: {  	v37 =	vand.u32 $0x7, v37;
	v38 =	vand.u32 $0xFFFFFF80, v38  }
0x8c5: {  	v37 =	vor.u32 v37, v38  }
0x8c6: {  	v37 =	vadd.s32 $0xFFFC0000, v37  }
0x8c7: {  	v63 =	vperm.xlane v37, v34;
	_ =	sdelay $0x1  }
0x8c8: {  	v38 =	vadd.s32 v35, v63;
	_ =	sdelay $0x3  }
0x8c9: {  	s2 =	simm.s32 $0x8100  }
0x8ca: {  	[tilespmem:s2], [sflag:$0x2] =	stream.indirect_vreg.gather [hbm4b:s1+s3], $0x80, v38, vm0, $0xb8;
	[tilespmem:$0x18100] =	vst v63  }
0x8cb: {  	s29 =	simm.s32 $0x8900  }
0x8cc: {  	[tilespmem:s29], [sflag:$0x2] =	stream.indirect_vreg.gather [hbm4b:s5+s3], $0x80, v38, vm0, $0xb8;
	[tilespmem:$0x18100] =	vst v63  }
0x8cd: {  	s24 =	simm.s32 $0x9100  }
0x8ce: {  	[tilespmem:s24], [sflag:$0x2] =	stream.indirect_vreg.gather [hbm4b:s6+s3], $0x80, v38, vm0, $0xb8;
	[tilespmem:$0x18100] =	vst v63  }
0x8cf: {  	s25 =	simm.s32 $0x9900  }
0x8d0: {  	[tilespmem:s25], [sflag:$0x2] =	stream.indirect_vreg.gather [hbm4b:s7+s3], $0x80, v38, vm0, $0xb8;
	[tilespmem:$0x18100] =	vst v63  }
0x8d1: {  	s26 =	simm.s32 $0xA100  }
0x8d2: {  	[tilespmem:s26], [sflag:$0x2] =	stream.indirect_vreg.gather [hbm4b:s8+s3], $0x80, v38, vm0, $0xb8;
	[tilespmem:$0x18100] =	vst v63  }
0x8d3: {  	v37 =	vperm.xlane v37, v36;
	s29 =	simm.s32 $0xA900  }
0x8d4: {  	[tilespmem:s29], [sflag:$0x2] =	stream.indirect_vreg.gather [hbm4b:s9+s3], $0x80, v38, vm0, $0xb8;
	[tilespmem:$0x18100] =	vst v63  }
0x8d5: {  	s31 =	simm.s32 $0xB100;
	v37 =	vadd.s32 v35, v37  }
0x8d6: {  	[tilespmem:s31], [sflag:$0x2] =	stream.indirect_vreg.gather [hbm4b:s10+s3], $0x80, v38, vm0, $0xb8;
	[tilespmem:$0x18100] =	vst v63  }
0x8d7: {  	s17 =	simm.s32 $0xB900  }
0x8d8: {  	[tilespmem:s17], [sflag:$0x2] =	stream.indirect_vreg.gather [hbm4b:s11+s3], $0x80, v38, vm0, $0xb8;
	[tilespmem:$0x18100] =	vst v63  }
0x8d9: {  	s19 =	simm.s32 $0xC100  }
0x8da: {  	[tilespmem:s19], [sflag:$0x2] =	stream.indirect_vreg.gather [hbm4b:s1+s3], $0x80, v37, vm0, $0xb8;
	[tilespmem:$0x18100] =	vst v63  }
0x8db: {  	s20 =	simm.s32 $0xC900  }
0x8dc: {  	[tilespmem:s20], [sflag:$0x2] =	stream.indirect_vreg.gather [hbm4b:s5+s3], $0x80, v37, vm0, $0xb8;
	[tilespmem:$0x18100] =	vst v63  }
0x8dd: {  	s21 =	simm.s32 $0xD100  }
0x8de: {  	[tilespmem:s21], [sflag:$0x2] =	stream.indirect_vreg.gather [hbm4b:s6+s3], $0x80, v37, vm0, $0xb8;
	[tilespmem:$0x18100] =	vst v63  }
0x8df: {  	s22 =	simm.s32 $0xD900  }
0x8e0: {  	[tilespmem:s22], [sflag:$0x2] =	stream.indirect_vreg.gather [hbm4b:s7+s3], $0x80, v37, vm0, $0xb8;
	[tilespmem:$0x18100] =	vst v63  }
0x8e1: {  	s23 =	simm.s32 $0xE100  }
0x8e2: {  	[tilespmem:s23], [sflag:$0x2] =	stream.indirect_vreg.gather [hbm4b:s8+s3], $0x80, v37, vm0, $0xb8;
	[tilespmem:$0x18100] =	vst v63  }
0x8e3: {  	s24 =	simm.s32 $0xE900  }
0x8e4: {  	[tilespmem:s24], [sflag:$0x2] =	stream.indirect_vreg.gather [hbm4b:s9+s3], $0x80, v37, vm0, $0xb8;
	[tilespmem:$0x18100] =	vst v63  }
0x8e5: {  	s25 =	simm.s32 $0xF100  }
0x8e6: {  	[tilespmem:s25], [sflag:$0x2] =	stream.indirect_vreg.gather [hbm4b:s10+s3], $0x80, v37, vm0, $0xb8;
	[tilespmem:$0x18100] =	vst v63  }
0x8e7: {  	s26 =	simm.s32 $0xF900  }
0x8e8: {  	[tilespmem:s26], [sflag:$0x2] =	stream.indirect_vreg.gather [hbm4b:s11+s3], $0x80, v37, vm0, $0xb8;
	[tilespmem:$0x18100] =	vst v63  }
0x8e9: {  	s4 =	sld [smem:$0x7EC];
	_ =	swait.ge [sflag:s28], $0x8000  }
0x8ea: {  	s29 =	sld [smem:$0x7F0]  }
0x8eb: {  	[sflag:s28] =	ssyncset.done $0x0  }
0x8ec: {  	[sflag:s28] =	ssyncadd.s32 $0xFFFF8000  }
0x8ed: {  	[hbm4b:s29+s3] =	stream.linear.scatter [tilespmem:s14], [sflag:$0x4], $0x8000, $0x38;
	[tilespmem:$0x18100] =	vst v63  }
0x8ee: {  	_ =	swait.ge [sflag:s30], $0x8000  }
0x8ef: {  	s31 =	sld [smem:$0x7F1]  }
0x8f0: {  	[sflag:s30] =	ssyncset.done $0x0  }
0x8f1: {  	[sflag:s30] =	ssyncadd.s32 $0xFFFF8000  }
0x8f2: {  	[hbm4b:s31+s3] =	stream.linear.scatter [tilespmem:s2], [sflag:$0x5], $0x8000, $0x38;
	[tilespmem:$0x18100] =	vst v63  }
0x8f3: {  	_ =	swait.ge [sflag:s15], $0x8000  }
0x8f4: {  	[sflag:s15] =	ssyncset.done $0x0  }
0x8f5: {  	[sflag:s15] =	ssyncadd.s32 $0xFFFF8000  }
0x8f6: {  	p0 =	sne.s32 s4, $0x1;
	_ =	swait.ge [sflag:s0], $0x8000  }
.Ltmp0:
0x8f7: {  	[sflag:s0] =	ssyncset.done $0x0;
	(pc) =	sbr.rel @p0 .LBB2_1-.Ltmp0, $4  }
0x8f8: {  	[sflag:s0] =	ssyncadd.s32 $0xFFFF8000  }
0x8f9: {  	_ =	swait.ge [sflag:s12], $0x8000  }
0x8fa: {  	[sflag:s12] =	ssyncset.done $0x0  }
0x8fb: {  	s4 =	sadd.s32 $0xFFFFFFFF, s4;
	[sflag:s12] =	ssyncadd.s32 $0xFFFF8000  }
0x8fc: {  	_ =	sfence.sel $0x180000  }
0x8fd: {  	[bflag:$0x0] =	sbarrier.arrive $0xFFFF  }
0x8fe: {  	_ =	strace $0x90000047  }
0x8ff: {  	s0 =	stileid.u32;
	[bflag:$0x2] =	sbarrier.arrive $0xFFFF  }
0x900: {  	p0 =	sne.s32 s0, $0x0;
	s0 =	rddreg [dreg:$0x3]  }
0x901: {  	s0 =	sadd.s32 @!p0 $0x100000, s0  }
0x902: {  	[sflag:s0] =	ssyncadd.tile.s32 @!p0 $0x1;
	_ =	shalt  }
.Lfunc_end2:
_tile_overlayer_lowered:
.L_overlay_start_2:
0x903: {  	(tag) =	ssettag $0x2  }
0x904: {  	s0 =	rddreg [dreg:$0x0];
	s2 =	stileid.u32  }
0x905: {  	s1 =	rddreg [dreg:$0x1];
	p0 =	sne.s32 s2, $0x0  }
0x906: {  	s3 =	rddreg [dreg:$0x2];
	[bflag:$0x3] =	sbarrier.arrive $0xFFFF;
	s2 =	simm.s32 @!p0 $0x1C07  }
0x907: {  	[timem:s3], [sflag:s2] =	dma.local @!p0 [hbm:s0], s1  }
0x908: {  	s0 =	simm.s32 @!p0 $0x7  }
0x909: {  	_ =	swait.ge @!p0 [sflag:s0], s1  }
0x90a: {  	s1 =	ssub.s32 @!p0 $0x0, s1;
	[sflag:s0] =	ssyncset.done @!p0 $0x0  }
0x90b: {  	[sflag:s0] =	ssyncadd.s32 @!p0 s1  }
0x90c: {  	[bflag:$0x3] =	sbarrier.arrive $0xFFFF  }
0x90d: {  	_ =	shalt  }

</sc_bundles>
